<compile_context>
chip_gen: v7x
topology: tpu7x:2x2x1
jax: 0.10.2.dev20260603
libtpu: 0.0.44.dev20260713+nightly
codegen_flags: <defaults>
</compile_context>

<pallas_src>
import functools

import jax
import jax.numpy as jnp
from jax.experimental import pallas as pl
from jax.experimental.pallas import tpu as pltpu
from jax.experimental.pallas import tpu_sc as plsc

H, W = 1024, 2048
RT = 128
NT = H // RT
TILE_N = RT * W
XSTEP = 2.0 / (W - 1)
YSTEP = 1.0 / (H - 1)
BIG = 2 ** 30
THRESH = 0.5
DIST_THRESH = 0.5
MIN_PIXEL = 160
MIN_INST_PIXEL = 160
MAX_INST = 200


def _chan_spec(c):
    return pl.BlockSpec((1, RT, W), lambda i, c=c: (c, i, 0))


def _img_spec():
    return pl.BlockSpec((RT, W), lambda i: (i, 0))


def _scalar_out_spec():
    return pl.BlockSpec((1, 1), lambda i: (0, 0), memory_space=pltpu.SMEM)


def _smem_spec():
    return pl.BlockSpec(memory_space=pltpu.SMEM)


def _scalar_sd(dtype):
    return jax.ShapeDtypeStruct((1, 1), dtype)


def _img_sd(dtype):
    return jax.ShapeDtypeStruct((H, W), dtype)


def _lidx():
    rows = jax.lax.broadcasted_iota(jnp.int32, (RT, W), 0)
    cols = jax.lax.broadcasted_iota(jnp.int32, (RT, W), 1)
    return rows * W + cols, rows, cols


def _emb(p0, p1, rows, cols, tile):
    x = cols.astype(jnp.float32) * XSTEP
    y = (tile * RT + rows).astype(jnp.float32) * YSTEP
    return jnp.tanh(p0) + x, jnp.tanh(p1) + y


def _pre_body(p5_ref, p6_ref, unc_ref, inst_ref, cnt_ref):
    @pl.when(pl.program_id(0) == 0)
    def _():
        cnt_ref[0, 0] = 0

    m = p6_ref[0] > p5_ref[0]
    mi = m.astype(jnp.int32)
    unc_ref[...] = mi
    inst_ref[...] = jnp.zeros((RT, W), jnp.int32)
    cnt_ref[0, 0] += jnp.sum(mi)


def _preamble(pred):
    return pl.pallas_call(
        _pre_body,
        grid=(NT,),
        in_specs=[_chan_spec(5), _chan_spec(6)],
        out_specs=[_img_spec(), _img_spec(), _scalar_out_spec()],
        out_shape=[_img_sd(jnp.int32), _img_sd(jnp.int32),
                   _scalar_sd(jnp.int32)],
    )(pred, pred)


def _b1_body(unc_ref, p0, p1, p2, p3, p5, p6,
             bv_ref, bi_ref, c0_ref, c1_ref, s0_ref, s1_ref):
    i = pl.program_id(0)

    @pl.when(i == 0)
    def _():
        bv_ref[0, 0] = -1.0
        bi_ref[0, 0] = 0
        c0_ref[0, 0] = 0.0
        c1_ref[0, 0] = 0.0
        s0_ref[0, 0] = 0.0
        s1_ref[0, 0] = 0.0

    seedm = jax.nn.sigmoid(p6[0] - p5[0])
    scores = seedm * unc_ref[...].astype(jnp.float32)
    m = jnp.max(scores)
    lidx, rows, cols = _lidx()
    loc = jnp.min(jnp.where(scores == m, lidx, BIG))
    sel = lidx == loc
    e0, e1 = _emb(p0[0], p1[0], rows, cols, i)
    c0 = jnp.sum(jnp.where(sel, e0, 0.0))
    c1 = jnp.sum(jnp.where(sel, e1, 0.0))
    s0 = jnp.sum(jnp.where(sel, jnp.exp(p2[0] * 10.0), 0.0))
    s1 = jnp.sum(jnp.where(sel, jnp.exp(p3[0] * 10.0), 0.0))

    @pl.when(m > bv_ref[0, 0])
    def _():
        bv_ref[0, 0] = m
        bi_ref[0, 0] = i * TILE_N + loc
        c0_ref[0, 0] = c0
        c1_ref[0, 0] = c1
        s0_ref[0, 0] = s0
        s1_ref[0, 0] = s1


def _b1(unc, pred):
    return pl.pallas_call(
        _b1_body,
        grid=(NT,),
        in_specs=[_img_spec()] + [_chan_spec(c) for c in (0, 1, 2, 3, 5, 6)],
        out_specs=[_scalar_out_spec()] * 6,
        out_shape=[_scalar_sd(jnp.float32), _scalar_sd(jnp.int32)]
        + [_scalar_sd(jnp.float32)] * 4,
    )(unc, *([pred] * 6))


def _b2_body(sv_ref, p0, p1, p2, p3, p4, p5, p6,
             prop_ref, n1_ref, bv_ref, bi_ref, c0_ref, c1_ref, s0_ref, s1_ref):
    i = pl.program_id(0)

    @pl.when(i == 0)
    def _():
        n1_ref[0, 0] = 0
        bv_ref[0, 0] = -1.0
        bi_ref[0, 0] = 0
        c0_ref[0, 0] = 0.0
        c1_ref[0, 0] = 0.0
        s0_ref[0, 0] = 0.0
        s1_ref[0, 0] = 0.0

    lidx, rows, cols = _lidx()
    e0, e1 = _emb(p0[0], p1[0], rows, cols, i)
    d0 = e0 - sv_ref[0]
    d1 = e1 - sv_ref[1]
    dist = jnp.exp(-(d0 * d0 * sv_ref[2] + d1 * d1 * sv_ref[3]))
    mask = p6[0] > p5[0]
    prop = (dist > DIST_THRESH) & mask
    prop_ref[...] = prop.astype(jnp.int32)
    n1_ref[0, 0] += jnp.sum(prop.astype(jnp.int32))

    sv = jnp.where(prop, jax.nn.sigmoid(p4[0]), 0.0)
    m = jnp.max(sv)
    loc = jnp.min(jnp.where(sv == m, lidx, BIG))
    sel = lidx == loc
    c0 = jnp.sum(jnp.where(sel, e0, 0.0))
    c1 = jnp.sum(jnp.where(sel, e1, 0.0))
    s0 = jnp.sum(jnp.where(sel, jnp.exp(p2[0] * 10.0), 0.0))
    s1 = jnp.sum(jnp.where(sel, jnp.exp(p3[0] * 10.0), 0.0))

    @pl.when(m > bv_ref[0, 0])
    def _():
        bv_ref[0, 0] = m
        bi_ref[0, 0] = i * TILE_N + loc
        c0_ref[0, 0] = c0
        c1_ref[0, 0] = c1
        s0_ref[0, 0] = s0
        s1_ref[0, 0] = s1


def _b2(center_sig, pred):
    return pl.pallas_call(
        _b2_body,
        grid=(NT,),
        in_specs=[_smem_spec()] + [_chan_spec(c) for c in range(7)],
        out_specs=[_img_spec()] + [_scalar_out_spec()] * 7,
        out_shape=[_img_sd(jnp.int32), _scalar_sd(jnp.int32),
                   _scalar_sd(jnp.float32), _scalar_sd(jnp.int32)]
        + [_scalar_sd(jnp.float32)] * 4,
    )(center_sig, *([pred] * 7))


def _b3_body(sv_ref, iv_ref, unc_ref, p0, p1, p5, p6,
             prop_ref, n2_ref, r_ref, cs1_ref, cs2_ref):
    i = pl.program_id(0)

    @pl.when(i == 0)
    def _():
        n2_ref[0, 0] = 0
        r_ref[0, 0] = 0
        cs1_ref[0, 0] = 0
        cs2_ref[0, 0] = 0

    lidx, rows, cols = _lidx()
    e0, e1 = _emb(p0[0], p1[0], rows, cols, i)
    d0 = e0 - sv_ref[0]
    d1 = e1 - sv_ref[1]
    dist = jnp.exp(-(d0 * d0 * sv_ref[2] + d1 * d1 * sv_ref[3]))
    mask = p6[0] > p5[0]
    prop = ((dist > DIST_THRESH) & mask).astype(jnp.int32)
    prop_ref[...] = prop
    u = unc_ref[...]
    pu = prop * u
    n2_ref[0, 0] += jnp.sum(prop)
    r_ref[0, 0] += jnp.sum(pu)
    gidx = lidx + i * TILE_N
    cs1_ref[0, 0] += jnp.sum(jnp.where(gidx == iv_ref[0], pu, 0))
    cs2_ref[0, 0] += jnp.sum(jnp.where(gidx == iv_ref[1], pu, 0))


def _b3(center_sig2, seeds, unc, pred):
    return pl.pallas_call(
        _b3_body,
        grid=(NT,),
        in_specs=[_smem_spec(), _smem_spec(), _img_spec()]
        + [_chan_spec(c) for c in (0, 1, 5, 6)],
        out_specs=[_img_spec()] + [_scalar_out_spec()] * 4,
        out_shape=[_img_sd(jnp.int32)] + [_scalar_sd(jnp.int32)] * 4,
    )(center_sig2, seeds, unc, *([pred] * 4))


def _b4_body(iv_ref, unc_ref, inst_ref, p1_ref, p2_ref,
             unc_out, inst_out, sum_ref):
    i = pl.program_id(0)

    @pl.when(i == 0)
    def _():
        sum_ref[0, 0] = 0

    seed = iv_ref[0]
    seed2 = iv_ref[1]
    count = iv_ref[2]
    broke = iv_ref[3] != 0
    big1 = iv_ref[4] != 0
    assign = iv_ref[5] != 0

    lidx, _, _ = _lidx()
    gidx = lidx + i * TILE_N
    u = unc_ref[...]
    u1 = jnp.where(gidx == seed, 0, u)
    u2 = jnp.where(gidx == seed2, 0, u1)
    prop1 = p1_ref[...]
    prop2 = p2_ref[...]
    fp = jnp.where(big1, prop2, prop1)
    umid = jnp.where(big1, u2, u1)
    unew = jnp.where(fp != 0, 0, umid)
    unew = jnp.where(broke, u, unew)
    inst = inst_ref[...]
    inew = jnp.where(assign & (prop2 != 0), count, inst)
    inew = jnp.where(broke, inst, inew)
    unc_out[...] = unew
    inst_out[...] = inew
    sum_ref[0, 0] += jnp.sum(unew)


def _b4(ivec, unc, inst, prop1, prop2):
    return pl.pallas_call(
        _b4_body,
        grid=(NT,),
        in_specs=[_smem_spec()] + [_img_spec()] * 4,
        out_specs=[_img_spec(), _img_spec(), _scalar_out_spec()],
        out_shape=[_img_sd(jnp.int32), _img_sd(jnp.int32),
                   _scalar_sd(jnp.int32)],
    )(ivec, unc, inst, prop1, prop2)


NW = 32
PER_W = (H * W) // NW
NB = 256


def _sc_hist_body(inst_hbm, out_hbm, buf_v, tab_v, res_v):
    c = jax.lax.axis_index("c")
    s = jax.lax.axis_index("s")
    wid = s * 2 + c
    z16 = jnp.zeros((16,), jnp.int32)
    for r in range(16):
        for g in range(NB // 16):
            tab_v[r, pl.ds(g * 16, 16)] = z16

    pltpu.sync_copy(inst_hbm.at[pl.ds(wid * PER_W, PER_W)], buf_v)
    lane = jax.lax.iota(jnp.int32, 16)
    ones = jnp.ones((16,), jnp.int32)

    def body(j, carry):
        v = plsc.load_gather(buf_v, [lane + j * 16])
        plsc.addupdate_scatter(tab_v, [lane, v], ones)
        return carry

    jax.lax.fori_loop(0, PER_W // 16, body, 0)

    for g in range(NB // 16):
        acc = z16
        for r in range(16):
            acc = acc + tab_v[r, pl.ds(g * 16, 16)]
        res_v[pl.ds(g * 16, 16)] = acc
    pltpu.sync_copy(res_v, out_hbm.at[wid])


def _sc_hist(inst):
    mesh = plsc.VectorSubcoreMesh(core_axis_name="c", subcore_axis_name="s",
                                  num_cores=2, num_subcores=16)
    f = pl.kernel(
        _sc_hist_body,
        out_type=jax.ShapeDtypeStruct((NW, NB), jnp.int32),
        mesh=mesh,
        compiler_params=pltpu.CompilerParams(needs_layout_passes=False),
        scratch_types=[pltpu.VMEM((PER_W,), jnp.int32),
                       pltpu.VMEM((16, NB), jnp.int32),
                       pltpu.VMEM((NB,), jnp.int32)],
    )
    return f(inst.reshape(-1))


def _relabel_body(rm_ref, nrm_ref, inst_ref, out_ref):
    t = inst_ref[...]

    def body(j, acc):
        return jnp.where(t == rm_ref[j], 0, acc)

    res = jax.lax.fori_loop(0, nrm_ref[0], body, t)
    out_ref[...] = res.astype(jnp.uint8)


def _relabel(rm, nrm, inst):
    return pl.pallas_call(
        _relabel_body,
        grid=(NT,),
        in_specs=[_smem_spec(), _smem_spec(), _img_spec()],
        out_specs=_img_spec(),
        out_shape=_img_sd(jnp.uint8),
    )(rm, nrm, inst)


@functools.partial(jax.jit, static_argnames=())
def kernel(prediction):
    pred = prediction[0]

    unc0, inst0, cnt = _preamble(pred)
    unc_sum0 = jnp.sum(cnt)

    def cond_fn(state):
        unc, inst, sizes, count, done, unc_sum = state
        return (~done) & (unc_sum > MIN_PIXEL) & (count < MAX_INST)

    def body_fn(state):
        unc, inst, sizes, count, done, unc_sum = state
        bv, bi, c0, c1, s0, s1 = _b1(unc, pred)
        seed_score = bv[0, 0]
        seed = bi[0, 0]
        broke = seed_score < THRESH
        csig = jnp.stack([c0[0, 0], c1[0, 0], s0[0, 0], s1[0, 0]])
        prop1, n1r, bv2, bi2, c20, c21, s20, s21 = _b2(csig, pred)
        n1 = n1r[0, 0]
        big1 = n1 > MIN_INST_PIXEL
        seed2 = bi2[0, 0]
        csig2 = jnp.stack([c20[0, 0], c21[0, 0], s20[0, 0], s21[0, 0]])
        seeds = jnp.stack([seed, seed2])
        prop2, n2r, rr, cs1, cs2 = _b3(csig2, seeds, unc, pred)
        n2 = n2r[0, 0]
        big2 = n2 > MIN_INST_PIXEL
        inner = rr[0, 0] - cs1[0, 0] - jnp.where(seed2 != seed, cs2[0, 0], 0)
        ratio_ok = 2 * inner > n2
        assign = big1 & big2 & ratio_ok
        ivec = jnp.stack([seed, seed2, count,
                          broke.astype(jnp.int32), big1.astype(jnp.int32),
                          assign.astype(jnp.int32)])
        unc_new, inst_new, sum_new = _b4(ivec, unc, inst, prop1, prop2)
        keep = jnp.logical_and(assign, ~broke)
        sizes_new = jnp.where(keep, sizes.at[count].set(n2), sizes)
        count_new = count + jnp.where(keep, 1, 0)
        return (unc_new, inst_new, sizes_new, count_new, broke,
                sum_new[0, 0])

    state0 = (unc0, inst0, jnp.zeros((MAX_INST,), jnp.int32),
              jnp.int32(1), jnp.asarray(False), unc_sum0)
    unc, inst, sizes, count, done, unc_sum = jax.lax.while_loop(
        cond_fn, body_fn, state0)

    nowp = jax.lax.cond(count > 1, lambda: _sc_hist(inst),
                        lambda: jnp.zeros((NW, NB), jnp.int32))
    now = jnp.sum(nowp, axis=0)[:MAX_INST]
    prev = sizes
    remove = (now > 0) & (prev != now) & (
        (now < MIN_INST_PIXEL * 3) | (2 * now < prev))
    remove = remove.at[0].set(False)
    rm = jnp.sort(jnp.where(remove, jnp.arange(MAX_INST, dtype=jnp.int32),
                            MAX_INST))
    nrm = jnp.sum(remove.astype(jnp.int32)).reshape(1)
    out = _relabel(rm, nrm, inst)
    return out.reshape(1, H, W)

# --- scband reference (transcript-rebuilt; emitter-appended) ---
"""Pipeline reference for scband-cluster-cls-with-seed-32555852103945 (READ-ONLY COPY).

The authoritative reference and input builder live on the scoring server;
editing this copy changes nothing except your own understanding.
"""

import jax, jax.numpy as jnp
import numpy as np


def _make_xym(dim):
    xm = jnp.broadcast_to(jnp.linspace(0.0, 2.0, 2048).reshape(1, 1, -1), (1, 1024, 2048))
    ym = jnp.broadcast_to(jnp.linspace(0.0, 1.0, 1024).reshape(1, -1, 1), (1, 1024, 2048))
    if dim == 2:
        return jnp.concatenate([xm, ym], axis=0)
    dm = jnp.ones_like(xm) * 0.5
    return jnp.concatenate([xm, ym, dm], axis=0)


def _forward(prediction, dim=2, n_sigma=2, threshold=0.5, min_pixel=160, min_inst_pixel=160,
             min_seed_thresh=0.5, inst_ratio=0.5, dist_thresh=0.5, avg_seed=None):
    pred = prediction[0]
    height, width = pred.shape[1], pred.shape[2]
    xym_s = _make_xym(dim)[:, 0:height, 0:width]
    spatial_emb = jnp.tanh(pred[0:dim]) + xym_s
    sigma = pred[dim:dim + n_sigma]
    seedVal = jax.nn.sigmoid(pred[dim + n_sigma:dim + n_sigma + 1])
    seed_map = jax.nn.softmax(pred[dim + 1 + n_sigma:dim + n_sigma + 3], axis=0)[1:]
    mask_flat = (seed_map > min_seed_thresh).reshape(-1)
    emb_flat = spatial_emb.reshape(dim, -1)
    sig_flat = sigma.reshape(n_sigma, -1)
    seed_flat = seed_map.reshape(-1)
    seed_val_flat = seedVal.reshape(-1)
    n = emb_flat.shape[1]
    unclustered0 = mask_flat.astype(jnp.int32)
    instance0 = jnp.zeros((n,), dtype=jnp.int32)
    sizes0 = jnp.zeros((200,), dtype=jnp.int32)

    def cond_fn(state):
        unclustered, instance, sizes, count, done = state
        return (~done) & (jnp.sum(unclustered) > min_pixel) & (count < 200)

    def body_fn(state):
        unclustered, instance, sizes, count, done = state
        scores = seed_flat * unclustered.astype(jnp.float32)
        seed = jnp.argmax(scores)
        seed_score = scores[seed]
        broke = seed_score < threshold
        unc1 = unclustered.at[seed].set(0)
        center = emb_flat[:, seed][:, None]
        s = jnp.exp(sig_flat[:, seed][:, None] * 10.0)
        dist = jnp.exp(-jnp.sum((emb_flat - center) ** 2 * s, axis=0))
        prop1 = (dist > dist_thresh) & mask_flat
        n1 = jnp.sum(prop1)
        big1 = n1 > min_inst_pixel
        seed_vals = jnp.where(prop1, seed_val_flat, 0.0)
        seed2 = jnp.argmax(seed_vals)
        unc2 = unc1.at[seed2].set(0)
        center2 = emb_flat[:, seed2][:, None]
        s2 = jnp.exp(sig_flat[:, seed2][:, None] * 10.0)
        dist2 = jnp.exp(-jnp.sum((emb_flat - center2) ** 2 * s2, axis=0))
        prop2 = (dist2 > dist_thresh) & mask_flat
        n2 = jnp.sum(prop2)
        big2 = n2 > min_inst_pixel
        ratio_ok = 2 * jnp.sum(jnp.where(prop2, unc2, 0)) > n2
        assign = big1 & big2 & ratio_ok
        if avg_seed is not None:
            seed_mean = jnp.sum(jnp.where(prop2, seed_flat, 0.0)) / n2.astype(jnp.float32)
            assign = assign & (seed_mean >= avg_seed)
        instance_new = jnp.where(assign & prop2, count, instance)
        sizes_new = jnp.where(assign, sizes.at[count].set(n2), sizes)
        count_new = count + assign.astype(jnp.int32)
        final_prop = jnp.where(big1, prop2, prop1)
        unc_mid = jnp.where(big1, unc2, unc1)
        unc_new = jnp.where(final_prop, 0, unc_mid)
        unclustered = jnp.where(broke, unclustered, unc_new)
        instance = jnp.where(broke, instance, instance_new)
        sizes = jnp.where(broke, sizes, sizes_new)
        count = jnp.where(broke, count, count_new)
        return unclustered, instance, sizes, count, broke

    state = (unclustered0, instance0, sizes0, jnp.int32(1), jnp.asarray(False))
    unclustered, instance, sizes, count, done = jax.lax.while_loop(cond_fn, body_fn, state)
    now = jnp.bincount(instance, length=200).astype(jnp.int32)
    prev = sizes
    remove = (now > 0) & (prev != now) & ((now < min_inst_pixel * 3) | (2 * now < prev))
    remove = remove.at[0].set(False)
    instance = jnp.where(remove[instance], 0, instance)
    instance_map = instance.reshape(1, height, width)
    return instance_map.astype(jnp.uint8)


def setup_inputs(seed: int = 0):
    key = jax.random.key(seed)
    prediction = jnp.zeros((1, 7, 1024, 2048), dtype=jnp.float32)
    return {"prediction": prediction}


def reference(prediction):
    return _forward(prediction)

if __name__ == "__main__":
    import jax
    _d = setup_inputs()
    print(jax.jit(kernel)(*tuple(_d.values())))

</pallas_src>

<mosaic_0001>
#map = affine_map<(d0, d1) -> (0)>
#map1 = affine_map<(d0, d1) -> (0, 0)>
module attributes {stable_mosaic.version = 14 : i64} {
  func.func @_sc_hist_body(%arg0: i32, %arg1: i32, %arg2: memref<2097152xi32, #tpu.memory_space<hbm>>, %arg3: memref<32x256xi32, #tpu.memory_space<hbm>>, %arg4: memref<65536xi32, #tpu.memory_space<vmem>>, %arg5: memref<16x256xi32, #tpu.memory_space<vmem>>, %arg6: memref<256xi32, #tpu.memory_space<vmem>>) attributes {dimension_semantics = [#tpu.dimension_semantics<core_parallel>, #tpu.dimension_semantics<subcore_parallel>], iteration_bounds = array<i64: 2, 16>, scalar_prefetch = 0 : i64, scratch_operands = 3 : i64, tpu.core_type = #tpu.core_type<sc_vector_subcore>, window_params = [{transform_indices = #map}, {transform_indices = #map1}]} {
    %mul3A = arith.constant 2 : i32
    %mul3A_0 = arith.muli %arg1, %mul3A : i32
    %add3A = arith.addi %mul3A_0, %arg0 : i32
    %broadcast_in_dim3A = arith.constant 0 : i32
    %broadcast_in_dim3A_1 = vector.broadcast %broadcast_in_dim3A : i32 to vector<16xi32>
    %swap3A = arith.constant 0 : i32
    %swap3A_2 = arith.index_cast %swap3A : i32 to index
    %swap3A_3 = arith.constant 0 : index
    %swap3A_4 = tpu.vector_load %arg5[%swap3A_2, %swap3A_3] {strides = array<i32>} : memref<16x256xi32, #tpu.memory_space<vmem>>, vector<16xi32>,
    tpu.vector_store %arg5[%swap3A_2, %swap3A_3], %broadcast_in_dim3A_1 {strides = array<i32>} : memref<16x256xi32, #tpu.memory_space<vmem>>, vector<16xi32>,
    %swap3A_5 = arith.constant 0 : i32
    %swap3A_6 = arith.index_cast %swap3A_5 : i32 to index
    %swap3A_7 = arith.constant 16 : index
    %swap3A_8 = tpu.vector_load %arg5[%swap3A_6, %swap3A_7] {strides = array<i32>} : memref<16x256xi32, #tpu.memory_space<vmem>>, vector<16xi32>,
    tpu.vector_store %arg5[%swap3A_6, %swap3A_7], %broadcast_in_dim3A_1 {strides = array<i32>} : memref<16x256xi32, #tpu.memory_space<vmem>>, vector<16xi32>,
    %swap3A_9 = arith.constant 0 : i32
    %swap3A_10 = arith.index_cast %swap3A_9 : i32 to index
    %swap3A_11 = arith.constant 32 : index
    %swap3A_12 = tpu.vector_load %arg5[%swap3A_10, %swap3A_11] {strides = array<i32>} : memref<16x256xi32, #tpu.memory_space<vmem>>, vector<16xi32>,
    tpu.vector_store %arg5[%swap3A_10, %swap3A_11], %broadcast_in_dim3A_1 {strides = array<i32>} : memref<16x256xi32, #tpu.memory_space<vmem>>, vector<16xi32>,
    %swap3A_13 = arith.constant 0 : i32
    %swap3A_14 = arith.index_cast %swap3A_13 : i32 to index
    %swap3A_15 = arith.constant 48 : index
    %swap3A_16 = tpu.vector_load %arg5[%swap3A_14, %swap3A_15] {strides = array<i32>} : memref<16x256xi32, #tpu.memory_space<vmem>>, vector<16xi32>,
    tpu.vector_store %arg5[%swap3A_14, %swap3A_15], %broadcast_in_dim3A_1 {strides = array<i32>} : memref<16x256xi32, #tpu.memory_space<vmem>>, vector<16xi32>,
    %swap3A_17 = arith.constant 0 : i32
    %swap3A_18 = arith.index_cast %swap3A_17 : i32 to index
    %swap3A_19 = arith.constant 64 : index
    %swap3A_20 = tpu.vector_load %arg5[%swap3A_18, %swap3A_19] {strides = array<i32>} : memref<16x256xi32, #tpu.memory_space<vmem>>, vector<16xi32>,
    tpu.vector_store %arg5[%swap3A_18, %swap3A_19], %broadcast_in_dim3A_1 {strides = array<i32>} : memref<16x256xi32, #tpu.memory_space<vmem>>, vector<16xi32>,
    %swap3A_21 = arith.constant 0 : i32
    %swap3A_22 = arith.index_cast %swap3A_21 : i32 to index
    %swap3A_23 = arith.constant 80 : index
    %swap3A_24 = tpu.vector_load %arg5[%swap3A_22, %swap3A_23] {strides = array<i32>} : memref<16x256xi32, #tpu.memory_space<vmem>>, vector<16xi32>,
    tpu.vector_store %arg5[%swap3A_22, %swap3A_23], %broadcast_in_dim3A_1 {strides = array<i32>} : memref<16x256xi32, #tpu.memory_space<vmem>>, vector<16xi32>,
    %swap3A_25 = arith.constant 0 : i32
    %swap3A_26 = arith.index_cast %swap3A_25 : i32 to index
    %swap3A_27 = arith.constant 96 : index
    %swap3A_28 = tpu.vector_load %arg5[%swap3A_26, %swap3A_27] {strides = array<i32>} : memref<16x256xi32, #tpu.memory_space<vmem>>, vector<16xi32>,
    tpu.vector_store %arg5[%swap3A_26, %swap3A_27], %broadcast_in_dim3A_1 {strides = array<i32>} : memref<16x256xi32, #tpu.memory_space<vmem>>, vector<16xi32>,
    %swap3A_29 = arith.constant 0 : i32
    %swap3A_30 = arith.index_cast %swap3A_29 : i32 to index
    %swap3A_31 = arith.constant 112 : index
    %swap3A_32 = tpu.vector_load %arg5[%swap3A_30, %swap3A_31] {strides = array<i32>} : memref<16x256xi32, #tpu.memory_space<vmem>>, vector<16xi32>,
    tpu.vector_store %arg5[%swap3A_30, %swap3A_31], %broadcast_in_dim3A_1 {strides = array<i32>} : memref<16x256xi32, #tpu.memory_space<vmem>>, vector<16xi32>,
    %swap3A_33 = arith.constant 0 : i32
    %swap3A_34 = arith.index_cast %swap3A_33 : i32 to index
    %swap3A_35 = arith.constant 128 : index
    %swap3A_36 = tpu.vector_load %arg5[%swap3A_34, %swap3A_35] {strides = array<i32>} : memref<16x256xi32, #tpu.memory_space<vmem>>, vector<16xi32>,
    tpu.vector_store %arg5[%swap3A_34, %swap3A_35], %broadcast_in_dim3A_1 {strides = array<i32>} : memref<16x256xi32, #tpu.memory_space<vmem>>, vector<16xi32>,
    %swap3A_37 = arith.constant 0 : i32
    %swap3A_38 = arith.index_cast %swap3A_37 : i32 to index
    %swap3A_39 = arith.constant 144 : index
    %swap3A_40 = tpu.vector_load %arg5[%swap3A_38, %swap3A_39] {strides = array<i32>} : memref<16x256xi32, #tpu.memory_space<vmem>>, vector<16xi32>,
    tpu.vector_store %arg5[%swap3A_38, %swap3A_39], %broadcast_in_dim3A_1 {strides = array<i32>} : memref<16x256xi32, #tpu.memory_space<vmem>>, vector<16xi32>,
    %swap3A_41 = arith.constant 0 : i32
    %swap3A_42 = arith.index_cast %swap3A_41 : i32 to index
    %swap3A_43 = arith.constant 160 : index
    %swap3A_44 = tpu.vector_load %arg5[%swap3A_42, %swap3A_43] {strides = array<i32>} : memref<16x256xi32, #tpu.memory_space<vmem>>, vector<16xi32>,
    tpu.vector_store %arg5[%swap3A_42, %swap3A_43], %broadcast_in_dim3A_1 {strides = array<i32>} : memref<16x256xi32, #tpu.memory_space<vmem>>, vector<16xi32>,
    %swap3A_45 = arith.constant 0 : i32
    %swap3A_46 = arith.index_cast %swap3A_45 : i32 to index
    %swap3A_47 = arith.constant 176 : index
    %swap3A_48 = tpu.vector_load %arg5[%swap3A_46, %swap3A_47] {strides = array<i32>} : memref<16x256xi32, #tpu.memory_space<vmem>>, vector<16xi32>,
    tpu.vector_store %arg5[%swap3A_46, %swap3A_47], %broadcast_in_dim3A_1 {strides = array<i32>} : memref<16x256xi32, #tpu.memory_space<vmem>>, vector<16xi32>,
    %swap3A_49 = arith.constant 0 : i32
    %swap3A_50 = arith.index_cast %swap3A_49 : i32 to index
    %swap3A_51 = arith.constant 192 : index
    %swap3A_52 = tpu.vector_load %arg5[%swap3A_50, %swap3A_51] {strides = array<i32>} : memref<16x256xi32, #tpu.memory_space<vmem>>, vector<16xi32>,
    tpu.vector_store %arg5[%swap3A_50, %swap3A_51], %broadcast_in_dim3A_1 {strides = array<i32>} : memref<16x256xi32, #tpu.memory_space<vmem>>, vector<16xi32>,
    %swap3A_53 = arith.constant 0 : i32
    %swap3A_54 = arith.index_cast %swap3A_53 : i32 to index
    %swap3A_55 = arith.constant 208 : index
    %swap3A_56 = tpu.vector_load %arg5[%swap3A_54, %swap3A_55] {strides = array<i32>} : memref<16x256xi32, #tpu.memory_space<vmem>>, vector<16xi32>,
    tpu.vector_store %arg5[%swap3A_54, %swap3A_55], %broadcast_in_dim3A_1 {strides = array<i32>} : memref<16x256xi32, #tpu.memory_space<vmem>>, vector<16xi32>,
    %swap3A_57 = arith.constant 0 : i32
    %swap3A_58 = arith.index_cast %swap3A_57 : i32 to index
    %swap3A_59 = arith.constant 224 : index
    %swap3A_60 = tpu.vector_load %arg5[%swap3A_58, %swap3A_59] {strides = array<i32>} : memref<16x256xi32, #tpu.memory_space<vmem>>, vector<16xi32>,
    tpu.vector_store %arg5[%swap3A_58, %swap3A_59], %broadcast_in_dim3A_1 {strides = array<i32>} : memref<16x256xi32, #tpu.memory_space<vmem>>, vector<16xi32>,
    %swap3A_61 = arith.constant 0 : i32
    %swap3A_62 = arith.index_cast %swap3A_61 : i32 to index
    %swap3A_63 = arith.constant 240 : index
    %swap3A_64 = tpu.vector_load %arg5[%swap3A_62, %swap3A_63] {strides = array<i32>} : memref<16x256xi32, #tpu.memory_space<vmem>>, vector<16xi32>,
    tpu.vector_store %arg5[%swap3A_62, %swap3A_63], %broadcast_in_dim3A_1 {strides = array<i32>} : memref<16x256xi32, #tpu.memory_space<vmem>>, vector<16xi32>,
    %swap3A_65 = arith.constant 1 : i32
    %swap3A_66 = arith.index_cast %swap3A_65 : i32 to index
    %swap3A_67 = arith.constant 0 : index
    %swap3A_68 = tpu.vector_load %arg5[%swap3A_66, %swap3A_67] {strides = array<i32>} : memref<16x256xi32, #tpu.memory_space<vmem>>, vector<16xi32>,
    tpu.vector_store %arg5[%swap3A_66, %swap3A_67], %broadcast_in_dim3A_1 {strides = array<i32>} : memref<16x256xi32, #tpu.memory_space<vmem>>, vector<16xi32>,
    %swap3A_69 = arith.constant 1 : i32
    %swap3A_70 = arith.index_cast %swap3A_69 : i32 to index
    %swap3A_71 = arith.constant 16 : index
    %swap3A_72 = tpu.vector_load %arg5[%swap3A_70, %swap3A_71] {strides = array<i32>} : memref<16x256xi32, #tpu.memory_space<vmem>>, vector<16xi32>,
    tpu.vector_store %arg5[%swap3A_70, %swap3A_71], %broadcast_in_dim3A_1 {strides = array<i32>} : memref<16x256xi32, #tpu.memory_space<vmem>>, vector<16xi32>,
    %swap3A_73 = arith.constant 1 : i32
    %swap3A_74 = arith.index_cast %swap3A_73 : i32 to index
    %swap3A_75 = arith.constant 32 : index
    %swap3A_76 = tpu.vector_load %arg5[%swap3A_74, %swap3A_75] {strides = array<i32>} : memref<16x256xi32, #tpu.memory_space<vmem>>, vector<16xi32>,
    tpu.vector_store %arg5[%swap3A_74, %swap3A_75], %broadcast_in_dim3A_1 {strides = array<i32>} : memref<16x256xi32, #tpu.memory_space<vmem>>, vector<16xi32>,
    %swap3A_77 = arith.constant 1 : i32
    %swap3A_78 = arith.index_cast %swap3A_77 : i32 to index
    %swap3A_79 = arith.constant 48 : index
    %swap3A_80 = tpu.vector_load %arg5[%swap3A_78, %swap3A_79] {strides = array<i32>} : memref<16x256xi32, #tpu.memory_space<vmem>>, vector<16xi32>,
    tpu.vector_store %arg5[%swap3A_78, %swap3A_79], %broadcast_in_dim3A_1 {strides = array<i32>} : memref<16x256xi32, #tpu.memory_space<vmem>>, vector<16xi32>,
    %swap3A_81 = arith.constant 1 : i32
    %swap3A_82 = arith.index_cast %swap3A_81 : i32 to index
    %swap3A_83 = arith.constant 64 : index
    %swap3A_84 = tpu.vector_load %arg5[%swap3A_82, %swap3A_83] {strides = array<i32>} : memref<16x256xi32, #tpu.memory_space<vmem>>, vector<16xi32>,
    tpu.vector_store %arg5[%swap3A_82, %swap3A_83], %broadcast_in_dim3A_1 {strides = array<i32>} : memref<16x256xi32, #tpu.memory_space<vmem>>, vector<16xi32>,
    %swap3A_85 = arith.constant 1 : i32
    %swap3A_86 = arith.index_cast %swap3A_85 : i32 to index
    %swap3A_87 = arith.constant 80 : index
    %swap3A_88 = tpu.vector_load %arg5[%swap3A_86, %swap3A_87] {strides = array<i32>} : memref<16x256xi32, #tpu.memory_space<vmem>>, vector<16xi32>,
    tpu.vector_store %arg5[%swap3A_86, %swap3A_87], %broadcast_in_dim3A_1 {strides = array<i32>} : memref<16x256xi32, #tpu.memory_space<vmem>>, vector<16xi32>,
    %swap3A_89 = arith.constant 1 : i32
    %swap3A_90 = arith.index_cast %swap3A_89 : i32 to index
    %swap3A_91 = arith.constant 96 : index
    %swap3A_92 = tpu.vector_load %arg5[%swap3A_90, %swap3A_91] {strides = array<i32>} : memref<16x256xi32, #tpu.memory_space<vmem>>, vector<16xi32>,
    tpu.vector_store %arg5[%swap3A_90, %swap3A_91], %broadcast_in_dim3A_1 {strides = array<i32>} : memref<16x256xi32, #tpu.memory_space<vmem>>, vector<16xi32>,
    %swap3A_93 = arith.constant 1 : i32
    %swap3A_94 = arith.index_cast %swap3A_93 : i32 to index
    %swap3A_95 = arith.constant 112 : index
    %swap3A_96 = tpu.vector_load %arg5[%swap3A_94, %swap3A_95] {strides = array<i32>} : memref<16x256xi32, #tpu.memory_space<vmem>>, vector<16xi32>,
    tpu.vector_store %arg5[%swap3A_94, %swap3A_95], %broadcast_in_dim3A_1 {strides = array<i32>} : memref<16x256xi32, #tpu.memory_space<vmem>>, vector<16xi32>,
    %swap3A_97 = arith.constant 1 : i32
    %swap3A_98 = arith.index_cast %swap3A_97 : i32 to index
    %swap3A_99 = arith.constant 128 : index
    %swap3A_100 = tpu.vector_load %arg5[%swap3A_98, %swap3A_99] {strides = array<i32>} : memref<16x256xi32, #tpu.memory_space<vmem>>, vector<16xi32>,
    tpu.vector_store %arg5[%swap3A_98, %swap3A_99], %broadcast_in_dim3A_1 {strides = array<i32>} : memref<16x256xi32, #tpu.memory_space<vmem>>, vector<16xi32>,
    %swap3A_101 = arith.constant 1 : i32
    %swap3A_102 = arith.index_cast %swap3A_101 : i32 to index
    %swap3A_103 = arith.constant 144 : index
    %swap3A_104 = tpu.vector_load %arg5[%swap3A_102, %swap3A_103] {strides = array<i32>} : memref<16x256xi32, #tpu.memory_space<vmem>>, vector<16xi32>,
    tpu.vector_store %arg5[%swap3A_102, %swap3A_103], %broadcast_in_dim3A_1 {strides = array<i32>} : memref<16x256xi32, #tpu.memory_space<vmem>>, vector<16xi32>,
    %swap3A_105 = arith.constant 1 : i32
    %swap3A_106 = arith.index_cast %swap3A_105 : i32 to index
    %swap3A_107 = arith.constant 160 : index
    %swap3A_108 = tpu.vector_load %arg5[%swap3A_106, %swap3A_107] {strides = array<i32>} : memref<16x256xi32, #tpu.memory_space<vmem>>, vector<16xi32>,
    tpu.vector_store %arg5[%swap3A_106, %swap3A_107], %broadcast_in_dim3A_1 {strides = array<i32>} : memref<16x256xi32, #tpu.memory_space<vmem>>, vector<16xi32>,
    %swap3A_109 = arith.constant 1 : i32
    %swap3A_110 = arith.index_cast %swap3A_109 : i32 to index
    %swap3A_111 = arith.constant 176 : index
    %swap3A_112 = tpu.vector_load %arg5[%swap3A_110, %swap3A_111] {strides = array<i32>} : memref<16x256xi32, #tpu.memory_space<vmem>>, vector<16xi32>,
    tpu.vector_store %arg5[%swap3A_110, %swap3A_111], %broadcast_in_dim3A_1 {strides = array<i32>} : memref<16x256xi32, #tpu.memory_space<vmem>>, vector<16xi32>,
    %swap3A_113 = arith.constant 1 : i32
    %swap3A_114 = arith.index_cast %swap3A_113 : i32 to index
    %swap3A_115 = arith.constant 192 : index
    %swap3A_116 = tpu.vector_load %arg5[%swap3A_114, %swap3A_115] {strides = array<i32>} : memref<16x256xi32, #tpu.memory_space<vmem>>, vector<16xi32>,
    tpu.vector_store %arg5[%swap3A_114, %swap3A_115], %broadcast_in_dim3A_1 {strides = array<i32>} : memref<16x256xi32, #tpu.memory_space<vmem>>, vector<16xi32>,
    %swap3A_117 = arith.constant 1 : i32
    %swap3A_118 = arith.index_cast %swap3A_117 : i32 to index
    %swap3A_119 = arith.constant 208 : index
    %swap3A_120 = tpu.vector_load %arg5[%swap3A_118, %swap3A_119] {strides = array<i32>} : memref<16x256xi32, #tpu.memory_space<vmem>>, vector<16xi32>,
    tpu.vector_store %arg5[%swap3A_118, %swap3A_119], %broadcast_in_dim3A_1 {strides = array<i32>} : memref<16x256xi32, #tpu.memory_space<vmem>>, vector<16xi32>,
    %swap3A_121 = arith.constant 1 : i32
    %swap3A_122 = arith.index_cast %swap3A_121 : i32 to index
    %swap3A_123 = arith.constant 224 : index
    %swap3A_124 = tpu.vector_load %arg5[%swap3A_122, %swap3A_123] {strides = array<i32>} : memref<16x256xi32, #tpu.memory_space<vmem>>, vector<16xi32>,
    tpu.vector_store %arg5[%swap3A_122, %swap3A_123], %broadcast_in_dim3A_1 {strides = array<i32>} : memref<16x256xi32, #tpu.memory_space<vmem>>, vector<16xi32>,
    %swap3A_125 = arith.constant 1 : i32
    %swap3A_126 = arith.index_cast %swap3A_125 : i32 to index
    %swap3A_127 = arith.constant 240 : index
    %swap3A_128 = tpu.vector_load %arg5[%swap3A_126, %swap3A_127] {strides = array<i32>} : memref<16x256xi32, #tpu.memory_space<vmem>>, vector<16xi32>,
    tpu.vector_store %arg5[%swap3A_126, %swap3A_127], %broadcast_in_dim3A_1 {strides = array<i32>} : memref<16x256xi32, #tpu.memory_space<vmem>>, vector<16xi32>,
    %swap3A_129 = arith.constant 2 : i32
    %swap3A_130 = arith.index_cast %swap3A_129 : i32 to index
    %swap3A_131 = arith.constant 0 : index
    %swap3A_132 = tpu.vector_load %arg5[%swap3A_130, %swap3A_131] {strides = array<i32>} : memref<16x256xi32, #tpu.memory_space<vmem>>, vector<16xi32>,
    tpu.vector_store %arg5[%swap3A_130, %swap3A_131], %broadcast_in_dim3A_1 {strides = array<i32>} : memref<16x256xi32, #tpu.memory_space<vmem>>, vector<16xi32>,
    %swap3A_133 = arith.constant 2 : i32
    %swap3A_134 = arith.index_cast %swap3A_133 : i32 to index
    %swap3A_135 = arith.constant 16 : index
    %swap3A_136 = tpu.vector_load %arg5[%swap3A_134, %swap3A_135] {strides = array<i32>} : memref<16x256xi32, #tpu.memory_space<vmem>>, vector<16xi32>,
    tpu.vector_store %arg5[%swap3A_134, %swap3A_135], %broadcast_in_dim3A_1 {strides = array<i32>} : memref<16x256xi32, #tpu.memory_space<vmem>>, vector<16xi32>,
    %swap3A_137 = arith.constant 2 : i32
    %swap3A_138 = arith.index_cast %swap3A_137 : i32 to index
    %swap3A_139 = arith.constant 32 : index
    %swap3A_140 = tpu.vector_load %arg5[%swap3A_138, %swap3A_139] {strides = array<i32>} : memref<16x256xi32, #tpu.memory_space<vmem>>, vector<16xi32>,
    tpu.vector_store %arg5[%swap3A_138, %swap3A_139], %broadcast_in_dim3A_1 {strides = array<i32>} : memref<16x256xi32, #tpu.memory_space<vmem>>, vector<16xi32>,
    %swap3A_141 = arith.constant 2 : i32
    %swap3A_142 = arith.index_cast %swap3A_141 : i32 to index
    %swap3A_143 = arith.constant 48 : index
    %swap3A_144 = tpu.vector_load %arg5[%swap3A_142, %swap3A_143] {strides = array<i32>} : memref<16x256xi32, #tpu.memory_space<vmem>>, vector<16xi32>,
    tpu.vector_store %arg5[%swap3A_142, %swap3A_143], %broadcast_in_dim3A_1 {strides = array<i32>} : memref<16x256xi32, #tpu.memory_space<vmem>>, vector<16xi32>,
    %swap3A_145 = arith.constant 2 : i32
    %swap3A_146 = arith.index_cast %swap3A_145 : i32 to index
    %swap3A_147 = arith.constant 64 : index
    %swap3A_148 = tpu.vector_load %arg5[%swap3A_146, %swap3A_147] {strides = array<i32>} : memref<16x256xi32, #tpu.memory_space<vmem>>, vector<16xi32>,
    tpu.vector_store %arg5[%swap3A_146, %swap3A_147], %broadcast_in_dim3A_1 {strides = array<i32>} : memref<16x256xi32, #tpu.memory_space<vmem>>, vector<16xi32>,
    %swap3A_149 = arith.constant 2 : i32
    %swap3A_150 = arith.index_cast %swap3A_149 : i32 to index
    %swap3A_151 = arith.constant 80 : index
    %swap3A_152 = tpu.vector_load %arg5[%swap3A_150, %swap3A_151] {strides = array<i32>} : memref<16x256xi32, #tpu.memory_space<vmem>>, vector<16xi32>,
    tpu.vector_store %arg5[%swap3A_150, %swap3A_151], %broadcast_in_dim3A_1 {strides = array<i32>} : memref<16x256xi32, #tpu.memory_space<vmem>>, vector<16xi32>,
    %swap3A_153 = arith.constant 2 : i32
    %swap3A_154 = arith.index_cast %swap3A_153 : i32 to index
    %swap3A_155 = arith.constant 96 : index
    %swap3A_156 = tpu.vector_load %arg5[%swap3A_154, %swap3A_155] {strides = array<i32>} : memref<16x256xi32, #tpu.memory_space<vmem>>, vector<16xi32>,
    tpu.vector_store %arg5[%swap3A_154, %swap3A_155], %broadcast_in_dim3A_1 {strides = array<i32>} : memref<16x256xi32, #tpu.memory_space<vmem>>, vector<16xi32>,
    %swap3A_157 = arith.constant 2 : i32
    %swap3A_158 = arith.index_cast %swap3A_157 : i32 to index
    %swap3A_159 = arith.constant 112 : index
    %swap3A_160 = tpu.vector_load %arg5[%swap3A_158, %swap3A_159] {strides = array<i32>} : memref<16x256xi32, #tpu.memory_space<vmem>>, vector<16xi32>,
    tpu.vector_store %arg5[%swap3A_158, %swap3A_159], %broadcast_in_dim3A_1 {strides = array<i32>} : memref<16x256xi32, #tpu.memory_space<vmem>>, vector<16xi32>,
    %swap3A_161 = arith.constant 2 : i32
    %swap3A_162 = arith.index_cast %swap3A_161 : i32 to index
    %swap3A_163 = arith.constant 128 : index
    %swap3A_164 = tpu.vector_load %arg5[%swap3A_162, %swap3A_163] {strides = array<i32>} : memref<16x256xi32, #tpu.memory_space<vmem>>, vector<16xi32>,
    tpu.vector_store %arg5[%swap3A_162, %swap3A_163], %broadcast_in_dim3A_1 {strides = array<i32>} : memref<16x256xi32, #tpu.memory_space<vmem>>, vector<16xi32>,
    %swap3A_165 = arith.constant 2 : i32
    %swap3A_166 = arith.index_cast %swap3A_165 : i32 to index
    %swap3A_167 = arith.constant 144 : index
    %swap3A_168 = tpu.vector_load %arg5[%swap3A_166, %swap3A_167] {strides = array<i32>} : memref<16x256xi32, #tpu.memory_space<vmem>>, vector<16xi32>,
    tpu.vector_store %arg5[%swap3A_166, %swap3A_167], %broadcast_in_dim3A_1 {strides = array<i32>} : memref<16x256xi32, #tpu.memory_space<vmem>>, vector<16xi32>,
    %swap3A_169 = arith.constant 2 : i32
    %swap3A_170 = arith.index_cast %swap3A_169 : i32 to index
    %swap3A_171 = arith.constant 160 : index
    %swap3A_172 = tpu.vector_load %arg5[%swap3A_170, %swap3A_171] {strides = array<i32>} : memref<16x256xi32, #tpu.memory_space<vmem>>, vector<16xi32>,
    tpu.vector_store %arg5[%swap3A_170, %swap3A_171], %broadcast_in_dim3A_1 {strides = array<i32>} : memref<16x256xi32, #tpu.memory_space<vmem>>, vector<16xi32>,
    %swap3A_173 = arith.constant 2 : i32
    %swap3A_174 = arith.index_cast %swap3A_173 : i32 to index
    %swap3A_175 = arith.constant 176 : index
    %swap3A_176 = tpu.vector_load %arg5[%swap3A_174, %swap3A_175] {strides = array<i32>} : memref<16x256xi32, #tpu.memory_space<vmem>>, vector<16xi32>,
    tpu.vector_store %arg5[%swap3A_174, %swap3A_175], %broadcast_in_dim3A_1 {strides = array<i32>} : memref<16x256xi32, #tpu.memory_space<vmem>>, vector<16xi32>,
    %swap3A_177 = arith.constant 2 : i32
    %swap3A_178 = arith.index_cast %swap3A_177 : i32 to index
    %swap3A_179 = arith.constant 192 : index
    %swap3A_180 = tpu.vector_load %arg5[%swap3A_178, %swap3A_179] {strides = array<i32>} : memref<16x256xi32, #tpu.memory_space<vmem>>, vector<16xi32>,
    tpu.vector_store %arg5[%swap3A_178, %swap3A_179], %broadcast_in_dim3A_1 {strides = array<i32>} : memref<16x256xi32, #tpu.memory_space<vmem>>, vector<16xi32>,
    %swap3A_181 = arith.constant 2 : i32
    %swap3A_182 = arith.index_cast %swap3A_181 : i32 to index
    %swap3A_183 = arith.constant 208 : index
    %swap3A_184 = tpu.vector_load %arg5[%swap3A_182, %swap3A_183] {strides = array<i32>} : memref<16x256xi32, #tpu.memory_space<vmem>>, vector<16xi32>,
    tpu.vector_store %arg5[%swap3A_182, %swap3A_183], %broadcast_in_dim3A_1 {strides = array<i32>} : memref<16x256xi32, #tpu.memory_space<vmem>>, vector<16xi32>,
    %swap3A_185 = arith.constant 2 : i32
    %swap3A_186 = arith.index_cast %swap3A_185 : i32 to index
    %swap3A_187 = arith.constant 224 : index
    %swap3A_188 = tpu.vector_load %arg5[%swap3A_186, %swap3A_187] {strides = array<i32>} : memref<16x256xi32, #tpu.memory_space<vmem>>, vector<16xi32>,
    tpu.vector_store %arg5[%swap3A_186, %swap3A_187], %broadcast_in_dim3A_1 {strides = array<i32>} : memref<16x256xi32, #tpu.memory_space<vmem>>, vector<16xi32>,
    %swap3A_189 = arith.constant 2 : i32
    %swap3A_190 = arith.index_cast %swap3A_189 : i32 to index
    %swap3A_191 = arith.constant 240 : index
    %swap3A_192 = tpu.vector_load %arg5[%swap3A_190, %swap3A_191] {strides = array<i32>} : memref<16x256xi32, #tpu.memory_space<vmem>>, vector<16xi32>,
    tpu.vector_store %arg5[%swap3A_190, %swap3A_191], %broadcast_in_dim3A_1 {strides = array<i32>} : memref<16x256xi32, #tpu.memory_space<vmem>>, vector<16xi32>,
    %swap3A_193 = arith.constant 3 : i32
    %swap3A_194 = arith.index_cast %swap3A_193 : i32 to index
    %swap3A_195 = arith.constant 0 : index
    %swap3A_196 = tpu.vector_load %arg5[%swap3A_194, %swap3A_195] {strides = array<i32>} : memref<16x256xi32, #tpu.memory_space<vmem>>, vector<16xi32>,
    tpu.vector_store %arg5[%swap3A_194, %swap3A_195], %broadcast_in_dim3A_1 {strides = array<i32>} : memref<16x256xi32, #tpu.memory_space<vmem>>, vector<16xi32>,
    %swap3A_197 = arith.constant 3 : i32
    %swap3A_198 = arith.index_cast %swap3A_197 : i32 to index
    %swap3A_199 = arith.constant 16 : index
    %swap3A_200 = tpu.vector_load %arg5[%swap3A_198, %swap3A_199] {strides = array<i32>} : memref<16x256xi32, #tpu.memory_space<vmem>>, vector<16xi32>,
    tpu.vector_store %arg5[%swap3A_198, %swap3A_199], %broadcast_in_dim3A_1 {strides = array<i32>} : memref<16x256xi32, #tpu.memory_space<vmem>>, vector<16xi32>,
    %swap3A_201 = arith.constant 3 : i32
    %swap3A_202 = arith.index_cast %swap3A_201 : i32 to index
    %swap3A_203 = arith.constant 32 : index
    %swap3A_204 = tpu.vector_load %arg5[%swap3A_202, %swap3A_203] {strides = array<i32>} : memref<16x256xi32, #tpu.memory_space<vmem>>, vector<16xi32>,
    tpu.vector_store %arg5[%swap3A_202, %swap3A_203], %broadcast_in_dim3A_1 {strides = array<i32>} : memref<16x256xi32, #tpu.memory_space<vmem>>, vector<16xi32>,
    %swap3A_205 = arith.constant 3 : i32
    %swap3A_206 = arith.index_cast %swap3A_205 : i32 to index
    %swap3A_207 = arith.constant 48 : index
    %swap3A_208 = tpu.vector_load %arg5[%swap3A_206, %swap3A_207] {strides = array<i32>} : memref<16x256xi32, #tpu.memory_space<vmem>>, vector<16xi32>,
    tpu.vector_store %arg5[%swap3A_206, %swap3A_207], %broadcast_in_dim3A_1 {strides = array<i32>} : memref<16x256xi32, #tpu.memory_space<vmem>>, vector<16xi32>,
    %swap3A_209 = arith.constant 3 : i32
    %swap3A_210 = arith.index_cast %swap3A_209 : i32 to index
    %swap3A_211 = arith.constant 64 : index
    %swap3A_212 = tpu.vector_load %arg5[%swap3A_210, %swap3A_211] {strides = array<i32>} : memref<16x256xi32, #tpu.memory_space<vmem>>, vector<16xi32>,
    tpu.vector_store %arg5[%swap3A_210, %swap3A_211], %broadcast_in_dim3A_1 {strides = array<i32>} : memref<16x256xi32, #tpu.memory_space<vmem>>, vector<16xi32>,
    %swap3A_213 = arith.constant 3 : i32
    %swap3A_214 = arith.index_cast %swap3A_213 : i32 to index
    %swap3A_215 = arith.constant 80 : index
    %swap3A_216 = tpu.vector_load %arg5[%swap3A_214, %swap3A_215] {strides = array<i32>} : memref<16x256xi32, #tpu.memory_space<vmem>>, vector<16xi32>,
    tpu.vector_store %arg5[%swap3A_214, %swap3A_215], %broadcast_in_dim3A_1 {strides = array<i32>} : memref<16x256xi32, #tpu.memory_space<vmem>>, vector<16xi32>,
    %swap3A_217 = arith.constant 3 : i32
    %swap3A_218 = arith.index_cast %swap3A_217 : i32 to index
    %swap3A_219 = arith.constant 96 : index
    %swap3A_220 = tpu.vector_load %arg5[%swap3A_218, %swap3A_219] {strides = array<i32>} : memref<16x256xi32, #tpu.memory_space<vmem>>, vector<16xi32>,
    tpu.vector_store %arg5[%swap3A_218, %swap3A_219], %broadcast_in_dim3A_1 {strides = array<i32>} : memref<16x256xi32, #tpu.memory_space<vmem>>, vector<16xi32>,
    %swap3A_221 = arith.constant 3 : i32
    %swap3A_222 = arith.index_cast %swap3A_221 : i32 to index
    %swap3A_223 = arith.constant 112 : index
    %swap3A_224 = tpu.vector_load %arg5[%swap3A_222, %swap3A_223] {strides = array<i32>} : memref<16x256xi32, #tpu.memory_space<vmem>>, vector<16xi32>,
    tpu.vector_store %arg5[%swap3A_222, %swap3A_223], %broadcast_in_dim3A_1 {strides = array<i32>} : memref<16x256xi32, #tpu.memory_space<vmem>>, vector<16xi32>,
    %swap3A_225 = arith.constant 3 : i32
    %swap3A_226 = arith.index_cast %swap3A_225 : i32 to index
    %swap3A_227 = arith.constant 128 : index
    %swap3A_228 = tpu.vector_load %arg5[%swap3A_226, %swap3A_227] {strides = array<i32>} : memref<16x256xi32, #tpu.memory_space<vmem>>, vector<16xi32>,
    tpu.vector_store %arg5[%swap3A_226, %swap3A_227], %broadcast_in_dim3A_1 {strides = array<i32>} : memref<16x256xi32, #tpu.memory_space<vmem>>, vector<16xi32>,
    %swap3A_229 = arith.constant 3 : i32
    %swap3A_230 = arith.index_cast %swap3A_229 : i32 to index
    %swap3A_231 = arith.constant 144 : index
    %swap3A_232 = tpu.vector_load %arg5[%swap3A_230, %swap3A_231] {strides = array<i32>} : memref<16x256xi32, #tpu.memory_space<vmem>>, vector<16xi32>,
    tpu.vector_store %arg5[%swap3A_230, %swap3A_231], %broadcast_in_dim3A_1 {strides = array<i32>} : memref<16x256xi32, #tpu.memory_space<vmem>>, vector<16xi32>,
    %swap3A_233 = arith.constant 3 : i32
    %swap3A_234 = arith.index_cast %swap3A_233 : i32 to index
    %swap3A_235 = arith.constant 160 : index
    %swap3A_236 = tpu.vector_load %arg5[%swap3A_234, %swap3A_235] {strides = array<i32>} : memref<16x256xi32, #tpu.memory_space<vmem>>, vector<16xi32>,
    tpu.vector_store %arg5[%swap3A_234, %swap3A_235], %broadcast_in_dim3A_1 {strides = array<i32>} : memref<16x256xi32, #tpu.memory_space<vmem>>, vector<16xi32>,
    %swap3A_237 = arith.constant 3 : i32
    %swap3A_238 = arith.index_cast %swap3A_237 : i32 to index
    %swap3A_239 = arith.constant 176 : index
    %swap3A_240 = tpu.vector_load %arg5[%swap3A_238, %swap3A_239] {strides = array<i32>} : memref<16x256xi32, #tpu.memory_space<vmem>>, vector<16xi32>,
    tpu.vector_store %arg5[%swap3A_238, %swap3A_239], %broadcast_in_dim3A_1 {strides = array<i32>} : memref<16x256xi32, #tpu.memory_space<vmem>>, vector<16xi32>,
    %swap3A_241 = arith.constant 3 : i32
    %swap3A_242 = arith.index_cast %swap3A_241 : i32 to index
    %swap3A_243 = arith.constant 192 : index
    %swap3A_244 = tpu.vector_load %arg5[%swap3A_242, %swap3A_243] {strides = array<i32>} : memref<16x256xi32, #tpu.memory_space<vmem>>, vector<16xi32>,
    tpu.vector_store %arg5[%swap3A_242, %swap3A_243], %broadcast_in_dim3A_1 {strides = array<i32>} : memref<16x256xi32, #tpu.memory_space<vmem>>, vector<16xi32>,
    %swap3A_245 = arith.constant 3 : i32
    %swap3A_246 = arith.index_cast %swap3A_245 : i32 to index
    %swap3A_247 = arith.constant 208 : index
    %swap3A_248 = tpu.vector_load %arg5[%swap3A_246, %swap3A_247] {strides = array<i32>} : memref<16x256xi32, #tpu.memory_space<vmem>>, vector<16xi32>,
    tpu.vector_store %arg5[%swap3A_246, %swap3A_247], %broadcast_in_dim3A_1 {strides = array<i32>} : memref<16x256xi32, #tpu.memory_space<vmem>>, vector<16xi32>,
    %swap3A_249 = arith.constant 3 : i32
    %swap3A_250 = arith.index_cast %swap3A_249 : i32 to index
    %swap3A_251 = arith.constant 224 : index
    %swap3A_252 = tpu.vector_load %arg5[%swap3A_250, %swap3A_251] {strides = array<i32>} : memref<16x256xi32, #tpu.memory_space<vmem>>, vector<16xi32>,
    tpu.vector_store %arg5[%swap3A_250, %swap3A_251], %broadcast_in_dim3A_1 {strides = array<i32>} : memref<16x256xi32, #tpu.memory_space<vmem>>, vector<16xi32>,
    %swap3A_253 = arith.constant 3 : i32
    %swap3A_254 = arith.index_cast %swap3A_253 : i32 to index
    %swap3A_255 = arith.constant 240 : index
    %swap3A_256 = tpu.vector_load %arg5[%swap3A_254, %swap3A_255] {strides = array<i32>} : memref<16x256xi32, #tpu.memory_space<vmem>>, vector<16xi32>,
    tpu.vector_store %arg5[%swap3A_254, %swap3A_255], %broadcast_in_dim3A_1 {strides = array<i32>} : memref<16x256xi32, #tpu.memory_space<vmem>>, vector<16xi32>,
    %swap3A_257 = arith.constant 4 : i32
    %swap3A_258 = arith.index_cast %swap3A_257 : i32 to index
    %swap3A_259 = arith.constant 0 : index
    %swap3A_260 = tpu.vector_load %arg5[%swap3A_258, %swap3A_259] {strides = array<i32>} : memref<16x256xi32, #tpu.memory_space<vmem>>, vector<16xi32>,
    tpu.vector_store %arg5[%swap3A_258, %swap3A_259], %broadcast_in_dim3A_1 {strides = array<i32>} : memref<16x256xi32, #tpu.memory_space<vmem>>, vector<16xi32>,
    %swap3A_261 = arith.constant 4 : i32
    %swap3A_262 = arith.index_cast %swap3A_261 : i32 to index
    %swap3A_263 = arith.constant 16 : index
    %swap3A_264 = tpu.vector_load %arg5[%swap3A_262, %swap3A_263] {strides = array<i32>} : memref<16x256xi32, #tpu.memory_space<vmem>>, vector<16xi32>,
    tpu.vector_store %arg5[%swap3A_262, %swap3A_263], %broadcast_in_dim3A_1 {strides = array<i32>} : memref<16x256xi32, #tpu.memory_space<vmem>>, vector<16xi32>,
    %swap3A_265 = arith.constant 4 : i32
    %swap3A_266 = arith.index_cast %swap3A_265 : i32 to index
    %swap3A_267 = arith.constant 32 : index
    %swap3A_268 = tpu.vector_load %arg5[%swap3A_266, %swap3A_267] {strides = array<i32>} : memref<16x256xi32, #tpu.memory_space<vmem>>, vector<16xi32>,
    tpu.vector_store %arg5[%swap3A_266, %swap3A_267], %broadcast_in_dim3A_1 {strides = array<i32>} : memref<16x256xi32, #tpu.memory_space<vmem>>, vector<16xi32>,
    %swap3A_269 = arith.constant 4 : i32
    %swap3A_270 = arith.index_cast %swap3A_269 : i32 to index
    %swap3A_271 = arith.constant 48 : index
    %swap3A_272 = tpu.vector_load %arg5[%swap3A_270, %swap3A_271] {strides = array<i32>} : memref<16x256xi32, #tpu.memory_space<vmem>>, vector<16xi32>,
    tpu.vector_store %arg5[%swap3A_270, %swap3A_271], %broadcast_in_dim3A_1 {strides = array<i32>} : memref<16x256xi32, #tpu.memory_space<vmem>>, vector<16xi32>,
    %swap3A_273 = arith.constant 4 : i32
    %swap3A_274 = arith.index_cast %swap3A_273 : i32 to index
    %swap3A_275 = arith.constant 64 : index
    %swap3A_276 = tpu.vector_load %arg5[%swap3A_274, %swap3A_275] {strides = array<i32>} : memref<16x256xi32, #tpu.memory_space<vmem>>, vector<16xi32>,
    tpu.vector_store %arg5[%swap3A_274, %swap3A_275], %broadcast_in_dim3A_1 {strides = array<i32>} : memref<16x256xi32, #tpu.memory_space<vmem>>, vector<16xi32>,
    %swap3A_277 = arith.constant 4 : i32
    %swap3A_278 = arith.index_cast %swap3A_277 : i32 to index
    %swap3A_279 = arith.constant 80 : index
    %swap3A_280 = tpu.vector_load %arg5[%swap3A_278, %swap3A_279] {strides = array<i32>} : memref<16x256xi32, #tpu.memory_space<vmem>>, vector<16xi32>,
    tpu.vector_store %arg5[%swap3A_278, %swap3A_279], %broadcast_in_dim3A_1 {strides = array<i32>} : memref<16x256xi32, #tpu.memory_space<vmem>>, vector<16xi32>,
    %swap3A_281 = arith.constant 4 : i32
    %swap3A_282 = arith.index_cast %swap3A_281 : i32 to index
    %swap3A_283 = arith.constant 96 : index
    %swap3A_284 = tpu.vector_load %arg5[%swap3A_282, %swap3A_283] {strides = array<i32>} : memref<16x256xi32, #tpu.memory_space<vmem>>, vector<16xi32>,
    tpu.vector_store %arg5[%swap3A_282, %swap3A_283], %broadcast_in_dim3A_1 {strides = array<i32>} : memref<16x256xi32, #tpu.memory_space<vmem>>, vector<16xi32>,
    %swap3A_285 = arith.constant 4 : i32
    %swap3A_286 = arith.index_cast %swap3A_285 : i32 to index
    %swap3A_287 = arith.constant 112 : index
    %swap3A_288 = tpu.vector_load %arg5[%swap3A_286, %swap3A_287] {strides = array<i32>} : memref<16x256xi32, #tpu.memory_space<vmem>>, vector<16xi32>,
    tpu.vector_store %arg5[%swap3A_286, %swap3A_287], %broadcast_in_dim3A_1 {strides = array<i32>} : memref<16x256xi32, #tpu.memory_space<vmem>>, vector<16xi32>,
    %swap3A_289 = arith.constant 4 : i32
    %swap3A_290 = arith.index_cast %swap3A_289 : i32 to index
    %swap3A_291 = arith.constant 128 : index
    %swap3A_292 = tpu.vector_load %arg5[%swap3A_290, %swap3A_291] {strides = array<i32>} : memref<16x256xi32, #tpu.memory_space<vmem>>, vector<16xi32>,
    tpu.vector_store %arg5[%swap3A_290, %swap3A_291], %broadcast_in_dim3A_1 {strides = array<i32>} : memref<16x256xi32, #tpu.memory_space<vmem>>, vector<16xi32>,
    %swap3A_293 = arith.constant 4 : i32
    %swap3A_294 = arith.index_cast %swap3A_293 : i32 to index
    %swap3A_295 = arith.constant 144 : index
    %swap3A_296 = tpu.vector_load %arg5[%swap3A_294, %swap3A_295] {strides = array<i32>} : memref<16x256xi32, #tpu.memory_space<vmem>>, vector<16xi32>,
    tpu.vector_store %arg5[%swap3A_294, %swap3A_295], %broadcast_in_dim3A_1 {strides = array<i32>} : memref<16x256xi32, #tpu.memory_space<vmem>>, vector<16xi32>,
    %swap3A_297 = arith.constant 4 : i32
    %swap3A_298 = arith.index_cast %swap3A_297 : i32 to index
    %swap3A_299 = arith.constant 160 : index
    %swap3A_300 = tpu.vector_load %arg5[%swap3A_298, %swap3A_299] {strides = array<i32>} : memref<16x256xi32, #tpu.memory_space<vmem>>, vector<16xi32>,
    tpu.vector_store %arg5[%swap3A_298, %swap3A_299], %broadcast_in_dim3A_1 {strides = array<i32>} : memref<16x256xi32, #tpu.memory_space<vmem>>, vector<16xi32>,
    %swap3A_301 = arith.constant 4 : i32
    %swap3A_302 = arith.index_cast %swap3A_301 : i32 to index
    %swap3A_303 = arith.constant 176 : index
    %swap3A_304 = tpu.vector_load %arg5[%swap3A_302, %swap3A_303] {strides = array<i32>} : memref<16x256xi32, #tpu.memory_space<vmem>>, vector<16xi32>,
    tpu.vector_store %arg5[%swap3A_302, %swap3A_303], %broadcast_in_dim3A_1 {strides = array<i32>} : memref<16x256xi32, #tpu.memory_space<vmem>>, vector<16xi32>,
    %swap3A_305 = arith.constant 4 : i32
    %swap3A_306 = arith.index_cast %swap3A_305 : i32 to index
    %swap3A_307 = arith.constant 192 : index
    %swap3A_308 = tpu.vector_load %arg5[%swap3A_306, %swap3A_307] {strides = array<i32>} : memref<16x256xi32, #tpu.memory_space<vmem>>, vector<16xi32>,
    tpu.vector_store %arg5[%swap3A_306, %swap3A_307], %broadcast_in_dim3A_1 {strides = array<i32>} : memref<16x256xi32, #tpu.memory_space<vmem>>, vector<16xi32>,
    %swap3A_309 = arith.constant 4 : i32
    %swap3A_310 = arith.index_cast %swap3A_309 : i32 to index
    %swap3A_311 = arith.constant 208 : index
    %swap3A_312 = tpu.vector_load %arg5[%swap3A_310, %swap3A_311] {strides = array<i32>} : memref<16x256xi32, #tpu.memory_space<vmem>>, vector<16xi32>,
    tpu.vector_store %arg5[%swap3A_310, %swap3A_311], %broadcast_in_dim3A_1 {strides = array<i32>} : memref<16x256xi32, #tpu.memory_space<vmem>>, vector<16xi32>,
    %swap3A_313 = arith.constant 4 : i32
    %swap3A_314 = arith.index_cast %swap3A_313 : i32 to index
    %swap3A_315 = arith.constant 224 : index
    %swap3A_316 = tpu.vector_load %arg5[%swap3A_314, %swap3A_315] {strides = array<i32>} : memref<16x256xi32, #tpu.memory_space<vmem>>, vector<16xi32>,
    tpu.vector_store %arg5[%swap3A_314, %swap3A_315], %broadcast_in_dim3A_1 {strides = array<i32>} : memref<16x256xi32, #tpu.memory_space<vmem>>, vector<16xi32>,
    %swap3A_317 = arith.constant 4 : i32
    %swap3A_318 = arith.index_cast %swap3A_317 : i32 to index
    %swap3A_319 = arith.constant 240 : index
    %swap3A_320 = tpu.vector_load %arg5[%swap3A_318, %swap3A_319] {strides = array<i32>} : memref<16x256xi32, #tpu.memory_space<vmem>>, vector<16xi32>,
    tpu.vector_store %arg5[%swap3A_318, %swap3A_319], %broadcast_in_dim3A_1 {strides = array<i32>} : memref<16x256xi32, #tpu.memory_space<vmem>>, vector<16xi32>,
    %swap3A_321 = arith.constant 5 : i32
    %swap3A_322 = arith.index_cast %swap3A_321 : i32 to index
    %swap3A_323 = arith.constant 0 : index
    %swap3A_324 = tpu.vector_load %arg5[%swap3A_322, %swap3A_323] {strides = array<i32>} : memref<16x256xi32, #tpu.memory_space<vmem>>, vector<16xi32>,
    tpu.vector_store %arg5[%swap3A_322, %swap3A_323], %broadcast_in_dim3A_1 {strides = array<i32>} : memref<16x256xi32, #tpu.memory_space<vmem>>, vector<16xi32>,
    %swap3A_325 = arith.constant 5 : i32
    %swap3A_326 = arith.index_cast %swap3A_325 : i32 to index
    %swap3A_327 = arith.constant 16 : index
    %swap3A_328 = tpu.vector_load %arg5[%swap3A_326, %swap3A_327] {strides = array<i32>} : memref<16x256xi32, #tpu.memory_space<vmem>>, vector<16xi32>,
    tpu.vector_store %arg5[%swap3A_326, %swap3A_327], %broadcast_in_dim3A_1 {strides = array<i32>} : memref<16x256xi32, #tpu.memory_space<vmem>>, vector<16xi32>,
    %swap3A_329 = arith.constant 5 : i32
    %swap3A_330 = arith.index_cast %swap3A_329 : i32 to index
    %swap3A_331 = arith.constant 32 : index
    %swap3A_332 = tpu.vector_load %arg5[%swap3A_330, %swap3A_331] {strides = array<i32>} : memref<16x256xi32, #tpu.memory_space<vmem>>, vector<16xi32>,
    tpu.vector_store %arg5[%swap3A_330, %swap3A_331], %broadcast_in_dim3A_1 {strides = array<i32>} : memref<16x256xi32, #tpu.memory_space<vmem>>, vector<16xi32>,
    %swap3A_333 = arith.constant 5 : i32
    %swap3A_334 = arith.index_cast %swap3A_333 : i32 to index
    %swap3A_335 = arith.constant 48 : index
    %swap3A_336 = tpu.vector_load %arg5[%swap3A_334, %swap3A_335] {strides = array<i32>} : memref<16x256xi32, #tpu.memory_space<vmem>>, vector<16xi32>,
    tpu.vector_store %arg5[%swap3A_334, %swap3A_335], %broadcast_in_dim3A_1 {strides = array<i32>} : memref<16x256xi32, #tpu.memory_space<vmem>>, vector<16xi32>,
    %swap3A_337 = arith.constant 5 : i32
    %swap3A_338 = arith.index_cast %swap3A_337 : i32 to index
    %swap3A_339 = arith.constant 64 : index
    %swap3A_340 = tpu.vector_load %arg5[%swap3A_338, %swap3A_339] {strides = array<i32>} : memref<16x256xi32, #tpu.memory_space<vmem>>, vector<16xi32>,
    tpu.vector_store %arg5[%swap3A_338, %swap3A_339], %broadcast_in_dim3A_1 {strides = array<i32>} : memref<16x256xi32, #tpu.memory_space<vmem>>, vector<16xi32>,
    %swap3A_341 = arith.constant 5 : i32
    %swap3A_342 = arith.index_cast %swap3A_341 : i32 to index
    %swap3A_343 = arith.constant 80 : index
    %swap3A_344 = tpu.vector_load %arg5[%swap3A_342, %swap3A_343] {strides = array<i32>} : memref<16x256xi32, #tpu.memory_space<vmem>>, vector<16xi32>,
    tpu.vector_store %arg5[%swap3A_342, %swap3A_343], %broadcast_in_dim3A_1 {strides = array<i32>} : memref<16x256xi32, #tpu.memory_space<vmem>>, vector<16xi32>,
    %swap3A_345 = arith.constant 5 : i32
    %swap3A_346 = arith.index_cast %swap3A_345 : i32 to index
    %swap3A_347 = arith.constant 96 : index
    %swap3A_348 = tpu.vector_load %arg5[%swap3A_346, %swap3A_347] {strides = array<i32>} : memref<16x256xi32, #tpu.memory_space<vmem>>, vector<16xi32>,
    tpu.vector_store %arg5[%swap3A_346, %swap3A_347], %broadcast_in_dim3A_1 {strides = array<i32>} : memref<16x256xi32, #tpu.memory_space<vmem>>, vector<16xi32>,
    %swap3A_349 = arith.constant 5 : i32
    %swap3A_350 = arith.index_cast %swap3A_349 : i32 to index
    %swap3A_351 = arith.constant 112 : index
    %swap3A_352 = tpu.vector_load %arg5[%swap3A_350, %swap3A_351] {strides = array<i32>} : memref<16x256xi32, #tpu.memory_space<vmem>>, vector<16xi32>,
    tpu.vector_store %arg5[%swap3A_350, %swap3A_351], %broadcast_in_dim3A_1 {strides = array<i32>} : memref<16x256xi32, #tpu.memory_space<vmem>>, vector<16xi32>,
    %swap3A_353 = arith.constant 5 : i32
    %swap3A_354 = arith.index_cast %swap3A_353 : i32 to index
    %swap3A_355 = arith.constant 128 : index
    %swap3A_356 = tpu.vector_load %arg5[%swap3A_354, %swap3A_355] {strides = array<i32>} : memref<16x256xi32, #tpu.memory_space<vmem>>, vector<16xi32>,
    tpu.vector_store %arg5[%swap3A_354, %swap3A_355], %broadcast_in_dim3A_1 {strides = array<i32>} : memref<16x256xi32, #tpu.memory_space<vmem>>, vector<16xi32>,
    %swap3A_357 = arith.constant 5 : i32
    %swap3A_358 = arith.index_cast %swap3A_357 : i32 to index
    %swap3A_359 = arith.constant 144 : index
    %swap3A_360 = tpu.vector_load %arg5[%swap3A_358, %swap3A_359] {strides = array<i32>} : memref<16x256xi32, #tpu.memory_space<vmem>>, vector<16xi32>,
    tpu.vector_store %arg5[%swap3A_358, %swap3A_359], %broadcast_in_dim3A_1 {strides = array<i32>} : memref<16x256xi32, #tpu.memory_space<vmem>>, vector<16xi32>,
    %swap3A_361 = arith.constant 5 : i32
    %swap3A_362 = arith.index_cast %swap3A_361 : i32 to index
    %swap3A_363 = arith.constant 160 : index
    %swap3A_364 = tpu.vector_load %arg5[%swap3A_362, %swap3A_363] {strides = array<i32>} : memref<16x256xi32, #tpu.memory_space<vmem>>, vector<16xi32>,
    tpu.vector_store %arg5[%swap3A_362, %swap3A_363], %broadcast_in_dim3A_1 {strides = array<i32>} : memref<16x256xi32, #tpu.memory_space<vmem>>, vector<16xi32>,
    %swap3A_365 = arith.constant 5 : i32
    %swap3A_366 = arith.index_cast %swap3A_365 : i32 to index
    %swap3A_367 = arith.constant 176 : index
    %swap3A_368 = tpu.vector_load %arg5[%swap3A_366, %swap3A_367] {strides = array<i32>} : memref<16x256xi32, #tpu.memory_space<vmem>>, vector<16xi32>,
    tpu.vector_store %arg5[%swap3A_366, %swap3A_367], %broadcast_in_dim3A_1 {strides = array<i32>} : memref<16x256xi32, #tpu.memory_space<vmem>>, vector<16xi32>,
    %swap3A_369 = arith.constant 5 : i32
    %swap3A_370 = arith.index_cast %swap3A_369 : i32 to index
    %swap3A_371 = arith.constant 192 : index
    %swap3A_372 = tpu.vector_load %arg5[%swap3A_370, %swap3A_371] {strides = array<i32>} : memref<16x256xi32, #tpu.memory_space<vmem>>, vector<16xi32>,
    tpu.vector_store %arg5[%swap3A_370, %swap3A_371], %broadcast_in_dim3A_1 {strides = array<i32>} : memref<16x256xi32, #tpu.memory_space<vmem>>, vector<16xi32>,
    %swap3A_373 = arith.constant 5 : i32
    %swap3A_374 = arith.index_cast %swap3A_373 : i32 to index
    %swap3A_375 = arith.constant 208 : index
    %swap3A_376 = tpu.vector_load %arg5[%swap3A_374, %swap3A_375] {strides = array<i32>} : memref<16x256xi32, #tpu.memory_space<vmem>>, vector<16xi32>,
    tpu.vector_store %arg5[%swap3A_374, %swap3A_375], %broadcast_in_dim3A_1 {strides = array<i32>} : memref<16x256xi32, #tpu.memory_space<vmem>>, vector<16xi32>,
    %swap3A_377 = arith.constant 5 : i32
    %swap3A_378 = arith.index_cast %swap3A_377 : i32 to index
    %swap3A_379 = arith.constant 224 : index
    %swap3A_380 = tpu.vector_load %arg5[%swap3A_378, %swap3A_379] {strides = array<i32>} : memref<16x256xi32, #tpu.memory_space<vmem>>, vector<16xi32>,
    tpu.vector_store %arg5[%swap3A_378, %swap3A_379], %broadcast_in_dim3A_1 {strides = array<i32>} : memref<16x256xi32, #tpu.memory_space<vmem>>, vector<16xi32>,
    %swap3A_381 = arith.constant 5 : i32
    %swap3A_382 = arith.index_cast %swap3A_381 : i32 to index
    %swap3A_383 = arith.constant 240 : index
    %swap3A_384 = tpu.vector_load %arg5[%swap3A_382, %swap3A_383] {strides = array<i32>} : memref<16x256xi32, #tpu.memory_space<vmem>>, vector<16xi32>,
    tpu.vector_store %arg5[%swap3A_382, %swap3A_383], %broadcast_in_dim3A_1 {strides = array<i32>} : memref<16x256xi32, #tpu.memory_space<vmem>>, vector<16xi32>,
    %swap3A_385 = arith.constant 6 : i32
    %swap3A_386 = arith.index_cast %swap3A_385 : i32 to index
    %swap3A_387 = arith.constant 0 : index
    %swap3A_388 = tpu.vector_load %arg5[%swap3A_386, %swap3A_387] {strides = array<i32>} : memref<16x256xi32, #tpu.memory_space<vmem>>, vector<16xi32>,
    tpu.vector_store %arg5[%swap3A_386, %swap3A_387], %broadcast_in_dim3A_1 {strides = array<i32>} : memref<16x256xi32, #tpu.memory_space<vmem>>, vector<16xi32>,
    %swap3A_389 = arith.constant 6 : i32
    %swap3A_390 = arith.index_cast %swap3A_389 : i32 to index
    %swap3A_391 = arith.constant 16 : index
    %swap3A_392 = tpu.vector_load %arg5[%swap3A_390, %swap3A_391] {strides = array<i32>} : memref<16x256xi32, #tpu.memory_space<vmem>>, vector<16xi32>,
    tpu.vector_store %arg5[%swap3A_390, %swap3A_391], %broadcast_in_dim3A_1 {strides = array<i32>} : memref<16x256xi32, #tpu.memory_space<vmem>>, vector<16xi32>,
    %swap3A_393 = arith.constant 6 : i32
    %swap3A_394 = arith.index_cast %swap3A_393 : i32 to index
    %swap3A_395 = arith.constant 32 : index
    %swap3A_396 = tpu.vector_load %arg5[%swap3A_394, %swap3A_395] {strides = array<i32>} : memref<16x256xi32, #tpu.memory_space<vmem>>, vector<16xi32>,
    tpu.vector_store %arg5[%swap3A_394, %swap3A_395], %broadcast_in_dim3A_1 {strides = array<i32>} : memref<16x256xi32, #tpu.memory_space<vmem>>, vector<16xi32>,
    %swap3A_397 = arith.constant 6 : i32
    %swap3A_398 = arith.index_cast %swap3A_397 : i32 to index
    %swap3A_399 = arith.constant 48 : index
    %swap3A_400 = tpu.vector_load %arg5[%swap3A_398, %swap3A_399] {strides = array<i32>} : memref<16x256xi32, #tpu.memory_space<vmem>>, vector<16xi32>,
    tpu.vector_store %arg5[%swap3A_398, %swap3A_399], %broadcast_in_dim3A_1 {strides = array<i32>} : memref<16x256xi32, #tpu.memory_space<vmem>>, vector<16xi32>,
    %swap3A_401 = arith.constant 6 : i32
    %swap3A_402 = arith.index_cast %swap3A_401 : i32 to index
    %swap3A_403 = arith.constant 64 : index
    %swap3A_404 = tpu.vector_load %arg5[%swap3A_402, %swap3A_403] {strides = array<i32>} : memref<16x256xi32, #tpu.memory_space<vmem>>, vector<16xi32>,
    tpu.vector_store %arg5[%swap3A_402, %swap3A_403], %broadcast_in_dim3A_1 {strides = array<i32>} : memref<16x256xi32, #tpu.memory_space<vmem>>, vector<16xi32>,
    %swap3A_405 = arith.constant 6 : i32
    %swap3A_406 = arith.index_cast %swap3A_405 : i32 to index
    %swap3A_407 = arith.constant 80 : index
    %swap3A_408 = tpu.vector_load %arg5[%swap3A_406, %swap3A_407] {strides = array<i32>} : memref<16x256xi32, #tpu.memory_space<vmem>>, vector<16xi32>,
    tpu.vector_store %arg5[%swap3A_406, %swap3A_407], %broadcast_in_dim3A_1 {strides = array<i32>} : memref<16x256xi32, #tpu.memory_space<vmem>>, vector<16xi32>,
    %swap3A_409 = arith.constant 6 : i32
    %swap3A_410 = arith.index_cast %swap3A_409 : i32 to index
    %swap3A_411 = arith.constant 96 : index
    %swap3A_412 = tpu.vector_load %arg5[%swap3A_410, %swap3A_411] {strides = array<i32>} : memref<16x256xi32, #tpu.memory_space<vmem>>, vector<16xi32>,
    tpu.vector_store %arg5[%swap3A_410, %swap3A_411], %broadcast_in_dim3A_1 {strides = array<i32>} : memref<16x256xi32, #tpu.memory_space<vmem>>, vector<16xi32>,
    %swap3A_413 = arith.constant 6 : i32
    %swap3A_414 = arith.index_cast %swap3A_413 : i32 to index
    %swap3A_415 = arith.constant 112 : index
    %swap3A_416 = tpu.vector_load %arg5[%swap3A_414, %swap3A_415] {strides = array<i32>} : memref<16x256xi32, #tpu.memory_space<vmem>>, vector<16xi32>,
    tpu.vector_store %arg5[%swap3A_414, %swap3A_415], %broadcast_in_dim3A_1 {strides = array<i32>} : memref<16x256xi32, #tpu.memory_space<vmem>>, vector<16xi32>,
    %swap3A_417 = arith.constant 6 : i32
    %swap3A_418 = arith.index_cast %swap3A_417 : i32 to index
    %swap3A_419 = arith.constant 128 : index
    %swap3A_420 = tpu.vector_load %arg5[%swap3A_418, %swap3A_419] {strides = array<i32>} : memref<16x256xi32, #tpu.memory_space<vmem>>, vector<16xi32>,
    tpu.vector_store %arg5[%swap3A_418, %swap3A_419], %broadcast_in_dim3A_1 {strides = array<i32>} : memref<16x256xi32, #tpu.memory_space<vmem>>, vector<16xi32>,
    %swap3A_421 = arith.constant 6 : i32
    %swap3A_422 = arith.index_cast %swap3A_421 : i32 to index
    %swap3A_423 = arith.constant 144 : index
    %swap3A_424 = tpu.vector_load %arg5[%swap3A_422, %swap3A_423] {strides = array<i32>} : memref<16x256xi32, #tpu.memory_space<vmem>>, vector<16xi32>,
    tpu.vector_store %arg5[%swap3A_422, %swap3A_423], %broadcast_in_dim3A_1 {strides = array<i32>} : memref<16x256xi32, #tpu.memory_space<vmem>>, vector<16xi32>,
    %swap3A_425 = arith.constant 6 : i32
    %swap3A_426 = arith.index_cast %swap3A_425 : i32 to index
    %swap3A_427 = arith.constant 160 : index
    %swap3A_428 = tpu.vector_load %arg5[%swap3A_426, %swap3A_427] {strides = array<i32>} : memref<16x256xi32, #tpu.memory_space<vmem>>, vector<16xi32>,
    tpu.vector_store %arg5[%swap3A_426, %swap3A_427], %broadcast_in_dim3A_1 {strides = array<i32>} : memref<16x256xi32, #tpu.memory_space<vmem>>, vector<16xi32>,
    %swap3A_429 = arith.constant 6 : i32
    %swap3A_430 = arith.index_cast %swap3A_429 : i32 to index
    %swap3A_431 = arith.constant 176 : index
    %swap3A_432 = tpu.vector_load %arg5[%swap3A_430, %swap3A_431] {strides = array<i32>} : memref<16x256xi32, #tpu.memory_space<vmem>>, vector<16xi32>,
    tpu.vector_store %arg5[%swap3A_430, %swap3A_431], %broadcast_in_dim3A_1 {strides = array<i32>} : memref<16x256xi32, #tpu.memory_space<vmem>>, vector<16xi32>,
    %swap3A_433 = arith.constant 6 : i32
    %swap3A_434 = arith.index_cast %swap3A_433 : i32 to index
    %swap3A_435 = arith.constant 192 : index
    %swap3A_436 = tpu.vector_load %arg5[%swap3A_434, %swap3A_435] {strides = array<i32>} : memref<16x256xi32, #tpu.memory_space<vmem>>, vector<16xi32>,
    tpu.vector_store %arg5[%swap3A_434, %swap3A_435], %broadcast_in_dim3A_1 {strides = array<i32>} : memref<16x256xi32, #tpu.memory_space<vmem>>, vector<16xi32>,
    %swap3A_437 = arith.constant 6 : i32
    %swap3A_438 = arith.index_cast %swap3A_437 : i32 to index
    %swap3A_439 = arith.constant 208 : index
    %swap3A_440 = tpu.vector_load %arg5[%swap3A_438, %swap3A_439] {strides = array<i32>} : memref<16x256xi32, #tpu.memory_space<vmem>>, vector<16xi32>,
    tpu.vector_store %arg5[%swap3A_438, %swap3A_439], %broadcast_in_dim3A_1 {strides = array<i32>} : memref<16x256xi32, #tpu.memory_space<vmem>>, vector<16xi32>,
    %swap3A_441 = arith.constant 6 : i32
    %swap3A_442 = arith.index_cast %swap3A_441 : i32 to index
    %swap3A_443 = arith.constant 224 : index
    %swap3A_444 = tpu.vector_load %arg5[%swap3A_442, %swap3A_443] {strides = array<i32>} : memref<16x256xi32, #tpu.memory_space<vmem>>, vector<16xi32>,
    tpu.vector_store %arg5[%swap3A_442, %swap3A_443], %broadcast_in_dim3A_1 {strides = array<i32>} : memref<16x256xi32, #tpu.memory_space<vmem>>, vector<16xi32>,
    %swap3A_445 = arith.constant 6 : i32
    %swap3A_446 = arith.index_cast %swap3A_445 : i32 to index
    %swap3A_447 = arith.constant 240 : index
    %swap3A_448 = tpu.vector_load %arg5[%swap3A_446, %swap3A_447] {strides = array<i32>} : memref<16x256xi32, #tpu.memory_space<vmem>>, vector<16xi32>,
    tpu.vector_store %arg5[%swap3A_446, %swap3A_447], %broadcast_in_dim3A_1 {strides = array<i32>} : memref<16x256xi32, #tpu.memory_space<vmem>>, vector<16xi32>,
    %swap3A_449 = arith.constant 7 : i32
    %swap3A_450 = arith.index_cast %swap3A_449 : i32 to index
    %swap3A_451 = arith.constant 0 : index
    %swap3A_452 = tpu.vector_load %arg5[%swap3A_450, %swap3A_451] {strides = array<i32>} : memref<16x256xi32, #tpu.memory_space<vmem>>, vector<16xi32>,
    tpu.vector_store %arg5[%swap3A_450, %swap3A_451], %broadcast_in_dim3A_1 {strides = array<i32>} : memref<16x256xi32, #tpu.memory_space<vmem>>, vector<16xi32>,
    %swap3A_453 = arith.constant 7 : i32
    %swap3A_454 = arith.index_cast %swap3A_453 : i32 to index
    %swap3A_455 = arith.constant 16 : index
    %swap3A_456 = tpu.vector_load %arg5[%swap3A_454, %swap3A_455] {strides = array<i32>} : memref<16x256xi32, #tpu.memory_space<vmem>>, vector<16xi32>,
    tpu.vector_store %arg5[%swap3A_454, %swap3A_455], %broadcast_in_dim3A_1 {strides = array<i32>} : memref<16x256xi32, #tpu.memory_space<vmem>>, vector<16xi32>,
    %swap3A_457 = arith.constant 7 : i32
    %swap3A_458 = arith.index_cast %swap3A_457 : i32 to index
    %swap3A_459 = arith.constant 32 : index
    %swap3A_460 = tpu.vector_load %arg5[%swap3A_458, %swap3A_459] {strides = array<i32>} : memref<16x256xi32, #tpu.memory_space<vmem>>, vector<16xi32>,
    tpu.vector_store %arg5[%swap3A_458, %swap3A_459], %broadcast_in_dim3A_1 {strides = array<i32>} : memref<16x256xi32, #tpu.memory_space<vmem>>, vector<16xi32>,
    %swap3A_461 = arith.constant 7 : i32
    %swap3A_462 = arith.index_cast %swap3A_461 : i32 to index
    %swap3A_463 = arith.constant 48 : index
    %swap3A_464 = tpu.vector_load %arg5[%swap3A_462, %swap3A_463] {strides = array<i32>} : memref<16x256xi32, #tpu.memory_space<vmem>>, vector<16xi32>,
    tpu.vector_store %arg5[%swap3A_462, %swap3A_463], %broadcast_in_dim3A_1 {strides = array<i32>} : memref<16x256xi32, #tpu.memory_space<vmem>>, vector<16xi32>,
    %swap3A_465 = arith.constant 7 : i32
    %swap3A_466 = arith.index_cast %swap3A_465 : i32 to index
    %swap3A_467 = arith.constant 64 : index
    %swap3A_468 = tpu.vector_load %arg5[%swap3A_466, %swap3A_467] {strides = array<i32>} : memref<16x256xi32, #tpu.memory_space<vmem>>, vector<16xi32>,
    tpu.vector_store %arg5[%swap3A_466, %swap3A_467], %broadcast_in_dim3A_1 {strides = array<i32>} : memref<16x256xi32, #tpu.memory_space<vmem>>, vector<16xi32>,
    %swap3A_469 = arith.constant 7 : i32
    %swap3A_470 = arith.index_cast %swap3A_469 : i32 to index
    %swap3A_471 = arith.constant 80 : index
    %swap3A_472 = tpu.vector_load %arg5[%swap3A_470, %swap3A_471] {strides = array<i32>} : memref<16x256xi32, #tpu.memory_space<vmem>>, vector<16xi32>,
    tpu.vector_store %arg5[%swap3A_470, %swap3A_471], %broadcast_in_dim3A_1 {strides = array<i32>} : memref<16x256xi32, #tpu.memory_space<vmem>>, vector<16xi32>,
    %swap3A_473 = arith.constant 7 : i32
    %swap3A_474 = arith.index_cast %swap3A_473 : i32 to index
    %swap3A_475 = arith.constant 96 : index
    %swap3A_476 = tpu.vector_load %arg5[%swap3A_474, %swap3A_475] {strides = array<i32>} : memref<16x256xi32, #tpu.memory_space<vmem>>, vector<16xi32>,
    tpu.vector_store %arg5[%swap3A_474, %swap3A_475], %broadcast_in_dim3A_1 {strides = array<i32>} : memref<16x256xi32, #tpu.memory_space<vmem>>, vector<16xi32>,
    %swap3A_477 = arith.constant 7 : i32
    %swap3A_478 = arith.index_cast %swap3A_477 : i32 to index
    %swap3A_479 = arith.constant 112 : index
    %swap3A_480 = tpu.vector_load %arg5[%swap3A_478, %swap3A_479] {strides = array<i32>} : memref<16x256xi32, #tpu.memory_space<vmem>>, vector<16xi32>,
    tpu.vector_store %arg5[%swap3A_478, %swap3A_479], %broadcast_in_dim3A_1 {strides = array<i32>} : memref<16x256xi32, #tpu.memory_space<vmem>>, vector<16xi32>,
    %swap3A_481 = arith.constant 7 : i32
    %swap3A_482 = arith.index_cast %swap3A_481 : i32 to index
    %swap3A_483 = arith.constant 128 : index
    %swap3A_484 = tpu.vector_load %arg5[%swap3A_482, %swap3A_483] {strides = array<i32>} : memref<16x256xi32, #tpu.memory_space<vmem>>, vector<16xi32>,
    tpu.vector_store %arg5[%swap3A_482, %swap3A_483], %broadcast_in_dim3A_1 {strides = array<i32>} : memref<16x256xi32, #tpu.memory_space<vmem>>, vector<16xi32>,
    %swap3A_485 = arith.constant 7 : i32
    %swap3A_486 = arith.index_cast %swap3A_485 : i32 to index
    %swap3A_487 = arith.constant 144 : index
    %swap3A_488 = tpu.vector_load %arg5[%swap3A_486, %swap3A_487] {strides = array<i32>} : memref<16x256xi32, #tpu.memory_space<vmem>>, vector<16xi32>,
    tpu.vector_store %arg5[%swap3A_486, %swap3A_487], %broadcast_in_dim3A_1 {strides = array<i32>} : memref<16x256xi32, #tpu.memory_space<vmem>>, vector<16xi32>,
    %swap3A_489 = arith.constant 7 : i32
    %swap3A_490 = arith.index_cast %swap3A_489 : i32 to index
    %swap3A_491 = arith.constant 160 : index
    %swap3A_492 = tpu.vector_load %arg5[%swap3A_490, %swap3A_491] {strides = array<i32>} : memref<16x256xi32, #tpu.memory_space<vmem>>, vector<16xi32>,
    tpu.vector_store %arg5[%swap3A_490, %swap3A_491], %broadcast_in_dim3A_1 {strides = array<i32>} : memref<16x256xi32, #tpu.memory_space<vmem>>, vector<16xi32>,
    %swap3A_493 = arith.constant 7 : i32
    %swap3A_494 = arith.index_cast %swap3A_493 : i32 to index
    %swap3A_495 = arith.constant 176 : index
    %swap3A_496 = tpu.vector_load %arg5[%swap3A_494, %swap3A_495] {strides = array<i32>} : memref<16x256xi32, #tpu.memory_space<vmem>>, vector<16xi32>,
    tpu.vector_store %arg5[%swap3A_494, %swap3A_495], %broadcast_in_dim3A_1 {strides = array<i32>} : memref<16x256xi32, #tpu.memory_space<vmem>>, vector<16xi32>,
    %swap3A_497 = arith.constant 7 : i32
    %swap3A_498 = arith.index_cast %swap3A_497 : i32 to index
    %swap3A_499 = arith.constant 192 : index
    %swap3A_500 = tpu.vector_load %arg5[%swap3A_498, %swap3A_499] {strides = array<i32>} : memref<16x256xi32, #tpu.memory_space<vmem>>, vector<16xi32>,
    tpu.vector_store %arg5[%swap3A_498, %swap3A_499], %broadcast_in_dim3A_1 {strides = array<i32>} : memref<16x256xi32, #tpu.memory_space<vmem>>, vector<16xi32>,
    %swap3A_501 = arith.constant 7 : i32
    %swap3A_502 = arith.index_cast %swap3A_501 : i32 to index
    %swap3A_503 = arith.constant 208 : index
    %swap3A_504 = tpu.vector_load %arg5[%swap3A_502, %swap3A_503] {strides = array<i32>} : memref<16x256xi32, #tpu.memory_space<vmem>>, vector<16xi32>,
    tpu.vector_store %arg5[%swap3A_502, %swap3A_503], %broadcast_in_dim3A_1 {strides = array<i32>} : memref<16x256xi32, #tpu.memory_space<vmem>>, vector<16xi32>,
    %swap3A_505 = arith.constant 7 : i32
    %swap3A_506 = arith.index_cast %swap3A_505 : i32 to index
    %swap3A_507 = arith.constant 224 : index
    %swap3A_508 = tpu.vector_load %arg5[%swap3A_506, %swap3A_507] {strides = array<i32>} : memref<16x256xi32, #tpu.memory_space<vmem>>, vector<16xi32>,
    tpu.vector_store %arg5[%swap3A_506, %swap3A_507], %broadcast_in_dim3A_1 {strides = array<i32>} : memref<16x256xi32, #tpu.memory_space<vmem>>, vector<16xi32>,
    %swap3A_509 = arith.constant 7 : i32
    %swap3A_510 = arith.index_cast %swap3A_509 : i32 to index
    %swap3A_511 = arith.constant 240 : index
    %swap3A_512 = tpu.vector_load %arg5[%swap3A_510, %swap3A_511] {strides = array<i32>} : memref<16x256xi32, #tpu.memory_space<vmem>>, vector<16xi32>,
    tpu.vector_store %arg5[%swap3A_510, %swap3A_511], %broadcast_in_dim3A_1 {strides = array<i32>} : memref<16x256xi32, #tpu.memory_space<vmem>>, vector<16xi32>,
    %swap3A_513 = arith.constant 8 : i32
    %swap3A_514 = arith.index_cast %swap3A_513 : i32 to index
    %swap3A_515 = arith.constant 0 : index
    %swap3A_516 = tpu.vector_load %arg5[%swap3A_514, %swap3A_515] {strides = array<i32>} : memref<16x256xi32, #tpu.memory_space<vmem>>, vector<16xi32>,
    tpu.vector_store %arg5[%swap3A_514, %swap3A_515], %broadcast_in_dim3A_1 {strides = array<i32>} : memref<16x256xi32, #tpu.memory_space<vmem>>, vector<16xi32>,
    %swap3A_517 = arith.constant 8 : i32
    %swap3A_518 = arith.index_cast %swap3A_517 : i32 to index
    %swap3A_519 = arith.constant 16 : index
    %swap3A_520 = tpu.vector_load %arg5[%swap3A_518, %swap3A_519] {strides = array<i32>} : memref<16x256xi32, #tpu.memory_space<vmem>>, vector<16xi32>,
    tpu.vector_store %arg5[%swap3A_518, %swap3A_519], %broadcast_in_dim3A_1 {strides = array<i32>} : memref<16x256xi32, #tpu.memory_space<vmem>>, vector<16xi32>,
    %swap3A_521 = arith.constant 8 : i32
    %swap3A_522 = arith.index_cast %swap3A_521 : i32 to index
    %swap3A_523 = arith.constant 32 : index
    %swap3A_524 = tpu.vector_load %arg5[%swap3A_522, %swap3A_523] {strides = array<i32>} : memref<16x256xi32, #tpu.memory_space<vmem>>, vector<16xi32>,
    tpu.vector_store %arg5[%swap3A_522, %swap3A_523], %broadcast_in_dim3A_1 {strides = array<i32>} : memref<16x256xi32, #tpu.memory_space<vmem>>, vector<16xi32>,
    %swap3A_525 = arith.constant 8 : i32
    %swap3A_526 = arith.index_cast %swap3A_525 : i32 to index
    %swap3A_527 = arith.constant 48 : index
    %swap3A_528 = tpu.vector_load %arg5[%swap3A_526, %swap3A_527] {strides = array<i32>} : memref<16x256xi32, #tpu.memory_space<vmem>>, vector<16xi32>,
    tpu.vector_store %arg5[%swap3A_526, %swap3A_527], %broadcast_in_dim3A_1 {strides = array<i32>} : memref<16x256xi32, #tpu.memory_space<vmem>>, vector<16xi32>,
    %swap3A_529 = arith.constant 8 : i32
    %swap3A_530 = arith.index_cast %swap3A_529 : i32 to index
    %swap3A_531 = arith.constant 64 : index
    %swap3A_532 = tpu.vector_load %arg5[%swap3A_530, %swap3A_531] {strides = array<i32>} : memref<16x256xi32, #tpu.memory_space<vmem>>, vector<16xi32>,
    tpu.vector_store %arg5[%swap3A_530, %swap3A_531], %broadcast_in_dim3A_1 {strides = array<i32>} : memref<16x256xi32, #tpu.memory_space<vmem>>, vector<16xi32>,
    %swap3A_533 = arith.constant 8 : i32
    %swap3A_534 = arith.index_cast %swap3A_533 : i32 to index
    %swap3A_535 = arith.constant 80 : index
    %swap3A_536 = tpu.vector_load %arg5[%swap3A_534, %swap3A_535] {strides = array<i32>} : memref<16x256xi32, #tpu.memory_space<vmem>>, vector<16xi32>,
    tpu.vector_store %arg5[%swap3A_534, %swap3A_535], %broadcast_in_dim3A_1 {strides = array<i32>} : memref<16x256xi32, #tpu.memory_space<vmem>>, vector<16xi32>,
    %swap3A_537 = arith.constant 8 : i32
    %swap3A_538 = arith.index_cast %swap3A_537 : i32 to index
    %swap3A_539 = arith.constant 96 : index
    %swap3A_540 = tpu.vector_load %arg5[%swap3A_538, %swap3A_539] {strides = array<i32>} : memref<16x256xi32, #tpu.memory_space<vmem>>, vector<16xi32>,
    tpu.vector_store %arg5[%swap3A_538, %swap3A_539], %broadcast_in_dim3A_1 {strides = array<i32>} : memref<16x256xi32, #tpu.memory_space<vmem>>, vector<16xi32>,
    %swap3A_541 = arith.constant 8 : i32
    %swap3A_542 = arith.index_cast %swap3A_541 : i32 to index
    %swap3A_543 = arith.constant 112 : index
    %swap3A_544 = tpu.vector_load %arg5[%swap3A_542, %swap3A_543] {strides = array<i32>} : memref<16x256xi32, #tpu.memory_space<vmem>>, vector<16xi32>,
    tpu.vector_store %arg5[%swap3A_542, %swap3A_543], %broadcast_in_dim3A_1 {strides = array<i32>} : memref<16x256xi32, #tpu.memory_space<vmem>>, vector<16xi32>,
    %swap3A_545 = arith.constant 8 : i32
    %swap3A_546 = arith.index_cast %swap3A_545 : i32 to index
    %swap3A_547 = arith.constant 128 : index
    %swap3A_548 = tpu.vector_load %arg5[%swap3A_546, %swap3A_547] {strides = array<i32>} : memref<16x256xi32, #tpu.memory_space<vmem>>, vector<16xi32>,
    tpu.vector_store %arg5[%swap3A_546, %swap3A_547], %broadcast_in_dim3A_1 {strides = array<i32>} : memref<16x256xi32, #tpu.memory_space<vmem>>, vector<16xi32>,
    %swap3A_549 = arith.constant 8 : i32
    %swap3A_550 = arith.index_cast %swap3A_549 : i32 to index
    %swap3A_551 = arith.constant 144 : index
    %swap3A_552 = tpu.vector_load %arg5[%swap3A_550, %swap3A_551] {strides = array<i32>} : memref<16x256xi32, #tpu.memory_space<vmem>>, vector<16xi32>,
    tpu.vector_store %arg5[%swap3A_550, %swap3A_551], %broadcast_in_dim3A_1 {strides = array<i32>} : memref<16x256xi32, #tpu.memory_space<vmem>>, vector<16xi32>,
    %swap3A_553 = arith.constant 8 : i32
    %swap3A_554 = arith.index_cast %swap3A_553 : i32 to index
    %swap3A_555 = arith.constant 160 : index
    %swap3A_556 = tpu.vector_load %arg5[%swap3A_554, %swap3A_555] {strides = array<i32>} : memref<16x256xi32, #tpu.memory_space<vmem>>, vector<16xi32>,
    tpu.vector_store %arg5[%swap3A_554, %swap3A_555], %broadcast_in_dim3A_1 {strides = array<i32>} : memref<16x256xi32, #tpu.memory_space<vmem>>, vector<16xi32>,
    %swap3A_557 = arith.constant 8 : i32
    %swap3A_558 = arith.index_cast %swap3A_557 : i32 to index
    %swap3A_559 = arith.constant 176 : index
    %swap3A_560 = tpu.vector_load %arg5[%swap3A_558, %swap3A_559] {strides = array<i32>} : memref<16x256xi32, #tpu.memory_space<vmem>>, vector<16xi32>,
    tpu.vector_store %arg5[%swap3A_558, %swap3A_559], %broadcast_in_dim3A_1 {strides = array<i32>} : memref<16x256xi32, #tpu.memory_space<vmem>>, vector<16xi32>,
    %swap3A_561 = arith.constant 8 : i32
    %swap3A_562 = arith.index_cast %swap3A_561 : i32 to index
    %swap3A_563 = arith.constant 192 : index
    %swap3A_564 = tpu.vector_load %arg5[%swap3A_562, %swap3A_563] {strides = array<i32>} : memref<16x256xi32, #tpu.memory_space<vmem>>, vector<16xi32>,
    tpu.vector_store %arg5[%swap3A_562, %swap3A_563], %broadcast_in_dim3A_1 {strides = array<i32>} : memref<16x256xi32, #tpu.memory_space<vmem>>, vector<16xi32>,
    %swap3A_565 = arith.constant 8 : i32
    %swap3A_566 = arith.index_cast %swap3A_565 : i32 to index
    %swap3A_567 = arith.constant 208 : index
    %swap3A_568 = tpu.vector_load %arg5[%swap3A_566, %swap3A_567] {strides = array<i32>} : memref<16x256xi32, #tpu.memory_space<vmem>>, vector<16xi32>,
    tpu.vector_store %arg5[%swap3A_566, %swap3A_567], %broadcast_in_dim3A_1 {strides = array<i32>} : memref<16x256xi32, #tpu.memory_space<vmem>>, vector<16xi32>,
    %swap3A_569 = arith.constant 8 : i32
    %swap3A_570 = arith.index_cast %swap3A_569 : i32 to index
    %swap3A_571 = arith.constant 224 : index
    %swap3A_572 = tpu.vector_load %arg5[%swap3A_570, %swap3A_571] {strides = array<i32>} : memref<16x256xi32, #tpu.memory_space<vmem>>, vector<16xi32>,
    tpu.vector_store %arg5[%swap3A_570, %swap3A_571], %broadcast_in_dim3A_1 {strides = array<i32>} : memref<16x256xi32, #tpu.memory_space<vmem>>, vector<16xi32>,
    %swap3A_573 = arith.constant 8 : i32
    %swap3A_574 = arith.index_cast %swap3A_573 : i32 to index
    %swap3A_575 = arith.constant 240 : index
    %swap3A_576 = tpu.vector_load %arg5[%swap3A_574, %swap3A_575] {strides = array<i32>} : memref<16x256xi32, #tpu.memory_space<vmem>>, vector<16xi32>,
    tpu.vector_store %arg5[%swap3A_574, %swap3A_575], %broadcast_in_dim3A_1 {strides = array<i32>} : memref<16x256xi32, #tpu.memory_space<vmem>>, vector<16xi32>,
    %swap3A_577 = arith.constant 9 : i32
    %swap3A_578 = arith.index_cast %swap3A_577 : i32 to index
    %swap3A_579 = arith.constant 0 : index
    %swap3A_580 = tpu.vector_load %arg5[%swap3A_578, %swap3A_579] {strides = array<i32>} : memref<16x256xi32, #tpu.memory_space<vmem>>, vector<16xi32>,
    tpu.vector_store %arg5[%swap3A_578, %swap3A_579], %broadcast_in_dim3A_1 {strides = array<i32>} : memref<16x256xi32, #tpu.memory_space<vmem>>, vector<16xi32>,
    %swap3A_581 = arith.constant 9 : i32
    %swap3A_582 = arith.index_cast %swap3A_581 : i32 to index
    %swap3A_583 = arith.constant 16 : index
    %swap3A_584 = tpu.vector_load %arg5[%swap3A_582, %swap3A_583] {strides = array<i32>} : memref<16x256xi32, #tpu.memory_space<vmem>>, vector<16xi32>,
    tpu.vector_store %arg5[%swap3A_582, %swap3A_583], %broadcast_in_dim3A_1 {strides = array<i32>} : memref<16x256xi32, #tpu.memory_space<vmem>>, vector<16xi32>,
    %swap3A_585 = arith.constant 9 : i32
    %swap3A_586 = arith.index_cast %swap3A_585 : i32 to index
    %swap3A_587 = arith.constant 32 : index
    %swap3A_588 = tpu.vector_load %arg5[%swap3A_586, %swap3A_587] {strides = array<i32>} : memref<16x256xi32, #tpu.memory_space<vmem>>, vector<16xi32>,
    tpu.vector_store %arg5[%swap3A_586, %swap3A_587], %broadcast_in_dim3A_1 {strides = array<i32>} : memref<16x256xi32, #tpu.memory_space<vmem>>, vector<16xi32>,
    %swap3A_589 = arith.constant 9 : i32
    %swap3A_590 = arith.index_cast %swap3A_589 : i32 to index
    %swap3A_591 = arith.constant 48 : index
    %swap3A_592 = tpu.vector_load %arg5[%swap3A_590, %swap3A_591] {strides = array<i32>} : memref<16x256xi32, #tpu.memory_space<vmem>>, vector<16xi32>,
    tpu.vector_store %arg5[%swap3A_590, %swap3A_591], %broadcast_in_dim3A_1 {strides = array<i32>} : memref<16x256xi32, #tpu.memory_space<vmem>>, vector<16xi32>,
    %swap3A_593 = arith.constant 9 : i32
    %swap3A_594 = arith.index_cast %swap3A_593 : i32 to index
    %swap3A_595 = arith.constant 64 : index
    %swap3A_596 = tpu.vector_load %arg5[%swap3A_594, %swap3A_595] {strides = array<i32>} : memref<16x256xi32, #tpu.memory_space<vmem>>, vector<16xi32>,
    tpu.vector_store %arg5[%swap3A_594, %swap3A_595], %broadcast_in_dim3A_1 {strides = array<i32>} : memref<16x256xi32, #tpu.memory_space<vmem>>, vector<16xi32>,
    %swap3A_597 = arith.constant 9 : i32
    %swap3A_598 = arith.index_cast %swap3A_597 : i32 to index
    %swap3A_599 = arith.constant 80 : index
    %swap3A_600 = tpu.vector_load %arg5[%swap3A_598, %swap3A_599] {strides = array<i32>} : memref<16x256xi32, #tpu.memory_space<vmem>>, vector<16xi32>,
    tpu.vector_store %arg5[%swap3A_598, %swap3A_599], %broadcast_in_dim3A_1 {strides = array<i32>} : memref<16x256xi32, #tpu.memory_space<vmem>>, vector<16xi32>,
    %swap3A_601 = arith.constant 9 : i32
    %swap3A_602 = arith.index_cast %swap3A_601 : i32 to index
    %swap3A_603 = arith.constant 96 : index
    %swap3A_604 = tpu.vector_load %arg5[%swap3A_602, %swap3A_603] {strides = array<i32>} : memref<16x256xi32, #tpu.memory_space<vmem>>, vector<16xi32>,
    tpu.vector_store %arg5[%swap3A_602, %swap3A_603], %broadcast_in_dim3A_1 {strides = array<i32>} : memref<16x256xi32, #tpu.memory_space<vmem>>, vector<16xi32>,
    %swap3A_605 = arith.constant 9 : i32
    %swap3A_606 = arith.index_cast %swap3A_605 : i32 to index
    %swap3A_607 = arith.constant 112 : index
    %swap3A_608 = tpu.vector_load %arg5[%swap3A_606, %swap3A_607] {strides = array<i32>} : memref<16x256xi32, #tpu.memory_space<vmem>>, vector<16xi32>,
    tpu.vector_store %arg5[%swap3A_606, %swap3A_607], %broadcast_in_dim3A_1 {strides = array<i32>} : memref<16x256xi32, #tpu.memory_space<vmem>>, vector<16xi32>,
    %swap3A_609 = arith.constant 9 : i32
    %swap3A_610 = arith.index_cast %swap3A_609 : i32 to index
    %swap3A_611 = arith.constant 128 : index
    %swap3A_612 = tpu.vector_load %arg5[%swap3A_610, %swap3A_611] {strides = array<i32>} : memref<16x256xi32, #tpu.memory_space<vmem>>, vector<16xi32>,
    tpu.vector_store %arg5[%swap3A_610, %swap3A_611], %broadcast_in_dim3A_1 {strides = array<i32>} : memref<16x256xi32, #tpu.memory_space<vmem>>, vector<16xi32>,
    %swap3A_613 = arith.constant 9 : i32
    %swap3A_614 = arith.index_cast %swap3A_613 : i32 to index
    %swap3A_615 = arith.constant 144 : index
    %swap3A_616 = tpu.vector_load %arg5[%swap3A_614, %swap3A_615] {strides = array<i32>} : memref<16x256xi32, #tpu.memory_space<vmem>>, vector<16xi32>,
    tpu.vector_store %arg5[%swap3A_614, %swap3A_615], %broadcast_in_dim3A_1 {strides = array<i32>} : memref<16x256xi32, #tpu.memory_space<vmem>>, vector<16xi32>,
    %swap3A_617 = arith.constant 9 : i32
    %swap3A_618 = arith.index_cast %swap3A_617 : i32 to index
    %swap3A_619 = arith.constant 160 : index
    %swap3A_620 = tpu.vector_load %arg5[%swap3A_618, %swap3A_619] {strides = array<i32>} : memref<16x256xi32, #tpu.memory_space<vmem>>, vector<16xi32>,
    tpu.vector_store %arg5[%swap3A_618, %swap3A_619], %broadcast_in_dim3A_1 {strides = array<i32>} : memref<16x256xi32, #tpu.memory_space<vmem>>, vector<16xi32>,
    %swap3A_621 = arith.constant 9 : i32
    %swap3A_622 = arith.index_cast %swap3A_621 : i32 to index
    %swap3A_623 = arith.constant 176 : index
    %swap3A_624 = tpu.vector_load %arg5[%swap3A_622, %swap3A_623] {strides = array<i32>} : memref<16x256xi32, #tpu.memory_space<vmem>>, vector<16xi32>,
    tpu.vector_store %arg5[%swap3A_622, %swap3A_623], %broadcast_in_dim3A_1 {strides = array<i32>} : memref<16x256xi32, #tpu.memory_space<vmem>>, vector<16xi32>,
    %swap3A_625 = arith.constant 9 : i32
    %swap3A_626 = arith.index_cast %swap3A_625 : i32 to index
    %swap3A_627 = arith.constant 192 : index
    %swap3A_628 = tpu.vector_load %arg5[%swap3A_626, %swap3A_627] {strides = array<i32>} : memref<16x256xi32, #tpu.memory_space<vmem>>, vector<16xi32>,
    tpu.vector_store %arg5[%swap3A_626, %swap3A_627], %broadcast_in_dim3A_1 {strides = array<i32>} : memref<16x256xi32, #tpu.memory_space<vmem>>, vector<16xi32>,
    %swap3A_629 = arith.constant 9 : i32
    %swap3A_630 = arith.index_cast %swap3A_629 : i32 to index
    %swap3A_631 = arith.constant 208 : index
    %swap3A_632 = tpu.vector_load %arg5[%swap3A_630, %swap3A_631] {strides = array<i32>} : memref<16x256xi32, #tpu.memory_space<vmem>>, vector<16xi32>,
    tpu.vector_store %arg5[%swap3A_630, %swap3A_631], %broadcast_in_dim3A_1 {strides = array<i32>} : memref<16x256xi32, #tpu.memory_space<vmem>>, vector<16xi32>,
    %swap3A_633 = arith.constant 9 : i32
    %swap3A_634 = arith.index_cast %swap3A_633 : i32 to index
    %swap3A_635 = arith.constant 224 : index
    %swap3A_636 = tpu.vector_load %arg5[%swap3A_634, %swap3A_635] {strides = array<i32>} : memref<16x256xi32, #tpu.memory_space<vmem>>, vector<16xi32>,
    tpu.vector_store %arg5[%swap3A_634, %swap3A_635], %broadcast_in_dim3A_1 {strides = array<i32>} : memref<16x256xi32, #tpu.memory_space<vmem>>, vector<16xi32>,
    %swap3A_637 = arith.constant 9 : i32
    %swap3A_638 = arith.index_cast %swap3A_637 : i32 to index
    %swap3A_639 = arith.constant 240 : index
    %swap3A_640 = tpu.vector_load %arg5[%swap3A_638, %swap3A_639] {strides = array<i32>} : memref<16x256xi32, #tpu.memory_space<vmem>>, vector<16xi32>,
    tpu.vector_store %arg5[%swap3A_638, %swap3A_639], %broadcast_in_dim3A_1 {strides = array<i32>} : memref<16x256xi32, #tpu.memory_space<vmem>>, vector<16xi32>,
    %swap3A_641 = arith.constant 10 : i32
    %swap3A_642 = arith.index_cast %swap3A_641 : i32 to index
    %swap3A_643 = arith.constant 0 : index
    %swap3A_644 = tpu.vector_load %arg5[%swap3A_642, %swap3A_643] {strides = array<i32>} : memref<16x256xi32, #tpu.memory_space<vmem>>, vector<16xi32>,
    tpu.vector_store %arg5[%swap3A_642, %swap3A_643], %broadcast_in_dim3A_1 {strides = array<i32>} : memref<16x256xi32, #tpu.memory_space<vmem>>, vector<16xi32>,
    %swap3A_645 = arith.constant 10 : i32
    %swap3A_646 = arith.index_cast %swap3A_645 : i32 to index
    %swap3A_647 = arith.constant 16 : index
    %swap3A_648 = tpu.vector_load %arg5[%swap3A_646, %swap3A_647] {strides = array<i32>} : memref<16x256xi32, #tpu.memory_space<vmem>>, vector<16xi32>,
    tpu.vector_store %arg5[%swap3A_646, %swap3A_647], %broadcast_in_dim3A_1 {strides = array<i32>} : memref<16x256xi32, #tpu.memory_space<vmem>>, vector<16xi32>,
    %swap3A_649 = arith.constant 10 : i32
    %swap3A_650 = arith.index_cast %swap3A_649 : i32 to index
    %swap3A_651 = arith.constant 32 : index
    %swap3A_652 = tpu.vector_load %arg5[%swap3A_650, %swap3A_651] {strides = array<i32>} : memref<16x256xi32, #tpu.memory_space<vmem>>, vector<16xi32>,
    tpu.vector_store %arg5[%swap3A_650, %swap3A_651], %broadcast_in_dim3A_1 {strides = array<i32>} : memref<16x256xi32, #tpu.memory_space<vmem>>, vector<16xi32>,
    %swap3A_653 = arith.constant 10 : i32
    %swap3A_654 = arith.index_cast %swap3A_653 : i32 to index
    %swap3A_655 = arith.constant 48 : index
    %swap3A_656 = tpu.vector_load %arg5[%swap3A_654, %swap3A_655] {strides = array<i32>} : memref<16x256xi32, #tpu.memory_space<vmem>>, vector<16xi32>,
    tpu.vector_store %arg5[%swap3A_654, %swap3A_655], %broadcast_in_dim3A_1 {strides = array<i32>} : memref<16x256xi32, #tpu.memory_space<vmem>>, vector<16xi32>,
    %swap3A_657 = arith.constant 10 : i32
    %swap3A_658 = arith.index_cast %swap3A_657 : i32 to index
    %swap3A_659 = arith.constant 64 : index
    %swap3A_660 = tpu.vector_load %arg5[%swap3A_658, %swap3A_659] {strides = array<i32>} : memref<16x256xi32, #tpu.memory_space<vmem>>, vector<16xi32>,
    tpu.vector_store %arg5[%swap3A_658, %swap3A_659], %broadcast_in_dim3A_1 {strides = array<i32>} : memref<16x256xi32, #tpu.memory_space<vmem>>, vector<16xi32>,
    %swap3A_661 = arith.constant 10 : i32
    %swap3A_662 = arith.index_cast %swap3A_661 : i32 to index
    %swap3A_663 = arith.constant 80 : index
    %swap3A_664 = tpu.vector_load %arg5[%swap3A_662, %swap3A_663] {strides = array<i32>} : memref<16x256xi32, #tpu.memory_space<vmem>>, vector<16xi32>,
    tpu.vector_store %arg5[%swap3A_662, %swap3A_663], %broadcast_in_dim3A_1 {strides = array<i32>} : memref<16x256xi32, #tpu.memory_space<vmem>>, vector<16xi32>,
    %swap3A_665 = arith.constant 10 : i32
    %swap3A_666 = arith.index_cast %swap3A_665 : i32 to index
    %swap3A_667 = arith.constant 96 : index
    %swap3A_668 = tpu.vector_load %arg5[%swap3A_666, %swap3A_667] {strides = array<i32>} : memref<16x256xi32, #tpu.memory_space<vmem>>, vector<16xi32>,
    tpu.vector_store %arg5[%swap3A_666, %swap3A_667], %broadcast_in_dim3A_1 {strides = array<i32>} : memref<16x256xi32, #tpu.memory_space<vmem>>, vector<16xi32>,
    %swap3A_669 = arith.constant 10 : i32
    %swap3A_670 = arith.index_cast %swap3A_669 : i32 to index
    %swap3A_671 = arith.constant 112 : index
    %swap3A_672 = tpu.vector_load %arg5[%swap3A_670, %swap3A_671] {strides = array<i32>} : memref<16x256xi32, #tpu.memory_space<vmem>>, vector<16xi32>,
    tpu.vector_store %arg5[%swap3A_670, %swap3A_671], %broadcast_in_dim3A_1 {strides = array<i32>} : memref<16x256xi32, #tpu.memory_space<vmem>>, vector<16xi32>,
    %swap3A_673 = arith.constant 10 : i32
    %swap3A_674 = arith.index_cast %swap3A_673 : i32 to index
    %swap3A_675 = arith.constant 128 : index
    %swap3A_676 = tpu.vector_load %arg5[%swap3A_674, %swap3A_675] {strides = array<i32>} : memref<16x256xi32, #tpu.memory_space<vmem>>, vector<16xi32>,
    tpu.vector_store %arg5[%swap3A_674, %swap3A_675], %broadcast_in_dim3A_1 {strides = array<i32>} : memref<16x256xi32, #tpu.memory_space<vmem>>, vector<16xi32>,
    %swap3A_677 = arith.constant 10 : i32
    %swap3A_678 = arith.index_cast %swap3A_677 : i32 to index
    %swap3A_679 = arith.constant 144 : index
    %swap3A_680 = tpu.vector_load %arg5[%swap3A_678, %swap3A_679] {strides = array<i32>} : memref<16x256xi32, #tpu.memory_space<vmem>>, vector<16xi32>,
    tpu.vector_store %arg5[%swap3A_678, %swap3A_679], %broadcast_in_dim3A_1 {strides = array<i32>} : memref<16x256xi32, #tpu.memory_space<vmem>>, vector<16xi32>,
    %swap3A_681 = arith.constant 10 : i32
    %swap3A_682 = arith.index_cast %swap3A_681 : i32 to index
    %swap3A_683 = arith.constant 160 : index
    %swap3A_684 = tpu.vector_load %arg5[%swap3A_682, %swap3A_683] {strides = array<i32>} : memref<16x256xi32, #tpu.memory_space<vmem>>, vector<16xi32>,
    tpu.vector_store %arg5[%swap3A_682, %swap3A_683], %broadcast_in_dim3A_1 {strides = array<i32>} : memref<16x256xi32, #tpu.memory_space<vmem>>, vector<16xi32>,
    %swap3A_685 = arith.constant 10 : i32
    %swap3A_686 = arith.index_cast %swap3A_685 : i32 to index
    %swap3A_687 = arith.constant 176 : index
    %swap3A_688 = tpu.vector_load %arg5[%swap3A_686, %swap3A_687] {strides = array<i32>} : memref<16x256xi32, #tpu.memory_space<vmem>>, vector<16xi32>,
    tpu.vector_store %arg5[%swap3A_686, %swap3A_687], %broadcast_in_dim3A_1 {strides = array<i32>} : memref<16x256xi32, #tpu.memory_space<vmem>>, vector<16xi32>,
    %swap3A_689 = arith.constant 10 : i32
    %swap3A_690 = arith.index_cast %swap3A_689 : i32 to index
    %swap3A_691 = arith.constant 192 : index
    %swap3A_692 = tpu.vector_load %arg5[%swap3A_690, %swap3A_691] {strides = array<i32>} : memref<16x256xi32, #tpu.memory_space<vmem>>, vector<16xi32>,
    tpu.vector_store %arg5[%swap3A_690, %swap3A_691], %broadcast_in_dim3A_1 {strides = array<i32>} : memref<16x256xi32, #tpu.memory_space<vmem>>, vector<16xi32>,
    %swap3A_693 = arith.constant 10 : i32
    %swap3A_694 = arith.index_cast %swap3A_693 : i32 to index
    %swap3A_695 = arith.constant 208 : index
    %swap3A_696 = tpu.vector_load %arg5[%swap3A_694, %swap3A_695] {strides = array<i32>} : memref<16x256xi32, #tpu.memory_space<vmem>>, vector<16xi32>,
    tpu.vector_store %arg5[%swap3A_694, %swap3A_695], %broadcast_in_dim3A_1 {strides = array<i32>} : memref<16x256xi32, #tpu.memory_space<vmem>>, vector<16xi32>,
    %swap3A_697 = arith.constant 10 : i32
    %swap3A_698 = arith.index_cast %swap3A_697 : i32 to index
    %swap3A_699 = arith.constant 224 : index
    %swap3A_700 = tpu.vector_load %arg5[%swap3A_698, %swap3A_699] {strides = array<i32>} : memref<16x256xi32, #tpu.memory_space<vmem>>, vector<16xi32>,
    tpu.vector_store %arg5[%swap3A_698, %swap3A_699], %broadcast_in_dim3A_1 {strides = array<i32>} : memref<16x256xi32, #tpu.memory_space<vmem>>, vector<16xi32>,
    %swap3A_701 = arith.constant 10 : i32
    %swap3A_702 = arith.index_cast %swap3A_701 : i32 to index
    %swap3A_703 = arith.constant 240 : index
    %swap3A_704 = tpu.vector_load %arg5[%swap3A_702, %swap3A_703] {strides = array<i32>} : memref<16x256xi32, #tpu.memory_space<vmem>>, vector<16xi32>,
    tpu.vector_store %arg5[%swap3A_702, %swap3A_703], %broadcast_in_dim3A_1 {strides = array<i32>} : memref<16x256xi32, #tpu.memory_space<vmem>>, vector<16xi32>,
    %swap3A_705 = arith.constant 11 : i32
    %swap3A_706 = arith.index_cast %swap3A_705 : i32 to index
    %swap3A_707 = arith.constant 0 : index
    %swap3A_708 = tpu.vector_load %arg5[%swap3A_706, %swap3A_707] {strides = array<i32>} : memref<16x256xi32, #tpu.memory_space<vmem>>, vector<16xi32>,
    tpu.vector_store %arg5[%swap3A_706, %swap3A_707], %broadcast_in_dim3A_1 {strides = array<i32>} : memref<16x256xi32, #tpu.memory_space<vmem>>, vector<16xi32>,
    %swap3A_709 = arith.constant 11 : i32
    %swap3A_710 = arith.index_cast %swap3A_709 : i32 to index
    %swap3A_711 = arith.constant 16 : index
    %swap3A_712 = tpu.vector_load %arg5[%swap3A_710, %swap3A_711] {strides = array<i32>} : memref<16x256xi32, #tpu.memory_space<vmem>>, vector<16xi32>,
    tpu.vector_store %arg5[%swap3A_710, %swap3A_711], %broadcast_in_dim3A_1 {strides = array<i32>} : memref<16x256xi32, #tpu.memory_space<vmem>>, vector<16xi32>,
    %swap3A_713 = arith.constant 11 : i32
    %swap3A_714 = arith.index_cast %swap3A_713 : i32 to index
    %swap3A_715 = arith.constant 32 : index
    %swap3A_716 = tpu.vector_load %arg5[%swap3A_714, %swap3A_715] {strides = array<i32>} : memref<16x256xi32, #tpu.memory_space<vmem>>, vector<16xi32>,
    tpu.vector_store %arg5[%swap3A_714, %swap3A_715], %broadcast_in_dim3A_1 {strides = array<i32>} : memref<16x256xi32, #tpu.memory_space<vmem>>, vector<16xi32>,
    %swap3A_717 = arith.constant 11 : i32
    %swap3A_718 = arith.index_cast %swap3A_717 : i32 to index
    %swap3A_719 = arith.constant 48 : index
    %swap3A_720 = tpu.vector_load %arg5[%swap3A_718, %swap3A_719] {strides = array<i32>} : memref<16x256xi32, #tpu.memory_space<vmem>>, vector<16xi32>,
    tpu.vector_store %arg5[%swap3A_718, %swap3A_719], %broadcast_in_dim3A_1 {strides = array<i32>} : memref<16x256xi32, #tpu.memory_space<vmem>>, vector<16xi32>,
    %swap3A_721 = arith.constant 11 : i32
    %swap3A_722 = arith.index_cast %swap3A_721 : i32 to index
    %swap3A_723 = arith.constant 64 : index
    %swap3A_724 = tpu.vector_load %arg5[%swap3A_722, %swap3A_723] {strides = array<i32>} : memref<16x256xi32, #tpu.memory_space<vmem>>, vector<16xi32>,
    tpu.vector_store %arg5[%swap3A_722, %swap3A_723], %broadcast_in_dim3A_1 {strides = array<i32>} : memref<16x256xi32, #tpu.memory_space<vmem>>, vector<16xi32>,
    %swap3A_725 = arith.constant 11 : i32
    %swap3A_726 = arith.index_cast %swap3A_725 : i32 to index
    %swap3A_727 = arith.constant 80 : index
    %swap3A_728 = tpu.vector_load %arg5[%swap3A_726, %swap3A_727] {strides = array<i32>} : memref<16x256xi32, #tpu.memory_space<vmem>>, vector<16xi32>,
    tpu.vector_store %arg5[%swap3A_726, %swap3A_727], %broadcast_in_dim3A_1 {strides = array<i32>} : memref<16x256xi32, #tpu.memory_space<vmem>>, vector<16xi32>,
    %swap3A_729 = arith.constant 11 : i32
    %swap3A_730 = arith.index_cast %swap3A_729 : i32 to index
    %swap3A_731 = arith.constant 96 : index
    %swap3A_732 = tpu.vector_load %arg5[%swap3A_730, %swap3A_731] {strides = array<i32>} : memref<16x256xi32, #tpu.memory_space<vmem>>, vector<16xi32>,
    tpu.vector_store %arg5[%swap3A_730, %swap3A_731], %broadcast_in_dim3A_1 {strides = array<i32>} : memref<16x256xi32, #tpu.memory_space<vmem>>, vector<16xi32>,
    %swap3A_733 = arith.constant 11 : i32
    %swap3A_734 = arith.index_cast %swap3A_733 : i32 to index
    %swap3A_735 = arith.constant 112 : index
    %swap3A_736 = tpu.vector_load %arg5[%swap3A_734, %swap3A_735] {strides = array<i32>} : memref<16x256xi32, #tpu.memory_space<vmem>>, vector<16xi32>,
    tpu.vector_store %arg5[%swap3A_734, %swap3A_735], %broadcast_in_dim3A_1 {strides = array<i32>} : memref<16x256xi32, #tpu.memory_space<vmem>>, vector<16xi32>,
    %swap3A_737 = arith.constant 11 : i32
    %swap3A_738 = arith.index_cast %swap3A_737 : i32 to index
    %swap3A_739 = arith.constant 128 : index
    %swap3A_740 = tpu.vector_load %arg5[%swap3A_738, %swap3A_739] {strides = array<i32>} : memref<16x256xi32, #tpu.memory_space<vmem>>, vector<16xi32>,
    tpu.vector_store %arg5[%swap3A_738, %swap3A_739], %broadcast_in_dim3A_1 {strides = array<i32>} : memref<16x256xi32, #tpu.memory_space<vmem>>, vector<16xi32>,
    %swap3A_741 = arith.constant 11 : i32
    %swap3A_742 = arith.index_cast %swap3A_741 : i32 to index
    %swap3A_743 = arith.constant 144 : index
    %swap3A_744 = tpu.vector_load %arg5[%swap3A_742, %swap3A_743] {strides = array<i32>} : memref<16x256xi32, #tpu.memory_space<vmem>>, vector<16xi32>,
    tpu.vector_store %arg5[%swap3A_742, %swap3A_743], %broadcast_in_dim3A_1 {strides = array<i32>} : memref<16x256xi32, #tpu.memory_space<vmem>>, vector<16xi32>,
    %swap3A_745 = arith.constant 11 : i32
    %swap3A_746 = arith.index_cast %swap3A_745 : i32 to index
    %swap3A_747 = arith.constant 160 : index
    %swap3A_748 = tpu.vector_load %arg5[%swap3A_746, %swap3A_747] {strides = array<i32>} : memref<16x256xi32, #tpu.memory_space<vmem>>, vector<16xi32>,
    tpu.vector_store %arg5[%swap3A_746, %swap3A_747], %broadcast_in_dim3A_1 {strides = array<i32>} : memref<16x256xi32, #tpu.memory_space<vmem>>, vector<16xi32>,
    %swap3A_749 = arith.constant 11 : i32
    %swap3A_750 = arith.index_cast %swap3A_749 : i32 to index
    %swap3A_751 = arith.constant 176 : index
    %swap3A_752 = tpu.vector_load %arg5[%swap3A_750, %swap3A_751] {strides = array<i32>} : memref<16x256xi32, #tpu.memory_space<vmem>>, vector<16xi32>,
    tpu.vector_store %arg5[%swap3A_750, %swap3A_751], %broadcast_in_dim3A_1 {strides = array<i32>} : memref<16x256xi32, #tpu.memory_space<vmem>>, vector<16xi32>,
    %swap3A_753 = arith.constant 11 : i32
    %swap3A_754 = arith.index_cast %swap3A_753 : i32 to index
    %swap3A_755 = arith.constant 192 : index
    %swap3A_756 = tpu.vector_load %arg5[%swap3A_754, %swap3A_755] {strides = array<i32>} : memref<16x256xi32, #tpu.memory_space<vmem>>, vector<16xi32>,
    tpu.vector_store %arg5[%swap3A_754, %swap3A_755], %broadcast_in_dim3A_1 {strides = array<i32>} : memref<16x256xi32, #tpu.memory_space<vmem>>, vector<16xi32>,
    %swap3A_757 = arith.constant 11 : i32
    %swap3A_758 = arith.index_cast %swap3A_757 : i32 to index
    %swap3A_759 = arith.constant 208 : index
    %swap3A_760 = tpu.vector_load %arg5[%swap3A_758, %swap3A_759] {strides = array<i32>} : memref<16x256xi32, #tpu.memory_space<vmem>>, vector<16xi32>,
    tpu.vector_store %arg5[%swap3A_758, %swap3A_759], %broadcast_in_dim3A_1 {strides = array<i32>} : memref<16x256xi32, #tpu.memory_space<vmem>>, vector<16xi32>,
    %swap3A_761 = arith.constant 11 : i32
    %swap3A_762 = arith.index_cast %swap3A_761 : i32 to index
    %swap3A_763 = arith.constant 224 : index
    %swap3A_764 = tpu.vector_load %arg5[%swap3A_762, %swap3A_763] {strides = array<i32>} : memref<16x256xi32, #tpu.memory_space<vmem>>, vector<16xi32>,
    tpu.vector_store %arg5[%swap3A_762, %swap3A_763], %broadcast_in_dim3A_1 {strides = array<i32>} : memref<16x256xi32, #tpu.memory_space<vmem>>, vector<16xi32>,
    %swap3A_765 = arith.constant 11 : i32
    %swap3A_766 = arith.index_cast %swap3A_765 : i32 to index
    %swap3A_767 = arith.constant 240 : index
    %swap3A_768 = tpu.vector_load %arg5[%swap3A_766, %swap3A_767] {strides = array<i32>} : memref<16x256xi32, #tpu.memory_space<vmem>>, vector<16xi32>,
    tpu.vector_store %arg5[%swap3A_766, %swap3A_767], %broadcast_in_dim3A_1 {strides = array<i32>} : memref<16x256xi32, #tpu.memory_space<vmem>>, vector<16xi32>,
    %swap3A_769 = arith.constant 12 : i32
    %swap3A_770 = arith.index_cast %swap3A_769 : i32 to index
    %swap3A_771 = arith.constant 0 : index
    %swap3A_772 = tpu.vector_load %arg5[%swap3A_770, %swap3A_771] {strides = array<i32>} : memref<16x256xi32, #tpu.memory_space<vmem>>, vector<16xi32>,
    tpu.vector_store %arg5[%swap3A_770, %swap3A_771], %broadcast_in_dim3A_1 {strides = array<i32>} : memref<16x256xi32, #tpu.memory_space<vmem>>, vector<16xi32>,
    %swap3A_773 = arith.constant 12 : i32
    %swap3A_774 = arith.index_cast %swap3A_773 : i32 to index
    %swap3A_775 = arith.constant 16 : index
    %swap3A_776 = tpu.vector_load %arg5[%swap3A_774, %swap3A_775] {strides = array<i32>} : memref<16x256xi32, #tpu.memory_space<vmem>>, vector<16xi32>,
    tpu.vector_store %arg5[%swap3A_774, %swap3A_775], %broadcast_in_dim3A_1 {strides = array<i32>} : memref<16x256xi32, #tpu.memory_space<vmem>>, vector<16xi32>,
    %swap3A_777 = arith.constant 12 : i32
    %swap3A_778 = arith.index_cast %swap3A_777 : i32 to index
    %swap3A_779 = arith.constant 32 : index
    %swap3A_780 = tpu.vector_load %arg5[%swap3A_778, %swap3A_779] {strides = array<i32>} : memref<16x256xi32, #tpu.memory_space<vmem>>, vector<16xi32>,
    tpu.vector_store %arg5[%swap3A_778, %swap3A_779], %broadcast_in_dim3A_1 {strides = array<i32>} : memref<16x256xi32, #tpu.memory_space<vmem>>, vector<16xi32>,
    %swap3A_781 = arith.constant 12 : i32
    %swap3A_782 = arith.index_cast %swap3A_781 : i32 to index
    %swap3A_783 = arith.constant 48 : index
    %swap3A_784 = tpu.vector_load %arg5[%swap3A_782, %swap3A_783] {strides = array<i32>} : memref<16x256xi32, #tpu.memory_space<vmem>>, vector<16xi32>,
    tpu.vector_store %arg5[%swap3A_782, %swap3A_783], %broadcast_in_dim3A_1 {strides = array<i32>} : memref<16x256xi32, #tpu.memory_space<vmem>>, vector<16xi32>,
    %swap3A_785 = arith.constant 12 : i32
    %swap3A_786 = arith.index_cast %swap3A_785 : i32 to index
    %swap3A_787 = arith.constant 64 : index
    %swap3A_788 = tpu.vector_load %arg5[%swap3A_786, %swap3A_787] {strides = array<i32>} : memref<16x256xi32, #tpu.memory_space<vmem>>, vector<16xi32>,
    tpu.vector_store %arg5[%swap3A_786, %swap3A_787], %broadcast_in_dim3A_1 {strides = array<i32>} : memref<16x256xi32, #tpu.memory_space<vmem>>, vector<16xi32>,
    %swap3A_789 = arith.constant 12 : i32
    %swap3A_790 = arith.index_cast %swap3A_789 : i32 to index
    %swap3A_791 = arith.constant 80 : index
    %swap3A_792 = tpu.vector_load %arg5[%swap3A_790, %swap3A_791] {strides = array<i32>} : memref<16x256xi32, #tpu.memory_space<vmem>>, vector<16xi32>,
    tpu.vector_store %arg5[%swap3A_790, %swap3A_791], %broadcast_in_dim3A_1 {strides = array<i32>} : memref<16x256xi32, #tpu.memory_space<vmem>>, vector<16xi32>,
    %swap3A_793 = arith.constant 12 : i32
    %swap3A_794 = arith.index_cast %swap3A_793 : i32 to index
    %swap3A_795 = arith.constant 96 : index
    %swap3A_796 = tpu.vector_load %arg5[%swap3A_794, %swap3A_795] {strides = array<i32>} : memref<16x256xi32, #tpu.memory_space<vmem>>, vector<16xi32>,
    tpu.vector_store %arg5[%swap3A_794, %swap3A_795], %broadcast_in_dim3A_1 {strides = array<i32>} : memref<16x256xi32, #tpu.memory_space<vmem>>, vector<16xi32>,
    %swap3A_797 = arith.constant 12 : i32
    %swap3A_798 = arith.index_cast %swap3A_797 : i32 to index
    %swap3A_799 = arith.constant 112 : index
    %swap3A_800 = tpu.vector_load %arg5[%swap3A_798, %swap3A_799] {strides = array<i32>} : memref<16x256xi32, #tpu.memory_space<vmem>>, vector<16xi32>,
    tpu.vector_store %arg5[%swap3A_798, %swap3A_799], %broadcast_in_dim3A_1 {strides = array<i32>} : memref<16x256xi32, #tpu.memory_space<vmem>>, vector<16xi32>,
    %swap3A_801 = arith.constant 12 : i32
    %swap3A_802 = arith.index_cast %swap3A_801 : i32 to index
    %swap3A_803 = arith.constant 128 : index
    %swap3A_804 = tpu.vector_load %arg5[%swap3A_802, %swap3A_803] {strides = array<i32>} : memref<16x256xi32, #tpu.memory_space<vmem>>, vector<16xi32>,
    tpu.vector_store %arg5[%swap3A_802, %swap3A_803], %broadcast_in_dim3A_1 {strides = array<i32>} : memref<16x256xi32, #tpu.memory_space<vmem>>, vector<16xi32>,
    %swap3A_805 = arith.constant 12 : i32
    %swap3A_806 = arith.index_cast %swap3A_805 : i32 to index
    %swap3A_807 = arith.constant 144 : index
    %swap3A_808 = tpu.vector_load %arg5[%swap3A_806, %swap3A_807] {strides = array<i32>} : memref<16x256xi32, #tpu.memory_space<vmem>>, vector<16xi32>,
    tpu.vector_store %arg5[%swap3A_806, %swap3A_807], %broadcast_in_dim3A_1 {strides = array<i32>} : memref<16x256xi32, #tpu.memory_space<vmem>>, vector<16xi32>,
    %swap3A_809 = arith.constant 12 : i32
    %swap3A_810 = arith.index_cast %swap3A_809 : i32 to index
    %swap3A_811 = arith.constant 160 : index
    %swap3A_812 = tpu.vector_load %arg5[%swap3A_810, %swap3A_811] {strides = array<i32>} : memref<16x256xi32, #tpu.memory_space<vmem>>, vector<16xi32>,
    tpu.vector_store %arg5[%swap3A_810, %swap3A_811], %broadcast_in_dim3A_1 {strides = array<i32>} : memref<16x256xi32, #tpu.memory_space<vmem>>, vector<16xi32>,
    %swap3A_813 = arith.constant 12 : i32
    %swap3A_814 = arith.index_cast %swap3A_813 : i32 to index
    %swap3A_815 = arith.constant 176 : index
    %swap3A_816 = tpu.vector_load %arg5[%swap3A_814, %swap3A_815] {strides = array<i32>} : memref<16x256xi32, #tpu.memory_space<vmem>>, vector<16xi32>,
    tpu.vector_store %arg5[%swap3A_814, %swap3A_815], %broadcast_in_dim3A_1 {strides = array<i32>} : memref<16x256xi32, #tpu.memory_space<vmem>>, vector<16xi32>,
    %swap3A_817 = arith.constant 12 : i32
    %swap3A_818 = arith.index_cast %swap3A_817 : i32 to index
    %swap3A_819 = arith.constant 192 : index
    %swap3A_820 = tpu.vector_load %arg5[%swap3A_818, %swap3A_819] {strides = array<i32>} : memref<16x256xi32, #tpu.memory_space<vmem>>, vector<16xi32>,
    tpu.vector_store %arg5[%swap3A_818, %swap3A_819], %broadcast_in_dim3A_1 {strides = array<i32>} : memref<16x256xi32, #tpu.memory_space<vmem>>, vector<16xi32>,
    %swap3A_821 = arith.constant 12 : i32
    %swap3A_822 = arith.index_cast %swap3A_821 : i32 to index
    %swap3A_823 = arith.constant 208 : index
    %swap3A_824 = tpu.vector_load %arg5[%swap3A_822, %swap3A_823] {strides = array<i32>} : memref<16x256xi32, #tpu.memory_space<vmem>>, vector<16xi32>,
    tpu.vector_store %arg5[%swap3A_822, %swap3A_823], %broadcast_in_dim3A_1 {strides = array<i32>} : memref<16x256xi32, #tpu.memory_space<vmem>>, vector<16xi32>,
    %swap3A_825 = arith.constant 12 : i32
    %swap3A_826 = arith.index_cast %swap3A_825 : i32 to index
    %swap3A_827 = arith.constant 224 : index
    %swap3A_828 = tpu.vector_load %arg5[%swap3A_826, %swap3A_827] {strides = array<i32>} : memref<16x256xi32, #tpu.memory_space<vmem>>, vector<16xi32>,
    tpu.vector_store %arg5[%swap3A_826, %swap3A_827], %broadcast_in_dim3A_1 {strides = array<i32>} : memref<16x256xi32, #tpu.memory_space<vmem>>, vector<16xi32>,
    %swap3A_829 = arith.constant 12 : i32
    %swap3A_830 = arith.index_cast %swap3A_829 : i32 to index
    %swap3A_831 = arith.constant 240 : index
    %swap3A_832 = tpu.vector_load %arg5[%swap3A_830, %swap3A_831] {strides = array<i32>} : memref<16x256xi32, #tpu.memory_space<vmem>>, vector<16xi32>,
    tpu.vector_store %arg5[%swap3A_830, %swap3A_831], %broadcast_in_dim3A_1 {strides = array<i32>} : memref<16x256xi32, #tpu.memory_space<vmem>>, vector<16xi32>,
    %swap3A_833 = arith.constant 13 : i32
    %swap3A_834 = arith.index_cast %swap3A_833 : i32 to index
    %swap3A_835 = arith.constant 0 : index
    %swap3A_836 = tpu.vector_load %arg5[%swap3A_834, %swap3A_835] {strides = array<i32>} : memref<16x256xi32, #tpu.memory_space<vmem>>, vector<16xi32>,
    tpu.vector_store %arg5[%swap3A_834, %swap3A_835], %broadcast_in_dim3A_1 {strides = array<i32>} : memref<16x256xi32, #tpu.memory_space<vmem>>, vector<16xi32>,
    %swap3A_837 = arith.constant 13 : i32
    %swap3A_838 = arith.index_cast %swap3A_837 : i32 to index
    %swap3A_839 = arith.constant 16 : index
    %swap3A_840 = tpu.vector_load %arg5[%swap3A_838, %swap3A_839] {strides = array<i32>} : memref<16x256xi32, #tpu.memory_space<vmem>>, vector<16xi32>,
    tpu.vector_store %arg5[%swap3A_838, %swap3A_839], %broadcast_in_dim3A_1 {strides = array<i32>} : memref<16x256xi32, #tpu.memory_space<vmem>>, vector<16xi32>,
    %swap3A_841 = arith.constant 13 : i32
    %swap3A_842 = arith.index_cast %swap3A_841 : i32 to index
    %swap3A_843 = arith.constant 32 : index
    %swap3A_844 = tpu.vector_load %arg5[%swap3A_842, %swap3A_843] {strides = array<i32>} : memref<16x256xi32, #tpu.memory_space<vmem>>, vector<16xi32>,
    tpu.vector_store %arg5[%swap3A_842, %swap3A_843], %broadcast_in_dim3A_1 {strides = array<i32>} : memref<16x256xi32, #tpu.memory_space<vmem>>, vector<16xi32>,
    %swap3A_845 = arith.constant 13 : i32
    %swap3A_846 = arith.index_cast %swap3A_845 : i32 to index
    %swap3A_847 = arith.constant 48 : index
    %swap3A_848 = tpu.vector_load %arg5[%swap3A_846, %swap3A_847] {strides = array<i32>} : memref<16x256xi32, #tpu.memory_space<vmem>>, vector<16xi32>,
    tpu.vector_store %arg5[%swap3A_846, %swap3A_847], %broadcast_in_dim3A_1 {strides = array<i32>} : memref<16x256xi32, #tpu.memory_space<vmem>>, vector<16xi32>,
    %swap3A_849 = arith.constant 13 : i32
    %swap3A_850 = arith.index_cast %swap3A_849 : i32 to index
    %swap3A_851 = arith.constant 64 : index
    %swap3A_852 = tpu.vector_load %arg5[%swap3A_850, %swap3A_851] {strides = array<i32>} : memref<16x256xi32, #tpu.memory_space<vmem>>, vector<16xi32>,
    tpu.vector_store %arg5[%swap3A_850, %swap3A_851], %broadcast_in_dim3A_1 {strides = array<i32>} : memref<16x256xi32, #tpu.memory_space<vmem>>, vector<16xi32>,
    %swap3A_853 = arith.constant 13 : i32
    %swap3A_854 = arith.index_cast %swap3A_853 : i32 to index
    %swap3A_855 = arith.constant 80 : index
    %swap3A_856 = tpu.vector_load %arg5[%swap3A_854, %swap3A_855] {strides = array<i32>} : memref<16x256xi32, #tpu.memory_space<vmem>>, vector<16xi32>,
    tpu.vector_store %arg5[%swap3A_854, %swap3A_855], %broadcast_in_dim3A_1 {strides = array<i32>} : memref<16x256xi32, #tpu.memory_space<vmem>>, vector<16xi32>,
    %swap3A_857 = arith.constant 13 : i32
    %swap3A_858 = arith.index_cast %swap3A_857 : i32 to index
    %swap3A_859 = arith.constant 96 : index
    %swap3A_860 = tpu.vector_load %arg5[%swap3A_858, %swap3A_859] {strides = array<i32>} : memref<16x256xi32, #tpu.memory_space<vmem>>, vector<16xi32>,
    tpu.vector_store %arg5[%swap3A_858, %swap3A_859], %broadcast_in_dim3A_1 {strides = array<i32>} : memref<16x256xi32, #tpu.memory_space<vmem>>, vector<16xi32>,
    %swap3A_861 = arith.constant 13 : i32
    %swap3A_862 = arith.index_cast %swap3A_861 : i32 to index
    %swap3A_863 = arith.constant 112 : index
    %swap3A_864 = tpu.vector_load %arg5[%swap3A_862, %swap3A_863] {strides = array<i32>} : memref<16x256xi32, #tpu.memory_space<vmem>>, vector<16xi32>,
    tpu.vector_store %arg5[%swap3A_862, %swap3A_863], %broadcast_in_dim3A_1 {strides = array<i32>} : memref<16x256xi32, #tpu.memory_space<vmem>>, vector<16xi32>,
    %swap3A_865 = arith.constant 13 : i32
    %swap3A_866 = arith.index_cast %swap3A_865 : i32 to index
    %swap3A_867 = arith.constant 128 : index
    %swap3A_868 = tpu.vector_load %arg5[%swap3A_866, %swap3A_867] {strides = array<i32>} : memref<16x256xi32, #tpu.memory_space<vmem>>, vector<16xi32>,
    tpu.vector_store %arg5[%swap3A_866, %swap3A_867], %broadcast_in_dim3A_1 {strides = array<i32>} : memref<16x256xi32, #tpu.memory_space<vmem>>, vector<16xi32>,
    %swap3A_869 = arith.constant 13 : i32
    %swap3A_870 = arith.index_cast %swap3A_869 : i32 to index
    %swap3A_871 = arith.constant 144 : index
    %swap3A_872 = tpu.vector_load %arg5[%swap3A_870, %swap3A_871] {strides = array<i32>} : memref<16x256xi32, #tpu.memory_space<vmem>>, vector<16xi32>,
    tpu.vector_store %arg5[%swap3A_870, %swap3A_871], %broadcast_in_dim3A_1 {strides = array<i32>} : memref<16x256xi32, #tpu.memory_space<vmem>>, vector<16xi32>,
    %swap3A_873 = arith.constant 13 : i32
    %swap3A_874 = arith.index_cast %swap3A_873 : i32 to index
    %swap3A_875 = arith.constant 160 : index
    %swap3A_876 = tpu.vector_load %arg5[%swap3A_874, %swap3A_875] {strides = array<i32>} : memref<16x256xi32, #tpu.memory_space<vmem>>, vector<16xi32>,
    tpu.vector_store %arg5[%swap3A_874, %swap3A_875], %broadcast_in_dim3A_1 {strides = array<i32>} : memref<16x256xi32, #tpu.memory_space<vmem>>, vector<16xi32>,
    %swap3A_877 = arith.constant 13 : i32
    %swap3A_878 = arith.index_cast %swap3A_877 : i32 to index
    %swap3A_879 = arith.constant 176 : index
    %swap3A_880 = tpu.vector_load %arg5[%swap3A_878, %swap3A_879] {strides = array<i32>} : memref<16x256xi32, #tpu.memory_space<vmem>>, vector<16xi32>,
    tpu.vector_store %arg5[%swap3A_878, %swap3A_879], %broadcast_in_dim3A_1 {strides = array<i32>} : memref<16x256xi32, #tpu.memory_space<vmem>>, vector<16xi32>,
    %swap3A_881 = arith.constant 13 : i32
    %swap3A_882 = arith.index_cast %swap3A_881 : i32 to index
    %swap3A_883 = arith.constant 192 : index
    %swap3A_884 = tpu.vector_load %arg5[%swap3A_882, %swap3A_883] {strides = array<i32>} : memref<16x256xi32, #tpu.memory_space<vmem>>, vector<16xi32>,
    tpu.vector_store %arg5[%swap3A_882, %swap3A_883], %broadcast_in_dim3A_1 {strides = array<i32>} : memref<16x256xi32, #tpu.memory_space<vmem>>, vector<16xi32>,
    %swap3A_885 = arith.constant 13 : i32
    %swap3A_886 = arith.index_cast %swap3A_885 : i32 to index
    %swap3A_887 = arith.constant 208 : index
    %swap3A_888 = tpu.vector_load %arg5[%swap3A_886, %swap3A_887] {strides = array<i32>} : memref<16x256xi32, #tpu.memory_space<vmem>>, vector<16xi32>,
    tpu.vector_store %arg5[%swap3A_886, %swap3A_887], %broadcast_in_dim3A_1 {strides = array<i32>} : memref<16x256xi32, #tpu.memory_space<vmem>>, vector<16xi32>,
    %swap3A_889 = arith.constant 13 : i32
    %swap3A_890 = arith.index_cast %swap3A_889 : i32 to index
    %swap3A_891 = arith.constant 224 : index
    %swap3A_892 = tpu.vector_load %arg5[%swap3A_890, %swap3A_891] {strides = array<i32>} : memref<16x256xi32, #tpu.memory_space<vmem>>, vector<16xi32>,
    tpu.vector_store %arg5[%swap3A_890, %swap3A_891], %broadcast_in_dim3A_1 {strides = array<i32>} : memref<16x256xi32, #tpu.memory_space<vmem>>, vector<16xi32>,
    %swap3A_893 = arith.constant 13 : i32
    %swap3A_894 = arith.index_cast %swap3A_893 : i32 to index
    %swap3A_895 = arith.constant 240 : index
    %swap3A_896 = tpu.vector_load %arg5[%swap3A_894, %swap3A_895] {strides = array<i32>} : memref<16x256xi32, #tpu.memory_space<vmem>>, vector<16xi32>,
    tpu.vector_store %arg5[%swap3A_894, %swap3A_895], %broadcast_in_dim3A_1 {strides = array<i32>} : memref<16x256xi32, #tpu.memory_space<vmem>>, vector<16xi32>,
    %swap3A_897 = arith.constant 14 : i32
    %swap3A_898 = arith.index_cast %swap3A_897 : i32 to index
    %swap3A_899 = arith.constant 0 : index
    %swap3A_900 = tpu.vector_load %arg5[%swap3A_898, %swap3A_899] {strides = array<i32>} : memref<16x256xi32, #tpu.memory_space<vmem>>, vector<16xi32>,
    tpu.vector_store %arg5[%swap3A_898, %swap3A_899], %broadcast_in_dim3A_1 {strides = array<i32>} : memref<16x256xi32, #tpu.memory_space<vmem>>, vector<16xi32>,
    %swap3A_901 = arith.constant 14 : i32
    %swap3A_902 = arith.index_cast %swap3A_901 : i32 to index
    %swap3A_903 = arith.constant 16 : index
    %swap3A_904 = tpu.vector_load %arg5[%swap3A_902, %swap3A_903] {strides = array<i32>} : memref<16x256xi32, #tpu.memory_space<vmem>>, vector<16xi32>,
    tpu.vector_store %arg5[%swap3A_902, %swap3A_903], %broadcast_in_dim3A_1 {strides = array<i32>} : memref<16x256xi32, #tpu.memory_space<vmem>>, vector<16xi32>,
    %swap3A_905 = arith.constant 14 : i32
    %swap3A_906 = arith.index_cast %swap3A_905 : i32 to index
    %swap3A_907 = arith.constant 32 : index
    %swap3A_908 = tpu.vector_load %arg5[%swap3A_906, %swap3A_907] {strides = array<i32>} : memref<16x256xi32, #tpu.memory_space<vmem>>, vector<16xi32>,
    tpu.vector_store %arg5[%swap3A_906, %swap3A_907], %broadcast_in_dim3A_1 {strides = array<i32>} : memref<16x256xi32, #tpu.memory_space<vmem>>, vector<16xi32>,
    %swap3A_909 = arith.constant 14 : i32
    %swap3A_910 = arith.index_cast %swap3A_909 : i32 to index
    %swap3A_911 = arith.constant 48 : index
    %swap3A_912 = tpu.vector_load %arg5[%swap3A_910, %swap3A_911] {strides = array<i32>} : memref<16x256xi32, #tpu.memory_space<vmem>>, vector<16xi32>,
    tpu.vector_store %arg5[%swap3A_910, %swap3A_911], %broadcast_in_dim3A_1 {strides = array<i32>} : memref<16x256xi32, #tpu.memory_space<vmem>>, vector<16xi32>,
    %swap3A_913 = arith.constant 14 : i32
    %swap3A_914 = arith.index_cast %swap3A_913 : i32 to index
    %swap3A_915 = arith.constant 64 : index
    %swap3A_916 = tpu.vector_load %arg5[%swap3A_914, %swap3A_915] {strides = array<i32>} : memref<16x256xi32, #tpu.memory_space<vmem>>, vector<16xi32>,
    tpu.vector_store %arg5[%swap3A_914, %swap3A_915], %broadcast_in_dim3A_1 {strides = array<i32>} : memref<16x256xi32, #tpu.memory_space<vmem>>, vector<16xi32>,
    %swap3A_917 = arith.constant 14 : i32
    %swap3A_918 = arith.index_cast %swap3A_917 : i32 to index
    %swap3A_919 = arith.constant 80 : index
    %swap3A_920 = tpu.vector_load %arg5[%swap3A_918, %swap3A_919] {strides = array<i32>} : memref<16x256xi32, #tpu.memory_space<vmem>>, vector<16xi32>,
    tpu.vector_store %arg5[%swap3A_918, %swap3A_919], %broadcast_in_dim3A_1 {strides = array<i32>} : memref<16x256xi32, #tpu.memory_space<vmem>>, vector<16xi32>,
    %swap3A_921 = arith.constant 14 : i32
    %swap3A_922 = arith.index_cast %swap3A_921 : i32 to index
    %swap3A_923 = arith.constant 96 : index
    %swap3A_924 = tpu.vector_load %arg5[%swap3A_922, %swap3A_923] {strides = array<i32>} : memref<16x256xi32, #tpu.memory_space<vmem>>, vector<16xi32>,
    tpu.vector_store %arg5[%swap3A_922, %swap3A_923], %broadcast_in_dim3A_1 {strides = array<i32>} : memref<16x256xi32, #tpu.memory_space<vmem>>, vector<16xi32>,
    %swap3A_925 = arith.constant 14 : i32
    %swap3A_926 = arith.index_cast %swap3A_925 : i32 to index
    %swap3A_927 = arith.constant 112 : index
    %swap3A_928 = tpu.vector_load %arg5[%swap3A_926, %swap3A_927] {strides = array<i32>} : memref<16x256xi32, #tpu.memory_space<vmem>>, vector<16xi32>,
    tpu.vector_store %arg5[%swap3A_926, %swap3A_927], %broadcast_in_dim3A_1 {strides = array<i32>} : memref<16x256xi32, #tpu.memory_space<vmem>>, vector<16xi32>,
    %swap3A_929 = arith.constant 14 : i32
    %swap3A_930 = arith.index_cast %swap3A_929 : i32 to index
    %swap3A_931 = arith.constant 128 : index
    %swap3A_932 = tpu.vector_load %arg5[%swap3A_930, %swap3A_931] {strides = array<i32>} : memref<16x256xi32, #tpu.memory_space<vmem>>, vector<16xi32>,
    tpu.vector_store %arg5[%swap3A_930, %swap3A_931], %broadcast_in_dim3A_1 {strides = array<i32>} : memref<16x256xi32, #tpu.memory_space<vmem>>, vector<16xi32>,
    %swap3A_933 = arith.constant 14 : i32
    %swap3A_934 = arith.index_cast %swap3A_933 : i32 to index
    %swap3A_935 = arith.constant 144 : index
    %swap3A_936 = tpu.vector_load %arg5[%swap3A_934, %swap3A_935] {strides = array<i32>} : memref<16x256xi32, #tpu.memory_space<vmem>>, vector<16xi32>,
    tpu.vector_store %arg5[%swap3A_934, %swap3A_935], %broadcast_in_dim3A_1 {strides = array<i32>} : memref<16x256xi32, #tpu.memory_space<vmem>>, vector<16xi32>,
    %swap3A_937 = arith.constant 14 : i32
    %swap3A_938 = arith.index_cast %swap3A_937 : i32 to index
    %swap3A_939 = arith.constant 160 : index
    %swap3A_940 = tpu.vector_load %arg5[%swap3A_938, %swap3A_939] {strides = array<i32>} : memref<16x256xi32, #tpu.memory_space<vmem>>, vector<16xi32>,
    tpu.vector_store %arg5[%swap3A_938, %swap3A_939], %broadcast_in_dim3A_1 {strides = array<i32>} : memref<16x256xi32, #tpu.memory_space<vmem>>, vector<16xi32>,
    %swap3A_941 = arith.constant 14 : i32
    %swap3A_942 = arith.index_cast %swap3A_941 : i32 to index
    %swap3A_943 = arith.constant 176 : index
    %swap3A_944 = tpu.vector_load %arg5[%swap3A_942, %swap3A_943] {strides = array<i32>} : memref<16x256xi32, #tpu.memory_space<vmem>>, vector<16xi32>,
    tpu.vector_store %arg5[%swap3A_942, %swap3A_943], %broadcast_in_dim3A_1 {strides = array<i32>} : memref<16x256xi32, #tpu.memory_space<vmem>>, vector<16xi32>,
    %swap3A_945 = arith.constant 14 : i32
    %swap3A_946 = arith.index_cast %swap3A_945 : i32 to index
    %swap3A_947 = arith.constant 192 : index
    %swap3A_948 = tpu.vector_load %arg5[%swap3A_946, %swap3A_947] {strides = array<i32>} : memref<16x256xi32, #tpu.memory_space<vmem>>, vector<16xi32>,
    tpu.vector_store %arg5[%swap3A_946, %swap3A_947], %broadcast_in_dim3A_1 {strides = array<i32>} : memref<16x256xi32, #tpu.memory_space<vmem>>, vector<16xi32>,
    %swap3A_949 = arith.constant 14 : i32
    %swap3A_950 = arith.index_cast %swap3A_949 : i32 to index
    %swap3A_951 = arith.constant 208 : index
    %swap3A_952 = tpu.vector_load %arg5[%swap3A_950, %swap3A_951] {strides = array<i32>} : memref<16x256xi32, #tpu.memory_space<vmem>>, vector<16xi32>,
    tpu.vector_store %arg5[%swap3A_950, %swap3A_951], %broadcast_in_dim3A_1 {strides = array<i32>} : memref<16x256xi32, #tpu.memory_space<vmem>>, vector<16xi32>,
    %swap3A_953 = arith.constant 14 : i32
    %swap3A_954 = arith.index_cast %swap3A_953 : i32 to index
    %swap3A_955 = arith.constant 224 : index
    %swap3A_956 = tpu.vector_load %arg5[%swap3A_954, %swap3A_955] {strides = array<i32>} : memref<16x256xi32, #tpu.memory_space<vmem>>, vector<16xi32>,
    tpu.vector_store %arg5[%swap3A_954, %swap3A_955], %broadcast_in_dim3A_1 {strides = array<i32>} : memref<16x256xi32, #tpu.memory_space<vmem>>, vector<16xi32>,
    %swap3A_957 = arith.constant 14 : i32
    %swap3A_958 = arith.index_cast %swap3A_957 : i32 to index
    %swap3A_959 = arith.constant 240 : index
    %swap3A_960 = tpu.vector_load %arg5[%swap3A_958, %swap3A_959] {strides = array<i32>} : memref<16x256xi32, #tpu.memory_space<vmem>>, vector<16xi32>,
    tpu.vector_store %arg5[%swap3A_958, %swap3A_959], %broadcast_in_dim3A_1 {strides = array<i32>} : memref<16x256xi32, #tpu.memory_space<vmem>>, vector<16xi32>,
    %swap3A_961 = arith.constant 15 : i32
    %swap3A_962 = arith.index_cast %swap3A_961 : i32 to index
    %swap3A_963 = arith.constant 0 : index
    %swap3A_964 = tpu.vector_load %arg5[%swap3A_962, %swap3A_963] {strides = array<i32>} : memref<16x256xi32, #tpu.memory_space<vmem>>, vector<16xi32>,
    tpu.vector_store %arg5[%swap3A_962, %swap3A_963], %broadcast_in_dim3A_1 {strides = array<i32>} : memref<16x256xi32, #tpu.memory_space<vmem>>, vector<16xi32>,
    %swap3A_965 = arith.constant 15 : i32
    %swap3A_966 = arith.index_cast %swap3A_965 : i32 to index
    %swap3A_967 = arith.constant 16 : index
    %swap3A_968 = tpu.vector_load %arg5[%swap3A_966, %swap3A_967] {strides = array<i32>} : memref<16x256xi32, #tpu.memory_space<vmem>>, vector<16xi32>,
    tpu.vector_store %arg5[%swap3A_966, %swap3A_967], %broadcast_in_dim3A_1 {strides = array<i32>} : memref<16x256xi32, #tpu.memory_space<vmem>>, vector<16xi32>,
    %swap3A_969 = arith.constant 15 : i32
    %swap3A_970 = arith.index_cast %swap3A_969 : i32 to index
    %swap3A_971 = arith.constant 32 : index
    %swap3A_972 = tpu.vector_load %arg5[%swap3A_970, %swap3A_971] {strides = array<i32>} : memref<16x256xi32, #tpu.memory_space<vmem>>, vector<16xi32>,
    tpu.vector_store %arg5[%swap3A_970, %swap3A_971], %broadcast_in_dim3A_1 {strides = array<i32>} : memref<16x256xi32, #tpu.memory_space<vmem>>, vector<16xi32>,
    %swap3A_973 = arith.constant 15 : i32
    %swap3A_974 = arith.index_cast %swap3A_973 : i32 to index
    %swap3A_975 = arith.constant 48 : index
    %swap3A_976 = tpu.vector_load %arg5[%swap3A_974, %swap3A_975] {strides = array<i32>} : memref<16x256xi32, #tpu.memory_space<vmem>>, vector<16xi32>,
    tpu.vector_store %arg5[%swap3A_974, %swap3A_975], %broadcast_in_dim3A_1 {strides = array<i32>} : memref<16x256xi32, #tpu.memory_space<vmem>>, vector<16xi32>,
    %swap3A_977 = arith.constant 15 : i32
    %swap3A_978 = arith.index_cast %swap3A_977 : i32 to index
    %swap3A_979 = arith.constant 64 : index
    %swap3A_980 = tpu.vector_load %arg5[%swap3A_978, %swap3A_979] {strides = array<i32>} : memref<16x256xi32, #tpu.memory_space<vmem>>, vector<16xi32>,
    tpu.vector_store %arg5[%swap3A_978, %swap3A_979], %broadcast_in_dim3A_1 {strides = array<i32>} : memref<16x256xi32, #tpu.memory_space<vmem>>, vector<16xi32>,
    %swap3A_981 = arith.constant 15 : i32
    %swap3A_982 = arith.index_cast %swap3A_981 : i32 to index
    %swap3A_983 = arith.constant 80 : index
    %swap3A_984 = tpu.vector_load %arg5[%swap3A_982, %swap3A_983] {strides = array<i32>} : memref<16x256xi32, #tpu.memory_space<vmem>>, vector<16xi32>,
    tpu.vector_store %arg5[%swap3A_982, %swap3A_983], %broadcast_in_dim3A_1 {strides = array<i32>} : memref<16x256xi32, #tpu.memory_space<vmem>>, vector<16xi32>,
    %swap3A_985 = arith.constant 15 : i32
    %swap3A_986 = arith.index_cast %swap3A_985 : i32 to index
    %swap3A_987 = arith.constant 96 : index
    %swap3A_988 = tpu.vector_load %arg5[%swap3A_986, %swap3A_987] {strides = array<i32>} : memref<16x256xi32, #tpu.memory_space<vmem>>, vector<16xi32>,
    tpu.vector_store %arg5[%swap3A_986, %swap3A_987], %broadcast_in_dim3A_1 {strides = array<i32>} : memref<16x256xi32, #tpu.memory_space<vmem>>, vector<16xi32>,
    %swap3A_989 = arith.constant 15 : i32
    %swap3A_990 = arith.index_cast %swap3A_989 : i32 to index
    %swap3A_991 = arith.constant 112 : index
    %swap3A_992 = tpu.vector_load %arg5[%swap3A_990, %swap3A_991] {strides = array<i32>} : memref<16x256xi32, #tpu.memory_space<vmem>>, vector<16xi32>,
    tpu.vector_store %arg5[%swap3A_990, %swap3A_991], %broadcast_in_dim3A_1 {strides = array<i32>} : memref<16x256xi32, #tpu.memory_space<vmem>>, vector<16xi32>,
    %swap3A_993 = arith.constant 15 : i32
    %swap3A_994 = arith.index_cast %swap3A_993 : i32 to index
    %swap3A_995 = arith.constant 128 : index
    %swap3A_996 = tpu.vector_load %arg5[%swap3A_994, %swap3A_995] {strides = array<i32>} : memref<16x256xi32, #tpu.memory_space<vmem>>, vector<16xi32>,
    tpu.vector_store %arg5[%swap3A_994, %swap3A_995], %broadcast_in_dim3A_1 {strides = array<i32>} : memref<16x256xi32, #tpu.memory_space<vmem>>, vector<16xi32>,
    %swap3A_997 = arith.constant 15 : i32
    %swap3A_998 = arith.index_cast %swap3A_997 : i32 to index
    %swap3A_999 = arith.constant 144 : index
    %swap3A_1000 = tpu.vector_load %arg5[%swap3A_998, %swap3A_999] {strides = array<i32>} : memref<16x256xi32, #tpu.memory_space<vmem>>, vector<16xi32>,
    tpu.vector_store %arg5[%swap3A_998, %swap3A_999], %broadcast_in_dim3A_1 {strides = array<i32>} : memref<16x256xi32, #tpu.memory_space<vmem>>, vector<16xi32>,
    %swap3A_1001 = arith.constant 15 : i32
    %swap3A_1002 = arith.index_cast %swap3A_1001 : i32 to index
    %swap3A_1003 = arith.constant 160 : index
    %swap3A_1004 = tpu.vector_load %arg5[%swap3A_1002, %swap3A_1003] {strides = array<i32>} : memref<16x256xi32, #tpu.memory_space<vmem>>, vector<16xi32>,
    tpu.vector_store %arg5[%swap3A_1002, %swap3A_1003], %broadcast_in_dim3A_1 {strides = array<i32>} : memref<16x256xi32, #tpu.memory_space<vmem>>, vector<16xi32>,
    %swap3A_1005 = arith.constant 15 : i32
    %swap3A_1006 = arith.index_cast %swap3A_1005 : i32 to index
    %swap3A_1007 = arith.constant 176 : index
    %swap3A_1008 = tpu.vector_load %arg5[%swap3A_1006, %swap3A_1007] {strides = array<i32>} : memref<16x256xi32, #tpu.memory_space<vmem>>, vector<16xi32>,
    tpu.vector_store %arg5[%swap3A_1006, %swap3A_1007], %broadcast_in_dim3A_1 {strides = array<i32>} : memref<16x256xi32, #tpu.memory_space<vmem>>, vector<16xi32>,
    %swap3A_1009 = arith.constant 15 : i32
    %swap3A_1010 = arith.index_cast %swap3A_1009 : i32 to index
    %swap3A_1011 = arith.constant 192 : index
    %swap3A_1012 = tpu.vector_load %arg5[%swap3A_1010, %swap3A_1011] {strides = array<i32>} : memref<16x256xi32, #tpu.memory_space<vmem>>, vector<16xi32>,
    tpu.vector_store %arg5[%swap3A_1010, %swap3A_1011], %broadcast_in_dim3A_1 {strides = array<i32>} : memref<16x256xi32, #tpu.memory_space<vmem>>, vector<16xi32>,
    %swap3A_1013 = arith.constant 15 : i32
    %swap3A_1014 = arith.index_cast %swap3A_1013 : i32 to index
    %swap3A_1015 = arith.constant 208 : index
    %swap3A_1016 = tpu.vector_load %arg5[%swap3A_1014, %swap3A_1015] {strides = array<i32>} : memref<16x256xi32, #tpu.memory_space<vmem>>, vector<16xi32>,
    tpu.vector_store %arg5[%swap3A_1014, %swap3A_1015], %broadcast_in_dim3A_1 {strides = array<i32>} : memref<16x256xi32, #tpu.memory_space<vmem>>, vector<16xi32>,
    %swap3A_1017 = arith.constant 15 : i32
    %swap3A_1018 = arith.index_cast %swap3A_1017 : i32 to index
    %swap3A_1019 = arith.constant 224 : index
    %swap3A_1020 = tpu.vector_load %arg5[%swap3A_1018, %swap3A_1019] {strides = array<i32>} : memref<16x256xi32, #tpu.memory_space<vmem>>, vector<16xi32>,
    tpu.vector_store %arg5[%swap3A_1018, %swap3A_1019], %broadcast_in_dim3A_1 {strides = array<i32>} : memref<16x256xi32, #tpu.memory_space<vmem>>, vector<16xi32>,
    %swap3A_1021 = arith.constant 15 : i32
    %swap3A_1022 = arith.index_cast %swap3A_1021 : i32 to index
    %swap3A_1023 = arith.constant 240 : index
    %swap3A_1024 = tpu.vector_load %arg5[%swap3A_1022, %swap3A_1023] {strides = array<i32>} : memref<16x256xi32, #tpu.memory_space<vmem>>, vector<16xi32>,
    tpu.vector_store %arg5[%swap3A_1022, %swap3A_1023], %broadcast_in_dim3A_1 {strides = array<i32>} : memref<16x256xi32, #tpu.memory_space<vmem>>, vector<16xi32>,
    %mul3A_1025 = arith.constant 65536 : i32
    %mul3A_1026 = arith.muli %add3A, %mul3A_1025 : i32
    "tpu.region"() ({
      %run_scoped3A = tpu.sem_alloc : memref<!tpu.dma_semaphore, #tpu.memory_space<semaphore_mem>>
      %dma_start3A = tpu.memref_slice %arg2[%mul3A_1026] : memref<2097152xi32, #tpu.memory_space<hbm>> -> memref<65536xi32, #tpu.memory_space<hbm>>
      %dma_start3A_2345 = tpu.memref_slice %arg2[%mul3A_1026] : memref<2097152xi32, #tpu.memory_space<hbm>> -> memref<65536xi32, #tpu.memory_space<hbm>>
      tpu.enqueue_dma source(%dma_start3A_2345 : memref<65536xi32, #tpu.memory_space<hbm>>) target(%arg4 : memref<65536xi32, #tpu.memory_space<vmem>>) target_semaphore(%run_scoped3A : memref<!tpu.dma_semaphore, #tpu.memory_space<semaphore_mem>>)
      %dma_wait3A = tpu.memref_slice %arg2[%mul3A_1026] : memref<2097152xi32, #tpu.memory_space<hbm>> -> memref<65536xi32, #tpu.memory_space<hbm>>
      %dma_wait3A_2346 = tpu.memref_slice %arg2[%mul3A_1026] : memref<2097152xi32, #tpu.memory_space<hbm>> -> memref<65536xi32, #tpu.memory_space<hbm>>
      tpu.wait_dma2 semaphore(%run_scoped3A : memref<!tpu.dma_semaphore, #tpu.memory_space<semaphore_mem>>) src(%dma_wait3A_2346 : memref<65536xi32, #tpu.memory_space<hbm>>) dst(%arg4 : memref<65536xi32, #tpu.memory_space<vmem>>)
      tpu.yield
    }) : () -> ()
    %iota3A = tpu.iota {dimensions = array<i32: 0>} : vector<16xi32>
    %broadcast_in_dim3A_1027 = arith.constant 1 : i32
    %broadcast_in_dim3A_1028 = vector.broadcast %broadcast_in_dim3A_1027 : i32 to vector<16xi32>
    %scan3A = arith.constant 0 : i32
    %scan3A_1029 = arith.constant 0 : i32
    %scan3A_1030 = arith.constant 4096 : i32
    %scan3A_1031 = arith.addi %scan3A_1029, %scan3A_1030 : i32
    %scan3A_1032 = arith.constant 1 : i32
    scf.for %scan3A_2345 = %scan3A_1029 to %scan3A_1031 step %scan3A_1032  : i32 {
      %mul3A_2346 = arith.constant 16 : i32
      %mul3A_2347 = arith.muli %scan3A_2345, %mul3A_2346 : i32
      %add3A_2348 = vector.broadcast %mul3A_2347 : i32 to vector<16xi32>
      %add3A_2349 = arith.addi %iota3A, %add3A_2348 : vector<16xi32>
      %gather3A = tpu.vector_load_idx %arg4[%add3A_2349] : memref<65536xi32, #tpu.memory_space<vmem>>[vector<16xi32>], vector<16xi32>,
      tpu.vector_store_idx %arg5[%iota3A, %gather3A], %broadcast_in_dim3A_1028 {add = true} : memref<16x256xi32, #tpu.memory_space<vmem>>[vector<16xi32>, vector<16xi32>], vector<16xi32>,
    }
    %scan3A_1033 = arith.constant 4096 : i32
    %get3A = arith.constant 0 : i32
    %get3A_1034 = arith.index_cast %get3A : i32 to index
    %get3A_1035 = arith.constant 0 : index
    %get3A_1036 = tpu.vector_load %arg5[%get3A_1034, %get3A_1035] {strides = array<i32>} : memref<16x256xi32, #tpu.memory_space<vmem>>, vector<16xi32>,
    %add3A_1037 = arith.addi %broadcast_in_dim3A_1, %get3A_1036 : vector<16xi32>
    %get3A_1038 = arith.constant 1 : i32
    %get3A_1039 = arith.index_cast %get3A_1038 : i32 to index
    %get3A_1040 = arith.constant 0 : index
    %get3A_1041 = tpu.vector_load %arg5[%get3A_1039, %get3A_1040] {strides = array<i32>} : memref<16x256xi32, #tpu.memory_space<vmem>>, vector<16xi32>,
    %add3A_1042 = arith.addi %add3A_1037, %get3A_1041 : vector<16xi32>
    %get3A_1043 = arith.constant 2 : i32
    %get3A_1044 = arith.index_cast %get3A_1043 : i32 to index
    %get3A_1045 = arith.constant 0 : index
    %get3A_1046 = tpu.vector_load %arg5[%get3A_1044, %get3A_1045] {strides = array<i32>} : memref<16x256xi32, #tpu.memory_space<vmem>>, vector<16xi32>,
    %add3A_1047 = arith.addi %add3A_1042, %get3A_1046 : vector<16xi32>
    %get3A_1048 = arith.constant 3 : i32
    %get3A_1049 = arith.index_cast %get3A_1048 : i32 to index
    %get3A_1050 = arith.constant 0 : index
    %get3A_1051 = tpu.vector_load %arg5[%get3A_1049, %get3A_1050] {strides = array<i32>} : memref<16x256xi32, #tpu.memory_space<vmem>>, vector<16xi32>,
    %add3A_1052 = arith.addi %add3A_1047, %get3A_1051 : vector<16xi32>
    %get3A_1053 = arith.constant 4 : i32
    %get3A_1054 = arith.index_cast %get3A_1053 : i32 to index
    %get3A_1055 = arith.constant 0 : index
    %get3A_1056 = tpu.vector_load %arg5[%get3A_1054, %get3A_1055] {strides = array<i32>} : memref<16x256xi32, #tpu.memory_space<vmem>>, vector<16xi32>,
    %add3A_1057 = arith.addi %add3A_1052, %get3A_1056 : vector<16xi32>
    %get3A_1058 = arith.constant 5 : i32
    %get3A_1059 = arith.index_cast %get3A_1058 : i32 to index
    %get3A_1060 = arith.constant 0 : index
    %get3A_1061 = tpu.vector_load %arg5[%get3A_1059, %get3A_1060] {strides = array<i32>} : memref<16x256xi32, #tpu.memory_space<vmem>>, vector<16xi32>,
    %add3A_1062 = arith.addi %add3A_1057, %get3A_1061 : vector<16xi32>
    %get3A_1063 = arith.constant 6 : i32
    %get3A_1064 = arith.index_cast %get3A_1063 : i32 to index
    %get3A_1065 = arith.constant 0 : index
    %get3A_1066 = tpu.vector_load %arg5[%get3A_1064, %get3A_1065] {strides = array<i32>} : memref<16x256xi32, #tpu.memory_space<vmem>>, vector<16xi32>,
    %add3A_1067 = arith.addi %add3A_1062, %get3A_1066 : vector<16xi32>
    %get3A_1068 = arith.constant 7 : i32
    %get3A_1069 = arith.index_cast %get3A_1068 : i32 to index
    %get3A_1070 = arith.constant 0 : index
    %get3A_1071 = tpu.vector_load %arg5[%get3A_1069, %get3A_1070] {strides = array<i32>} : memref<16x256xi32, #tpu.memory_space<vmem>>, vector<16xi32>,
    %add3A_1072 = arith.addi %add3A_1067, %get3A_1071 : vector<16xi32>
    %get3A_1073 = arith.constant 8 : i32
    %get3A_1074 = arith.index_cast %get3A_1073 : i32 to index
    %get3A_1075 = arith.constant 0 : index
    %get3A_1076 = tpu.vector_load %arg5[%get3A_1074, %get3A_1075] {strides = array<i32>} : memref<16x256xi32, #tpu.memory_space<vmem>>, vector<16xi32>,
    %add3A_1077 = arith.addi %add3A_1072, %get3A_1076 : vector<16xi32>
    %get3A_1078 = arith.constant 9 : i32
    %get3A_1079 = arith.index_cast %get3A_1078 : i32 to index
    %get3A_1080 = arith.constant 0 : index
    %get3A_1081 = tpu.vector_load %arg5[%get3A_1079, %get3A_1080] {strides = array<i32>} : memref<16x256xi32, #tpu.memory_space<vmem>>, vector<16xi32>,
    %add3A_1082 = arith.addi %add3A_1077, %get3A_1081 : vector<16xi32>
    %get3A_1083 = arith.constant 10 : i32
    %get3A_1084 = arith.index_cast %get3A_1083 : i32 to index
    %get3A_1085 = arith.constant 0 : index
    %get3A_1086 = tpu.vector_load %arg5[%get3A_1084, %get3A_1085] {strides = array<i32>} : memref<16x256xi32, #tpu.memory_space<vmem>>, vector<16xi32>,
    %add3A_1087 = arith.addi %add3A_1082, %get3A_1086 : vector<16xi32>
    %get3A_1088 = arith.constant 11 : i32
    %get3A_1089 = arith.index_cast %get3A_1088 : i32 to index
    %get3A_1090 = arith.constant 0 : index
    %get3A_1091 = tpu.vector_load %arg5[%get3A_1089, %get3A_1090] {strides = array<i32>} : memref<16x256xi32, #tpu.memory_space<vmem>>, vector<16xi32>,
    %add3A_1092 = arith.addi %add3A_1087, %get3A_1091 : vector<16xi32>
    %get3A_1093 = arith.constant 12 : i32
    %get3A_1094 = arith.index_cast %get3A_1093 : i32 to index
    %get3A_1095 = arith.constant 0 : index
    %get3A_1096 = tpu.vector_load %arg5[%get3A_1094, %get3A_1095] {strides = array<i32>} : memref<16x256xi32, #tpu.memory_space<vmem>>, vector<16xi32>,
    %add3A_1097 = arith.addi %add3A_1092, %get3A_1096 : vector<16xi32>
    %get3A_1098 = arith.constant 13 : i32
    %get3A_1099 = arith.index_cast %get3A_1098 : i32 to index
    %get3A_1100 = arith.constant 0 : index
    %get3A_1101 = tpu.vector_load %arg5[%get3A_1099, %get3A_1100] {strides = array<i32>} : memref<16x256xi32, #tpu.memory_space<vmem>>, vector<16xi32>,
    %add3A_1102 = arith.addi %add3A_1097, %get3A_1101 : vector<16xi32>
    %get3A_1103 = arith.constant 14 : i32
    %get3A_1104 = arith.index_cast %get3A_1103 : i32 to index
    %get3A_1105 = arith.constant 0 : index
    %get3A_1106 = tpu.vector_load %arg5[%get3A_1104, %get3A_1105] {strides = array<i32>} : memref<16x256xi32, #tpu.memory_space<vmem>>, vector<16xi32>,
    %add3A_1107 = arith.addi %add3A_1102, %get3A_1106 : vector<16xi32>
    %get3A_1108 = arith.constant 15 : i32
    %get3A_1109 = arith.index_cast %get3A_1108 : i32 to index
    %get3A_1110 = arith.constant 0 : index
    %get3A_1111 = tpu.vector_load %arg5[%get3A_1109, %get3A_1110] {strides = array<i32>} : memref<16x256xi32, #tpu.memory_space<vmem>>, vector<16xi32>,
    %add3A_1112 = arith.addi %add3A_1107, %get3A_1111 : vector<16xi32>
    %swap3A_1113 = arith.constant 0 : index
    %swap3A_1114 = tpu.vector_load %arg6[%swap3A_1113] {strides = array<i32>} : memref<256xi32, #tpu.memory_space<vmem>>, vector<16xi32>,
    tpu.vector_store %arg6[%swap3A_1113], %add3A_1112 {strides = array<i32>} : memref<256xi32, #tpu.memory_space<vmem>>, vector<16xi32>,
    %get3A_1115 = arith.constant 0 : i32
    %get3A_1116 = arith.index_cast %get3A_1115 : i32 to index
    %get3A_1117 = arith.constant 16 : index
    %get3A_1118 = tpu.vector_load %arg5[%get3A_1116, %get3A_1117] {strides = array<i32>} : memref<16x256xi32, #tpu.memory_space<vmem>>, vector<16xi32>,
    %add3A_1119 = arith.addi %broadcast_in_dim3A_1, %get3A_1118 : vector<16xi32>
    %get3A_1120 = arith.constant 1 : i32
    %get3A_1121 = arith.index_cast %get3A_1120 : i32 to index
    %get3A_1122 = arith.constant 16 : index
    %get3A_1123 = tpu.vector_load %arg5[%get3A_1121, %get3A_1122] {strides = array<i32>} : memref<16x256xi32, #tpu.memory_space<vmem>>, vector<16xi32>,
    %add3A_1124 = arith.addi %add3A_1119, %get3A_1123 : vector<16xi32>
    %get3A_1125 = arith.constant 2 : i32
    %get3A_1126 = arith.index_cast %get3A_1125 : i32 to index
    %get3A_1127 = arith.constant 16 : index
    %get3A_1128 = tpu.vector_load %arg5[%get3A_1126, %get3A_1127] {strides = array<i32>} : memref<16x256xi32, #tpu.memory_space<vmem>>, vector<16xi32>,
    %add3A_1129 = arith.addi %add3A_1124, %get3A_1128 : vector<16xi32>
    %get3A_1130 = arith.constant 3 : i32
    %get3A_1131 = arith.index_cast %get3A_1130 : i32 to index
    %get3A_1132 = arith.constant 16 : index
    %get3A_1133 = tpu.vector_load %arg5[%get3A_1131, %get3A_1132] {strides = array<i32>} : memref<16x256xi32, #tpu.memory_space<vmem>>, vector<16xi32>,
    %add3A_1134 = arith.addi %add3A_1129, %get3A_1133 : vector<16xi32>
    %get3A_1135 = arith.constant 4 : i32
    %get3A_1136 = arith.index_cast %get3A_1135 : i32 to index
    %get3A_1137 = arith.constant 16 : index
    %get3A_1138 = tpu.vector_load %arg5[%get3A_1136, %get3A_1137] {strides = array<i32>} : memref<16x256xi32, #tpu.memory_space<vmem>>, vector<16xi32>,
    %add3A_1139 = arith.addi %add3A_1134, %get3A_1138 : vector<16xi32>
    %get3A_1140 = arith.constant 5 : i32
    %get3A_1141 = arith.index_cast %get3A_1140 : i32 to index
    %get3A_1142 = arith.constant 16 : index
    %get3A_1143 = tpu.vector_load %arg5[%get3A_1141, %get3A_1142] {strides = array<i32>} : memref<16x256xi32, #tpu.memory_space<vmem>>, vector<16xi32>,
    %add3A_1144 = arith.addi %add3A_1139, %get3A_1143 : vector<16xi32>
    %get3A_1145 = arith.constant 6 : i32
    %get3A_1146 = arith.index_cast %get3A_1145 : i32 to index
    %get3A_1147 = arith.constant 16 : index
    %get3A_1148 = tpu.vector_load %arg5[%get3A_1146, %get3A_1147] {strides = array<i32>} : memref<16x256xi32, #tpu.memory_space<vmem>>, vector<16xi32>,
    %add3A_1149 = arith.addi %add3A_1144, %get3A_1148 : vector<16xi32>
    %get3A_1150 = arith.constant 7 : i32
    %get3A_1151 = arith.index_cast %get3A_1150 : i32 to index
    %get3A_1152 = arith.constant 16 : index
    %get3A_1153 = tpu.vector_load %arg5[%get3A_1151, %get3A_1152] {strides = array<i32>} : memref<16x256xi32, #tpu.memory_space<vmem>>, vector<16xi32>,
    %add3A_1154 = arith.addi %add3A_1149, %get3A_1153 : vector<16xi32>
    %get3A_1155 = arith.constant 8 : i32
    %get3A_1156 = arith.index_cast %get3A_1155 : i32 to index
    %get3A_1157 = arith.constant 16 : index
    %get3A_1158 = tpu.vector_load %arg5[%get3A_1156, %get3A_1157] {strides = array<i32>} : memref<16x256xi32, #tpu.memory_space<vmem>>, vector<16xi32>,
    %add3A_1159 = arith.addi %add3A_1154, %get3A_1158 : vector<16xi32>
    %get3A_1160 = arith.constant 9 : i32
    %get3A_1161 = arith.index_cast %get3A_1160 : i32 to index
    %get3A_1162 = arith.constant 16 : index
    %get3A_1163 = tpu.vector_load %arg5[%get3A_1161, %get3A_1162] {strides = array<i32>} : memref<16x256xi32, #tpu.memory_space<vmem>>, vector<16xi32>,
    %add3A_1164 = arith.addi %add3A_1159, %get3A_1163 : vector<16xi32>
    %get3A_1165 = arith.constant 10 : i32
    %get3A_1166 = arith.index_cast %get3A_1165 : i32 to index
    %get3A_1167 = arith.constant 16 : index
    %get3A_1168 = tpu.vector_load %arg5[%get3A_1166, %get3A_1167] {strides = array<i32>} : memref<16x256xi32, #tpu.memory_space<vmem>>, vector<16xi32>,
    %add3A_1169 = arith.addi %add3A_1164, %get3A_1168 : vector<16xi32>
    %get3A_1170 = arith.constant 11 : i32
    %get3A_1171 = arith.index_cast %get3A_1170 : i32 to index
    %get3A_1172 = arith.constant 16 : index
    %get3A_1173 = tpu.vector_load %arg5[%get3A_1171, %get3A_1172] {strides = array<i32>} : memref<16x256xi32, #tpu.memory_space<vmem>>, vector<16xi32>,
    %add3A_1174 = arith.addi %add3A_1169, %get3A_1173 : vector<16xi32>
    %get3A_1175 = arith.constant 12 : i32
    %get3A_1176 = arith.index_cast %get3A_1175 : i32 to index
    %get3A_1177 = arith.constant 16 : index
    %get3A_1178 = tpu.vector_load %arg5[%get3A_1176, %get3A_1177] {strides = array<i32>} : memref<16x256xi32, #tpu.memory_space<vmem>>, vector<16xi32>,
    %add3A_1179 = arith.addi %add3A_1174, %get3A_1178 : vector<16xi32>
    %get3A_1180 = arith.constant 13 : i32
    %get3A_1181 = arith.index_cast %get3A_1180 : i32 to index
    %get3A_1182 = arith.constant 16 : index
    %get3A_1183 = tpu.vector_load %arg5[%get3A_1181, %get3A_1182] {strides = array<i32>} : memref<16x256xi32, #tpu.memory_space<vmem>>, vector<16xi32>,
    %add3A_1184 = arith.addi %add3A_1179, %get3A_1183 : vector<16xi32>
    %get3A_1185 = arith.constant 14 : i32
    %get3A_1186 = arith.index_cast %get3A_1185 : i32 to index
    %get3A_1187 = arith.constant 16 : index
    %get3A_1188 = tpu.vector_load %arg5[%get3A_1186, %get3A_1187] {strides = array<i32>} : memref<16x256xi32, #tpu.memory_space<vmem>>, vector<16xi32>,
    %add3A_1189 = arith.addi %add3A_1184, %get3A_1188 : vector<16xi32>
    %get3A_1190 = arith.constant 15 : i32
    %get3A_1191 = arith.index_cast %get3A_1190 : i32 to index
    %get3A_1192 = arith.constant 16 : index
    %get3A_1193 = tpu.vector_load %arg5[%get3A_1191, %get3A_1192] {strides = array<i32>} : memref<16x256xi32, #tpu.memory_space<vmem>>, vector<16xi32>,
    %add3A_1194 = arith.addi %add3A_1189, %get3A_1193 : vector<16xi32>
    %swap3A_1195 = arith.constant 16 : index
    %swap3A_1196 = tpu.vector_load %arg6[%swap3A_1195] {strides = array<i32>} : memref<256xi32, #tpu.memory_space<vmem>>, vector<16xi32>,
    tpu.vector_store %arg6[%swap3A_1195], %add3A_1194 {strides = array<i32>} : memref<256xi32, #tpu.memory_space<vmem>>, vector<16xi32>,
    %get3A_1197 = arith.constant 0 : i32
    %get3A_1198 = arith.index_cast %get3A_1197 : i32 to index
    %get3A_1199 = arith.constant 32 : index
    %get3A_1200 = tpu.vector_load %arg5[%get3A_1198, %get3A_1199] {strides = array<i32>} : memref<16x256xi32, #tpu.memory_space<vmem>>, vector<16xi32>,
    %add3A_1201 = arith.addi %broadcast_in_dim3A_1, %get3A_1200 : vector<16xi32>
    %get3A_1202 = arith.constant 1 : i32
    %get3A_1203 = arith.index_cast %get3A_1202 : i32 to index
    %get3A_1204 = arith.constant 32 : index
    %get3A_1205 = tpu.vector_load %arg5[%get3A_1203, %get3A_1204] {strides = array<i32>} : memref<16x256xi32, #tpu.memory_space<vmem>>, vector<16xi32>,
    %add3A_1206 = arith.addi %add3A_1201, %get3A_1205 : vector<16xi32>
    %get3A_1207 = arith.constant 2 : i32
    %get3A_1208 = arith.index_cast %get3A_1207 : i32 to index
    %get3A_1209 = arith.constant 32 : index
    %get3A_1210 = tpu.vector_load %arg5[%get3A_1208, %get3A_1209] {strides = array<i32>} : memref<16x256xi32, #tpu.memory_space<vmem>>, vector<16xi32>,
    %add3A_1211 = arith.addi %add3A_1206, %get3A_1210 : vector<16xi32>
    %get3A_1212 = arith.constant 3 : i32
    %get3A_1213 = arith.index_cast %get3A_1212 : i32 to index
    %get3A_1214 = arith.constant 32 : index
    %get3A_1215 = tpu.vector_load %arg5[%get3A_1213, %get3A_1214] {strides = array<i32>} : memref<16x256xi32, #tpu.memory_space<vmem>>, vector<16xi32>,
    %add3A_1216 = arith.addi %add3A_1211, %get3A_1215 : vector<16xi32>
    %get3A_1217 = arith.constant 4 : i32
    %get3A_1218 = arith.index_cast %get3A_1217 : i32 to index
    %get3A_1219 = arith.constant 32 : index
    %get3A_1220 = tpu.vector_load %arg5[%get3A_1218, %get3A_1219] {strides = array<i32>} : memref<16x256xi32, #tpu.memory_space<vmem>>, vector<16xi32>,
    %add3A_1221 = arith.addi %add3A_1216, %get3A_1220 : vector<16xi32>
    %get3A_1222 = arith.constant 5 : i32
    %get3A_1223 = arith.index_cast %get3A_1222 : i32 to index
    %get3A_1224 = arith.constant 32 : index
    %get3A_1225 = tpu.vector_load %arg5[%get3A_1223, %get3A_1224] {strides = array<i32>} : memref<16x256xi32, #tpu.memory_space<vmem>>, vector<16xi32>,
    %add3A_1226 = arith.addi %add3A_1221, %get3A_1225 : vector<16xi32>
    %get3A_1227 = arith.constant 6 : i32
    %get3A_1228 = arith.index_cast %get3A_1227 : i32 to index
    %get3A_1229 = arith.constant 32 : index
    %get3A_1230 = tpu.vector_load %arg5[%get3A_1228, %get3A_1229] {strides = array<i32>} : memref<16x256xi32, #tpu.memory_space<vmem>>, vector<16xi32>,
    %add3A_1231 = arith.addi %add3A_1226, %get3A_1230 : vector<16xi32>
    %get3A_1232 = arith.constant 7 : i32
    %get3A_1233 = arith.index_cast %get3A_1232 : i32 to index
    %get3A_1234 = arith.constant 32 : index
    %get3A_1235 = tpu.vector_load %arg5[%get3A_1233, %get3A_1234] {strides = array<i32>} : memref<16x256xi32, #tpu.memory_space<vmem>>, vector<16xi32>,
    %add3A_1236 = arith.addi %add3A_1231, %get3A_1235 : vector<16xi32>
    %get3A_1237 = arith.constant 8 : i32
    %get3A_1238 = arith.index_cast %get3A_1237 : i32 to index
    %get3A_1239 = arith.constant 32 : index
    %get3A_1240 = tpu.vector_load %arg5[%get3A_1238, %get3A_1239] {strides = array<i32>} : memref<16x256xi32, #tpu.memory_space<vmem>>, vector<16xi32>,
    %add3A_1241 = arith.addi %add3A_1236, %get3A_1240 : vector<16xi32>
    %get3A_1242 = arith.constant 9 : i32
    %get3A_1243 = arith.index_cast %get3A_1242 : i32 to index
    %get3A_1244 = arith.constant 32 : index
    %get3A_1245 = tpu.vector_load %arg5[%get3A_1243, %get3A_1244] {strides = array<i32>} : memref<16x256xi32, #tpu.memory_space<vmem>>, vector<16xi32>,
    %add3A_1246 = arith.addi %add3A_1241, %get3A_1245 : vector<16xi32>
    %get3A_1247 = arith.constant 10 : i32
    %get3A_1248 = arith.index_cast %get3A_1247 : i32 to index
    %get3A_1249 = arith.constant 32 : index
    %get3A_1250 = tpu.vector_load %arg5[%get3A_1248, %get3A_1249] {strides = array<i32>} : memref<16x256xi32, #tpu.memory_space<vmem>>, vector<16xi32>,
    %add3A_1251 = arith.addi %add3A_1246, %get3A_1250 : vector<16xi32>
    %get3A_1252 = arith.constant 11 : i32
    %get3A_1253 = arith.index_cast %get3A_1252 : i32 to index
    %get3A_1254 = arith.constant 32 : index
    %get3A_1255 = tpu.vector_load %arg5[%get3A_1253, %get3A_1254] {strides = array<i32>} : memref<16x256xi32, #tpu.memory_space<vmem>>, vector<16xi32>,
    %add3A_1256 = arith.addi %add3A_1251, %get3A_1255 : vector<16xi32>
    %get3A_1257 = arith.constant 12 : i32
    %get3A_1258 = arith.index_cast %get3A_1257 : i32 to index
    %get3A_1259 = arith.constant 32 : index
    %get3A_1260 = tpu.vector_load %arg5[%get3A_1258, %get3A_1259] {strides = array<i32>} : memref<16x256xi32, #tpu.memory_space<vmem>>, vector<16xi32>,
    %add3A_1261 = arith.addi %add3A_1256, %get3A_1260 : vector<16xi32>
    %get3A_1262 = arith.constant 13 : i32
    %get3A_1263 = arith.index_cast %get3A_1262 : i32 to index
    %get3A_1264 = arith.constant 32 : index
    %get3A_1265 = tpu.vector_load %arg5[%get3A_1263, %get3A_1264] {strides = array<i32>} : memref<16x256xi32, #tpu.memory_space<vmem>>, vector<16xi32>,
    %add3A_1266 = arith.addi %add3A_1261, %get3A_1265 : vector<16xi32>
    %get3A_1267 = arith.constant 14 : i32
    %get3A_1268 = arith.index_cast %get3A_1267 : i32 to index
    %get3A_1269 = arith.constant 32 : index
    %get3A_1270 = tpu.vector_load %arg5[%get3A_1268, %get3A_1269] {strides = array<i32>} : memref<16x256xi32, #tpu.memory_space<vmem>>, vector<16xi32>,
    %add3A_1271 = arith.addi %add3A_1266, %get3A_1270 : vector<16xi32>
    %get3A_1272 = arith.constant 15 : i32
    %get3A_1273 = arith.index_cast %get3A_1272 : i32 to index
    %get3A_1274 = arith.constant 32 : index
    %get3A_1275 = tpu.vector_load %arg5[%get3A_1273, %get3A_1274] {strides = array<i32>} : memref<16x256xi32, #tpu.memory_space<vmem>>, vector<16xi32>,
    %add3A_1276 = arith.addi %add3A_1271, %get3A_1275 : vector<16xi32>
    %swap3A_1277 = arith.constant 32 : index
    %swap3A_1278 = tpu.vector_load %arg6[%swap3A_1277] {strides = array<i32>} : memref<256xi32, #tpu.memory_space<vmem>>, vector<16xi32>,
    tpu.vector_store %arg6[%swap3A_1277], %add3A_1276 {strides = array<i32>} : memref<256xi32, #tpu.memory_space<vmem>>, vector<16xi32>,
    %get3A_1279 = arith.constant 0 : i32
    %get3A_1280 = arith.index_cast %get3A_1279 : i32 to index
    %get3A_1281 = arith.constant 48 : index
    %get3A_1282 = tpu.vector_load %arg5[%get3A_1280, %get3A_1281] {strides = array<i32>} : memref<16x256xi32, #tpu.memory_space<vmem>>, vector<16xi32>,
    %add3A_1283 = arith.addi %broadcast_in_dim3A_1, %get3A_1282 : vector<16xi32>
    %get3A_1284 = arith.constant 1 : i32
    %get3A_1285 = arith.index_cast %get3A_1284 : i32 to index
    %get3A_1286 = arith.constant 48 : index
    %get3A_1287 = tpu.vector_load %arg5[%get3A_1285, %get3A_1286] {strides = array<i32>} : memref<16x256xi32, #tpu.memory_space<vmem>>, vector<16xi32>,
    %add3A_1288 = arith.addi %add3A_1283, %get3A_1287 : vector<16xi32>
    %get3A_1289 = arith.constant 2 : i32
    %get3A_1290 = arith.index_cast %get3A_1289 : i32 to index
    %get3A_1291 = arith.constant 48 : index
    %get3A_1292 = tpu.vector_load %arg5[%get3A_1290, %get3A_1291] {strides = array<i32>} : memref<16x256xi32, #tpu.memory_space<vmem>>, vector<16xi32>,
    %add3A_1293 = arith.addi %add3A_1288, %get3A_1292 : vector<16xi32>
    %get3A_1294 = arith.constant 3 : i32
    %get3A_1295 = arith.index_cast %get3A_1294 : i32 to index
    %get3A_1296 = arith.constant 48 : index
    %get3A_1297 = tpu.vector_load %arg5[%get3A_1295, %get3A_1296] {strides = array<i32>} : memref<16x256xi32, #tpu.memory_space<vmem>>, vector<16xi32>,
    %add3A_1298 = arith.addi %add3A_1293, %get3A_1297 : vector<16xi32>
    %get3A_1299 = arith.constant 4 : i32
    %get3A_1300 = arith.index_cast %get3A_1299 : i32 to index
    %get3A_1301 = arith.constant 48 : index
    %get3A_1302 = tpu.vector_load %arg5[%get3A_1300, %get3A_1301] {strides = array<i32>} : memref<16x256xi32, #tpu.memory_space<vmem>>, vector<16xi32>,
    %add3A_1303 = arith.addi %add3A_1298, %get3A_1302 : vector<16xi32>
    %get3A_1304 = arith.constant 5 : i32
    %get3A_1305 = arith.index_cast %get3A_1304 : i32 to index
    %get3A_1306 = arith.constant 48 : index
    %get3A_1307 = tpu.vector_load %arg5[%get3A_1305, %get3A_1306] {strides = array<i32>} : memref<16x256xi32, #tpu.memory_space<vmem>>, vector<16xi32>,
    %add3A_1308 = arith.addi %add3A_1303, %get3A_1307 : vector<16xi32>
    %get3A_1309 = arith.constant 6 : i32
    %get3A_1310 = arith.index_cast %get3A_1309 : i32 to index
    %get3A_1311 = arith.constant 48 : index
    %get3A_1312 = tpu.vector_load %arg5[%get3A_1310, %get3A_1311] {strides = array<i32>} : memref<16x256xi32, #tpu.memory_space<vmem>>, vector<16xi32>,
    %add3A_1313 = arith.addi %add3A_1308, %get3A_1312 : vector<16xi32>
    %get3A_1314 = arith.constant 7 : i32
    %get3A_1315 = arith.index_cast %get3A_1314 : i32 to index
    %get3A_1316 = arith.constant 48 : index
    %get3A_1317 = tpu.vector_load %arg5[%get3A_1315, %get3A_1316] {strides = array<i32>} : memref<16x256xi32, #tpu.memory_space<vmem>>, vector<16xi32>,
    %add3A_1318 = arith.addi %add3A_1313, %get3A_1317 : vector<16xi32>
    %get3A_1319 = arith.constant 8 : i32
    %get3A_1320 = arith.index_cast %get3A_1319 : i32 to index
    %get3A_1321 = arith.constant 48 : index
    %get3A_1322 = tpu.vector_load %arg5[%get3A_1320, %get3A_1321] {strides = array<i32>} : memref<16x256xi32, #tpu.memory_space<vmem>>, vector<16xi32>,
    %add3A_1323 = arith.addi %add3A_1318, %get3A_1322 : vector<16xi32>
    %get3A_1324 = arith.constant 9 : i32
    %get3A_1325 = arith.index_cast %get3A_1324 : i32 to index
    %get3A_1326 = arith.constant 48 : index
    %get3A_1327 = tpu.vector_load %arg5[%get3A_1325, %get3A_1326] {strides = array<i32>} : memref<16x256xi32, #tpu.memory_space<vmem>>, vector<16xi32>,
    %add3A_1328 = arith.addi %add3A_1323, %get3A_1327 : vector<16xi32>
    %get3A_1329 = arith.constant 10 : i32
    %get3A_1330 = arith.index_cast %get3A_1329 : i32 to index
    %get3A_1331 = arith.constant 48 : index
    %get3A_1332 = tpu.vector_load %arg5[%get3A_1330, %get3A_1331] {strides = array<i32>} : memref<16x256xi32, #tpu.memory_space<vmem>>, vector<16xi32>,
    %add3A_1333 = arith.addi %add3A_1328, %get3A_1332 : vector<16xi32>
    %get3A_1334 = arith.constant 11 : i32
    %get3A_1335 = arith.index_cast %get3A_1334 : i32 to index
    %get3A_1336 = arith.constant 48 : index
    %get3A_1337 = tpu.vector_load %arg5[%get3A_1335, %get3A_1336] {strides = array<i32>} : memref<16x256xi32, #tpu.memory_space<vmem>>, vector<16xi32>,
    %add3A_1338 = arith.addi %add3A_1333, %get3A_1337 : vector<16xi32>
    %get3A_1339 = arith.constant 12 : i32
    %get3A_1340 = arith.index_cast %get3A_1339 : i32 to index
    %get3A_1341 = arith.constant 48 : index
    %get3A_1342 = tpu.vector_load %arg5[%get3A_1340, %get3A_1341] {strides = array<i32>} : memref<16x256xi32, #tpu.memory_space<vmem>>, vector<16xi32>,
    %add3A_1343 = arith.addi %add3A_1338, %get3A_1342 : vector<16xi32>
    %get3A_1344 = arith.constant 13 : i32
    %get3A_1345 = arith.index_cast %get3A_1344 : i32 to index
    %get3A_1346 = arith.constant 48 : index
    %get3A_1347 = tpu.vector_load %arg5[%get3A_1345, %get3A_1346] {strides = array<i32>} : memref<16x256xi32, #tpu.memory_space<vmem>>, vector<16xi32>,
    %add3A_1348 = arith.addi %add3A_1343, %get3A_1347 : vector<16xi32>
    %get3A_1349 = arith.constant 14 : i32
    %get3A_1350 = arith.index_cast %get3A_1349 : i32 to index
    %get3A_1351 = arith.constant 48 : index
    %get3A_1352 = tpu.vector_load %arg5[%get3A_1350, %get3A_1351] {strides = array<i32>} : memref<16x256xi32, #tpu.memory_space<vmem>>, vector<16xi32>,
    %add3A_1353 = arith.addi %add3A_1348, %get3A_1352 : vector<16xi32>
    %get3A_1354 = arith.constant 15 : i32
    %get3A_1355 = arith.index_cast %get3A_1354 : i32 to index
    %get3A_1356 = arith.constant 48 : index
    %get3A_1357 = tpu.vector_load %arg5[%get3A_1355, %get3A_1356] {strides = array<i32>} : memref<16x256xi32, #tpu.memory_space<vmem>>, vector<16xi32>,
    %add3A_1358 = arith.addi %add3A_1353, %get3A_1357 : vector<16xi32>
    %swap3A_1359 = arith.constant 48 : index
    %swap3A_1360 = tpu.vector_load %arg6[%swap3A_1359] {strides = array<i32>} : memref<256xi32, #tpu.memory_space<vmem>>, vector<16xi32>,
    tpu.vector_store %arg6[%swap3A_1359], %add3A_1358 {strides = array<i32>} : memref<256xi32, #tpu.memory_space<vmem>>, vector<16xi32>,
    %get3A_1361 = arith.constant 0 : i32
    %get3A_1362 = arith.index_cast %get3A_1361 : i32 to index
    %get3A_1363 = arith.constant 64 : index
    %get3A_1364 = tpu.vector_load %arg5[%get3A_1362, %get3A_1363] {strides = array<i32>} : memref<16x256xi32, #tpu.memory_space<vmem>>, vector<16xi32>,
    %add3A_1365 = arith.addi %broadcast_in_dim3A_1, %get3A_1364 : vector<16xi32>
    %get3A_1366 = arith.constant 1 : i32
    %get3A_1367 = arith.index_cast %get3A_1366 : i32 to index
    %get3A_1368 = arith.constant 64 : index
    %get3A_1369 = tpu.vector_load %arg5[%get3A_1367, %get3A_1368] {strides = array<i32>} : memref<16x256xi32, #tpu.memory_space<vmem>>, vector<16xi32>,
    %add3A_1370 = arith.addi %add3A_1365, %get3A_1369 : vector<16xi32>
    %get3A_1371 = arith.constant 2 : i32
    %get3A_1372 = arith.index_cast %get3A_1371 : i32 to index
    %get3A_1373 = arith.constant 64 : index
    %get3A_1374 = tpu.vector_load %arg5[%get3A_1372, %get3A_1373] {strides = array<i32>} : memref<16x256xi32, #tpu.memory_space<vmem>>, vector<16xi32>,
    %add3A_1375 = arith.addi %add3A_1370, %get3A_1374 : vector<16xi32>
    %get3A_1376 = arith.constant 3 : i32
    %get3A_1377 = arith.index_cast %get3A_1376 : i32 to index
    %get3A_1378 = arith.constant 64 : index
    %get3A_1379 = tpu.vector_load %arg5[%get3A_1377, %get3A_1378] {strides = array<i32>} : memref<16x256xi32, #tpu.memory_space<vmem>>, vector<16xi32>,
    %add3A_1380 = arith.addi %add3A_1375, %get3A_1379 : vector<16xi32>
    %get3A_1381 = arith.constant 4 : i32
    %get3A_1382 = arith.index_cast %get3A_1381 : i32 to index
    %get3A_1383 = arith.constant 64 : index
    %get3A_1384 = tpu.vector_load %arg5[%get3A_1382, %get3A_1383] {strides = array<i32>} : memref<16x256xi32, #tpu.memory_space<vmem>>, vector<16xi32>,
    %add3A_1385 = arith.addi %add3A_1380, %get3A_1384 : vector<16xi32>
    %get3A_1386 = arith.constant 5 : i32
    %get3A_1387 = arith.index_cast %get3A_1386 : i32 to index
    %get3A_1388 = arith.constant 64 : index
    %get3A_1389 = tpu.vector_load %arg5[%get3A_1387, %get3A_1388] {strides = array<i32>} : memref<16x256xi32, #tpu.memory_space<vmem>>, vector<16xi32>,
    %add3A_1390 = arith.addi %add3A_1385, %get3A_1389 : vector<16xi32>
    %get3A_1391 = arith.constant 6 : i32
    %get3A_1392 = arith.index_cast %get3A_1391 : i32 to index
    %get3A_1393 = arith.constant 64 : index
    %get3A_1394 = tpu.vector_load %arg5[%get3A_1392, %get3A_1393] {strides = array<i32>} : memref<16x256xi32, #tpu.memory_space<vmem>>, vector<16xi32>,
    %add3A_1395 = arith.addi %add3A_1390, %get3A_1394 : vector<16xi32>
    %get3A_1396 = arith.constant 7 : i32
    %get3A_1397 = arith.index_cast %get3A_1396 : i32 to index
    %get3A_1398 = arith.constant 64 : index
    %get3A_1399 = tpu.vector_load %arg5[%get3A_1397, %get3A_1398] {strides = array<i32>} : memref<16x256xi32, #tpu.memory_space<vmem>>, vector<16xi32>,
    %add3A_1400 = arith.addi %add3A_1395, %get3A_1399 : vector<16xi32>
    %get3A_1401 = arith.constant 8 : i32
    %get3A_1402 = arith.index_cast %get3A_1401 : i32 to index
    %get3A_1403 = arith.constant 64 : index
    %get3A_1404 = tpu.vector_load %arg5[%get3A_1402, %get3A_1403] {strides = array<i32>} : memref<16x256xi32, #tpu.memory_space<vmem>>, vector<16xi32>,
    %add3A_1405 = arith.addi %add3A_1400, %get3A_1404 : vector<16xi32>
    %get3A_1406 = arith.constant 9 : i32
    %get3A_1407 = arith.index_cast %get3A_1406 : i32 to index
    %get3A_1408 = arith.constant 64 : index
    %get3A_1409 = tpu.vector_load %arg5[%get3A_1407, %get3A_1408] {strides = array<i32>} : memref<16x256xi32, #tpu.memory_space<vmem>>, vector<16xi32>,
    %add3A_1410 = arith.addi %add3A_1405, %get3A_1409 : vector<16xi32>
    %get3A_1411 = arith.constant 10 : i32
    %get3A_1412 = arith.index_cast %get3A_1411 : i32 to index
    %get3A_1413 = arith.constant 64 : index
    %get3A_1414 = tpu.vector_load %arg5[%get3A_1412, %get3A_1413] {strides = array<i32>} : memref<16x256xi32, #tpu.memory_space<vmem>>, vector<16xi32>,
    %add3A_1415 = arith.addi %add3A_1410, %get3A_1414 : vector<16xi32>
    %get3A_1416 = arith.constant 11 : i32
    %get3A_1417 = arith.index_cast %get3A_1416 : i32 to index
    %get3A_1418 = arith.constant 64 : index
    %get3A_1419 = tpu.vector_load %arg5[%get3A_1417, %get3A_1418] {strides = array<i32>} : memref<16x256xi32, #tpu.memory_space<vmem>>, vector<16xi32>,
    %add3A_1420 = arith.addi %add3A_1415, %get3A_1419 : vector<16xi32>
    %get3A_1421 = arith.constant 12 : i32
    %get3A_1422 = arith.index_cast %get3A_1421 : i32 to index
    %get3A_1423 = arith.constant 64 : index
    %get3A_1424 = tpu.vector_load %arg5[%get3A_1422, %get3A_1423] {strides = array<i32>} : memref<16x256xi32, #tpu.memory_space<vmem>>, vector<16xi32>,
    %add3A_1425 = arith.addi %add3A_1420, %get3A_1424 : vector<16xi32>
    %get3A_1426 = arith.constant 13 : i32
    %get3A_1427 = arith.index_cast %get3A_1426 : i32 to index
    %get3A_1428 = arith.constant 64 : index
    %get3A_1429 = tpu.vector_load %arg5[%get3A_1427, %get3A_1428] {strides = array<i32>} : memref<16x256xi32, #tpu.memory_space<vmem>>, vector<16xi32>,
    %add3A_1430 = arith.addi %add3A_1425, %get3A_1429 : vector<16xi32>
    %get3A_1431 = arith.constant 14 : i32
    %get3A_1432 = arith.index_cast %get3A_1431 : i32 to index
    %get3A_1433 = arith.constant 64 : index
    %get3A_1434 = tpu.vector_load %arg5[%get3A_1432, %get3A_1433] {strides = array<i32>} : memref<16x256xi32, #tpu.memory_space<vmem>>, vector<16xi32>,
    %add3A_1435 = arith.addi %add3A_1430, %get3A_1434 : vector<16xi32>
    %get3A_1436 = arith.constant 15 : i32
    %get3A_1437 = arith.index_cast %get3A_1436 : i32 to index
    %get3A_1438 = arith.constant 64 : index
    %get3A_1439 = tpu.vector_load %arg5[%get3A_1437, %get3A_1438] {strides = array<i32>} : memref<16x256xi32, #tpu.memory_space<vmem>>, vector<16xi32>,
    %add3A_1440 = arith.addi %add3A_1435, %get3A_1439 : vector<16xi32>
    %swap3A_1441 = arith.constant 64 : index
    %swap3A_1442 = tpu.vector_load %arg6[%swap3A_1441] {strides = array<i32>} : memref<256xi32, #tpu.memory_space<vmem>>, vector<16xi32>,
    tpu.vector_store %arg6[%swap3A_1441], %add3A_1440 {strides = array<i32>} : memref<256xi32, #tpu.memory_space<vmem>>, vector<16xi32>,
    %get3A_1443 = arith.constant 0 : i32
    %get3A_1444 = arith.index_cast %get3A_1443 : i32 to index
    %get3A_1445 = arith.constant 80 : index
    %get3A_1446 = tpu.vector_load %arg5[%get3A_1444, %get3A_1445] {strides = array<i32>} : memref<16x256xi32, #tpu.memory_space<vmem>>, vector<16xi32>,
    %add3A_1447 = arith.addi %broadcast_in_dim3A_1, %get3A_1446 : vector<16xi32>
    %get3A_1448 = arith.constant 1 : i32
    %get3A_1449 = arith.index_cast %get3A_1448 : i32 to index
    %get3A_1450 = arith.constant 80 : index
    %get3A_1451 = tpu.vector_load %arg5[%get3A_1449, %get3A_1450] {strides = array<i32>} : memref<16x256xi32, #tpu.memory_space<vmem>>, vector<16xi32>,
    %add3A_1452 = arith.addi %add3A_1447, %get3A_1451 : vector<16xi32>
    %get3A_1453 = arith.constant 2 : i32
    %get3A_1454 = arith.index_cast %get3A_1453 : i32 to index
    %get3A_1455 = arith.constant 80 : index
    %get3A_1456 = tpu.vector_load %arg5[%get3A_1454, %get3A_1455] {strides = array<i32>} : memref<16x256xi32, #tpu.memory_space<vmem>>, vector<16xi32>,
    %add3A_1457 = arith.addi %add3A_1452, %get3A_1456 : vector<16xi32>
    %get3A_1458 = arith.constant 3 : i32
    %get3A_1459 = arith.index_cast %get3A_1458 : i32 to index
    %get3A_1460 = arith.constant 80 : index
    %get3A_1461 = tpu.vector_load %arg5[%get3A_1459, %get3A_1460] {strides = array<i32>} : memref<16x256xi32, #tpu.memory_space<vmem>>, vector<16xi32>,
    %add3A_1462 = arith.addi %add3A_1457, %get3A_1461 : vector<16xi32>
    %get3A_1463 = arith.constant 4 : i32
    %get3A_1464 = arith.index_cast %get3A_1463 : i32 to index
    %get3A_1465 = arith.constant 80 : index
    %get3A_1466 = tpu.vector_load %arg5[%get3A_1464, %get3A_1465] {strides = array<i32>} : memref<16x256xi32, #tpu.memory_space<vmem>>, vector<16xi32>,
    %add3A_1467 = arith.addi %add3A_1462, %get3A_1466 : vector<16xi32>
    %get3A_1468 = arith.constant 5 : i32
    %get3A_1469 = arith.index_cast %get3A_1468 : i32 to index
    %get3A_1470 = arith.constant 80 : index
    %get3A_1471 = tpu.vector_load %arg5[%get3A_1469, %get3A_1470] {strides = array<i32>} : memref<16x256xi32, #tpu.memory_space<vmem>>, vector<16xi32>,
    %add3A_1472 = arith.addi %add3A_1467, %get3A_1471 : vector<16xi32>
    %get3A_1473 = arith.constant 6 : i32
    %get3A_1474 = arith.index_cast %get3A_1473 : i32 to index
    %get3A_1475 = arith.constant 80 : index
    %get3A_1476 = tpu.vector_load %arg5[%get3A_1474, %get3A_1475] {strides = array<i32>} : memref<16x256xi32, #tpu.memory_space<vmem>>, vector<16xi32>,
    %add3A_1477 = arith.addi %add3A_1472, %get3A_1476 : vector<16xi32>
    %get3A_1478 = arith.constant 7 : i32
    %get3A_1479 = arith.index_cast %get3A_1478 : i32 to index
    %get3A_1480 = arith.constant 80 : index
    %get3A_1481 = tpu.vector_load %arg5[%get3A_1479, %get3A_1480] {strides = array<i32>} : memref<16x256xi32, #tpu.memory_space<vmem>>, vector<16xi32>,
    %add3A_1482 = arith.addi %add3A_1477, %get3A_1481 : vector<16xi32>
    %get3A_1483 = arith.constant 8 : i32
    %get3A_1484 = arith.index_cast %get3A_1483 : i32 to index
    %get3A_1485 = arith.constant 80 : index
    %get3A_1486 = tpu.vector_load %arg5[%get3A_1484, %get3A_1485] {strides = array<i32>} : memref<16x256xi32, #tpu.memory_space<vmem>>, vector<16xi32>,
    %add3A_1487 = arith.addi %add3A_1482, %get3A_1486 : vector<16xi32>
    %get3A_1488 = arith.constant 9 : i32
    %get3A_1489 = arith.index_cast %get3A_1488 : i32 to index
    %get3A_1490 = arith.constant 80 : index
    %get3A_1491 = tpu.vector_load %arg5[%get3A_1489, %get3A_1490] {strides = array<i32>} : memref<16x256xi32, #tpu.memory_space<vmem>>, vector<16xi32>,
    %add3A_1492 = arith.addi %add3A_1487, %get3A_1491 : vector<16xi32>
    %get3A_1493 = arith.constant 10 : i32
    %get3A_1494 = arith.index_cast %get3A_1493 : i32 to index
    %get3A_1495 = arith.constant 80 : index
    %get3A_1496 = tpu.vector_load %arg5[%get3A_1494, %get3A_1495] {strides = array<i32>} : memref<16x256xi32, #tpu.memory_space<vmem>>, vector<16xi32>,
    %add3A_1497 = arith.addi %add3A_1492, %get3A_1496 : vector<16xi32>
    %get3A_1498 = arith.constant 11 : i32
    %get3A_1499 = arith.index_cast %get3A_1498 : i32 to index
    %get3A_1500 = arith.constant 80 : index
    %get3A_1501 = tpu.vector_load %arg5[%get3A_1499, %get3A_1500] {strides = array<i32>} : memref<16x256xi32, #tpu.memory_space<vmem>>, vector<16xi32>,
    %add3A_1502 = arith.addi %add3A_1497, %get3A_1501 : vector<16xi32>
    %get3A_1503 = arith.constant 12 : i32
    %get3A_1504 = arith.index_cast %get3A_1503 : i32 to index
    %get3A_1505 = arith.constant 80 : index
    %get3A_1506 = tpu.vector_load %arg5[%get3A_1504, %get3A_1505] {strides = array<i32>} : memref<16x256xi32, #tpu.memory_space<vmem>>, vector<16xi32>,
    %add3A_1507 = arith.addi %add3A_1502, %get3A_1506 : vector<16xi32>
    %get3A_1508 = arith.constant 13 : i32
    %get3A_1509 = arith.index_cast %get3A_1508 : i32 to index
    %get3A_1510 = arith.constant 80 : index
    %get3A_1511 = tpu.vector_load %arg5[%get3A_1509, %get3A_1510] {strides = array<i32>} : memref<16x256xi32, #tpu.memory_space<vmem>>, vector<16xi32>,
    %add3A_1512 = arith.addi %add3A_1507, %get3A_1511 : vector<16xi32>
    %get3A_1513 = arith.constant 14 : i32
    %get3A_1514 = arith.index_cast %get3A_1513 : i32 to index
    %get3A_1515 = arith.constant 80 : index
    %get3A_1516 = tpu.vector_load %arg5[%get3A_1514, %get3A_1515] {strides = array<i32>} : memref<16x256xi32, #tpu.memory_space<vmem>>, vector<16xi32>,
    %add3A_1517 = arith.addi %add3A_1512, %get3A_1516 : vector<16xi32>
    %get3A_1518 = arith.constant 15 : i32
    %get3A_1519 = arith.index_cast %get3A_1518 : i32 to index
    %get3A_1520 = arith.constant 80 : index
    %get3A_1521 = tpu.vector_load %arg5[%get3A_1519, %get3A_1520] {strides = array<i32>} : memref<16x256xi32, #tpu.memory_space<vmem>>, vector<16xi32>,
    %add3A_1522 = arith.addi %add3A_1517, %get3A_1521 : vector<16xi32>
    %swap3A_1523 = arith.constant 80 : index
    %swap3A_1524 = tpu.vector_load %arg6[%swap3A_1523] {strides = array<i32>} : memref<256xi32, #tpu.memory_space<vmem>>, vector<16xi32>,
    tpu.vector_store %arg6[%swap3A_1523], %add3A_1522 {strides = array<i32>} : memref<256xi32, #tpu.memory_space<vmem>>, vector<16xi32>,
    %get3A_1525 = arith.constant 0 : i32
    %get3A_1526 = arith.index_cast %get3A_1525 : i32 to index
    %get3A_1527 = arith.constant 96 : index
    %get3A_1528 = tpu.vector_load %arg5[%get3A_1526, %get3A_1527] {strides = array<i32>} : memref<16x256xi32, #tpu.memory_space<vmem>>, vector<16xi32>,
    %add3A_1529 = arith.addi %broadcast_in_dim3A_1, %get3A_1528 : vector<16xi32>
    %get3A_1530 = arith.constant 1 : i32
    %get3A_1531 = arith.index_cast %get3A_1530 : i32 to index
    %get3A_1532 = arith.constant 96 : index
    %get3A_1533 = tpu.vector_load %arg5[%get3A_1531, %get3A_1532] {strides = array<i32>} : memref<16x256xi32, #tpu.memory_space<vmem>>, vector<16xi32>,
    %add3A_1534 = arith.addi %add3A_1529, %get3A_1533 : vector<16xi32>
    %get3A_1535 = arith.constant 2 : i32
    %get3A_1536 = arith.index_cast %get3A_1535 : i32 to index
    %get3A_1537 = arith.constant 96 : index
    %get3A_1538 = tpu.vector_load %arg5[%get3A_1536, %get3A_1537] {strides = array<i32>} : memref<16x256xi32, #tpu.memory_space<vmem>>, vector<16xi32>,
    %add3A_1539 = arith.addi %add3A_1534, %get3A_1538 : vector<16xi32>
    %get3A_1540 = arith.constant 3 : i32
    %get3A_1541 = arith.index_cast %get3A_1540 : i32 to index
    %get3A_1542 = arith.constant 96 : index
    %get3A_1543 = tpu.vector_load %arg5[%get3A_1541, %get3A_1542] {strides = array<i32>} : memref<16x256xi32, #tpu.memory_space<vmem>>, vector<16xi32>,
    %add3A_1544 = arith.addi %add3A_1539, %get3A_1543 : vector<16xi32>
    %get3A_1545 = arith.constant 4 : i32
    %get3A_1546 = arith.index_cast %get3A_1545 : i32 to index
    %get3A_1547 = arith.constant 96 : index
    %get3A_1548 = tpu.vector_load %arg5[%get3A_1546, %get3A_1547] {strides = array<i32>} : memref<16x256xi32, #tpu.memory_space<vmem>>, vector<16xi32>,
    %add3A_1549 = arith.addi %add3A_1544, %get3A_1548 : vector<16xi32>
    %get3A_1550 = arith.constant 5 : i32
    %get3A_1551 = arith.index_cast %get3A_1550 : i32 to index
    %get3A_1552 = arith.constant 96 : index
    %get3A_1553 = tpu.vector_load %arg5[%get3A_1551, %get3A_1552] {strides = array<i32>} : memref<16x256xi32, #tpu.memory_space<vmem>>, vector<16xi32>,
    %add3A_1554 = arith.addi %add3A_1549, %get3A_1553 : vector<16xi32>
    %get3A_1555 = arith.constant 6 : i32
    %get3A_1556 = arith.index_cast %get3A_1555 : i32 to index
    %get3A_1557 = arith.constant 96 : index
    %get3A_1558 = tpu.vector_load %arg5[%get3A_1556, %get3A_1557] {strides = array<i32>} : memref<16x256xi32, #tpu.memory_space<vmem>>, vector<16xi32>,
    %add3A_1559 = arith.addi %add3A_1554, %get3A_1558 : vector<16xi32>
    %get3A_1560 = arith.constant 7 : i32
    %get3A_1561 = arith.index_cast %get3A_1560 : i32 to index
    %get3A_1562 = arith.constant 96 : index
    %get3A_1563 = tpu.vector_load %arg5[%get3A_1561, %get3A_1562] {strides = array<i32>} : memref<16x256xi32, #tpu.memory_space<vmem>>, vector<16xi32>,
    %add3A_1564 = arith.addi %add3A_1559, %get3A_1563 : vector<16xi32>
    %get3A_1565 = arith.constant 8 : i32
    %get3A_1566 = arith.index_cast %get3A_1565 : i32 to index
    %get3A_1567 = arith.constant 96 : index
    %get3A_1568 = tpu.vector_load %arg5[%get3A_1566, %get3A_1567] {strides = array<i32>} : memref<16x256xi32, #tpu.memory_space<vmem>>, vector<16xi32>,
    %add3A_1569 = arith.addi %add3A_1564, %get3A_1568 : vector<16xi32>
    %get3A_1570 = arith.constant 9 : i32
    %get3A_1571 = arith.index_cast %get3A_1570 : i32 to index
    %get3A_1572 = arith.constant 96 : index
    %get3A_1573 = tpu.vector_load %arg5[%get3A_1571, %get3A_1572] {strides = array<i32>} : memref<16x256xi32, #tpu.memory_space<vmem>>, vector<16xi32>,
    %add3A_1574 = arith.addi %add3A_1569, %get3A_1573 : vector<16xi32>
    %get3A_1575 = arith.constant 10 : i32
    %get3A_1576 = arith.index_cast %get3A_1575 : i32 to index
    %get3A_1577 = arith.constant 96 : index
    %get3A_1578 = tpu.vector_load %arg5[%get3A_1576, %get3A_1577] {strides = array<i32>} : memref<16x256xi32, #tpu.memory_space<vmem>>, vector<16xi32>,
    %add3A_1579 = arith.addi %add3A_1574, %get3A_1578 : vector<16xi32>
    %get3A_1580 = arith.constant 11 : i32
    %get3A_1581 = arith.index_cast %get3A_1580 : i32 to index
    %get3A_1582 = arith.constant 96 : index
    %get3A_1583 = tpu.vector_load %arg5[%get3A_1581, %get3A_1582] {strides = array<i32>} : memref<16x256xi32, #tpu.memory_space<vmem>>, vector<16xi32>,
    %add3A_1584 = arith.addi %add3A_1579, %get3A_1583 : vector<16xi32>
    %get3A_1585 = arith.constant 12 : i32
    %get3A_1586 = arith.index_cast %get3A_1585 : i32 to index
    %get3A_1587 = arith.constant 96 : index
    %get3A_1588 = tpu.vector_load %arg5[%get3A_1586, %get3A_1587] {strides = array<i32>} : memref<16x256xi32, #tpu.memory_space<vmem>>, vector<16xi32>,
    %add3A_1589 = arith.addi %add3A_1584, %get3A_1588 : vector<16xi32>
    %get3A_1590 = arith.constant 13 : i32
    %get3A_1591 = arith.index_cast %get3A_1590 : i32 to index
    %get3A_1592 = arith.constant 96 : index
    %get3A_1593 = tpu.vector_load %arg5[%get3A_1591, %get3A_1592] {strides = array<i32>} : memref<16x256xi32, #tpu.memory_space<vmem>>, vector<16xi32>,
    %add3A_1594 = arith.addi %add3A_1589, %get3A_1593 : vector<16xi32>
    %get3A_1595 = arith.constant 14 : i32
    %get3A_1596 = arith.index_cast %get3A_1595 : i32 to index
    %get3A_1597 = arith.constant 96 : index
    %get3A_1598 = tpu.vector_load %arg5[%get3A_1596, %get3A_1597] {strides = array<i32>} : memref<16x256xi32, #tpu.memory_space<vmem>>, vector<16xi32>,
    %add3A_1599 = arith.addi %add3A_1594, %get3A_1598 : vector<16xi32>
    %get3A_1600 = arith.constant 15 : i32
    %get3A_1601 = arith.index_cast %get3A_1600 : i32 to index
    %get3A_1602 = arith.constant 96 : index
    %get3A_1603 = tpu.vector_load %arg5[%get3A_1601, %get3A_1602] {strides = array<i32>} : memref<16x256xi32, #tpu.memory_space<vmem>>, vector<16xi32>,
    %add3A_1604 = arith.addi %add3A_1599, %get3A_1603 : vector<16xi32>
    %swap3A_1605 = arith.constant 96 : index
    %swap3A_1606 = tpu.vector_load %arg6[%swap3A_1605] {strides = array<i32>} : memref<256xi32, #tpu.memory_space<vmem>>, vector<16xi32>,
    tpu.vector_store %arg6[%swap3A_1605], %add3A_1604 {strides = array<i32>} : memref<256xi32, #tpu.memory_space<vmem>>, vector<16xi32>,
    %get3A_1607 = arith.constant 0 : i32
    %get3A_1608 = arith.index_cast %get3A_1607 : i32 to index
    %get3A_1609 = arith.constant 112 : index
    %get3A_1610 = tpu.vector_load %arg5[%get3A_1608, %get3A_1609] {strides = array<i32>} : memref<16x256xi32, #tpu.memory_space<vmem>>, vector<16xi32>,
    %add3A_1611 = arith.addi %broadcast_in_dim3A_1, %get3A_1610 : vector<16xi32>
    %get3A_1612 = arith.constant 1 : i32
    %get3A_1613 = arith.index_cast %get3A_1612 : i32 to index
    %get3A_1614 = arith.constant 112 : index
    %get3A_1615 = tpu.vector_load %arg5[%get3A_1613, %get3A_1614] {strides = array<i32>} : memref<16x256xi32, #tpu.memory_space<vmem>>, vector<16xi32>,
    %add3A_1616 = arith.addi %add3A_1611, %get3A_1615 : vector<16xi32>
    %get3A_1617 = arith.constant 2 : i32
    %get3A_1618 = arith.index_cast %get3A_1617 : i32 to index
    %get3A_1619 = arith.constant 112 : index
    %get3A_1620 = tpu.vector_load %arg5[%get3A_1618, %get3A_1619] {strides = array<i32>} : memref<16x256xi32, #tpu.memory_space<vmem>>, vector<16xi32>,
    %add3A_1621 = arith.addi %add3A_1616, %get3A_1620 : vector<16xi32>
    %get3A_1622 = arith.constant 3 : i32
    %get3A_1623 = arith.index_cast %get3A_1622 : i32 to index
    %get3A_1624 = arith.constant 112 : index
    %get3A_1625 = tpu.vector_load %arg5[%get3A_1623, %get3A_1624] {strides = array<i32>} : memref<16x256xi32, #tpu.memory_space<vmem>>, vector<16xi32>,
    %add3A_1626 = arith.addi %add3A_1621, %get3A_1625 : vector<16xi32>
    %get3A_1627 = arith.constant 4 : i32
    %get3A_1628 = arith.index_cast %get3A_1627 : i32 to index
    %get3A_1629 = arith.constant 112 : index
    %get3A_1630 = tpu.vector_load %arg5[%get3A_1628, %get3A_1629] {strides = array<i32>} : memref<16x256xi32, #tpu.memory_space<vmem>>, vector<16xi32>,
    %add3A_1631 = arith.addi %add3A_1626, %get3A_1630 : vector<16xi32>
    %get3A_1632 = arith.constant 5 : i32
    %get3A_1633 = arith.index_cast %get3A_1632 : i32 to index
    %get3A_1634 = arith.constant 112 : index
    %get3A_1635 = tpu.vector_load %arg5[%get3A_1633, %get3A_1634] {strides = array<i32>} : memref<16x256xi32, #tpu.memory_space<vmem>>, vector<16xi32>,
    %add3A_1636 = arith.addi %add3A_1631, %get3A_1635 : vector<16xi32>
    %get3A_1637 = arith.constant 6 : i32
    %get3A_1638 = arith.index_cast %get3A_1637 : i32 to index
    %get3A_1639 = arith.constant 112 : index
    %get3A_1640 = tpu.vector_load %arg5[%get3A_1638, %get3A_1639] {strides = array<i32>} : memref<16x256xi32, #tpu.memory_space<vmem>>, vector<16xi32>,
    %add3A_1641 = arith.addi %add3A_1636, %get3A_1640 : vector<16xi32>
    %get3A_1642 = arith.constant 7 : i32
    %get3A_1643 = arith.index_cast %get3A_1642 : i32 to index
    %get3A_1644 = arith.constant 112 : index
    %get3A_1645 = tpu.vector_load %arg5[%get3A_1643, %get3A_1644] {strides = array<i32>} : memref<16x256xi32, #tpu.memory_space<vmem>>, vector<16xi32>,
    %add3A_1646 = arith.addi %add3A_1641, %get3A_1645 : vector<16xi32>
    %get3A_1647 = arith.constant 8 : i32
    %get3A_1648 = arith.index_cast %get3A_1647 : i32 to index
    %get3A_1649 = arith.constant 112 : index
    %get3A_1650 = tpu.vector_load %arg5[%get3A_1648, %get3A_1649] {strides = array<i32>} : memref<16x256xi32, #tpu.memory_space<vmem>>, vector<16xi32>,
    %add3A_1651 = arith.addi %add3A_1646, %get3A_1650 : vector<16xi32>
    %get3A_1652 = arith.constant 9 : i32
    %get3A_1653 = arith.index_cast %get3A_1652 : i32 to index
    %get3A_1654 = arith.constant 112 : index
    %get3A_1655 = tpu.vector_load %arg5[%get3A_1653, %get3A_1654] {strides = array<i32>} : memref<16x256xi32, #tpu.memory_space<vmem>>, vector<16xi32>,
    %add3A_1656 = arith.addi %add3A_1651, %get3A_1655 : vector<16xi32>
    %get3A_1657 = arith.constant 10 : i32
    %get3A_1658 = arith.index_cast %get3A_1657 : i32 to index
    %get3A_1659 = arith.constant 112 : index
    %get3A_1660 = tpu.vector_load %arg5[%get3A_1658, %get3A_1659] {strides = array<i32>} : memref<16x256xi32, #tpu.memory_space<vmem>>, vector<16xi32>,
    %add3A_1661 = arith.addi %add3A_1656, %get3A_1660 : vector<16xi32>
    %get3A_1662 = arith.constant 11 : i32
    %get3A_1663 = arith.index_cast %get3A_1662 : i32 to index
    %get3A_1664 = arith.constant 112 : index
    %get3A_1665 = tpu.vector_load %arg5[%get3A_1663, %get3A_1664] {strides = array<i32>} : memref<16x256xi32, #tpu.memory_space<vmem>>, vector<16xi32>,
    %add3A_1666 = arith.addi %add3A_1661, %get3A_1665 : vector<16xi32>
    %get3A_1667 = arith.constant 12 : i32
    %get3A_1668 = arith.index_cast %get3A_1667 : i32 to index
    %get3A_1669 = arith.constant 112 : index
    %get3A_1670 = tpu.vector_load %arg5[%get3A_1668, %get3A_1669] {strides = array<i32>} : memref<16x256xi32, #tpu.memory_space<vmem>>, vector<16xi32>,
    %add3A_1671 = arith.addi %add3A_1666, %get3A_1670 : vector<16xi32>
    %get3A_1672 = arith.constant 13 : i32
    %get3A_1673 = arith.index_cast %get3A_1672 : i32 to index
    %get3A_1674 = arith.constant 112 : index
    %get3A_1675 = tpu.vector_load %arg5[%get3A_1673, %get3A_1674] {strides = array<i32>} : memref<16x256xi32, #tpu.memory_space<vmem>>, vector<16xi32>,
    %add3A_1676 = arith.addi %add3A_1671, %get3A_1675 : vector<16xi32>
    %get3A_1677 = arith.constant 14 : i32
    %get3A_1678 = arith.index_cast %get3A_1677 : i32 to index
    %get3A_1679 = arith.constant 112 : index
    %get3A_1680 = tpu.vector_load %arg5[%get3A_1678, %get3A_1679] {strides = array<i32>} : memref<16x256xi32, #tpu.memory_space<vmem>>, vector<16xi32>,
    %add3A_1681 = arith.addi %add3A_1676, %get3A_1680 : vector<16xi32>
    %get3A_1682 = arith.constant 15 : i32
    %get3A_1683 = arith.index_cast %get3A_1682 : i32 to index
    %get3A_1684 = arith.constant 112 : index
    %get3A_1685 = tpu.vector_load %arg5[%get3A_1683, %get3A_1684] {strides = array<i32>} : memref<16x256xi32, #tpu.memory_space<vmem>>, vector<16xi32>,
    %add3A_1686 = arith.addi %add3A_1681, %get3A_1685 : vector<16xi32>
    %swap3A_1687 = arith.constant 112 : index
    %swap3A_1688 = tpu.vector_load %arg6[%swap3A_1687] {strides = array<i32>} : memref<256xi32, #tpu.memory_space<vmem>>, vector<16xi32>,
    tpu.vector_store %arg6[%swap3A_1687], %add3A_1686 {strides = array<i32>} : memref<256xi32, #tpu.memory_space<vmem>>, vector<16xi32>,
    %get3A_1689 = arith.constant 0 : i32
    %get3A_1690 = arith.index_cast %get3A_1689 : i32 to index
    %get3A_1691 = arith.constant 128 : index
    %get3A_1692 = tpu.vector_load %arg5[%get3A_1690, %get3A_1691] {strides = array<i32>} : memref<16x256xi32, #tpu.memory_space<vmem>>, vector<16xi32>,
    %add3A_1693 = arith.addi %broadcast_in_dim3A_1, %get3A_1692 : vector<16xi32>
    %get3A_1694 = arith.constant 1 : i32
    %get3A_1695 = arith.index_cast %get3A_1694 : i32 to index
    %get3A_1696 = arith.constant 128 : index
    %get3A_1697 = tpu.vector_load %arg5[%get3A_1695, %get3A_1696] {strides = array<i32>} : memref<16x256xi32, #tpu.memory_space<vmem>>, vector<16xi32>,
    %add3A_1698 = arith.addi %add3A_1693, %get3A_1697 : vector<16xi32>
    %get3A_1699 = arith.constant 2 : i32
    %get3A_1700 = arith.index_cast %get3A_1699 : i32 to index
    %get3A_1701 = arith.constant 128 : index
    %get3A_1702 = tpu.vector_load %arg5[%get3A_1700, %get3A_1701] {strides = array<i32>} : memref<16x256xi32, #tpu.memory_space<vmem>>, vector<16xi32>,
    %add3A_1703 = arith.addi %add3A_1698, %get3A_1702 : vector<16xi32>
    %get3A_1704 = arith.constant 3 : i32
    %get3A_1705 = arith.index_cast %get3A_1704 : i32 to index
    %get3A_1706 = arith.constant 128 : index
    %get3A_1707 = tpu.vector_load %arg5[%get3A_1705, %get3A_1706] {strides = array<i32>} : memref<16x256xi32, #tpu.memory_space<vmem>>, vector<16xi32>,
    %add3A_1708 = arith.addi %add3A_1703, %get3A_1707 : vector<16xi32>
    %get3A_1709 = arith.constant 4 : i32
    %get3A_1710 = arith.index_cast %get3A_1709 : i32 to index
    %get3A_1711 = arith.constant 128 : index
    %get3A_1712 = tpu.vector_load %arg5[%get3A_1710, %get3A_1711] {strides = array<i32>} : memref<16x256xi32, #tpu.memory_space<vmem>>, vector<16xi32>,
    %add3A_1713 = arith.addi %add3A_1708, %get3A_1712 : vector<16xi32>
    %get3A_1714 = arith.constant 5 : i32
    %get3A_1715 = arith.index_cast %get3A_1714 : i32 to index
    %get3A_1716 = arith.constant 128 : index
    %get3A_1717 = tpu.vector_load %arg5[%get3A_1715, %get3A_1716] {strides = array<i32>} : memref<16x256xi32, #tpu.memory_space<vmem>>, vector<16xi32>,
    %add3A_1718 = arith.addi %add3A_1713, %get3A_1717 : vector<16xi32>
    %get3A_1719 = arith.constant 6 : i32
    %get3A_1720 = arith.index_cast %get3A_1719 : i32 to index
    %get3A_1721 = arith.constant 128 : index
    %get3A_1722 = tpu.vector_load %arg5[%get3A_1720, %get3A_1721] {strides = array<i32>} : memref<16x256xi32, #tpu.memory_space<vmem>>, vector<16xi32>,
    %add3A_1723 = arith.addi %add3A_1718, %get3A_1722 : vector<16xi32>
    %get3A_1724 = arith.constant 7 : i32
    %get3A_1725 = arith.index_cast %get3A_1724 : i32 to index
    %get3A_1726 = arith.constant 128 : index
    %get3A_1727 = tpu.vector_load %arg5[%get3A_1725, %get3A_1726] {strides = array<i32>} : memref<16x256xi32, #tpu.memory_space<vmem>>, vector<16xi32>,
    %add3A_1728 = arith.addi %add3A_1723, %get3A_1727 : vector<16xi32>
    %get3A_1729 = arith.constant 8 : i32
    %get3A_1730 = arith.index_cast %get3A_1729 : i32 to index
    %get3A_1731 = arith.constant 128 : index
    %get3A_1732 = tpu.vector_load %arg5[%get3A_1730, %get3A_1731] {strides = array<i32>} : memref<16x256xi32, #tpu.memory_space<vmem>>, vector<16xi32>,
    %add3A_1733 = arith.addi %add3A_1728, %get3A_1732 : vector<16xi32>
    %get3A_1734 = arith.constant 9 : i32
    %get3A_1735 = arith.index_cast %get3A_1734 : i32 to index
    %get3A_1736 = arith.constant 128 : index
    %get3A_1737 = tpu.vector_load %arg5[%get3A_1735, %get3A_1736] {strides = array<i32>} : memref<16x256xi32, #tpu.memory_space<vmem>>, vector<16xi32>,
    %add3A_1738 = arith.addi %add3A_1733, %get3A_1737 : vector<16xi32>
    %get3A_1739 = arith.constant 10 : i32
    %get3A_1740 = arith.index_cast %get3A_1739 : i32 to index
    %get3A_1741 = arith.constant 128 : index
    %get3A_1742 = tpu.vector_load %arg5[%get3A_1740, %get3A_1741] {strides = array<i32>} : memref<16x256xi32, #tpu.memory_space<vmem>>, vector<16xi32>,
    %add3A_1743 = arith.addi %add3A_1738, %get3A_1742 : vector<16xi32>
    %get3A_1744 = arith.constant 11 : i32
    %get3A_1745 = arith.index_cast %get3A_1744 : i32 to index
    %get3A_1746 = arith.constant 128 : index
    %get3A_1747 = tpu.vector_load %arg5[%get3A_1745, %get3A_1746] {strides = array<i32>} : memref<16x256xi32, #tpu.memory_space<vmem>>, vector<16xi32>,
    %add3A_1748 = arith.addi %add3A_1743, %get3A_1747 : vector<16xi32>
    %get3A_1749 = arith.constant 12 : i32
    %get3A_1750 = arith.index_cast %get3A_1749 : i32 to index
    %get3A_1751 = arith.constant 128 : index
    %get3A_1752 = tpu.vector_load %arg5[%get3A_1750, %get3A_1751] {strides = array<i32>} : memref<16x256xi32, #tpu.memory_space<vmem>>, vector<16xi32>,
    %add3A_1753 = arith.addi %add3A_1748, %get3A_1752 : vector<16xi32>
    %get3A_1754 = arith.constant 13 : i32
    %get3A_1755 = arith.index_cast %get3A_1754 : i32 to index
    %get3A_1756 = arith.constant 128 : index
    %get3A_1757 = tpu.vector_load %arg5[%get3A_1755, %get3A_1756] {strides = array<i32>} : memref<16x256xi32, #tpu.memory_space<vmem>>, vector<16xi32>,
    %add3A_1758 = arith.addi %add3A_1753, %get3A_1757 : vector<16xi32>
    %get3A_1759 = arith.constant 14 : i32
    %get3A_1760 = arith.index_cast %get3A_1759 : i32 to index
    %get3A_1761 = arith.constant 128 : index
    %get3A_1762 = tpu.vector_load %arg5[%get3A_1760, %get3A_1761] {strides = array<i32>} : memref<16x256xi32, #tpu.memory_space<vmem>>, vector<16xi32>,
    %add3A_1763 = arith.addi %add3A_1758, %get3A_1762 : vector<16xi32>
    %get3A_1764 = arith.constant 15 : i32
    %get3A_1765 = arith.index_cast %get3A_1764 : i32 to index
    %get3A_1766 = arith.constant 128 : index
    %get3A_1767 = tpu.vector_load %arg5[%get3A_1765, %get3A_1766] {strides = array<i32>} : memref<16x256xi32, #tpu.memory_space<vmem>>, vector<16xi32>,
    %add3A_1768 = arith.addi %add3A_1763, %get3A_1767 : vector<16xi32>
    %swap3A_1769 = arith.constant 128 : index
    %swap3A_1770 = tpu.vector_load %arg6[%swap3A_1769] {strides = array<i32>} : memref<256xi32, #tpu.memory_space<vmem>>, vector<16xi32>,
    tpu.vector_store %arg6[%swap3A_1769], %add3A_1768 {strides = array<i32>} : memref<256xi32, #tpu.memory_space<vmem>>, vector<16xi32>,
    %get3A_1771 = arith.constant 0 : i32
    %get3A_1772 = arith.index_cast %get3A_1771 : i32 to index
    %get3A_1773 = arith.constant 144 : index
    %get3A_1774 = tpu.vector_load %arg5[%get3A_1772, %get3A_1773] {strides = array<i32>} : memref<16x256xi32, #tpu.memory_space<vmem>>, vector<16xi32>,
    %add3A_1775 = arith.addi %broadcast_in_dim3A_1, %get3A_1774 : vector<16xi32>
    %get3A_1776 = arith.constant 1 : i32
    %get3A_1777 = arith.index_cast %get3A_1776 : i32 to index
    %get3A_1778 = arith.constant 144 : index
    %get3A_1779 = tpu.vector_load %arg5[%get3A_1777, %get3A_1778] {strides = array<i32>} : memref<16x256xi32, #tpu.memory_space<vmem>>, vector<16xi32>,
    %add3A_1780 = arith.addi %add3A_1775, %get3A_1779 : vector<16xi32>
    %get3A_1781 = arith.constant 2 : i32
    %get3A_1782 = arith.index_cast %get3A_1781 : i32 to index
    %get3A_1783 = arith.constant 144 : index
    %get3A_1784 = tpu.vector_load %arg5[%get3A_1782, %get3A_1783] {strides = array<i32>} : memref<16x256xi32, #tpu.memory_space<vmem>>, vector<16xi32>,
    %add3A_1785 = arith.addi %add3A_1780, %get3A_1784 : vector<16xi32>
    %get3A_1786 = arith.constant 3 : i32
    %get3A_1787 = arith.index_cast %get3A_1786 : i32 to index
    %get3A_1788 = arith.constant 144 : index
    %get3A_1789 = tpu.vector_load %arg5[%get3A_1787, %get3A_1788] {strides = array<i32>} : memref<16x256xi32, #tpu.memory_space<vmem>>, vector<16xi32>,
    %add3A_1790 = arith.addi %add3A_1785, %get3A_1789 : vector<16xi32>
    %get3A_1791 = arith.constant 4 : i32
    %get3A_1792 = arith.index_cast %get3A_1791 : i32 to index
    %get3A_1793 = arith.constant 144 : index
    %get3A_1794 = tpu.vector_load %arg5[%get3A_1792, %get3A_1793] {strides = array<i32>} : memref<16x256xi32, #tpu.memory_space<vmem>>, vector<16xi32>,
    %add3A_1795 = arith.addi %add3A_1790, %get3A_1794 : vector<16xi32>
    %get3A_1796 = arith.constant 5 : i32
    %get3A_1797 = arith.index_cast %get3A_1796 : i32 to index
    %get3A_1798 = arith.constant 144 : index
    %get3A_1799 = tpu.vector_load %arg5[%get3A_1797, %get3A_1798] {strides = array<i32>} : memref<16x256xi32, #tpu.memory_space<vmem>>, vector<16xi32>,
    %add3A_1800 = arith.addi %add3A_1795, %get3A_1799 : vector<16xi32>
    %get3A_1801 = arith.constant 6 : i32
    %get3A_1802 = arith.index_cast %get3A_1801 : i32 to index
    %get3A_1803 = arith.constant 144 : index
    %get3A_1804 = tpu.vector_load %arg5[%get3A_1802, %get3A_1803] {strides = array<i32>} : memref<16x256xi32, #tpu.memory_space<vmem>>, vector<16xi32>,
    %add3A_1805 = arith.addi %add3A_1800, %get3A_1804 : vector<16xi32>
    %get3A_1806 = arith.constant 7 : i32
    %get3A_1807 = arith.index_cast %get3A_1806 : i32 to index
    %get3A_1808 = arith.constant 144 : index
    %get3A_1809 = tpu.vector_load %arg5[%get3A_1807, %get3A_1808] {strides = array<i32>} : memref<16x256xi32, #tpu.memory_space<vmem>>, vector<16xi32>,
    %add3A_1810 = arith.addi %add3A_1805, %get3A_1809 : vector<16xi32>
    %get3A_1811 = arith.constant 8 : i32
    %get3A_1812 = arith.index_cast %get3A_1811 : i32 to index
    %get3A_1813 = arith.constant 144 : index
    %get3A_1814 = tpu.vector_load %arg5[%get3A_1812, %get3A_1813] {strides = array<i32>} : memref<16x256xi32, #tpu.memory_space<vmem>>, vector<16xi32>,
    %add3A_1815 = arith.addi %add3A_1810, %get3A_1814 : vector<16xi32>
    %get3A_1816 = arith.constant 9 : i32
    %get3A_1817 = arith.index_cast %get3A_1816 : i32 to index
    %get3A_1818 = arith.constant 144 : index
    %get3A_1819 = tpu.vector_load %arg5[%get3A_1817, %get3A_1818] {strides = array<i32>} : memref<16x256xi32, #tpu.memory_space<vmem>>, vector<16xi32>,
    %add3A_1820 = arith.addi %add3A_1815, %get3A_1819 : vector<16xi32>
    %get3A_1821 = arith.constant 10 : i32
    %get3A_1822 = arith.index_cast %get3A_1821 : i32 to index
    %get3A_1823 = arith.constant 144 : index
    %get3A_1824 = tpu.vector_load %arg5[%get3A_1822, %get3A_1823] {strides = array<i32>} : memref<16x256xi32, #tpu.memory_space<vmem>>, vector<16xi32>,
    %add3A_1825 = arith.addi %add3A_1820, %get3A_1824 : vector<16xi32>
    %get3A_1826 = arith.constant 11 : i32
    %get3A_1827 = arith.index_cast %get3A_1826 : i32 to index
    %get3A_1828 = arith.constant 144 : index
    %get3A_1829 = tpu.vector_load %arg5[%get3A_1827, %get3A_1828] {strides = array<i32>} : memref<16x256xi32, #tpu.memory_space<vmem>>, vector<16xi32>,
    %add3A_1830 = arith.addi %add3A_1825, %get3A_1829 : vector<16xi32>
    %get3A_1831 = arith.constant 12 : i32
    %get3A_1832 = arith.index_cast %get3A_1831 : i32 to index
    %get3A_1833 = arith.constant 144 : index
    %get3A_1834 = tpu.vector_load %arg5[%get3A_1832, %get3A_1833] {strides = array<i32>} : memref<16x256xi32, #tpu.memory_space<vmem>>, vector<16xi32>,
    %add3A_1835 = arith.addi %add3A_1830, %get3A_1834 : vector<16xi32>
    %get3A_1836 = arith.constant 13 : i32
    %get3A_1837 = arith.index_cast %get3A_1836 : i32 to index
    %get3A_1838 = arith.constant 144 : index
    %get3A_1839 = tpu.vector_load %arg5[%get3A_1837, %get3A_1838] {strides = array<i32>} : memref<16x256xi32, #tpu.memory_space<vmem>>, vector<16xi32>,
    %add3A_1840 = arith.addi %add3A_1835, %get3A_1839 : vector<16xi32>
    %get3A_1841 = arith.constant 14 : i32
    %get3A_1842 = arith.index_cast %get3A_1841 : i32 to index
    %get3A_1843 = arith.constant 144 : index
    %get3A_1844 = tpu.vector_load %arg5[%get3A_1842, %get3A_1843] {strides = array<i32>} : memref<16x256xi32, #tpu.memory_space<vmem>>, vector<16xi32>,
    %add3A_1845 = arith.addi %add3A_1840, %get3A_1844 : vector<16xi32>
    %get3A_1846 = arith.constant 15 : i32
    %get3A_1847 = arith.index_cast %get3A_1846 : i32 to index
    %get3A_1848 = arith.constant 144 : index
    %get3A_1849 = tpu.vector_load %arg5[%get3A_1847, %get3A_1848] {strides = array<i32>} : memref<16x256xi32, #tpu.memory_space<vmem>>, vector<16xi32>,
    %add3A_1850 = arith.addi %add3A_1845, %get3A_1849 : vector<16xi32>
    %swap3A_1851 = arith.constant 144 : index
    %swap3A_1852 = tpu.vector_load %arg6[%swap3A_1851] {strides = array<i32>} : memref<256xi32, #tpu.memory_space<vmem>>, vector<16xi32>,
    tpu.vector_store %arg6[%swap3A_1851], %add3A_1850 {strides = array<i32>} : memref<256xi32, #tpu.memory_space<vmem>>, vector<16xi32>,
    %get3A_1853 = arith.constant 0 : i32
    %get3A_1854 = arith.index_cast %get3A_1853 : i32 to index
    %get3A_1855 = arith.constant 160 : index
    %get3A_1856 = tpu.vector_load %arg5[%get3A_1854, %get3A_1855] {strides = array<i32>} : memref<16x256xi32, #tpu.memory_space<vmem>>, vector<16xi32>,
    %add3A_1857 = arith.addi %broadcast_in_dim3A_1, %get3A_1856 : vector<16xi32>
    %get3A_1858 = arith.constant 1 : i32
    %get3A_1859 = arith.index_cast %get3A_1858 : i32 to index
    %get3A_1860 = arith.constant 160 : index
    %get3A_1861 = tpu.vector_load %arg5[%get3A_1859, %get3A_1860] {strides = array<i32>} : memref<16x256xi32, #tpu.memory_space<vmem>>, vector<16xi32>,
    %add3A_1862 = arith.addi %add3A_1857, %get3A_1861 : vector<16xi32>
    %get3A_1863 = arith.constant 2 : i32
    %get3A_1864 = arith.index_cast %get3A_1863 : i32 to index
    %get3A_1865 = arith.constant 160 : index
    %get3A_1866 = tpu.vector_load %arg5[%get3A_1864, %get3A_1865] {strides = array<i32>} : memref<16x256xi32, #tpu.memory_space<vmem>>, vector<16xi32>,
    %add3A_1867 = arith.addi %add3A_1862, %get3A_1866 : vector<16xi32>
    %get3A_1868 = arith.constant 3 : i32
    %get3A_1869 = arith.index_cast %get3A_1868 : i32 to index
    %get3A_1870 = arith.constant 160 : index
    %get3A_1871 = tpu.vector_load %arg5[%get3A_1869, %get3A_1870] {strides = array<i32>} : memref<16x256xi32, #tpu.memory_space<vmem>>, vector<16xi32>,
    %add3A_1872 = arith.addi %add3A_1867, %get3A_1871 : vector<16xi32>
    %get3A_1873 = arith.constant 4 : i32
    %get3A_1874 = arith.index_cast %get3A_1873 : i32 to index
    %get3A_1875 = arith.constant 160 : index
    %get3A_1876 = tpu.vector_load %arg5[%get3A_1874, %get3A_1875] {strides = array<i32>} : memref<16x256xi32, #tpu.memory_space<vmem>>, vector<16xi32>,
    %add3A_1877 = arith.addi %add3A_1872, %get3A_1876 : vector<16xi32>
    %get3A_1878 = arith.constant 5 : i32
    %get3A_1879 = arith.index_cast %get3A_1878 : i32 to index
    %get3A_1880 = arith.constant 160 : index
    %get3A_1881 = tpu.vector_load %arg5[%get3A_1879, %get3A_1880] {strides = array<i32>} : memref<16x256xi32, #tpu.memory_space<vmem>>, vector<16xi32>,
    %add3A_1882 = arith.addi %add3A_1877, %get3A_1881 : vector<16xi32>
    %get3A_1883 = arith.constant 6 : i32
    %get3A_1884 = arith.index_cast %get3A_1883 : i32 to index
    %get3A_1885 = arith.constant 160 : index
    %get3A_1886 = tpu.vector_load %arg5[%get3A_1884, %get3A_1885] {strides = array<i32>} : memref<16x256xi32, #tpu.memory_space<vmem>>, vector<16xi32>,
    %add3A_1887 = arith.addi %add3A_1882, %get3A_1886 : vector<16xi32>
    %get3A_1888 = arith.constant 7 : i32
    %get3A_1889 = arith.index_cast %get3A_1888 : i32 to index
    %get3A_1890 = arith.constant 160 : index
    %get3A_1891 = tpu.vector_load %arg5[%get3A_1889, %get3A_1890] {strides = array<i32>} : memref<16x256xi32, #tpu.memory_space<vmem>>, vector<16xi32>,
    %add3A_1892 = arith.addi %add3A_1887, %get3A_1891 : vector<16xi32>
    %get3A_1893 = arith.constant 8 : i32
    %get3A_1894 = arith.index_cast %get3A_1893 : i32 to index
    %get3A_1895 = arith.constant 160 : index
    %get3A_1896 = tpu.vector_load %arg5[%get3A_1894, %get3A_1895] {strides = array<i32>} : memref<16x256xi32, #tpu.memory_space<vmem>>, vector<16xi32>,
    %add3A_1897 = arith.addi %add3A_1892, %get3A_1896 : vector<16xi32>
    %get3A_1898 = arith.constant 9 : i32
    %get3A_1899 = arith.index_cast %get3A_1898 : i32 to index
    %get3A_1900 = arith.constant 160 : index
    %get3A_1901 = tpu.vector_load %arg5[%get3A_1899, %get3A_1900] {strides = array<i32>} : memref<16x256xi32, #tpu.memory_space<vmem>>, vector<16xi32>,
    %add3A_1902 = arith.addi %add3A_1897, %get3A_1901 : vector<16xi32>
    %get3A_1903 = arith.constant 10 : i32
    %get3A_1904 = arith.index_cast %get3A_1903 : i32 to index
    %get3A_1905 = arith.constant 160 : index
    %get3A_1906 = tpu.vector_load %arg5[%get3A_1904, %get3A_1905] {strides = array<i32>} : memref<16x256xi32, #tpu.memory_space<vmem>>, vector<16xi32>,
    %add3A_1907 = arith.addi %add3A_1902, %get3A_1906 : vector<16xi32>
    %get3A_1908 = arith.constant 11 : i32
    %get3A_1909 = arith.index_cast %get3A_1908 : i32 to index
    %get3A_1910 = arith.constant 160 : index
    %get3A_1911 = tpu.vector_load %arg5[%get3A_1909, %get3A_1910] {strides = array<i32>} : memref<16x256xi32, #tpu.memory_space<vmem>>, vector<16xi32>,
    %add3A_1912 = arith.addi %add3A_1907, %get3A_1911 : vector<16xi32>
    %get3A_1913 = arith.constant 12 : i32
    %get3A_1914 = arith.index_cast %get3A_1913 : i32 to index
    %get3A_1915 = arith.constant 160 : index
    %get3A_1916 = tpu.vector_load %arg5[%get3A_1914, %get3A_1915] {strides = array<i32>} : memref<16x256xi32, #tpu.memory_space<vmem>>, vector<16xi32>,
    %add3A_1917 = arith.addi %add3A_1912, %get3A_1916 : vector<16xi32>
    %get3A_1918 = arith.constant 13 : i32
    %get3A_1919 = arith.index_cast %get3A_1918 : i32 to index
    %get3A_1920 = arith.constant 160 : index
    %get3A_1921 = tpu.vector_load %arg5[%get3A_1919, %get3A_1920] {strides = array<i32>} : memref<16x256xi32, #tpu.memory_space<vmem>>, vector<16xi32>,
    %add3A_1922 = arith.addi %add3A_1917, %get3A_1921 : vector<16xi32>
    %get3A_1923 = arith.constant 14 : i32
    %get3A_1924 = arith.index_cast %get3A_1923 : i32 to index
    %get3A_1925 = arith.constant 160 : index
    %get3A_1926 = tpu.vector_load %arg5[%get3A_1924, %get3A_1925] {strides = array<i32>} : memref<16x256xi32, #tpu.memory_space<vmem>>, vector<16xi32>,
    %add3A_1927 = arith.addi %add3A_1922, %get3A_1926 : vector<16xi32>
    %get3A_1928 = arith.constant 15 : i32
    %get3A_1929 = arith.index_cast %get3A_1928 : i32 to index
    %get3A_1930 = arith.constant 160 : index
    %get3A_1931 = tpu.vector_load %arg5[%get3A_1929, %get3A_1930] {strides = array<i32>} : memref<16x256xi32, #tpu.memory_space<vmem>>, vector<16xi32>,
    %add3A_1932 = arith.addi %add3A_1927, %get3A_1931 : vector<16xi32>
    %swap3A_1933 = arith.constant 160 : index
    %swap3A_1934 = tpu.vector_load %arg6[%swap3A_1933] {strides = array<i32>} : memref<256xi32, #tpu.memory_space<vmem>>, vector<16xi32>,
    tpu.vector_store %arg6[%swap3A_1933], %add3A_1932 {strides = array<i32>} : memref<256xi32, #tpu.memory_space<vmem>>, vector<16xi32>,
    %get3A_1935 = arith.constant 0 : i32
    %get3A_1936 = arith.index_cast %get3A_1935 : i32 to index
    %get3A_1937 = arith.constant 176 : index
    %get3A_1938 = tpu.vector_load %arg5[%get3A_1936, %get3A_1937] {strides = array<i32>} : memref<16x256xi32, #tpu.memory_space<vmem>>, vector<16xi32>,
    %add3A_1939 = arith.addi %broadcast_in_dim3A_1, %get3A_1938 : vector<16xi32>
    %get3A_1940 = arith.constant 1 : i32
    %get3A_1941 = arith.index_cast %get3A_1940 : i32 to index
    %get3A_1942 = arith.constant 176 : index
    %get3A_1943 = tpu.vector_load %arg5[%get3A_1941, %get3A_1942] {strides = array<i32>} : memref<16x256xi32, #tpu.memory_space<vmem>>, vector<16xi32>,
    %add3A_1944 = arith.addi %add3A_1939, %get3A_1943 : vector<16xi32>
    %get3A_1945 = arith.constant 2 : i32
    %get3A_1946 = arith.index_cast %get3A_1945 : i32 to index
    %get3A_1947 = arith.constant 176 : index
    %get3A_1948 = tpu.vector_load %arg5[%get3A_1946, %get3A_1947] {strides = array<i32>} : memref<16x256xi32, #tpu.memory_space<vmem>>, vector<16xi32>,
    %add3A_1949 = arith.addi %add3A_1944, %get3A_1948 : vector<16xi32>
    %get3A_1950 = arith.constant 3 : i32
    %get3A_1951 = arith.index_cast %get3A_1950 : i32 to index
    %get3A_1952 = arith.constant 176 : index
    %get3A_1953 = tpu.vector_load %arg5[%get3A_1951, %get3A_1952] {strides = array<i32>} : memref<16x256xi32, #tpu.memory_space<vmem>>, vector<16xi32>,
    %add3A_1954 = arith.addi %add3A_1949, %get3A_1953 : vector<16xi32>
    %get3A_1955 = arith.constant 4 : i32
    %get3A_1956 = arith.index_cast %get3A_1955 : i32 to index
    %get3A_1957 = arith.constant 176 : index
    %get3A_1958 = tpu.vector_load %arg5[%get3A_1956, %get3A_1957] {strides = array<i32>} : memref<16x256xi32, #tpu.memory_space<vmem>>, vector<16xi32>,
    %add3A_1959 = arith.addi %add3A_1954, %get3A_1958 : vector<16xi32>
    %get3A_1960 = arith.constant 5 : i32
    %get3A_1961 = arith.index_cast %get3A_1960 : i32 to index
    %get3A_1962 = arith.constant 176 : index
    %get3A_1963 = tpu.vector_load %arg5[%get3A_1961, %get3A_1962] {strides = array<i32>} : memref<16x256xi32, #tpu.memory_space<vmem>>, vector<16xi32>,
    %add3A_1964 = arith.addi %add3A_1959, %get3A_1963 : vector<16xi32>
    %get3A_1965 = arith.constant 6 : i32
    %get3A_1966 = arith.index_cast %get3A_1965 : i32 to index
    %get3A_1967 = arith.constant 176 : index
    %get3A_1968 = tpu.vector_load %arg5[%get3A_1966, %get3A_1967] {strides = array<i32>} : memref<16x256xi32, #tpu.memory_space<vmem>>, vector<16xi32>,
    %add3A_1969 = arith.addi %add3A_1964, %get3A_1968 : vector<16xi32>
    %get3A_1970 = arith.constant 7 : i32
    %get3A_1971 = arith.index_cast %get3A_1970 : i32 to index
    %get3A_1972 = arith.constant 176 : index
    %get3A_1973 = tpu.vector_load %arg5[%get3A_1971, %get3A_1972] {strides = array<i32>} : memref<16x256xi32, #tpu.memory_space<vmem>>, vector<16xi32>,
    %add3A_1974 = arith.addi %add3A_1969, %get3A_1973 : vector<16xi32>
    %get3A_1975 = arith.constant 8 : i32
    %get3A_1976 = arith.index_cast %get3A_1975 : i32 to index
    %get3A_1977 = arith.constant 176 : index
    %get3A_1978 = tpu.vector_load %arg5[%get3A_1976, %get3A_1977] {strides = array<i32>} : memref<16x256xi32, #tpu.memory_space<vmem>>, vector<16xi32>,
    %add3A_1979 = arith.addi %add3A_1974, %get3A_1978 : vector<16xi32>
    %get3A_1980 = arith.constant 9 : i32
    %get3A_1981 = arith.index_cast %get3A_1980 : i32 to index
    %get3A_1982 = arith.constant 176 : index
    %get3A_1983 = tpu.vector_load %arg5[%get3A_1981, %get3A_1982] {strides = array<i32>} : memref<16x256xi32, #tpu.memory_space<vmem>>, vector<16xi32>,
    %add3A_1984 = arith.addi %add3A_1979, %get3A_1983 : vector<16xi32>
    %get3A_1985 = arith.constant 10 : i32
    %get3A_1986 = arith.index_cast %get3A_1985 : i32 to index
    %get3A_1987 = arith.constant 176 : index
    %get3A_1988 = tpu.vector_load %arg5[%get3A_1986, %get3A_1987] {strides = array<i32>} : memref<16x256xi32, #tpu.memory_space<vmem>>, vector<16xi32>,
    %add3A_1989 = arith.addi %add3A_1984, %get3A_1988 : vector<16xi32>
    %get3A_1990 = arith.constant 11 : i32
    %get3A_1991 = arith.index_cast %get3A_1990 : i32 to index
    %get3A_1992 = arith.constant 176 : index
    %get3A_1993 = tpu.vector_load %arg5[%get3A_1991, %get3A_1992] {strides = array<i32>} : memref<16x256xi32, #tpu.memory_space<vmem>>, vector<16xi32>,
    %add3A_1994 = arith.addi %add3A_1989, %get3A_1993 : vector<16xi32>
    %get3A_1995 = arith.constant 12 : i32
    %get3A_1996 = arith.index_cast %get3A_1995 : i32 to index
    %get3A_1997 = arith.constant 176 : index
    %get3A_1998 = tpu.vector_load %arg5[%get3A_1996, %get3A_1997] {strides = array<i32>} : memref<16x256xi32, #tpu.memory_space<vmem>>, vector<16xi32>,
    %add3A_1999 = arith.addi %add3A_1994, %get3A_1998 : vector<16xi32>
    %get3A_2000 = arith.constant 13 : i32
    %get3A_2001 = arith.index_cast %get3A_2000 : i32 to index
    %get3A_2002 = arith.constant 176 : index
    %get3A_2003 = tpu.vector_load %arg5[%get3A_2001, %get3A_2002] {strides = array<i32>} : memref<16x256xi32, #tpu.memory_space<vmem>>, vector<16xi32>,
    %add3A_2004 = arith.addi %add3A_1999, %get3A_2003 : vector<16xi32>
    %get3A_2005 = arith.constant 14 : i32
    %get3A_2006 = arith.index_cast %get3A_2005 : i32 to index
    %get3A_2007 = arith.constant 176 : index
    %get3A_2008 = tpu.vector_load %arg5[%get3A_2006, %get3A_2007] {strides = array<i32>} : memref<16x256xi32, #tpu.memory_space<vmem>>, vector<16xi32>,
    %add3A_2009 = arith.addi %add3A_2004, %get3A_2008 : vector<16xi32>
    %get3A_2010 = arith.constant 15 : i32
    %get3A_2011 = arith.index_cast %get3A_2010 : i32 to index
    %get3A_2012 = arith.constant 176 : index
    %get3A_2013 = tpu.vector_load %arg5[%get3A_2011, %get3A_2012] {strides = array<i32>} : memref<16x256xi32, #tpu.memory_space<vmem>>, vector<16xi32>,
    %add3A_2014 = arith.addi %add3A_2009, %get3A_2013 : vector<16xi32>
    %swap3A_2015 = arith.constant 176 : index
    %swap3A_2016 = tpu.vector_load %arg6[%swap3A_2015] {strides = array<i32>} : memref<256xi32, #tpu.memory_space<vmem>>, vector<16xi32>,
    tpu.vector_store %arg6[%swap3A_2015], %add3A_2014 {strides = array<i32>} : memref<256xi32, #tpu.memory_space<vmem>>, vector<16xi32>,
    %get3A_2017 = arith.constant 0 : i32
    %get3A_2018 = arith.index_cast %get3A_2017 : i32 to index
    %get3A_2019 = arith.constant 192 : index
    %get3A_2020 = tpu.vector_load %arg5[%get3A_2018, %get3A_2019] {strides = array<i32>} : memref<16x256xi32, #tpu.memory_space<vmem>>, vector<16xi32>,
    %add3A_2021 = arith.addi %broadcast_in_dim3A_1, %get3A_2020 : vector<16xi32>
    %get3A_2022 = arith.constant 1 : i32
    %get3A_2023 = arith.index_cast %get3A_2022 : i32 to index
    %get3A_2024 = arith.constant 192 : index
    %get3A_2025 = tpu.vector_load %arg5[%get3A_2023, %get3A_2024] {strides = array<i32>} : memref<16x256xi32, #tpu.memory_space<vmem>>, vector<16xi32>,
    %add3A_2026 = arith.addi %add3A_2021, %get3A_2025 : vector<16xi32>
    %get3A_2027 = arith.constant 2 : i32
    %get3A_2028 = arith.index_cast %get3A_2027 : i32 to index
    %get3A_2029 = arith.constant 192 : index
    %get3A_2030 = tpu.vector_load %arg5[%get3A_2028, %get3A_2029] {strides = array<i32>} : memref<16x256xi32, #tpu.memory_space<vmem>>, vector<16xi32>,
    %add3A_2031 = arith.addi %add3A_2026, %get3A_2030 : vector<16xi32>
    %get3A_2032 = arith.constant 3 : i32
    %get3A_2033 = arith.index_cast %get3A_2032 : i32 to index
    %get3A_2034 = arith.constant 192 : index
    %get3A_2035 = tpu.vector_load %arg5[%get3A_2033, %get3A_2034] {strides = array<i32>} : memref<16x256xi32, #tpu.memory_space<vmem>>, vector<16xi32>,
    %add3A_2036 = arith.addi %add3A_2031, %get3A_2035 : vector<16xi32>
    %get3A_2037 = arith.constant 4 : i32
    %get3A_2038 = arith.index_cast %get3A_2037 : i32 to index
    %get3A_2039 = arith.constant 192 : index
    %get3A_2040 = tpu.vector_load %arg5[%get3A_2038, %get3A_2039] {strides = array<i32>} : memref<16x256xi32, #tpu.memory_space<vmem>>, vector<16xi32>,
    %add3A_2041 = arith.addi %add3A_2036, %get3A_2040 : vector<16xi32>
    %get3A_2042 = arith.constant 5 : i32
    %get3A_2043 = arith.index_cast %get3A_2042 : i32 to index
    %get3A_2044 = arith.constant 192 : index
    %get3A_2045 = tpu.vector_load %arg5[%get3A_2043, %get3A_2044] {strides = array<i32>} : memref<16x256xi32, #tpu.memory_space<vmem>>, vector<16xi32>,
    %add3A_2046 = arith.addi %add3A_2041, %get3A_2045 : vector<16xi32>
    %get3A_2047 = arith.constant 6 : i32
    %get3A_2048 = arith.index_cast %get3A_2047 : i32 to index
    %get3A_2049 = arith.constant 192 : index
    %get3A_2050 = tpu.vector_load %arg5[%get3A_2048, %get3A_2049] {strides = array<i32>} : memref<16x256xi32, #tpu.memory_space<vmem>>, vector<16xi32>,
    %add3A_2051 = arith.addi %add3A_2046, %get3A_2050 : vector<16xi32>
    %get3A_2052 = arith.constant 7 : i32
    %get3A_2053 = arith.index_cast %get3A_2052 : i32 to index
    %get3A_2054 = arith.constant 192 : index
    %get3A_2055 = tpu.vector_load %arg5[%get3A_2053, %get3A_2054] {strides = array<i32>} : memref<16x256xi32, #tpu.memory_space<vmem>>, vector<16xi32>,
    %add3A_2056 = arith.addi %add3A_2051, %get3A_2055 : vector<16xi32>
    %get3A_2057 = arith.constant 8 : i32
    %get3A_2058 = arith.index_cast %get3A_2057 : i32 to index
    %get3A_2059 = arith.constant 192 : index
    %get3A_2060 = tpu.vector_load %arg5[%get3A_2058, %get3A_2059] {strides = array<i32>} : memref<16x256xi32, #tpu.memory_space<vmem>>, vector<16xi32>,
    %add3A_2061 = arith.addi %add3A_2056, %get3A_2060 : vector<16xi32>
    %get3A_2062 = arith.constant 9 : i32
    %get3A_2063 = arith.index_cast %get3A_2062 : i32 to index
    %get3A_2064 = arith.constant 192 : index
    %get3A_2065 = tpu.vector_load %arg5[%get3A_2063, %get3A_2064] {strides = array<i32>} : memref<16x256xi32, #tpu.memory_space<vmem>>, vector<16xi32>,
    %add3A_2066 = arith.addi %add3A_2061, %get3A_2065 : vector<16xi32>
    %get3A_2067 = arith.constant 10 : i32
    %get3A_2068 = arith.index_cast %get3A_2067 : i32 to index
    %get3A_2069 = arith.constant 192 : index
    %get3A_2070 = tpu.vector_load %arg5[%get3A_2068, %get3A_2069] {strides = array<i32>} : memref<16x256xi32, #tpu.memory_space<vmem>>, vector<16xi32>,
    %add3A_2071 = arith.addi %add3A_2066, %get3A_2070 : vector<16xi32>
    %get3A_2072 = arith.constant 11 : i32
    %get3A_2073 = arith.index_cast %get3A_2072 : i32 to index
    %get3A_2074 = arith.constant 192 : index
    %get3A_2075 = tpu.vector_load %arg5[%get3A_2073, %get3A_2074] {strides = array<i32>} : memref<16x256xi32, #tpu.memory_space<vmem>>, vector<16xi32>,
    %add3A_2076 = arith.addi %add3A_2071, %get3A_2075 : vector<16xi32>
    %get3A_2077 = arith.constant 12 : i32
    %get3A_2078 = arith.index_cast %get3A_2077 : i32 to index
    %get3A_2079 = arith.constant 192 : index
    %get3A_2080 = tpu.vector_load %arg5[%get3A_2078, %get3A_2079] {strides = array<i32>} : memref<16x256xi32, #tpu.memory_space<vmem>>, vector<16xi32>,
    %add3A_2081 = arith.addi %add3A_2076, %get3A_2080 : vector<16xi32>
    %get3A_2082 = arith.constant 13 : i32
    %get3A_2083 = arith.index_cast %get3A_2082 : i32 to index
    %get3A_2084 = arith.constant 192 : index
    %get3A_2085 = tpu.vector_load %arg5[%get3A_2083, %get3A_2084] {strides = array<i32>} : memref<16x256xi32, #tpu.memory_space<vmem>>, vector<16xi32>,
    %add3A_2086 = arith.addi %add3A_2081, %get3A_2085 : vector<16xi32>
    %get3A_2087 = arith.constant 14 : i32
    %get3A_2088 = arith.index_cast %get3A_2087 : i32 to index
    %get3A_2089 = arith.constant 192 : index
    %get3A_2090 = tpu.vector_load %arg5[%get3A_2088, %get3A_2089] {strides = array<i32>} : memref<16x256xi32, #tpu.memory_space<vmem>>, vector<16xi32>,
    %add3A_2091 = arith.addi %add3A_2086, %get3A_2090 : vector<16xi32>
    %get3A_2092 = arith.constant 15 : i32
    %get3A_2093 = arith.index_cast %get3A_2092 : i32 to index
    %get3A_2094 = arith.constant 192 : index
    %get3A_2095 = tpu.vector_load %arg5[%get3A_2093, %get3A_2094] {strides = array<i32>} : memref<16x256xi32, #tpu.memory_space<vmem>>, vector<16xi32>,
    %add3A_2096 = arith.addi %add3A_2091, %get3A_2095 : vector<16xi32>
    %swap3A_2097 = arith.constant 192 : index
    %swap3A_2098 = tpu.vector_load %arg6[%swap3A_2097] {strides = array<i32>} : memref<256xi32, #tpu.memory_space<vmem>>, vector<16xi32>,
    tpu.vector_store %arg6[%swap3A_2097], %add3A_2096 {strides = array<i32>} : memref<256xi32, #tpu.memory_space<vmem>>, vector<16xi32>,
    %get3A_2099 = arith.constant 0 : i32
    %get3A_2100 = arith.index_cast %get3A_2099 : i32 to index
    %get3A_2101 = arith.constant 208 : index
    %get3A_2102 = tpu.vector_load %arg5[%get3A_2100, %get3A_2101] {strides = array<i32>} : memref<16x256xi32, #tpu.memory_space<vmem>>, vector<16xi32>,
    %add3A_2103 = arith.addi %broadcast_in_dim3A_1, %get3A_2102 : vector<16xi32>
    %get3A_2104 = arith.constant 1 : i32
    %get3A_2105 = arith.index_cast %get3A_2104 : i32 to index
    %get3A_2106 = arith.constant 208 : index
    %get3A_2107 = tpu.vector_load %arg5[%get3A_2105, %get3A_2106] {strides = array<i32>} : memref<16x256xi32, #tpu.memory_space<vmem>>, vector<16xi32>,
    %add3A_2108 = arith.addi %add3A_2103, %get3A_2107 : vector<16xi32>
    %get3A_2109 = arith.constant 2 : i32
    %get3A_2110 = arith.index_cast %get3A_2109 : i32 to index
    %get3A_2111 = arith.constant 208 : index
    %get3A_2112 = tpu.vector_load %arg5[%get3A_2110, %get3A_2111] {strides = array<i32>} : memref<16x256xi32, #tpu.memory_space<vmem>>, vector<16xi32>,
    %add3A_2113 = arith.addi %add3A_2108, %get3A_2112 : vector<16xi32>
    %get3A_2114 = arith.constant 3 : i32
    %get3A_2115 = arith.index_cast %get3A_2114 : i32 to index
    %get3A_2116 = arith.constant 208 : index
    %get3A_2117 = tpu.vector_load %arg5[%get3A_2115, %get3A_2116] {strides = array<i32>} : memref<16x256xi32, #tpu.memory_space<vmem>>, vector<16xi32>,
    %add3A_2118 = arith.addi %add3A_2113, %get3A_2117 : vector<16xi32>
    %get3A_2119 = arith.constant 4 : i32
    %get3A_2120 = arith.index_cast %get3A_2119 : i32 to index
    %get3A_2121 = arith.constant 208 : index
    %get3A_2122 = tpu.vector_load %arg5[%get3A_2120, %get3A_2121] {strides = array<i32>} : memref<16x256xi32, #tpu.memory_space<vmem>>, vector<16xi32>,
    %add3A_2123 = arith.addi %add3A_2118, %get3A_2122 : vector<16xi32>
    %get3A_2124 = arith.constant 5 : i32
    %get3A_2125 = arith.index_cast %get3A_2124 : i32 to index
    %get3A_2126 = arith.constant 208 : index
    %get3A_2127 = tpu.vector_load %arg5[%get3A_2125, %get3A_2126] {strides = array<i32>} : memref<16x256xi32, #tpu.memory_space<vmem>>, vector<16xi32>,
    %add3A_2128 = arith.addi %add3A_2123, %get3A_2127 : vector<16xi32>
    %get3A_2129 = arith.constant 6 : i32
    %get3A_2130 = arith.index_cast %get3A_2129 : i32 to index
    %get3A_2131 = arith.constant 208 : index
    %get3A_2132 = tpu.vector_load %arg5[%get3A_2130, %get3A_2131] {strides = array<i32>} : memref<16x256xi32, #tpu.memory_space<vmem>>, vector<16xi32>,
    %add3A_2133 = arith.addi %add3A_2128, %get3A_2132 : vector<16xi32>
    %get3A_2134 = arith.constant 7 : i32
    %get3A_2135 = arith.index_cast %get3A_2134 : i32 to index
    %get3A_2136 = arith.constant 208 : index
    %get3A_2137 = tpu.vector_load %arg5[%get3A_2135, %get3A_2136] {strides = array<i32>} : memref<16x256xi32, #tpu.memory_space<vmem>>, vector<16xi32>,
    %add3A_2138 = arith.addi %add3A_2133, %get3A_2137 : vector<16xi32>
    %get3A_2139 = arith.constant 8 : i32
    %get3A_2140 = arith.index_cast %get3A_2139 : i32 to index
    %get3A_2141 = arith.constant 208 : index
    %get3A_2142 = tpu.vector_load %arg5[%get3A_2140, %get3A_2141] {strides = array<i32>} : memref<16x256xi32, #tpu.memory_space<vmem>>, vector<16xi32>,
    %add3A_2143 = arith.addi %add3A_2138, %get3A_2142 : vector<16xi32>
    %get3A_2144 = arith.constant 9 : i32
    %get3A_2145 = arith.index_cast %get3A_2144 : i32 to index
    %get3A_2146 = arith.constant 208 : index
    %get3A_2147 = tpu.vector_load %arg5[%get3A_2145, %get3A_2146] {strides = array<i32>} : memref<16x256xi32, #tpu.memory_space<vmem>>, vector<16xi32>,
    %add3A_2148 = arith.addi %add3A_2143, %get3A_2147 : vector<16xi32>
    %get3A_2149 = arith.constant 10 : i32
    %get3A_2150 = arith.index_cast %get3A_2149 : i32 to index
    %get3A_2151 = arith.constant 208 : index
    %get3A_2152 = tpu.vector_load %arg5[%get3A_2150, %get3A_2151] {strides = array<i32>} : memref<16x256xi32, #tpu.memory_space<vmem>>, vector<16xi32>,
    %add3A_2153 = arith.addi %add3A_2148, %get3A_2152 : vector<16xi32>
    %get3A_2154 = arith.constant 11 : i32
    %get3A_2155 = arith.index_cast %get3A_2154 : i32 to index
    %get3A_2156 = arith.constant 208 : index
    %get3A_2157 = tpu.vector_load %arg5[%get3A_2155, %get3A_2156] {strides = array<i32>} : memref<16x256xi32, #tpu.memory_space<vmem>>, vector<16xi32>,
    %add3A_2158 = arith.addi %add3A_2153, %get3A_2157 : vector<16xi32>
    %get3A_2159 = arith.constant 12 : i32
    %get3A_2160 = arith.index_cast %get3A_2159 : i32 to index
    %get3A_2161 = arith.constant 208 : index
    %get3A_2162 = tpu.vector_load %arg5[%get3A_2160, %get3A_2161] {strides = array<i32>} : memref<16x256xi32, #tpu.memory_space<vmem>>, vector<16xi32>,
    %add3A_2163 = arith.addi %add3A_2158, %get3A_2162 : vector<16xi32>
    %get3A_2164 = arith.constant 13 : i32
    %get3A_2165 = arith.index_cast %get3A_2164 : i32 to index
    %get3A_2166 = arith.constant 208 : index
    %get3A_2167 = tpu.vector_load %arg5[%get3A_2165, %get3A_2166] {strides = array<i32>} : memref<16x256xi32, #tpu.memory_space<vmem>>, vector<16xi32>,
    %add3A_2168 = arith.addi %add3A_2163, %get3A_2167 : vector<16xi32>
    %get3A_2169 = arith.constant 14 : i32
    %get3A_2170 = arith.index_cast %get3A_2169 : i32 to index
    %get3A_2171 = arith.constant 208 : index
    %get3A_2172 = tpu.vector_load %arg5[%get3A_2170, %get3A_2171] {strides = array<i32>} : memref<16x256xi32, #tpu.memory_space<vmem>>, vector<16xi32>,
    %add3A_2173 = arith.addi %add3A_2168, %get3A_2172 : vector<16xi32>
    %get3A_2174 = arith.constant 15 : i32
    %get3A_2175 = arith.index_cast %get3A_2174 : i32 to index
    %get3A_2176 = arith.constant 208 : index
    %get3A_2177 = tpu.vector_load %arg5[%get3A_2175, %get3A_2176] {strides = array<i32>} : memref<16x256xi32, #tpu.memory_space<vmem>>, vector<16xi32>,
    %add3A_2178 = arith.addi %add3A_2173, %get3A_2177 : vector<16xi32>
    %swap3A_2179 = arith.constant 208 : index
    %swap3A_2180 = tpu.vector_load %arg6[%swap3A_2179] {strides = array<i32>} : memref<256xi32, #tpu.memory_space<vmem>>, vector<16xi32>,
    tpu.vector_store %arg6[%swap3A_2179], %add3A_2178 {strides = array<i32>} : memref<256xi32, #tpu.memory_space<vmem>>, vector<16xi32>,
    %get3A_2181 = arith.constant 0 : i32
    %get3A_2182 = arith.index_cast %get3A_2181 : i32 to index
    %get3A_2183 = arith.constant 224 : index
    %get3A_2184 = tpu.vector_load %arg5[%get3A_2182, %get3A_2183] {strides = array<i32>} : memref<16x256xi32, #tpu.memory_space<vmem>>, vector<16xi32>,
    %add3A_2185 = arith.addi %broadcast_in_dim3A_1, %get3A_2184 : vector<16xi32>
    %get3A_2186 = arith.constant 1 : i32
    %get3A_2187 = arith.index_cast %get3A_2186 : i32 to index
    %get3A_2188 = arith.constant 224 : index
    %get3A_2189 = tpu.vector_load %arg5[%get3A_2187, %get3A_2188] {strides = array<i32>} : memref<16x256xi32, #tpu.memory_space<vmem>>, vector<16xi32>,
    %add3A_2190 = arith.addi %add3A_2185, %get3A_2189 : vector<16xi32>
    %get3A_2191 = arith.constant 2 : i32
    %get3A_2192 = arith.index_cast %get3A_2191 : i32 to index
    %get3A_2193 = arith.constant 224 : index
    %get3A_2194 = tpu.vector_load %arg5[%get3A_2192, %get3A_2193] {strides = array<i32>} : memref<16x256xi32, #tpu.memory_space<vmem>>, vector<16xi32>,
    %add3A_2195 = arith.addi %add3A_2190, %get3A_2194 : vector<16xi32>
    %get3A_2196 = arith.constant 3 : i32
    %get3A_2197 = arith.index_cast %get3A_2196 : i32 to index
    %get3A_2198 = arith.constant 224 : index
    %get3A_2199 = tpu.vector_load %arg5[%get3A_2197, %get3A_2198] {strides = array<i32>} : memref<16x256xi32, #tpu.memory_space<vmem>>, vector<16xi32>,
    %add3A_2200 = arith.addi %add3A_2195, %get3A_2199 : vector<16xi32>
    %get3A_2201 = arith.constant 4 : i32
    %get3A_2202 = arith.index_cast %get3A_2201 : i32 to index
    %get3A_2203 = arith.constant 224 : index
    %get3A_2204 = tpu.vector_load %arg5[%get3A_2202, %get3A_2203] {strides = array<i32>} : memref<16x256xi32, #tpu.memory_space<vmem>>, vector<16xi32>,
    %add3A_2205 = arith.addi %add3A_2200, %get3A_2204 : vector<16xi32>
    %get3A_2206 = arith.constant 5 : i32
    %get3A_2207 = arith.index_cast %get3A_2206 : i32 to index
    %get3A_2208 = arith.constant 224 : index
    %get3A_2209 = tpu.vector_load %arg5[%get3A_2207, %get3A_2208] {strides = array<i32>} : memref<16x256xi32, #tpu.memory_space<vmem>>, vector<16xi32>,
    %add3A_2210 = arith.addi %add3A_2205, %get3A_2209 : vector<16xi32>
    %get3A_2211 = arith.constant 6 : i32
    %get3A_2212 = arith.index_cast %get3A_2211 : i32 to index
    %get3A_2213 = arith.constant 224 : index
    %get3A_2214 = tpu.vector_load %arg5[%get3A_2212, %get3A_2213] {strides = array<i32>} : memref<16x256xi32, #tpu.memory_space<vmem>>, vector<16xi32>,
    %add3A_2215 = arith.addi %add3A_2210, %get3A_2214 : vector<16xi32>
    %get3A_2216 = arith.constant 7 : i32
    %get3A_2217 = arith.index_cast %get3A_2216 : i32 to index
    %get3A_2218 = arith.constant 224 : index
    %get3A_2219 = tpu.vector_load %arg5[%get3A_2217, %get3A_2218] {strides = array<i32>} : memref<16x256xi32, #tpu.memory_space<vmem>>, vector<16xi32>,
    %add3A_2220 = arith.addi %add3A_2215, %get3A_2219 : vector<16xi32>
    %get3A_2221 = arith.constant 8 : i32
    %get3A_2222 = arith.index_cast %get3A_2221 : i32 to index
    %get3A_2223 = arith.constant 224 : index
    %get3A_2224 = tpu.vector_load %arg5[%get3A_2222, %get3A_2223] {strides = array<i32>} : memref<16x256xi32, #tpu.memory_space<vmem>>, vector<16xi32>,
    %add3A_2225 = arith.addi %add3A_2220, %get3A_2224 : vector<16xi32>
    %get3A_2226 = arith.constant 9 : i32
    %get3A_2227 = arith.index_cast %get3A_2226 : i32 to index
    %get3A_2228 = arith.constant 224 : index
    %get3A_2229 = tpu.vector_load %arg5[%get3A_2227, %get3A_2228] {strides = array<i32>} : memref<16x256xi32, #tpu.memory_space<vmem>>, vector<16xi32>,
    %add3A_2230 = arith.addi %add3A_2225, %get3A_2229 : vector<16xi32>
    %get3A_2231 = arith.constant 10 : i32
    %get3A_2232 = arith.index_cast %get3A_2231 : i32 to index
    %get3A_2233 = arith.constant 224 : index
    %get3A_2234 = tpu.vector_load %arg5[%get3A_2232, %get3A_2233] {strides = array<i32>} : memref<16x256xi32, #tpu.memory_space<vmem>>, vector<16xi32>,
    %add3A_2235 = arith.addi %add3A_2230, %get3A_2234 : vector<16xi32>
    %get3A_2236 = arith.constant 11 : i32
    %get3A_2237 = arith.index_cast %get3A_2236 : i32 to index
    %get3A_2238 = arith.constant 224 : index
    %get3A_2239 = tpu.vector_load %arg5[%get3A_2237, %get3A_2238] {strides = array<i32>} : memref<16x256xi32, #tpu.memory_space<vmem>>, vector<16xi32>,
    %add3A_2240 = arith.addi %add3A_2235, %get3A_2239 : vector<16xi32>
    %get3A_2241 = arith.constant 12 : i32
    %get3A_2242 = arith.index_cast %get3A_2241 : i32 to index
    %get3A_2243 = arith.constant 224 : index
    %get3A_2244 = tpu.vector_load %arg5[%get3A_2242, %get3A_2243] {strides = array<i32>} : memref<16x256xi32, #tpu.memory_space<vmem>>, vector<16xi32>,
    %add3A_2245 = arith.addi %add3A_2240, %get3A_2244 : vector<16xi32>
    %get3A_2246 = arith.constant 13 : i32
    %get3A_2247 = arith.index_cast %get3A_2246 : i32 to index
    %get3A_2248 = arith.constant 224 : index
    %get3A_2249 = tpu.vector_load %arg5[%get3A_2247, %get3A_2248] {strides = array<i32>} : memref<16x256xi32, #tpu.memory_space<vmem>>, vector<16xi32>,
    %add3A_2250 = arith.addi %add3A_2245, %get3A_2249 : vector<16xi32>
    %get3A_2251 = arith.constant 14 : i32
    %get3A_2252 = arith.index_cast %get3A_2251 : i32 to index
    %get3A_2253 = arith.constant 224 : index
    %get3A_2254 = tpu.vector_load %arg5[%get3A_2252, %get3A_2253] {strides = array<i32>} : memref<16x256xi32, #tpu.memory_space<vmem>>, vector<16xi32>,
    %add3A_2255 = arith.addi %add3A_2250, %get3A_2254 : vector<16xi32>
    %get3A_2256 = arith.constant 15 : i32
    %get3A_2257 = arith.index_cast %get3A_2256 : i32 to index
    %get3A_2258 = arith.constant 224 : index
    %get3A_2259 = tpu.vector_load %arg5[%get3A_2257, %get3A_2258] {strides = array<i32>} : memref<16x256xi32, #tpu.memory_space<vmem>>, vector<16xi32>,
    %add3A_2260 = arith.addi %add3A_2255, %get3A_2259 : vector<16xi32>
    %swap3A_2261 = arith.constant 224 : index
    %swap3A_2262 = tpu.vector_load %arg6[%swap3A_2261] {strides = array<i32>} : memref<256xi32, #tpu.memory_space<vmem>>, vector<16xi32>,
    tpu.vector_store %arg6[%swap3A_2261], %add3A_2260 {strides = array<i32>} : memref<256xi32, #tpu.memory_space<vmem>>, vector<16xi32>,
    %get3A_2263 = arith.constant 0 : i32
    %get3A_2264 = arith.index_cast %get3A_2263 : i32 to index
    %get3A_2265 = arith.constant 240 : index
    %get3A_2266 = tpu.vector_load %arg5[%get3A_2264, %get3A_2265] {strides = array<i32>} : memref<16x256xi32, #tpu.memory_space<vmem>>, vector<16xi32>,
    %add3A_2267 = arith.addi %broadcast_in_dim3A_1, %get3A_2266 : vector<16xi32>
    %get3A_2268 = arith.constant 1 : i32
    %get3A_2269 = arith.index_cast %get3A_2268 : i32 to index
    %get3A_2270 = arith.constant 240 : index
    %get3A_2271 = tpu.vector_load %arg5[%get3A_2269, %get3A_2270] {strides = array<i32>} : memref<16x256xi32, #tpu.memory_space<vmem>>, vector<16xi32>,
    %add3A_2272 = arith.addi %add3A_2267, %get3A_2271 : vector<16xi32>
    %get3A_2273 = arith.constant 2 : i32
    %get3A_2274 = arith.index_cast %get3A_2273 : i32 to index
    %get3A_2275 = arith.constant 240 : index
    %get3A_2276 = tpu.vector_load %arg5[%get3A_2274, %get3A_2275] {strides = array<i32>} : memref<16x256xi32, #tpu.memory_space<vmem>>, vector<16xi32>,
    %add3A_2277 = arith.addi %add3A_2272, %get3A_2276 : vector<16xi32>
    %get3A_2278 = arith.constant 3 : i32
    %get3A_2279 = arith.index_cast %get3A_2278 : i32 to index
    %get3A_2280 = arith.constant 240 : index
    %get3A_2281 = tpu.vector_load %arg5[%get3A_2279, %get3A_2280] {strides = array<i32>} : memref<16x256xi32, #tpu.memory_space<vmem>>, vector<16xi32>,
    %add3A_2282 = arith.addi %add3A_2277, %get3A_2281 : vector<16xi32>
    %get3A_2283 = arith.constant 4 : i32
    %get3A_2284 = arith.index_cast %get3A_2283 : i32 to index
    %get3A_2285 = arith.constant 240 : index
    %get3A_2286 = tpu.vector_load %arg5[%get3A_2284, %get3A_2285] {strides = array<i32>} : memref<16x256xi32, #tpu.memory_space<vmem>>, vector<16xi32>,
    %add3A_2287 = arith.addi %add3A_2282, %get3A_2286 : vector<16xi32>
    %get3A_2288 = arith.constant 5 : i32
    %get3A_2289 = arith.index_cast %get3A_2288 : i32 to index
    %get3A_2290 = arith.constant 240 : index
    %get3A_2291 = tpu.vector_load %arg5[%get3A_2289, %get3A_2290] {strides = array<i32>} : memref<16x256xi32, #tpu.memory_space<vmem>>, vector<16xi32>,
    %add3A_2292 = arith.addi %add3A_2287, %get3A_2291 : vector<16xi32>
    %get3A_2293 = arith.constant 6 : i32
    %get3A_2294 = arith.index_cast %get3A_2293 : i32 to index
    %get3A_2295 = arith.constant 240 : index
    %get3A_2296 = tpu.vector_load %arg5[%get3A_2294, %get3A_2295] {strides = array<i32>} : memref<16x256xi32, #tpu.memory_space<vmem>>, vector<16xi32>,
    %add3A_2297 = arith.addi %add3A_2292, %get3A_2296 : vector<16xi32>
    %get3A_2298 = arith.constant 7 : i32
    %get3A_2299 = arith.index_cast %get3A_2298 : i32 to index
    %get3A_2300 = arith.constant 240 : index
    %get3A_2301 = tpu.vector_load %arg5[%get3A_2299, %get3A_2300] {strides = array<i32>} : memref<16x256xi32, #tpu.memory_space<vmem>>, vector<16xi32>,
    %add3A_2302 = arith.addi %add3A_2297, %get3A_2301 : vector<16xi32>
    %get3A_2303 = arith.constant 8 : i32
    %get3A_2304 = arith.index_cast %get3A_2303 : i32 to index
    %get3A_2305 = arith.constant 240 : index
    %get3A_2306 = tpu.vector_load %arg5[%get3A_2304, %get3A_2305] {strides = array<i32>} : memref<16x256xi32, #tpu.memory_space<vmem>>, vector<16xi32>,
    %add3A_2307 = arith.addi %add3A_2302, %get3A_2306 : vector<16xi32>
    %get3A_2308 = arith.constant 9 : i32
    %get3A_2309 = arith.index_cast %get3A_2308 : i32 to index
    %get3A_2310 = arith.constant 240 : index
    %get3A_2311 = tpu.vector_load %arg5[%get3A_2309, %get3A_2310] {strides = array<i32>} : memref<16x256xi32, #tpu.memory_space<vmem>>, vector<16xi32>,
    %add3A_2312 = arith.addi %add3A_2307, %get3A_2311 : vector<16xi32>
    %get3A_2313 = arith.constant 10 : i32
    %get3A_2314 = arith.index_cast %get3A_2313 : i32 to index
    %get3A_2315 = arith.constant 240 : index
    %get3A_2316 = tpu.vector_load %arg5[%get3A_2314, %get3A_2315] {strides = array<i32>} : memref<16x256xi32, #tpu.memory_space<vmem>>, vector<16xi32>,
    %add3A_2317 = arith.addi %add3A_2312, %get3A_2316 : vector<16xi32>
    %get3A_2318 = arith.constant 11 : i32
    %get3A_2319 = arith.index_cast %get3A_2318 : i32 to index
    %get3A_2320 = arith.constant 240 : index
    %get3A_2321 = tpu.vector_load %arg5[%get3A_2319, %get3A_2320] {strides = array<i32>} : memref<16x256xi32, #tpu.memory_space<vmem>>, vector<16xi32>,
    %add3A_2322 = arith.addi %add3A_2317, %get3A_2321 : vector<16xi32>
    %get3A_2323 = arith.constant 12 : i32
    %get3A_2324 = arith.index_cast %get3A_2323 : i32 to index
    %get3A_2325 = arith.constant 240 : index
    %get3A_2326 = tpu.vector_load %arg5[%get3A_2324, %get3A_2325] {strides = array<i32>} : memref<16x256xi32, #tpu.memory_space<vmem>>, vector<16xi32>,
    %add3A_2327 = arith.addi %add3A_2322, %get3A_2326 : vector<16xi32>
    %get3A_2328 = arith.constant 13 : i32
    %get3A_2329 = arith.index_cast %get3A_2328 : i32 to index
    %get3A_2330 = arith.constant 240 : index
    %get3A_2331 = tpu.vector_load %arg5[%get3A_2329, %get3A_2330] {strides = array<i32>} : memref<16x256xi32, #tpu.memory_space<vmem>>, vector<16xi32>,
    %add3A_2332 = arith.addi %add3A_2327, %get3A_2331 : vector<16xi32>
    %get3A_2333 = arith.constant 14 : i32
    %get3A_2334 = arith.index_cast %get3A_2333 : i32 to index
    %get3A_2335 = arith.constant 240 : index
    %get3A_2336 = tpu.vector_load %arg5[%get3A_2334, %get3A_2335] {strides = array<i32>} : memref<16x256xi32, #tpu.memory_space<vmem>>, vector<16xi32>,
    %add3A_2337 = arith.addi %add3A_2332, %get3A_2336 : vector<16xi32>
    %get3A_2338 = arith.constant 15 : i32
    %get3A_2339 = arith.index_cast %get3A_2338 : i32 to index
    %get3A_2340 = arith.constant 240 : index
    %get3A_2341 = tpu.vector_load %arg5[%get3A_2339, %get3A_2340] {strides = array<i32>} : memref<16x256xi32, #tpu.memory_space<vmem>>, vector<16xi32>,
    %add3A_2342 = arith.addi %add3A_2337, %get3A_2341 : vector<16xi32>
    %swap3A_2343 = arith.constant 240 : index
    %swap3A_2344 = tpu.vector_load %arg6[%swap3A_2343] {strides = array<i32>} : memref<256xi32, #tpu.memory_space<vmem>>, vector<16xi32>,
    tpu.vector_store %arg6[%swap3A_2343], %add3A_2342 {strides = array<i32>} : memref<256xi32, #tpu.memory_space<vmem>>, vector<16xi32>,
    "tpu.region"() ({
      %run_scoped3A = tpu.sem_alloc : memref<!tpu.dma_semaphore, #tpu.memory_space<semaphore_mem>>
      %dma_start3A = arith.constant 0 : i32
      %dma_start3A_2345 = tpu.memref_slice %arg3[%add3A, %dma_start3A] : memref<32x256xi32, #tpu.memory_space<hbm>> -> memref<1x256xi32, #tpu.memory_space<hbm>>
      %dma_start3A_2346 = tpu.memref_squeeze %dma_start3A_2345 : memref<1x256xi32, #tpu.memory_space<hbm>> -> memref<256xi32, #tpu.memory_space<hbm>>
      %dma_start3A_2347 = arith.constant 0 : i32
      %dma_start3A_2348 = tpu.memref_slice %arg3[%add3A, %dma_start3A_2347] : memref<32x256xi32, #tpu.memory_space<hbm>> -> memref<1x256xi32, #tpu.memory_space<hbm>>
      %dma_start3A_2349 = tpu.memref_squeeze %dma_start3A_2348 : memref<1x256xi32, #tpu.memory_space<hbm>> -> memref<256xi32, #tpu.memory_space<hbm>>
      tpu.enqueue_dma source(%arg6 : memref<256xi32, #tpu.memory_space<vmem>>) target(%dma_start3A_2349 : memref<256xi32, #tpu.memory_space<hbm>>) target_semaphore(%run_scoped3A : memref<!tpu.dma_semaphore, #tpu.memory_space<semaphore_mem>>)
      %dma_wait3A = arith.constant 0 : i32
      %dma_wait3A_2350 = tpu.memref_slice %arg3[%add3A, %dma_wait3A] : memref<32x256xi32, #tpu.memory_space<hbm>> -> memref<1x256xi32, #tpu.memory_space<hbm>>
      %dma_wait3A_2351 = tpu.memref_squeeze %dma_wait3A_2350 : memref<1x256xi32, #tpu.memory_space<hbm>> -> memref<256xi32, #tpu.memory_space<hbm>>
      %dma_wait3A_2352 = arith.constant 0 : i32
      %dma_wait3A_2353 = tpu.memref_slice %arg3[%add3A, %dma_wait3A_2352] : memref<32x256xi32, #tpu.memory_space<hbm>> -> memref<1x256xi32, #tpu.memory_space<hbm>>
      %dma_wait3A_2354 = tpu.memref_squeeze %dma_wait3A_2353 : memref<1x256xi32, #tpu.memory_space<hbm>> -> memref<256xi32, #tpu.memory_space<hbm>>
      tpu.wait_dma2 semaphore(%run_scoped3A : memref<!tpu.dma_semaphore, #tpu.memory_space<semaphore_mem>>) src(%arg6 : memref<256xi32, #tpu.memory_space<vmem>>) dst(%dma_wait3A_2354 : memref<256xi32, #tpu.memory_space<hbm>>)
      tpu.yield
    }) : () -> ()
    return
  }
}

module attributes {stable_mosaic.version = 14 : i64} {
  func.func @_b1_body(%arg0: i32, %arg1: memref<128x2048xi32, #tpu.memory_space<vmem>>, %arg2: memref<1x128x2048xf32, #tpu.memory_space<vmem>>, %arg3: memref<1x128x2048xf32, #tpu.memory_space<vmem>>, %arg4: memref<1x128x2048xf32, #tpu.memory_space<vmem>>, %arg5: memref<1x128x2048xf32, #tpu.memory_space<vmem>>, %arg6: memref<1x128x2048xf32, #tpu.memory_space<vmem>>, %arg7: memref<1x128x2048xf32, #tpu.memory_space<vmem>>, %arg8: memref<1x1xf32, #tpu.memory_space<smem>>, %arg9: memref<1x1xi32, #tpu.memory_space<smem>>, %arg10: memref<1x1xf32, #tpu.memory_space<smem>>, %arg11: memref<1x1xf32, #tpu.memory_space<smem>>, %arg12: memref<1x1xf32, #tpu.memory_space<smem>>, %arg13: memref<1x1xf32, #tpu.memory_space<smem>>) attributes {dimension_semantics = [#tpu.dimension_semantics<arbitrary>], iteration_bounds = array<i64: 8>, scalar_prefetch = 0 : i64, scratch_operands = 0 : i64, tpu.core_type = #tpu.core_type<tc>, window_params = [{transform_indices = @transform_0, window_bounds = array<i64: 128, 2048>}, {transform_indices = @transform_1, window_bounds = array<i64: 1, 128, 2048>}, {transform_indices = @transform_2, window_bounds = array<i64: 1, 128, 2048>}, {transform_indices = @transform_3, window_bounds = array<i64: 1, 128, 2048>}, {transform_indices = @transform_4, window_bounds = array<i64: 1, 128, 2048>}, {transform_indices = @transform_5, window_bounds = array<i64: 1, 128, 2048>}, {transform_indices = @transform_6, window_bounds = array<i64: 1, 128, 2048>}, {transform_indices = @transform_7, window_bounds = array<i64: 1, 1>}, {transform_indices = @transform_8, window_bounds = array<i64: 1, 1>}, {transform_indices = @transform_9, window_bounds = array<i64: 1, 1>}, {transform_indices = @transform_10, window_bounds = array<i64: 1, 1>}, {transform_indices = @transform_11, window_bounds = array<i64: 1, 1>}, {transform_indices = @transform_12, window_bounds = array<i64: 1, 1>}]} {
    %eq3A = arith.constant 0 : i32
    %eq3A_0 = arith.cmpi eq, %arg0, %eq3A : i32
    %convert_element_type3A = arith.extui %eq3A_0 : i1 to i32
    %cond3A = arith.constant 0 : i32
    %cond3A_1 = arith.cmpi ne, %convert_element_type3A, %cond3A : i32
    scf.if %cond3A_1 {
      %swap3A = arith.constant -1.000000e+00 : f32
      %swap3A_115 = arith.constant 0 : index
      %swap3A_116 = arith.constant 0 : index
      %swap3A_117 = memref.load %arg8[%swap3A_115, %swap3A_116] : memref<1x1xf32, #tpu.memory_space<smem>>
      memref.store %swap3A, %arg8[%swap3A_115, %swap3A_116] : memref<1x1xf32, #tpu.memory_space<smem>>
      %swap3A_118 = arith.constant 0 : i32
      %swap3A_119 = arith.constant 0 : index
      %swap3A_120 = arith.constant 0 : index
      %swap3A_121 = memref.load %arg9[%swap3A_119, %swap3A_120] : memref<1x1xi32, #tpu.memory_space<smem>>
      memref.store %swap3A_118, %arg9[%swap3A_119, %swap3A_120] : memref<1x1xi32, #tpu.memory_space<smem>>
      %swap3A_122 = arith.constant 0.000000e+00 : f32
      %swap3A_123 = arith.constant 0 : index
      %swap3A_124 = arith.constant 0 : index
      %swap3A_125 = memref.load %arg10[%swap3A_123, %swap3A_124] : memref<1x1xf32, #tpu.memory_space<smem>>
      memref.store %swap3A_122, %arg10[%swap3A_123, %swap3A_124] : memref<1x1xf32, #tpu.memory_space<smem>>
      %swap3A_126 = arith.constant 0.000000e+00 : f32
      %swap3A_127 = arith.constant 0 : index
      %swap3A_128 = arith.constant 0 : index
      %swap3A_129 = memref.load %arg11[%swap3A_127, %swap3A_128] : memref<1x1xf32, #tpu.memory_space<smem>>
      memref.store %swap3A_126, %arg11[%swap3A_127, %swap3A_128] : memref<1x1xf32, #tpu.memory_space<smem>>
      %swap3A_130 = arith.constant 0.000000e+00 : f32
      %swap3A_131 = arith.constant 0 : index
      %swap3A_132 = arith.constant 0 : index
      %swap3A_133 = memref.load %arg12[%swap3A_131, %swap3A_132] : memref<1x1xf32, #tpu.memory_space<smem>>
      memref.store %swap3A_130, %arg12[%swap3A_131, %swap3A_132] : memref<1x1xf32, #tpu.memory_space<smem>>
      %swap3A_134 = arith.constant 0.000000e+00 : f32
      %swap3A_135 = arith.constant 0 : index
      %swap3A_136 = arith.constant 0 : index
      %swap3A_137 = memref.load %arg13[%swap3A_135, %swap3A_136] : memref<1x1xf32, #tpu.memory_space<smem>>
      memref.store %swap3A_134, %arg13[%swap3A_135, %swap3A_136] : memref<1x1xf32, #tpu.memory_space<smem>>
    } else {
    }
    %get3A = arith.constant 0 : index
    %get3A_2 = arith.constant 0 : index
    %get3A_3 = arith.constant 0 : index
    %get3A_4 = vector.load %arg7[%get3A, %get3A_2, %get3A_3] : memref<1x128x2048xf32, #tpu.memory_space<vmem>>, vector<1x128x2048xf32>
    %get3A_5 = vector.shape_cast %get3A_4 : vector<1x128x2048xf32> to vector<128x2048xf32>
    %get3A_6 = arith.constant 0 : index
    %get3A_7 = arith.constant 0 : index
    %get3A_8 = arith.constant 0 : index
    %get3A_9 = vector.load %arg6[%get3A_6, %get3A_7, %get3A_8] : memref<1x128x2048xf32, #tpu.memory_space<vmem>>, vector<1x128x2048xf32>
    %get3A_10 = vector.shape_cast %get3A_9 : vector<1x128x2048xf32> to vector<128x2048xf32>
    %sub3A = arith.subf %get3A_5, %get3A_10 : vector<128x2048xf32>
    %logistic3A = arith.negf %sub3A : vector<128x2048xf32>
    %logistic3A_11 = math.exp %logistic3A : vector<128x2048xf32>
    %logistic3A_12 = arith.constant 1.000000e+00 : f32
    %logistic3A_13 = vector.broadcast %logistic3A_12 : f32 to vector<128x2048xf32>
    %logistic3A_14 = arith.addf %logistic3A_13, %logistic3A_11 : vector<128x2048xf32>
    %logistic3A_15 = arith.divf %logistic3A_13, %logistic3A_14 : vector<128x2048xf32>
    %get3A_16 = arith.constant 0 : index
    %get3A_17 = arith.constant 0 : index
    %get3A_18 = vector.load %arg1[%get3A_16, %get3A_17] : memref<128x2048xi32, #tpu.memory_space<vmem>>, vector<128x2048xi32>
    %convert_element_type3A_19 = arith.sitofp %get3A_18 : vector<128x2048xi32> to vector<128x2048xf32>
    %mul3A = arith.mulf %logistic3A_15, %convert_element_type3A_19 : vector<128x2048xf32>
    %reduce_max3A = vector.shape_cast %mul3A : vector<128x2048xf32> to vector<1x128x2048xf32>
    %reduce_max3A_20 = arith.constant dense<0xFF800000> : vector<1xf32>
    %reduce_max3A_21 = vector.multi_reduction <maximumf>, %reduce_max3A, %reduce_max3A_20 [1, 2] : vector<1x128x2048xf32> to vector<1xf32>
    %reduce_max3A_22 = vector.shape_cast %reduce_max3A_21 : vector<1xf32> to vector<1x1x1xf32>
    %reduce_max3A_23 = vector.extract %reduce_max3A_22[0, 0, 0] : f32 from vector<1x1x1xf32>
    %iota3A = tpu.iota {dimensions = array<i32: 0>} : vector<128x2048xi32>
    %iota3A_24 = tpu.iota {dimensions = array<i32: 1>} : vector<128x2048xi32>
    %mul3A_25 = arith.constant 2048 : i32
    %mul3A_26 = vector.broadcast %mul3A_25 : i32 to vector<128x2048xi32>
    %mul3A_27 = arith.muli %iota3A, %mul3A_26 : vector<128x2048xi32>
    %add3A = arith.addi %mul3A_27, %iota3A_24 : vector<128x2048xi32>
    %eq3A_28 = vector.broadcast %reduce_max3A_23 : f32 to vector<128x2048xf32>
    %eq3A_29 = arith.cmpf oeq, %mul3A, %eq3A_28 : vector<128x2048xf32>
    %jit3A = arith.constant 1073741824 : i32
    %broadcast_in_dim3A = vector.broadcast %jit3A : i32 to vector<128x2048xi32>
    %select_n3A = arith.select %eq3A_29, %add3A, %broadcast_in_dim3A : vector<128x2048xi1>, vector<128x2048xi32>
    %reduce_min3A = vector.shape_cast %select_n3A : vector<128x2048xi32> to vector<1x128x2048xi32>
    %reduce_min3A_30 = arith.constant dense<2147483647> : vector<1xi32>
    %reduce_min3A_31 = vector.multi_reduction <minsi>, %reduce_min3A, %reduce_min3A_30 [1, 2] : vector<1x128x2048xi32> to vector<1xi32>
    %reduce_min3A_32 = vector.shape_cast %reduce_min3A_31 : vector<1xi32> to vector<1x1x1xi32>
    %reduce_min3A_33 = vector.extract %reduce_min3A_32[0, 0, 0] : i32 from vector<1x1x1xi32>
    %eq3A_34 = vector.broadcast %reduce_min3A_33 : i32 to vector<128x2048xi32>
    %eq3A_35 = arith.cmpi eq, %add3A, %eq3A_34 : vector<128x2048xi32>
    %get3A_36 = arith.constant 0 : index
    %get3A_37 = arith.constant 0 : index
    %get3A_38 = arith.constant 0 : index
    %get3A_39 = vector.load %arg2[%get3A_36, %get3A_37, %get3A_38] : memref<1x128x2048xf32, #tpu.memory_space<vmem>>, vector<1x128x2048xf32>
    %get3A_40 = vector.shape_cast %get3A_39 : vector<1x128x2048xf32> to vector<128x2048xf32>
    %get3A_41 = arith.constant 0 : index
    %get3A_42 = arith.constant 0 : index
    %get3A_43 = arith.constant 0 : index
    %get3A_44 = vector.load %arg3[%get3A_41, %get3A_42, %get3A_43] : memref<1x128x2048xf32, #tpu.memory_space<vmem>>, vector<1x128x2048xf32>
    %get3A_45 = vector.shape_cast %get3A_44 : vector<1x128x2048xf32> to vector<128x2048xf32>
    %convert_element_type3A_46 = arith.sitofp %iota3A_24 : vector<128x2048xi32> to vector<128x2048xf32>
    %mul3A_47 = arith.constant 9.77039569E-4 : f32
    %mul3A_48 = vector.broadcast %mul3A_47 : f32 to vector<128x2048xf32>
    %mul3A_49 = arith.mulf %convert_element_type3A_46, %mul3A_48 : vector<128x2048xf32>
    %mul3A_50 = arith.constant 128 : i32
    %mul3A_51 = arith.muli %arg0, %mul3A_50 : i32
    %add3A_52 = vector.broadcast %mul3A_51 : i32 to vector<128x2048xi32>
    %add3A_53 = arith.addi %add3A_52, %iota3A : vector<128x2048xi32>
    %convert_element_type3A_54 = arith.sitofp %add3A_53 : vector<128x2048xi32> to vector<128x2048xf32>
    %mul3A_55 = arith.constant 9.77517105E-4 : f32
    %mul3A_56 = vector.broadcast %mul3A_55 : f32 to vector<128x2048xf32>
    %mul3A_57 = arith.mulf %convert_element_type3A_54, %mul3A_56 : vector<128x2048xf32>
    %tanh3A = math.tanh %get3A_40 : vector<128x2048xf32>
    %add3A_58 = arith.addf %tanh3A, %mul3A_49 : vector<128x2048xf32>
    %tanh3A_59 = math.tanh %get3A_45 : vector<128x2048xf32>
    %add3A_60 = arith.addf %tanh3A_59, %mul3A_57 : vector<128x2048xf32>
    %jit3A_61 = arith.constant 0.000000e+00 : f32
    %broadcast_in_dim3A_62 = vector.broadcast %jit3A_61 : f32 to vector<128x2048xf32>
    %select_n3A_63 = arith.select %eq3A_35, %add3A_58, %broadcast_in_dim3A_62 : vector<128x2048xi1>, vector<128x2048xf32>
    %reduce_sum3A = vector.shape_cast %select_n3A_63 : vector<128x2048xf32> to vector<1x128x2048xf32>
    %reduce_sum3A_64 = arith.constant dense<0.000000e+00> : vector<1xf32>
    %reduce_sum3A_65 = vector.multi_reduction <add>, %reduce_sum3A, %reduce_sum3A_64 [1, 2] : vector<1x128x2048xf32> to vector<1xf32>
    %reduce_sum3A_66 = vector.shape_cast %reduce_sum3A_65 : vector<1xf32> to vector<1x1x1xf32>
    %reduce_sum3A_67 = vector.extract %reduce_sum3A_66[0, 0, 0] : f32 from vector<1x1x1xf32>
    %jit3A_68 = arith.constant 0.000000e+00 : f32
    %broadcast_in_dim3A_69 = vector.broadcast %jit3A_68 : f32 to vector<128x2048xf32>
    %select_n3A_70 = arith.select %eq3A_35, %add3A_60, %broadcast_in_dim3A_69 : vector<128x2048xi1>, vector<128x2048xf32>
    %reduce_sum3A_71 = vector.shape_cast %select_n3A_70 : vector<128x2048xf32> to vector<1x128x2048xf32>
    %reduce_sum3A_72 = arith.constant dense<0.000000e+00> : vector<1xf32>
    %reduce_sum3A_73 = vector.multi_reduction <add>, %reduce_sum3A_71, %reduce_sum3A_72 [1, 2] : vector<1x128x2048xf32> to vector<1xf32>
    %reduce_sum3A_74 = vector.shape_cast %reduce_sum3A_73 : vector<1xf32> to vector<1x1x1xf32>
    %reduce_sum3A_75 = vector.extract %reduce_sum3A_74[0, 0, 0] : f32 from vector<1x1x1xf32>
    %get3A_76 = arith.constant 0 : index
    %get3A_77 = arith.constant 0 : index
    %get3A_78 = arith.constant 0 : index
    %get3A_79 = vector.load %arg4[%get3A_76, %get3A_77, %get3A_78] : memref<1x128x2048xf32, #tpu.memory_space<vmem>>, vector<1x128x2048xf32>
    %get3A_80 = vector.shape_cast %get3A_79 : vector<1x128x2048xf32> to vector<128x2048xf32>
    %mul3A_81 = arith.constant 1.000000e+01 : f32
    %mul3A_82 = vector.broadcast %mul3A_81 : f32 to vector<128x2048xf32>
    %mul3A_83 = arith.mulf %get3A_80, %mul3A_82 : vector<128x2048xf32>
    %exp3A = math.exp %mul3A_83 : vector<128x2048xf32>
    %jit3A_84 = arith.constant 0.000000e+00 : f32
    %broadcast_in_dim3A_85 = vector.broadcast %jit3A_84 : f32 to vector<128x2048xf32>
    %select_n3A_86 = arith.select %eq3A_35, %exp3A, %broadcast_in_dim3A_85 : vector<128x2048xi1>, vector<128x2048xf32>
    %reduce_sum3A_87 = vector.shape_cast %select_n3A_86 : vector<128x2048xf32> to vector<1x128x2048xf32>
    %reduce_sum3A_88 = arith.constant dense<0.000000e+00> : vector<1xf32>
    %reduce_sum3A_89 = vector.multi_reduction <add>, %reduce_sum3A_87, %reduce_sum3A_88 [1, 2] : vector<1x128x2048xf32> to vector<1xf32>
    %reduce_sum3A_90 = vector.shape_cast %reduce_sum3A_89 : vector<1xf32> to vector<1x1x1xf32>
    %reduce_sum3A_91 = vector.extract %reduce_sum3A_90[0, 0, 0] : f32 from vector<1x1x1xf32>
    %get3A_92 = arith.constant 0 : index
    %get3A_93 = arith.constant 0 : index
    %get3A_94 = arith.constant 0 : index
    %get3A_95 = vector.load %arg5[%get3A_92, %get3A_93, %get3A_94] : memref<1x128x2048xf32, #tpu.memory_space<vmem>>, vector<1x128x2048xf32>
    %get3A_96 = vector.shape_cast %get3A_95 : vector<1x128x2048xf32> to vector<128x2048xf32>
    %mul3A_97 = arith.constant 1.000000e+01 : f32
    %mul3A_98 = vector.broadcast %mul3A_97 : f32 to vector<128x2048xf32>
    %mul3A_99 = arith.mulf %get3A_96, %mul3A_98 : vector<128x2048xf32>
    %exp3A_100 = math.exp %mul3A_99 : vector<128x2048xf32>
    %jit3A_101 = arith.constant 0.000000e+00 : f32
    %broadcast_in_dim3A_102 = vector.broadcast %jit3A_101 : f32 to vector<128x2048xf32>
    %select_n3A_103 = arith.select %eq3A_35, %exp3A_100, %broadcast_in_dim3A_102 : vector<128x2048xi1>, vector<128x2048xf32>
    %reduce_sum3A_104 = vector.shape_cast %select_n3A_103 : vector<128x2048xf32> to vector<1x128x2048xf32>
    %reduce_sum3A_105 = arith.constant dense<0.000000e+00> : vector<1xf32>
    %reduce_sum3A_106 = vector.multi_reduction <add>, %reduce_sum3A_104, %reduce_sum3A_105 [1, 2] : vector<1x128x2048xf32> to vector<1xf32>
    %reduce_sum3A_107 = vector.shape_cast %reduce_sum3A_106 : vector<1xf32> to vector<1x1x1xf32>
    %reduce_sum3A_108 = vector.extract %reduce_sum3A_107[0, 0, 0] : f32 from vector<1x1x1xf32>
    %get3A_109 = arith.constant 0 : index
    %get3A_110 = arith.constant 0 : index
    %get3A_111 = memref.load %arg8[%get3A_109, %get3A_110] : memref<1x1xf32, #tpu.memory_space<smem>>
    %gt3A = arith.cmpf ogt, %reduce_max3A_23, %get3A_111 : f32
    %convert_element_type3A_112 = arith.extui %gt3A : i1 to i32
    %cond3A_113 = arith.constant 0 : i32
    %cond3A_114 = arith.cmpi ne, %convert_element_type3A_112, %cond3A_113 : i32
    scf.if %cond3A_114 {
      %swap3A = arith.constant 0 : index
      %swap3A_115 = arith.constant 0 : index
      %swap3A_116 = memref.load %arg8[%swap3A, %swap3A_115] : memref<1x1xf32, #tpu.memory_space<smem>>
      memref.store %reduce_max3A_23, %arg8[%swap3A, %swap3A_115] : memref<1x1xf32, #tpu.memory_space<smem>>
      %mul3A_117 = arith.constant 262144 : i32
      %mul3A_118 = arith.muli %arg0, %mul3A_117 : i32
      %add3A_119 = arith.addi %mul3A_118, %reduce_min3A_33 : i32
      %swap3A_120 = arith.constant 0 : index
      %swap3A_121 = arith.constant 0 : index
      %swap3A_122 = memref.load %arg9[%swap3A_120, %swap3A_121] : memref<1x1xi32, #tpu.memory_space<smem>>
      memref.store %add3A_119, %arg9[%swap3A_120, %swap3A_121] : memref<1x1xi32, #tpu.memory_space<smem>>
      %swap3A_123 = arith.constant 0 : index
      %swap3A_124 = arith.constant 0 : index
      %swap3A_125 = memref.load %arg10[%swap3A_123, %swap3A_124] : memref<1x1xf32, #tpu.memory_space<smem>>
      memref.store %reduce_sum3A_67, %arg10[%swap3A_123, %swap3A_124] : memref<1x1xf32, #tpu.memory_space<smem>>
      %swap3A_126 = arith.constant 0 : index
      %swap3A_127 = arith.constant 0 : index
      %swap3A_128 = memref.load %arg11[%swap3A_126, %swap3A_127] : memref<1x1xf32, #tpu.memory_space<smem>>
      memref.store %reduce_sum3A_75, %arg11[%swap3A_126, %swap3A_127] : memref<1x1xf32, #tpu.memory_space<smem>>
      %swap3A_129 = arith.constant 0 : index
      %swap3A_130 = arith.constant 0 : index
      %swap3A_131 = memref.load %arg12[%swap3A_129, %swap3A_130] : memref<1x1xf32, #tpu.memory_space<smem>>
      memref.store %reduce_sum3A_91, %arg12[%swap3A_129, %swap3A_130] : memref<1x1xf32, #tpu.memory_space<smem>>
      %swap3A_132 = arith.constant 0 : index
      %swap3A_133 = arith.constant 0 : index
      %swap3A_134 = memref.load %arg13[%swap3A_132, %swap3A_133] : memref<1x1xf32, #tpu.memory_space<smem>>
      memref.store %reduce_sum3A_108, %arg13[%swap3A_132, %swap3A_133] : memref<1x1xf32, #tpu.memory_space<smem>>
    } else {
    }
    return
  }
  func.func @transform_0(%arg0: i32) -> (i32, i32) {
    %c0_i32 = arith.constant 0 : i32
    %c0_i32_0 = arith.constant 0 : i32
    return %arg0, %c0_i32 : i32, i32
  }
  func.func @transform_1(%arg0: i32) -> (i32, i32, i32) {
    %c0_i32 = arith.constant 0 : i32
    %c0_i32_0 = arith.constant 0 : i32
    %c0_i32_1 = arith.constant 0 : i32
    return %c0_i32, %arg0, %c0_i32_0 : i32, i32, i32
  }
  func.func @transform_2(%arg0: i32) -> (i32, i32, i32) {
    %c1_i32 = arith.constant 1 : i32
    %c0_i32 = arith.constant 0 : i32
    %c0_i32_0 = arith.constant 0 : i32
    return %c1_i32, %arg0, %c0_i32 : i32, i32, i32
  }
  func.func @transform_3(%arg0: i32) -> (i32, i32, i32) {
    %c2_i32 = arith.constant 2 : i32
    %c0_i32 = arith.constant 0 : i32
    %c0_i32_0 = arith.constant 0 : i32
    return %c2_i32, %arg0, %c0_i32 : i32, i32, i32
  }
  func.func @transform_4(%arg0: i32) -> (i32, i32, i32) {
    %c3_i32 = arith.constant 3 : i32
    %c0_i32 = arith.constant 0 : i32
    %c0_i32_0 = arith.constant 0 : i32
    return %c3_i32, %arg0, %c0_i32 : i32, i32, i32
  }
  func.func @transform_5(%arg0: i32) -> (i32, i32, i32) {
    %c5_i32 = arith.constant 5 : i32
    %c0_i32 = arith.constant 0 : i32
    %c0_i32_0 = arith.constant 0 : i32
    return %c5_i32, %arg0, %c0_i32 : i32, i32, i32
  }
  func.func @transform_6(%arg0: i32) -> (i32, i32, i32) {
    %c6_i32 = arith.constant 6 : i32
    %c0_i32 = arith.constant 0 : i32
    %c0_i32_0 = arith.constant 0 : i32
    return %c6_i32, %arg0, %c0_i32 : i32, i32, i32
  }
  func.func @transform_7(%arg0: i32) -> (i32, i32) {
    %c0_i32 = arith.constant 0 : i32
    %c0_i32_0 = arith.constant 0 : i32
    %c0_i32_1 = arith.constant 0 : i32
    return %c0_i32, %c0_i32_0 : i32, i32
  }
  func.func @transform_8(%arg0: i32) -> (i32, i32) {
    %c0_i32 = arith.constant 0 : i32
    %c0_i32_0 = arith.constant 0 : i32
    %c0_i32_1 = arith.constant 0 : i32
    return %c0_i32, %c0_i32_0 : i32, i32
  }
  func.func @transform_9(%arg0: i32) -> (i32, i32) {
    %c0_i32 = arith.constant 0 : i32
    %c0_i32_0 = arith.constant 0 : i32
    %c0_i32_1 = arith.constant 0 : i32
    return %c0_i32, %c0_i32_0 : i32, i32
  }
  func.func @transform_10(%arg0: i32) -> (i32, i32) {
    %c0_i32 = arith.constant 0 : i32
    %c0_i32_0 = arith.constant 0 : i32
    %c0_i32_1 = arith.constant 0 : i32
    return %c0_i32, %c0_i32_0 : i32, i32
  }
  func.func @transform_11(%arg0: i32) -> (i32, i32) {
    %c0_i32 = arith.constant 0 : i32
    %c0_i32_0 = arith.constant 0 : i32
    %c0_i32_1 = arith.constant 0 : i32
    return %c0_i32, %c0_i32_0 : i32, i32
  }
  func.func @transform_12(%arg0: i32) -> (i32, i32) {
    %c0_i32 = arith.constant 0 : i32
    %c0_i32_0 = arith.constant 0 : i32
    %c0_i32_1 = arith.constant 0 : i32
    return %c0_i32, %c0_i32_0 : i32, i32
  }
}

module attributes {stable_mosaic.version = 14 : i64} {
  func.func @_pre_body(%arg0: i32, %arg1: memref<1x128x2048xf32, #tpu.memory_space<vmem>>, %arg2: memref<1x128x2048xf32, #tpu.memory_space<vmem>>, %arg3: memref<128x2048xi32, #tpu.memory_space<vmem>>, %arg4: memref<128x2048xi32, #tpu.memory_space<vmem>>, %arg5: memref<1x1xi32, #tpu.memory_space<smem>>) attributes {dimension_semantics = [#tpu.dimension_semantics<arbitrary>], iteration_bounds = array<i64: 8>, scalar_prefetch = 0 : i64, scratch_operands = 0 : i64, tpu.core_type = #tpu.core_type<tc>, window_params = [{transform_indices = @transform_0, window_bounds = array<i64: 1, 128, 2048>}, {transform_indices = @transform_1, window_bounds = array<i64: 1, 128, 2048>}, {transform_indices = @transform_2, window_bounds = array<i64: 128, 2048>}, {transform_indices = @transform_3, window_bounds = array<i64: 128, 2048>}, {transform_indices = @transform_4, window_bounds = array<i64: 1, 1>}]} {
    %eq3A = arith.constant 0 : i32
    %eq3A_0 = arith.cmpi eq, %arg0, %eq3A : i32
    %convert_element_type3A = arith.extui %eq3A_0 : i1 to i32
    %cond3A = arith.constant 0 : i32
    %cond3A_1 = arith.cmpi ne, %convert_element_type3A, %cond3A : i32
    scf.if %cond3A_1 {
      %swap3A_28 = arith.constant 0 : i32
      %swap3A_29 = arith.constant 0 : index
      %swap3A_30 = arith.constant 0 : index
      %swap3A_31 = memref.load %arg5[%swap3A_29, %swap3A_30] : memref<1x1xi32, #tpu.memory_space<smem>>
      memref.store %swap3A_28, %arg5[%swap3A_29, %swap3A_30] : memref<1x1xi32, #tpu.memory_space<smem>>
    } else {
    }
    %get3A = arith.constant 0 : index
    %get3A_2 = arith.constant 0 : index
    %get3A_3 = arith.constant 0 : index
    %get3A_4 = vector.load %arg2[%get3A, %get3A_2, %get3A_3] : memref<1x128x2048xf32, #tpu.memory_space<vmem>>, vector<1x128x2048xf32>
    %get3A_5 = vector.shape_cast %get3A_4 : vector<1x128x2048xf32> to vector<128x2048xf32>
    %get3A_6 = arith.constant 0 : index
    %get3A_7 = arith.constant 0 : index
    %get3A_8 = arith.constant 0 : index
    %get3A_9 = vector.load %arg1[%get3A_6, %get3A_7, %get3A_8] : memref<1x128x2048xf32, #tpu.memory_space<vmem>>, vector<1x128x2048xf32>
    %get3A_10 = vector.shape_cast %get3A_9 : vector<1x128x2048xf32> to vector<128x2048xf32>
    %gt3A = arith.cmpf ogt, %get3A_5, %get3A_10 : vector<128x2048xf32>
    %convert_element_type3A_11 = arith.extui %gt3A : vector<128x2048xi1> to vector<128x2048xi32>
    %swap3A = arith.constant 0 : index
    %swap3A_12 = arith.constant 0 : index
    %swap3A_13 = vector.load %arg3[%swap3A, %swap3A_12] : memref<128x2048xi32, #tpu.memory_space<vmem>>, vector<128x2048xi32>
    tpu.vector_store %arg3[%swap3A, %swap3A_12], %convert_element_type3A_11 {strides = array<i32>} : memref<128x2048xi32, #tpu.memory_space<vmem>>, vector<128x2048xi32>,
    %broadcast_in_dim3A = arith.constant 0 : i32
    %broadcast_in_dim3A_14 = vector.broadcast %broadcast_in_dim3A : i32 to vector<128x2048xi32>
    %swap3A_15 = arith.constant 0 : index
    %swap3A_16 = arith.constant 0 : index
    %swap3A_17 = vector.load %arg4[%swap3A_15, %swap3A_16] : memref<128x2048xi32, #tpu.memory_space<vmem>>, vector<128x2048xi32>
    tpu.vector_store %arg4[%swap3A_15, %swap3A_16], %broadcast_in_dim3A_14 {strides = array<i32>} : memref<128x2048xi32, #tpu.memory_space<vmem>>, vector<128x2048xi32>,
    %get3A_18 = arith.constant 0 : index
    %get3A_19 = arith.constant 0 : index
    %get3A_20 = memref.load %arg5[%get3A_18, %get3A_19] : memref<1x1xi32, #tpu.memory_space<smem>>
    %reduce_sum3A = vector.shape_cast %convert_element_type3A_11 : vector<128x2048xi32> to vector<1x128x2048xi32>
    %reduce_sum3A_21 = arith.constant dense<0> : vector<1xi32>
    %reduce_sum3A_22 = vector.multi_reduction <add>, %reduce_sum3A, %reduce_sum3A_21 [1, 2] : vector<1x128x2048xi32> to vector<1xi32>
    %reduce_sum3A_23 = vector.shape_cast %reduce_sum3A_22 : vector<1xi32> to vector<1x1x1xi32>
    %reduce_sum3A_24 = vector.extract %reduce_sum3A_23[0, 0, 0] : i32 from vector<1x1x1xi32>
    %add3A = arith.addi %get3A_20, %reduce_sum3A_24 : i32
    %swap3A_25 = arith.constant 0 : index
    %swap3A_26 = arith.constant 0 : index
    %swap3A_27 = memref.load %arg5[%swap3A_25, %swap3A_26] : memref<1x1xi32, #tpu.memory_space<smem>>
    memref.store %add3A, %arg5[%swap3A_25, %swap3A_26] : memref<1x1xi32, #tpu.memory_space<smem>>
    return
  }
  func.func @transform_0(%arg0: i32) -> (i32, i32, i32) {
    %c5_i32 = arith.constant 5 : i32
    %c0_i32 = arith.constant 0 : i32
    %c0_i32_0 = arith.constant 0 : i32
    return %c5_i32, %arg0, %c0_i32 : i32, i32, i32
  }
  func.func @transform_1(%arg0: i32) -> (i32, i32, i32) {
    %c6_i32 = arith.constant 6 : i32
    %c0_i32 = arith.constant 0 : i32
    %c0_i32_0 = arith.constant 0 : i32
    return %c6_i32, %arg0, %c0_i32 : i32, i32, i32
  }
  func.func @transform_2(%arg0: i32) -> (i32, i32) {
    %c0_i32 = arith.constant 0 : i32
    %c0_i32_0 = arith.constant 0 : i32
    return %arg0, %c0_i32 : i32, i32
  }
  func.func @transform_3(%arg0: i32) -> (i32, i32) {
    %c0_i32 = arith.constant 0 : i32
    %c0_i32_0 = arith.constant 0 : i32
    return %arg0, %c0_i32 : i32, i32
  }
  func.func @transform_4(%arg0: i32) -> (i32, i32) {
    %c0_i32 = arith.constant 0 : i32
    %c0_i32_0 = arith.constant 0 : i32
    %c0_i32_1 = arith.constant 0 : i32
    return %c0_i32, %c0_i32_0 : i32, i32
  }
}

module attributes {stable_mosaic.version = 14 : i64} {
  func.func @_b2_body(%arg0: i32, %arg1: memref<4xf32, #tpu.memory_space<smem>>, %arg2: memref<1x128x2048xf32, #tpu.memory_space<vmem>>, %arg3: memref<1x128x2048xf32, #tpu.memory_space<vmem>>, %arg4: memref<1x128x2048xf32, #tpu.memory_space<vmem>>, %arg5: memref<1x128x2048xf32, #tpu.memory_space<vmem>>, %arg6: memref<1x128x2048xf32, #tpu.memory_space<vmem>>, %arg7: memref<1x128x2048xf32, #tpu.memory_space<vmem>>, %arg8: memref<1x128x2048xf32, #tpu.memory_space<vmem>>, %arg9: memref<128x2048xi32, #tpu.memory_space<vmem>>, %arg10: memref<1x1xi32, #tpu.memory_space<smem>>, %arg11: memref<1x1xf32, #tpu.memory_space<smem>>, %arg12: memref<1x1xi32, #tpu.memory_space<smem>>, %arg13: memref<1x1xf32, #tpu.memory_space<smem>>, %arg14: memref<1x1xf32, #tpu.memory_space<smem>>, %arg15: memref<1x1xf32, #tpu.memory_space<smem>>, %arg16: memref<1x1xf32, #tpu.memory_space<smem>>) attributes {dimension_semantics = [#tpu.dimension_semantics<arbitrary>], iteration_bounds = array<i64: 8>, scalar_prefetch = 0 : i64, scratch_operands = 0 : i64, tpu.core_type = #tpu.core_type<tc>, window_params = [{transform_indices = @transform_0, window_bounds = array<i64: 4>}, {transform_indices = @transform_1, window_bounds = array<i64: 1, 128, 2048>}, {transform_indices = @transform_2, window_bounds = array<i64: 1, 128, 2048>}, {transform_indices = @transform_3, window_bounds = array<i64: 1, 128, 2048>}, {transform_indices = @transform_4, window_bounds = array<i64: 1, 128, 2048>}, {transform_indices = @transform_5, window_bounds = array<i64: 1, 128, 2048>}, {transform_indices = @transform_6, window_bounds = array<i64: 1, 128, 2048>}, {transform_indices = @transform_7, window_bounds = array<i64: 1, 128, 2048>}, {transform_indices = @transform_8, window_bounds = array<i64: 128, 2048>}, {transform_indices = @transform_9, window_bounds = array<i64: 1, 1>}, {transform_indices = @transform_10, window_bounds = array<i64: 1, 1>}, {transform_indices = @transform_11, window_bounds = array<i64: 1, 1>}, {transform_indices = @transform_12, window_bounds = array<i64: 1, 1>}, {transform_indices = @transform_13, window_bounds = array<i64: 1, 1>}, {transform_indices = @transform_14, window_bounds = array<i64: 1, 1>}, {transform_indices = @transform_15, window_bounds = array<i64: 1, 1>}]} {
    %eq3A = arith.constant 0 : i32
    %eq3A_0 = arith.cmpi eq, %arg0, %eq3A : i32
    %convert_element_type3A = arith.extui %eq3A_0 : i1 to i32
    %cond3A = arith.constant 0 : i32
    %cond3A_1 = arith.cmpi ne, %convert_element_type3A, %cond3A : i32
    scf.if %cond3A_1 {
      %swap3A_159 = arith.constant 0 : i32
      %swap3A_160 = arith.constant 0 : index
      %swap3A_161 = arith.constant 0 : index
      %swap3A_162 = memref.load %arg10[%swap3A_160, %swap3A_161] : memref<1x1xi32, #tpu.memory_space<smem>>
      memref.store %swap3A_159, %arg10[%swap3A_160, %swap3A_161] : memref<1x1xi32, #tpu.memory_space<smem>>
      %swap3A_163 = arith.constant -1.000000e+00 : f32
      %swap3A_164 = arith.constant 0 : index
      %swap3A_165 = arith.constant 0 : index
      %swap3A_166 = memref.load %arg11[%swap3A_164, %swap3A_165] : memref<1x1xf32, #tpu.memory_space<smem>>
      memref.store %swap3A_163, %arg11[%swap3A_164, %swap3A_165] : memref<1x1xf32, #tpu.memory_space<smem>>
      %swap3A_167 = arith.constant 0 : i32
      %swap3A_168 = arith.constant 0 : index
      %swap3A_169 = arith.constant 0 : index
      %swap3A_170 = memref.load %arg12[%swap3A_168, %swap3A_169] : memref<1x1xi32, #tpu.memory_space<smem>>
      memref.store %swap3A_167, %arg12[%swap3A_168, %swap3A_169] : memref<1x1xi32, #tpu.memory_space<smem>>
      %swap3A_171 = arith.constant 0.000000e+00 : f32
      %swap3A_172 = arith.constant 0 : index
      %swap3A_173 = arith.constant 0 : index
      %swap3A_174 = memref.load %arg13[%swap3A_172, %swap3A_173] : memref<1x1xf32, #tpu.memory_space<smem>>
      memref.store %swap3A_171, %arg13[%swap3A_172, %swap3A_173] : memref<1x1xf32, #tpu.memory_space<smem>>
      %swap3A_175 = arith.constant 0.000000e+00 : f32
      %swap3A_176 = arith.constant 0 : index
      %swap3A_177 = arith.constant 0 : index
      %swap3A_178 = memref.load %arg14[%swap3A_176, %swap3A_177] : memref<1x1xf32, #tpu.memory_space<smem>>
      memref.store %swap3A_175, %arg14[%swap3A_176, %swap3A_177] : memref<1x1xf32, #tpu.memory_space<smem>>
      %swap3A_179 = arith.constant 0.000000e+00 : f32
      %swap3A_180 = arith.constant 0 : index
      %swap3A_181 = arith.constant 0 : index
      %swap3A_182 = memref.load %arg15[%swap3A_180, %swap3A_181] : memref<1x1xf32, #tpu.memory_space<smem>>
      memref.store %swap3A_179, %arg15[%swap3A_180, %swap3A_181] : memref<1x1xf32, #tpu.memory_space<smem>>
      %swap3A_183 = arith.constant 0.000000e+00 : f32
      %swap3A_184 = arith.constant 0 : index
      %swap3A_185 = arith.constant 0 : index
      %swap3A_186 = memref.load %arg16[%swap3A_184, %swap3A_185] : memref<1x1xf32, #tpu.memory_space<smem>>
      memref.store %swap3A_183, %arg16[%swap3A_184, %swap3A_185] : memref<1x1xf32, #tpu.memory_space<smem>>
    } else {
    }
    %iota3A = tpu.iota {dimensions = array<i32: 0>} : vector<128x2048xi32>
    %iota3A_2 = tpu.iota {dimensions = array<i32: 1>} : vector<128x2048xi32>
    %mul3A = arith.constant 2048 : i32
    %mul3A_3 = vector.broadcast %mul3A : i32 to vector<128x2048xi32>
    %mul3A_4 = arith.muli %iota3A, %mul3A_3 : vector<128x2048xi32>
    %add3A = arith.addi %mul3A_4, %iota3A_2 : vector<128x2048xi32>
    %get3A = arith.constant 0 : index
    %get3A_5 = arith.constant 0 : index
    %get3A_6 = arith.constant 0 : index
    %get3A_7 = vector.load %arg2[%get3A, %get3A_5, %get3A_6] : memref<1x128x2048xf32, #tpu.memory_space<vmem>>, vector<1x128x2048xf32>
    %get3A_8 = vector.shape_cast %get3A_7 : vector<1x128x2048xf32> to vector<128x2048xf32>
    %get3A_9 = arith.constant 0 : index
    %get3A_10 = arith.constant 0 : index
    %get3A_11 = arith.constant 0 : index
    %get3A_12 = vector.load %arg3[%get3A_9, %get3A_10, %get3A_11] : memref<1x128x2048xf32, #tpu.memory_space<vmem>>, vector<1x128x2048xf32>
    %get3A_13 = vector.shape_cast %get3A_12 : vector<1x128x2048xf32> to vector<128x2048xf32>
    %convert_element_type3A_14 = arith.sitofp %iota3A_2 : vector<128x2048xi32> to vector<128x2048xf32>
    %mul3A_15 = arith.constant 9.77039569E-4 : f32
    %mul3A_16 = vector.broadcast %mul3A_15 : f32 to vector<128x2048xf32>
    %mul3A_17 = arith.mulf %convert_element_type3A_14, %mul3A_16 : vector<128x2048xf32>
    %mul3A_18 = arith.constant 128 : i32
    %mul3A_19 = arith.muli %arg0, %mul3A_18 : i32
    %add3A_20 = vector.broadcast %mul3A_19 : i32 to vector<128x2048xi32>
    %add3A_21 = arith.addi %add3A_20, %iota3A : vector<128x2048xi32>
    %convert_element_type3A_22 = arith.sitofp %add3A_21 : vector<128x2048xi32> to vector<128x2048xf32>
    %mul3A_23 = arith.constant 9.77517105E-4 : f32
    %mul3A_24 = vector.broadcast %mul3A_23 : f32 to vector<128x2048xf32>
    %mul3A_25 = arith.mulf %convert_element_type3A_22, %mul3A_24 : vector<128x2048xf32>
    %tanh3A = math.tanh %get3A_8 : vector<128x2048xf32>
    %add3A_26 = arith.addf %tanh3A, %mul3A_17 : vector<128x2048xf32>
    %tanh3A_27 = math.tanh %get3A_13 : vector<128x2048xf32>
    %add3A_28 = arith.addf %tanh3A_27, %mul3A_25 : vector<128x2048xf32>
    %get3A_29 = arith.constant 0 : index
    %get3A_30 = memref.load %arg1[%get3A_29] : memref<4xf32, #tpu.memory_space<smem>>
    %sub3A = vector.broadcast %get3A_30 : f32 to vector<128x2048xf32>
    %sub3A_31 = arith.subf %add3A_26, %sub3A : vector<128x2048xf32>
    %get3A_32 = arith.constant 1 : index
    %get3A_33 = memref.load %arg1[%get3A_32] : memref<4xf32, #tpu.memory_space<smem>>
    %sub3A_34 = vector.broadcast %get3A_33 : f32 to vector<128x2048xf32>
    %sub3A_35 = arith.subf %add3A_28, %sub3A_34 : vector<128x2048xf32>
    %mul3A_36 = arith.mulf %sub3A_31, %sub3A_31 : vector<128x2048xf32>
    %get3A_37 = arith.constant 2 : index
    %get3A_38 = memref.load %arg1[%get3A_37] : memref<4xf32, #tpu.memory_space<smem>>
    %mul3A_39 = vector.broadcast %get3A_38 : f32 to vector<128x2048xf32>
    %mul3A_40 = arith.mulf %mul3A_36, %mul3A_39 : vector<128x2048xf32>
    %mul3A_41 = arith.mulf %sub3A_35, %sub3A_35 : vector<128x2048xf32>
    %get3A_42 = arith.constant 3 : index
    %get3A_43 = memref.load %arg1[%get3A_42] : memref<4xf32, #tpu.memory_space<smem>>
    %mul3A_44 = vector.broadcast %get3A_43 : f32 to vector<128x2048xf32>
    %mul3A_45 = arith.mulf %mul3A_41, %mul3A_44 : vector<128x2048xf32>
    %add3A_46 = arith.addf %mul3A_40, %mul3A_45 : vector<128x2048xf32>
    %neg3A = arith.constant 0.000000e+00 : f32
    %neg3A_47 = vector.broadcast %neg3A : f32 to vector<128x2048xf32>
    %neg3A_48 = arith.subf %neg3A_47, %add3A_46 : vector<128x2048xf32>
    %exp3A = math.exp %neg3A_48 : vector<128x2048xf32>
    %get3A_49 = arith.constant 0 : index
    %get3A_50 = arith.constant 0 : index
    %get3A_51 = arith.constant 0 : index
    %get3A_52 = vector.load %arg8[%get3A_49, %get3A_50, %get3A_51] : memref<1x128x2048xf32, #tpu.memory_space<vmem>>, vector<1x128x2048xf32>
    %get3A_53 = vector.shape_cast %get3A_52 : vector<1x128x2048xf32> to vector<128x2048xf32>
    %get3A_54 = arith.constant 0 : index
    %get3A_55 = arith.constant 0 : index
    %get3A_56 = arith.constant 0 : index
    %get3A_57 = vector.load %arg7[%get3A_54, %get3A_55, %get3A_56] : memref<1x128x2048xf32, #tpu.memory_space<vmem>>, vector<1x128x2048xf32>
    %get3A_58 = vector.shape_cast %get3A_57 : vector<1x128x2048xf32> to vector<128x2048xf32>
    %gt3A = arith.cmpf ogt, %get3A_53, %get3A_58 : vector<128x2048xf32>
    %gt3A_59 = arith.constant 5.000000e-01 : f32
    %gt3A_60 = vector.broadcast %gt3A_59 : f32 to vector<128x2048xf32>
    %gt3A_61 = arith.cmpf ogt, %exp3A, %gt3A_60 : vector<128x2048xf32>
    %and3A = arith.andi %gt3A_61, %gt3A : vector<128x2048xi1>
    %convert_element_type3A_62 = arith.extui %and3A : vector<128x2048xi1> to vector<128x2048xi32>
    %swap3A = arith.constant 0 : index
    %swap3A_63 = arith.constant 0 : index
    %swap3A_64 = vector.load %arg9[%swap3A, %swap3A_63] : memref<128x2048xi32, #tpu.memory_space<vmem>>, vector<128x2048xi32>
    tpu.vector_store %arg9[%swap3A, %swap3A_63], %convert_element_type3A_62 {strides = array<i32>} : memref<128x2048xi32, #tpu.memory_space<vmem>>, vector<128x2048xi32>,
    %get3A_65 = arith.constant 0 : index
    %get3A_66 = arith.constant 0 : index
    %get3A_67 = memref.load %arg10[%get3A_65, %get3A_66] : memref<1x1xi32, #tpu.memory_space<smem>>
    %convert_element_type3A_68 = arith.extui %and3A : vector<128x2048xi1> to vector<128x2048xi32>
    %reduce_sum3A = vector.shape_cast %convert_element_type3A_68 : vector<128x2048xi32> to vector<1x128x2048xi32>
    %reduce_sum3A_69 = arith.constant dense<0> : vector<1xi32>
    %reduce_sum3A_70 = vector.multi_reduction <add>, %reduce_sum3A, %reduce_sum3A_69 [1, 2] : vector<1x128x2048xi32> to vector<1xi32>
    %reduce_sum3A_71 = vector.shape_cast %reduce_sum3A_70 : vector<1xi32> to vector<1x1x1xi32>
    %reduce_sum3A_72 = vector.extract %reduce_sum3A_71[0, 0, 0] : i32 from vector<1x1x1xi32>
    %add3A_73 = arith.addi %get3A_67, %reduce_sum3A_72 : i32
    %swap3A_74 = arith.constant 0 : index
    %swap3A_75 = arith.constant 0 : index
    %swap3A_76 = memref.load %arg10[%swap3A_74, %swap3A_75] : memref<1x1xi32, #tpu.memory_space<smem>>
    memref.store %add3A_73, %arg10[%swap3A_74, %swap3A_75] : memref<1x1xi32, #tpu.memory_space<smem>>
    %get3A_77 = arith.constant 0 : index
    %get3A_78 = arith.constant 0 : index
    %get3A_79 = arith.constant 0 : index
    %get3A_80 = vector.load %arg6[%get3A_77, %get3A_78, %get3A_79] : memref<1x128x2048xf32, #tpu.memory_space<vmem>>, vector<1x128x2048xf32>
    %get3A_81 = vector.shape_cast %get3A_80 : vector<1x128x2048xf32> to vector<128x2048xf32>
    %logistic3A = arith.negf %get3A_81 : vector<128x2048xf32>
    %logistic3A_82 = math.exp %logistic3A : vector<128x2048xf32>
    %logistic3A_83 = arith.constant 1.000000e+00 : f32
    %logistic3A_84 = vector.broadcast %logistic3A_83 : f32 to vector<128x2048xf32>
    %logistic3A_85 = arith.addf %logistic3A_84, %logistic3A_82 : vector<128x2048xf32>
    %logistic3A_86 = arith.divf %logistic3A_84, %logistic3A_85 : vector<128x2048xf32>
    %jit3A = arith.constant 0.000000e+00 : f32
    %broadcast_in_dim3A = vector.broadcast %jit3A : f32 to vector<128x2048xf32>
    %select_n3A = arith.select %and3A, %logistic3A_86, %broadcast_in_dim3A : vector<128x2048xi1>, vector<128x2048xf32>
    %reduce_max3A = vector.shape_cast %select_n3A : vector<128x2048xf32> to vector<1x128x2048xf32>
    %reduce_max3A_87 = arith.constant dense<0xFF800000> : vector<1xf32>
    %reduce_max3A_88 = vector.multi_reduction <maximumf>, %reduce_max3A, %reduce_max3A_87 [1, 2] : vector<1x128x2048xf32> to vector<1xf32>
    %reduce_max3A_89 = vector.shape_cast %reduce_max3A_88 : vector<1xf32> to vector<1x1x1xf32>
    %reduce_max3A_90 = vector.extract %reduce_max3A_89[0, 0, 0] : f32 from vector<1x1x1xf32>
    %eq3A_91 = vector.broadcast %reduce_max3A_90 : f32 to vector<128x2048xf32>
    %eq3A_92 = arith.cmpf oeq, %select_n3A, %eq3A_91 : vector<128x2048xf32>
    %jit3A_93 = arith.constant 1073741824 : i32
    %broadcast_in_dim3A_94 = vector.broadcast %jit3A_93 : i32 to vector<128x2048xi32>
    %select_n3A_95 = arith.select %eq3A_92, %add3A, %broadcast_in_dim3A_94 : vector<128x2048xi1>, vector<128x2048xi32>
    %reduce_min3A = vector.shape_cast %select_n3A_95 : vector<128x2048xi32> to vector<1x128x2048xi32>
    %reduce_min3A_96 = arith.constant dense<2147483647> : vector<1xi32>
    %reduce_min3A_97 = vector.multi_reduction <minsi>, %reduce_min3A, %reduce_min3A_96 [1, 2] : vector<1x128x2048xi32> to vector<1xi32>
    %reduce_min3A_98 = vector.shape_cast %reduce_min3A_97 : vector<1xi32> to vector<1x1x1xi32>
    %reduce_min3A_99 = vector.extract %reduce_min3A_98[0, 0, 0] : i32 from vector<1x1x1xi32>
    %eq3A_100 = vector.broadcast %reduce_min3A_99 : i32 to vector<128x2048xi32>
    %eq3A_101 = arith.cmpi eq, %add3A, %eq3A_100 : vector<128x2048xi32>
    %jit3A_102 = arith.constant 0.000000e+00 : f32
    %broadcast_in_dim3A_103 = vector.broadcast %jit3A_102 : f32 to vector<128x2048xf32>
    %select_n3A_104 = arith.select %eq3A_101, %add3A_26, %broadcast_in_dim3A_103 : vector<128x2048xi1>, vector<128x2048xf32>
    %reduce_sum3A_105 = vector.shape_cast %select_n3A_104 : vector<128x2048xf32> to vector<1x128x2048xf32>
    %reduce_sum3A_106 = arith.constant dense<0.000000e+00> : vector<1xf32>
    %reduce_sum3A_107 = vector.multi_reduction <add>, %reduce_sum3A_105, %reduce_sum3A_106 [1, 2] : vector<1x128x2048xf32> to vector<1xf32>
    %reduce_sum3A_108 = vector.shape_cast %reduce_sum3A_107 : vector<1xf32> to vector<1x1x1xf32>
    %reduce_sum3A_109 = vector.extract %reduce_sum3A_108[0, 0, 0] : f32 from vector<1x1x1xf32>
    %jit3A_110 = arith.constant 0.000000e+00 : f32
    %broadcast_in_dim3A_111 = vector.broadcast %jit3A_110 : f32 to vector<128x2048xf32>
    %select_n3A_112 = arith.select %eq3A_101, %add3A_28, %broadcast_in_dim3A_111 : vector<128x2048xi1>, vector<128x2048xf32>
    %reduce_sum3A_113 = vector.shape_cast %select_n3A_112 : vector<128x2048xf32> to vector<1x128x2048xf32>
    %reduce_sum3A_114 = arith.constant dense<0.000000e+00> : vector<1xf32>
    %reduce_sum3A_115 = vector.multi_reduction <add>, %reduce_sum3A_113, %reduce_sum3A_114 [1, 2] : vector<1x128x2048xf32> to vector<1xf32>
    %reduce_sum3A_116 = vector.shape_cast %reduce_sum3A_115 : vector<1xf32> to vector<1x1x1xf32>
    %reduce_sum3A_117 = vector.extract %reduce_sum3A_116[0, 0, 0] : f32 from vector<1x1x1xf32>
    %get3A_118 = arith.constant 0 : index
    %get3A_119 = arith.constant 0 : index
    %get3A_120 = arith.constant 0 : index
    %get3A_121 = vector.load %arg4[%get3A_118, %get3A_119, %get3A_120] : memref<1x128x2048xf32, #tpu.memory_space<vmem>>, vector<1x128x2048xf32>
    %get3A_122 = vector.shape_cast %get3A_121 : vector<1x128x2048xf32> to vector<128x2048xf32>
    %mul3A_123 = arith.constant 1.000000e+01 : f32
    %mul3A_124 = vector.broadcast %mul3A_123 : f32 to vector<128x2048xf32>
    %mul3A_125 = arith.mulf %get3A_122, %mul3A_124 : vector<128x2048xf32>
    %exp3A_126 = math.exp %mul3A_125 : vector<128x2048xf32>
    %jit3A_127 = arith.constant 0.000000e+00 : f32
    %broadcast_in_dim3A_128 = vector.broadcast %jit3A_127 : f32 to vector<128x2048xf32>
    %select_n3A_129 = arith.select %eq3A_101, %exp3A_126, %broadcast_in_dim3A_128 : vector<128x2048xi1>, vector<128x2048xf32>
    %reduce_sum3A_130 = vector.shape_cast %select_n3A_129 : vector<128x2048xf32> to vector<1x128x2048xf32>
    %reduce_sum3A_131 = arith.constant dense<0.000000e+00> : vector<1xf32>
    %reduce_sum3A_132 = vector.multi_reduction <add>, %reduce_sum3A_130, %reduce_sum3A_131 [1, 2] : vector<1x128x2048xf32> to vector<1xf32>
    %reduce_sum3A_133 = vector.shape_cast %reduce_sum3A_132 : vector<1xf32> to vector<1x1x1xf32>
    %reduce_sum3A_134 = vector.extract %reduce_sum3A_133[0, 0, 0] : f32 from vector<1x1x1xf32>
    %get3A_135 = arith.constant 0 : index
    %get3A_136 = arith.constant 0 : index
    %get3A_137 = arith.constant 0 : index
    %get3A_138 = vector.load %arg5[%get3A_135, %get3A_136, %get3A_137] : memref<1x128x2048xf32, #tpu.memory_space<vmem>>, vector<1x128x2048xf32>
    %get3A_139 = vector.shape_cast %get3A_138 : vector<1x128x2048xf32> to vector<128x2048xf32>
    %mul3A_140 = arith.constant 1.000000e+01 : f32
    %mul3A_141 = vector.broadcast %mul3A_140 : f32 to vector<128x2048xf32>
    %mul3A_142 = arith.mulf %get3A_139, %mul3A_141 : vector<128x2048xf32>
    %exp3A_143 = math.exp %mul3A_142 : vector<128x2048xf32>
    %jit3A_144 = arith.constant 0.000000e+00 : f32
    %broadcast_in_dim3A_145 = vector.broadcast %jit3A_144 : f32 to vector<128x2048xf32>
    %select_n3A_146 = arith.select %eq3A_101, %exp3A_143, %broadcast_in_dim3A_145 : vector<128x2048xi1>, vector<128x2048xf32>
    %reduce_sum3A_147 = vector.shape_cast %select_n3A_146 : vector<128x2048xf32> to vector<1x128x2048xf32>
    %reduce_sum3A_148 = arith.constant dense<0.000000e+00> : vector<1xf32>
    %reduce_sum3A_149 = vector.multi_reduction <add>, %reduce_sum3A_147, %reduce_sum3A_148 [1, 2] : vector<1x128x2048xf32> to vector<1xf32>
    %reduce_sum3A_150 = vector.shape_cast %reduce_sum3A_149 : vector<1xf32> to vector<1x1x1xf32>
    %reduce_sum3A_151 = vector.extract %reduce_sum3A_150[0, 0, 0] : f32 from vector<1x1x1xf32>
    %get3A_152 = arith.constant 0 : index
    %get3A_153 = arith.constant 0 : index
    %get3A_154 = memref.load %arg11[%get3A_152, %get3A_153] : memref<1x1xf32, #tpu.memory_space<smem>>
    %gt3A_155 = arith.cmpf ogt, %reduce_max3A_90, %get3A_154 : f32
    %convert_element_type3A_156 = arith.extui %gt3A_155 : i1 to i32
    %cond3A_157 = arith.constant 0 : i32
    %cond3A_158 = arith.cmpi ne, %convert_element_type3A_156, %cond3A_157 : i32
    scf.if %cond3A_158 {
      %swap3A_159 = arith.constant 0 : index
      %swap3A_160 = arith.constant 0 : index
      %swap3A_161 = memref.load %arg11[%swap3A_159, %swap3A_160] : memref<1x1xf32, #tpu.memory_space<smem>>
      memref.store %reduce_max3A_90, %arg11[%swap3A_159, %swap3A_160] : memref<1x1xf32, #tpu.memory_space<smem>>
      %mul3A_162 = arith.constant 262144 : i32
      %mul3A_163 = arith.muli %arg0, %mul3A_162 : i32
      %add3A_164 = arith.addi %mul3A_163, %reduce_min3A_99 : i32
      %swap3A_165 = arith.constant 0 : index
      %swap3A_166 = arith.constant 0 : index
      %swap3A_167 = memref.load %arg12[%swap3A_165, %swap3A_166] : memref<1x1xi32, #tpu.memory_space<smem>>
      memref.store %add3A_164, %arg12[%swap3A_165, %swap3A_166] : memref<1x1xi32, #tpu.memory_space<smem>>
      %swap3A_168 = arith.constant 0 : index
      %swap3A_169 = arith.constant 0 : index
      %swap3A_170 = memref.load %arg13[%swap3A_168, %swap3A_169] : memref<1x1xf32, #tpu.memory_space<smem>>
      memref.store %reduce_sum3A_109, %arg13[%swap3A_168, %swap3A_169] : memref<1x1xf32, #tpu.memory_space<smem>>
      %swap3A_171 = arith.constant 0 : index
      %swap3A_172 = arith.constant 0 : index
      %swap3A_173 = memref.load %arg14[%swap3A_171, %swap3A_172] : memref<1x1xf32, #tpu.memory_space<smem>>
      memref.store %reduce_sum3A_117, %arg14[%swap3A_171, %swap3A_172] : memref<1x1xf32, #tpu.memory_space<smem>>
      %swap3A_174 = arith.constant 0 : index
      %swap3A_175 = arith.constant 0 : index
      %swap3A_176 = memref.load %arg15[%swap3A_174, %swap3A_175] : memref<1x1xf32, #tpu.memory_space<smem>>
      memref.store %reduce_sum3A_134, %arg15[%swap3A_174, %swap3A_175] : memref<1x1xf32, #tpu.memory_space<smem>>
      %swap3A_177 = arith.constant 0 : index
      %swap3A_178 = arith.constant 0 : index
      %swap3A_179 = memref.load %arg16[%swap3A_177, %swap3A_178] : memref<1x1xf32, #tpu.memory_space<smem>>
      memref.store %reduce_sum3A_151, %arg16[%swap3A_177, %swap3A_178] : memref<1x1xf32, #tpu.memory_space<smem>>
    } else {
    }
    return
  }
  func.func @transform_0(%arg0: i32) -> i32 {
    %c0_i32 = arith.constant 0 : i32
    %c0_i32_0 = arith.constant 0 : i32
    return %c0_i32 : i32
  }
  func.func @transform_1(%arg0: i32) -> (i32, i32, i32) {
    %c0_i32 = arith.constant 0 : i32
    %c0_i32_0 = arith.constant 0 : i32
    %c0_i32_1 = arith.constant 0 : i32
    return %c0_i32, %arg0, %c0_i32_0 : i32, i32, i32
  }
  func.func @transform_2(%arg0: i32) -> (i32, i32, i32) {
    %c1_i32 = arith.constant 1 : i32
    %c0_i32 = arith.constant 0 : i32
    %c0_i32_0 = arith.constant 0 : i32
    return %c1_i32, %arg0, %c0_i32 : i32, i32, i32
  }
  func.func @transform_3(%arg0: i32) -> (i32, i32, i32) {
    %c2_i32 = arith.constant 2 : i32
    %c0_i32 = arith.constant 0 : i32
    %c0_i32_0 = arith.constant 0 : i32
    return %c2_i32, %arg0, %c0_i32 : i32, i32, i32
  }
  func.func @transform_4(%arg0: i32) -> (i32, i32, i32) {
    %c3_i32 = arith.constant 3 : i32
    %c0_i32 = arith.constant 0 : i32
    %c0_i32_0 = arith.constant 0 : i32
    return %c3_i32, %arg0, %c0_i32 : i32, i32, i32
  }
  func.func @transform_5(%arg0: i32) -> (i32, i32, i32) {
    %c4_i32 = arith.constant 4 : i32
    %c0_i32 = arith.constant 0 : i32
    %c0_i32_0 = arith.constant 0 : i32
    return %c4_i32, %arg0, %c0_i32 : i32, i32, i32
  }
  func.func @transform_6(%arg0: i32) -> (i32, i32, i32) {
    %c5_i32 = arith.constant 5 : i32
    %c0_i32 = arith.constant 0 : i32
    %c0_i32_0 = arith.constant 0 : i32
    return %c5_i32, %arg0, %c0_i32 : i32, i32, i32
  }
  func.func @transform_7(%arg0: i32) -> (i32, i32, i32) {
    %c6_i32 = arith.constant 6 : i32
    %c0_i32 = arith.constant 0 : i32
    %c0_i32_0 = arith.constant 0 : i32
    return %c6_i32, %arg0, %c0_i32 : i32, i32, i32
  }
  func.func @transform_8(%arg0: i32) -> (i32, i32) {
    %c0_i32 = arith.constant 0 : i32
    %c0_i32_0 = arith.constant 0 : i32
    return %arg0, %c0_i32 : i32, i32
  }
  func.func @transform_9(%arg0: i32) -> (i32, i32) {
    %c0_i32 = arith.constant 0 : i32
    %c0_i32_0 = arith.constant 0 : i32
    %c0_i32_1 = arith.constant 0 : i32
    return %c0_i32, %c0_i32_0 : i32, i32
  }
  func.func @transform_10(%arg0: i32) -> (i32, i32) {
    %c0_i32 = arith.constant 0 : i32
    %c0_i32_0 = arith.constant 0 : i32
    %c0_i32_1 = arith.constant 0 : i32
    return %c0_i32, %c0_i32_0 : i32, i32
  }
  func.func @transform_11(%arg0: i32) -> (i32, i32) {
    %c0_i32 = arith.constant 0 : i32
    %c0_i32_0 = arith.constant 0 : i32
    %c0_i32_1 = arith.constant 0 : i32
    return %c0_i32, %c0_i32_0 : i32, i32
  }
  func.func @transform_12(%arg0: i32) -> (i32, i32) {
    %c0_i32 = arith.constant 0 : i32
    %c0_i32_0 = arith.constant 0 : i32
    %c0_i32_1 = arith.constant 0 : i32
    return %c0_i32, %c0_i32_0 : i32, i32
  }
  func.func @transform_13(%arg0: i32) -> (i32, i32) {
    %c0_i32 = arith.constant 0 : i32
    %c0_i32_0 = arith.constant 0 : i32
    %c0_i32_1 = arith.constant 0 : i32
    return %c0_i32, %c0_i32_0 : i32, i32
  }
  func.func @transform_14(%arg0: i32) -> (i32, i32) {
    %c0_i32 = arith.constant 0 : i32
    %c0_i32_0 = arith.constant 0 : i32
    %c0_i32_1 = arith.constant 0 : i32
    return %c0_i32, %c0_i32_0 : i32, i32
  }
  func.func @transform_15(%arg0: i32) -> (i32, i32) {
    %c0_i32 = arith.constant 0 : i32
    %c0_i32_0 = arith.constant 0 : i32
    %c0_i32_1 = arith.constant 0 : i32
    return %c0_i32, %c0_i32_0 : i32, i32
  }
}

module attributes {stable_mosaic.version = 14 : i64} {
  func.func @_b3_body(%arg0: i32, %arg1: memref<4xf32, #tpu.memory_space<smem>>, %arg2: memref<2xi32, #tpu.memory_space<smem>>, %arg3: memref<128x2048xi32, #tpu.memory_space<vmem>>, %arg4: memref<1x128x2048xf32, #tpu.memory_space<vmem>>, %arg5: memref<1x128x2048xf32, #tpu.memory_space<vmem>>, %arg6: memref<1x128x2048xf32, #tpu.memory_space<vmem>>, %arg7: memref<1x128x2048xf32, #tpu.memory_space<vmem>>, %arg8: memref<128x2048xi32, #tpu.memory_space<vmem>>, %arg9: memref<1x1xi32, #tpu.memory_space<smem>>, %arg10: memref<1x1xi32, #tpu.memory_space<smem>>, %arg11: memref<1x1xi32, #tpu.memory_space<smem>>, %arg12: memref<1x1xi32, #tpu.memory_space<smem>>) attributes {dimension_semantics = [#tpu.dimension_semantics<arbitrary>], iteration_bounds = array<i64: 8>, scalar_prefetch = 0 : i64, scratch_operands = 0 : i64, tpu.core_type = #tpu.core_type<tc>, window_params = [{transform_indices = @transform_0, window_bounds = array<i64: 4>}, {transform_indices = @transform_1, window_bounds = array<i64: 2>}, {transform_indices = @transform_2, window_bounds = array<i64: 128, 2048>}, {transform_indices = @transform_3, window_bounds = array<i64: 1, 128, 2048>}, {transform_indices = @transform_4, window_bounds = array<i64: 1, 128, 2048>}, {transform_indices = @transform_5, window_bounds = array<i64: 1, 128, 2048>}, {transform_indices = @transform_6, window_bounds = array<i64: 1, 128, 2048>}, {transform_indices = @transform_7, window_bounds = array<i64: 128, 2048>}, {transform_indices = @transform_8, window_bounds = array<i64: 1, 1>}, {transform_indices = @transform_9, window_bounds = array<i64: 1, 1>}, {transform_indices = @transform_10, window_bounds = array<i64: 1, 1>}, {transform_indices = @transform_11, window_bounds = array<i64: 1, 1>}]} {
    %eq3A = arith.constant 0 : i32
    %eq3A_0 = arith.cmpi eq, %arg0, %eq3A : i32
    %convert_element_type3A = arith.extui %eq3A_0 : i1 to i32
    %cond3A = arith.constant 0 : i32
    %cond3A_1 = arith.cmpi ne, %convert_element_type3A, %cond3A : i32
    scf.if %cond3A_1 {
      %swap3A_131 = arith.constant 0 : i32
      %swap3A_132 = arith.constant 0 : index
      %swap3A_133 = arith.constant 0 : index
      %swap3A_134 = memref.load %arg9[%swap3A_132, %swap3A_133] : memref<1x1xi32, #tpu.memory_space<smem>>
      memref.store %swap3A_131, %arg9[%swap3A_132, %swap3A_133] : memref<1x1xi32, #tpu.memory_space<smem>>
      %swap3A_135 = arith.constant 0 : i32
      %swap3A_136 = arith.constant 0 : index
      %swap3A_137 = arith.constant 0 : index
      %swap3A_138 = memref.load %arg10[%swap3A_136, %swap3A_137] : memref<1x1xi32, #tpu.memory_space<smem>>
      memref.store %swap3A_135, %arg10[%swap3A_136, %swap3A_137] : memref<1x1xi32, #tpu.memory_space<smem>>
      %swap3A_139 = arith.constant 0 : i32
      %swap3A_140 = arith.constant 0 : index
      %swap3A_141 = arith.constant 0 : index
      %swap3A_142 = memref.load %arg11[%swap3A_140, %swap3A_141] : memref<1x1xi32, #tpu.memory_space<smem>>
      memref.store %swap3A_139, %arg11[%swap3A_140, %swap3A_141] : memref<1x1xi32, #tpu.memory_space<smem>>
      %swap3A_143 = arith.constant 0 : i32
      %swap3A_144 = arith.constant 0 : index
      %swap3A_145 = arith.constant 0 : index
      %swap3A_146 = memref.load %arg12[%swap3A_144, %swap3A_145] : memref<1x1xi32, #tpu.memory_space<smem>>
      memref.store %swap3A_143, %arg12[%swap3A_144, %swap3A_145] : memref<1x1xi32, #tpu.memory_space<smem>>
    } else {
    }
    %iota3A = tpu.iota {dimensions = array<i32: 0>} : vector<128x2048xi32>
    %iota3A_2 = tpu.iota {dimensions = array<i32: 1>} : vector<128x2048xi32>
    %mul3A = arith.constant 2048 : i32
    %mul3A_3 = vector.broadcast %mul3A : i32 to vector<128x2048xi32>
    %mul3A_4 = arith.muli %iota3A, %mul3A_3 : vector<128x2048xi32>
    %add3A = arith.addi %mul3A_4, %iota3A_2 : vector<128x2048xi32>
    %get3A = arith.constant 0 : index
    %get3A_5 = arith.constant 0 : index
    %get3A_6 = arith.constant 0 : index
    %get3A_7 = vector.load %arg4[%get3A, %get3A_5, %get3A_6] : memref<1x128x2048xf32, #tpu.memory_space<vmem>>, vector<1x128x2048xf32>
    %get3A_8 = vector.shape_cast %get3A_7 : vector<1x128x2048xf32> to vector<128x2048xf32>
    %get3A_9 = arith.constant 0 : index
    %get3A_10 = arith.constant 0 : index
    %get3A_11 = arith.constant 0 : index
    %get3A_12 = vector.load %arg5[%get3A_9, %get3A_10, %get3A_11] : memref<1x128x2048xf32, #tpu.memory_space<vmem>>, vector<1x128x2048xf32>
    %get3A_13 = vector.shape_cast %get3A_12 : vector<1x128x2048xf32> to vector<128x2048xf32>
    %convert_element_type3A_14 = arith.sitofp %iota3A_2 : vector<128x2048xi32> to vector<128x2048xf32>
    %mul3A_15 = arith.constant 9.77039569E-4 : f32
    %mul3A_16 = vector.broadcast %mul3A_15 : f32 to vector<128x2048xf32>
    %mul3A_17 = arith.mulf %convert_element_type3A_14, %mul3A_16 : vector<128x2048xf32>
    %mul3A_18 = arith.constant 128 : i32
    %mul3A_19 = arith.muli %arg0, %mul3A_18 : i32
    %add3A_20 = vector.broadcast %mul3A_19 : i32 to vector<128x2048xi32>
    %add3A_21 = arith.addi %add3A_20, %iota3A : vector<128x2048xi32>
    %convert_element_type3A_22 = arith.sitofp %add3A_21 : vector<128x2048xi32> to vector<128x2048xf32>
    %mul3A_23 = arith.constant 9.77517105E-4 : f32
    %mul3A_24 = vector.broadcast %mul3A_23 : f32 to vector<128x2048xf32>
    %mul3A_25 = arith.mulf %convert_element_type3A_22, %mul3A_24 : vector<128x2048xf32>
    %tanh3A = math.tanh %get3A_8 : vector<128x2048xf32>
    %add3A_26 = arith.addf %tanh3A, %mul3A_17 : vector<128x2048xf32>
    %tanh3A_27 = math.tanh %get3A_13 : vector<128x2048xf32>
    %add3A_28 = arith.addf %tanh3A_27, %mul3A_25 : vector<128x2048xf32>
    %get3A_29 = arith.constant 0 : index
    %get3A_30 = memref.load %arg1[%get3A_29] : memref<4xf32, #tpu.memory_space<smem>>
    %sub3A = vector.broadcast %get3A_30 : f32 to vector<128x2048xf32>
    %sub3A_31 = arith.subf %add3A_26, %sub3A : vector<128x2048xf32>
    %get3A_32 = arith.constant 1 : index
    %get3A_33 = memref.load %arg1[%get3A_32] : memref<4xf32, #tpu.memory_space<smem>>
    %sub3A_34 = vector.broadcast %get3A_33 : f32 to vector<128x2048xf32>
    %sub3A_35 = arith.subf %add3A_28, %sub3A_34 : vector<128x2048xf32>
    %mul3A_36 = arith.mulf %sub3A_31, %sub3A_31 : vector<128x2048xf32>
    %get3A_37 = arith.constant 2 : index
    %get3A_38 = memref.load %arg1[%get3A_37] : memref<4xf32, #tpu.memory_space<smem>>
    %mul3A_39 = vector.broadcast %get3A_38 : f32 to vector<128x2048xf32>
    %mul3A_40 = arith.mulf %mul3A_36, %mul3A_39 : vector<128x2048xf32>
    %mul3A_41 = arith.mulf %sub3A_35, %sub3A_35 : vector<128x2048xf32>
    %get3A_42 = arith.constant 3 : index
    %get3A_43 = memref.load %arg1[%get3A_42] : memref<4xf32, #tpu.memory_space<smem>>
    %mul3A_44 = vector.broadcast %get3A_43 : f32 to vector<128x2048xf32>
    %mul3A_45 = arith.mulf %mul3A_41, %mul3A_44 : vector<128x2048xf32>
    %add3A_46 = arith.addf %mul3A_40, %mul3A_45 : vector<128x2048xf32>
    %neg3A = arith.constant 0.000000e+00 : f32
    %neg3A_47 = vector.broadcast %neg3A : f32 to vector<128x2048xf32>
    %neg3A_48 = arith.subf %neg3A_47, %add3A_46 : vector<128x2048xf32>
    %exp3A = math.exp %neg3A_48 : vector<128x2048xf32>
    %get3A_49 = arith.constant 0 : index
    %get3A_50 = arith.constant 0 : index
    %get3A_51 = arith.constant 0 : index
    %get3A_52 = vector.load %arg7[%get3A_49, %get3A_50, %get3A_51] : memref<1x128x2048xf32, #tpu.memory_space<vmem>>, vector<1x128x2048xf32>
    %get3A_53 = vector.shape_cast %get3A_52 : vector<1x128x2048xf32> to vector<128x2048xf32>
    %get3A_54 = arith.constant 0 : index
    %get3A_55 = arith.constant 0 : index
    %get3A_56 = arith.constant 0 : index
    %get3A_57 = vector.load %arg6[%get3A_54, %get3A_55, %get3A_56] : memref<1x128x2048xf32, #tpu.memory_space<vmem>>, vector<1x128x2048xf32>
    %get3A_58 = vector.shape_cast %get3A_57 : vector<1x128x2048xf32> to vector<128x2048xf32>
    %gt3A = arith.cmpf ogt, %get3A_53, %get3A_58 : vector<128x2048xf32>
    %gt3A_59 = arith.constant 5.000000e-01 : f32
    %gt3A_60 = vector.broadcast %gt3A_59 : f32 to vector<128x2048xf32>
    %gt3A_61 = arith.cmpf ogt, %exp3A, %gt3A_60 : vector<128x2048xf32>
    %and3A = arith.andi %gt3A_61, %gt3A : vector<128x2048xi1>
    %convert_element_type3A_62 = arith.extui %and3A : vector<128x2048xi1> to vector<128x2048xi32>
    %swap3A = arith.constant 0 : index
    %swap3A_63 = arith.constant 0 : index
    %swap3A_64 = vector.load %arg8[%swap3A, %swap3A_63] : memref<128x2048xi32, #tpu.memory_space<vmem>>, vector<128x2048xi32>
    tpu.vector_store %arg8[%swap3A, %swap3A_63], %convert_element_type3A_62 {strides = array<i32>} : memref<128x2048xi32, #tpu.memory_space<vmem>>, vector<128x2048xi32>,
    %get3A_65 = arith.constant 0 : index
    %get3A_66 = arith.constant 0 : index
    %get3A_67 = vector.load %arg3[%get3A_65, %get3A_66] : memref<128x2048xi32, #tpu.memory_space<vmem>>, vector<128x2048xi32>
    %mul3A_68 = arith.muli %convert_element_type3A_62, %get3A_67 : vector<128x2048xi32>
    %get3A_69 = arith.constant 0 : index
    %get3A_70 = arith.constant 0 : index
    %get3A_71 = memref.load %arg9[%get3A_69, %get3A_70] : memref<1x1xi32, #tpu.memory_space<smem>>
    %reduce_sum3A = vector.shape_cast %convert_element_type3A_62 : vector<128x2048xi32> to vector<1x128x2048xi32>
    %reduce_sum3A_72 = arith.constant dense<0> : vector<1xi32>
    %reduce_sum3A_73 = vector.multi_reduction <add>, %reduce_sum3A, %reduce_sum3A_72 [1, 2] : vector<1x128x2048xi32> to vector<1xi32>
    %reduce_sum3A_74 = vector.shape_cast %reduce_sum3A_73 : vector<1xi32> to vector<1x1x1xi32>
    %reduce_sum3A_75 = vector.extract %reduce_sum3A_74[0, 0, 0] : i32 from vector<1x1x1xi32>
    %add3A_76 = arith.addi %get3A_71, %reduce_sum3A_75 : i32
    %swap3A_77 = arith.constant 0 : index
    %swap3A_78 = arith.constant 0 : index
    %swap3A_79 = memref.load %arg9[%swap3A_77, %swap3A_78] : memref<1x1xi32, #tpu.memory_space<smem>>
    memref.store %add3A_76, %arg9[%swap3A_77, %swap3A_78] : memref<1x1xi32, #tpu.memory_space<smem>>
    %get3A_80 = arith.constant 0 : index
    %get3A_81 = arith.constant 0 : index
    %get3A_82 = memref.load %arg10[%get3A_80, %get3A_81] : memref<1x1xi32, #tpu.memory_space<smem>>
    %reduce_sum3A_83 = vector.shape_cast %mul3A_68 : vector<128x2048xi32> to vector<1x128x2048xi32>
    %reduce_sum3A_84 = arith.constant dense<0> : vector<1xi32>
    %reduce_sum3A_85 = vector.multi_reduction <add>, %reduce_sum3A_83, %reduce_sum3A_84 [1, 2] : vector<1x128x2048xi32> to vector<1xi32>
    %reduce_sum3A_86 = vector.shape_cast %reduce_sum3A_85 : vector<1xi32> to vector<1x1x1xi32>
    %reduce_sum3A_87 = vector.extract %reduce_sum3A_86[0, 0, 0] : i32 from vector<1x1x1xi32>
    %add3A_88 = arith.addi %get3A_82, %reduce_sum3A_87 : i32
    %swap3A_89 = arith.constant 0 : index
    %swap3A_90 = arith.constant 0 : index
    %swap3A_91 = memref.load %arg10[%swap3A_89, %swap3A_90] : memref<1x1xi32, #tpu.memory_space<smem>>
    memref.store %add3A_88, %arg10[%swap3A_89, %swap3A_90] : memref<1x1xi32, #tpu.memory_space<smem>>
    %mul3A_92 = arith.constant 262144 : i32
    %mul3A_93 = arith.muli %arg0, %mul3A_92 : i32
    %add3A_94 = vector.broadcast %mul3A_93 : i32 to vector<128x2048xi32>
    %add3A_95 = arith.addi %add3A, %add3A_94 : vector<128x2048xi32>
    %get3A_96 = arith.constant 0 : index
    %get3A_97 = arith.constant 0 : index
    %get3A_98 = memref.load %arg11[%get3A_96, %get3A_97] : memref<1x1xi32, #tpu.memory_space<smem>>
    %get3A_99 = arith.constant 0 : index
    %get3A_100 = memref.load %arg2[%get3A_99] : memref<2xi32, #tpu.memory_space<smem>>
    %eq3A_101 = vector.broadcast %get3A_100 : i32 to vector<128x2048xi32>
    %eq3A_102 = arith.cmpi eq, %add3A_95, %eq3A_101 : vector<128x2048xi32>
    %jit3A = arith.constant 0 : i32
    %broadcast_in_dim3A = vector.broadcast %jit3A : i32 to vector<128x2048xi32>
    %select_n3A = arith.select %eq3A_102, %mul3A_68, %broadcast_in_dim3A : vector<128x2048xi1>, vector<128x2048xi32>
    %reduce_sum3A_103 = vector.shape_cast %select_n3A : vector<128x2048xi32> to vector<1x128x2048xi32>
    %reduce_sum3A_104 = arith.constant dense<0> : vector<1xi32>
    %reduce_sum3A_105 = vector.multi_reduction <add>, %reduce_sum3A_103, %reduce_sum3A_104 [1, 2] : vector<1x128x2048xi32> to vector<1xi32>
    %reduce_sum3A_106 = vector.shape_cast %reduce_sum3A_105 : vector<1xi32> to vector<1x1x1xi32>
    %reduce_sum3A_107 = vector.extract %reduce_sum3A_106[0, 0, 0] : i32 from vector<1x1x1xi32>
    %add3A_108 = arith.addi %get3A_98, %reduce_sum3A_107 : i32
    %swap3A_109 = arith.constant 0 : index
    %swap3A_110 = arith.constant 0 : index
    %swap3A_111 = memref.load %arg11[%swap3A_109, %swap3A_110] : memref<1x1xi32, #tpu.memory_space<smem>>
    memref.store %add3A_108, %arg11[%swap3A_109, %swap3A_110] : memref<1x1xi32, #tpu.memory_space<smem>>
    %get3A_112 = arith.constant 0 : index
    %get3A_113 = arith.constant 0 : index
    %get3A_114 = memref.load %arg12[%get3A_112, %get3A_113] : memref<1x1xi32, #tpu.memory_space<smem>>
    %get3A_115 = arith.constant 1 : index
    %get3A_116 = memref.load %arg2[%get3A_115] : memref<2xi32, #tpu.memory_space<smem>>
    %eq3A_117 = vector.broadcast %get3A_116 : i32 to vector<128x2048xi32>
    %eq3A_118 = arith.cmpi eq, %add3A_95, %eq3A_117 : vector<128x2048xi32>
    %jit3A_119 = arith.constant 0 : i32
    %broadcast_in_dim3A_120 = vector.broadcast %jit3A_119 : i32 to vector<128x2048xi32>
    %select_n3A_121 = arith.select %eq3A_118, %mul3A_68, %broadcast_in_dim3A_120 : vector<128x2048xi1>, vector<128x2048xi32>
    %reduce_sum3A_122 = vector.shape_cast %select_n3A_121 : vector<128x2048xi32> to vector<1x128x2048xi32>
    %reduce_sum3A_123 = arith.constant dense<0> : vector<1xi32>
    %reduce_sum3A_124 = vector.multi_reduction <add>, %reduce_sum3A_122, %reduce_sum3A_123 [1, 2] : vector<1x128x2048xi32> to vector<1xi32>
    %reduce_sum3A_125 = vector.shape_cast %reduce_sum3A_124 : vector<1xi32> to vector<1x1x1xi32>
    %reduce_sum3A_126 = vector.extract %reduce_sum3A_125[0, 0, 0] : i32 from vector<1x1x1xi32>
    %add3A_127 = arith.addi %get3A_114, %reduce_sum3A_126 : i32
    %swap3A_128 = arith.constant 0 : index
    %swap3A_129 = arith.constant 0 : index
    %swap3A_130 = memref.load %arg12[%swap3A_128, %swap3A_129] : memref<1x1xi32, #tpu.memory_space<smem>>
    memref.store %add3A_127, %arg12[%swap3A_128, %swap3A_129] : memref<1x1xi32, #tpu.memory_space<smem>>
    return
  }
  func.func @transform_0(%arg0: i32) -> i32 {
    %c0_i32 = arith.constant 0 : i32
    %c0_i32_0 = arith.constant 0 : i32
    return %c0_i32 : i32
  }
  func.func @transform_1(%arg0: i32) -> i32 {
    %c0_i32 = arith.constant 0 : i32
    %c0_i32_0 = arith.constant 0 : i32
    return %c0_i32 : i32
  }
  func.func @transform_2(%arg0: i32) -> (i32, i32) {
    %c0_i32 = arith.constant 0 : i32
    %c0_i32_0 = arith.constant 0 : i32
    return %arg0, %c0_i32 : i32, i32
  }
  func.func @transform_3(%arg0: i32) -> (i32, i32, i32) {
    %c0_i32 = arith.constant 0 : i32
    %c0_i32_0 = arith.constant 0 : i32
    %c0_i32_1 = arith.constant 0 : i32
    return %c0_i32, %arg0, %c0_i32_0 : i32, i32, i32
  }
  func.func @transform_4(%arg0: i32) -> (i32, i32, i32) {
    %c1_i32 = arith.constant 1 : i32
    %c0_i32 = arith.constant 0 : i32
    %c0_i32_0 = arith.constant 0 : i32
    return %c1_i32, %arg0, %c0_i32 : i32, i32, i32
  }
  func.func @transform_5(%arg0: i32) -> (i32, i32, i32) {
    %c5_i32 = arith.constant 5 : i32
    %c0_i32 = arith.constant 0 : i32
    %c0_i32_0 = arith.constant 0 : i32
    return %c5_i32, %arg0, %c0_i32 : i32, i32, i32
  }
  func.func @transform_6(%arg0: i32) -> (i32, i32, i32) {
    %c6_i32 = arith.constant 6 : i32
    %c0_i32 = arith.constant 0 : i32
    %c0_i32_0 = arith.constant 0 : i32
    return %c6_i32, %arg0, %c0_i32 : i32, i32, i32
  }
  func.func @transform_7(%arg0: i32) -> (i32, i32) {
    %c0_i32 = arith.constant 0 : i32
    %c0_i32_0 = arith.constant 0 : i32
    return %arg0, %c0_i32 : i32, i32
  }
  func.func @transform_8(%arg0: i32) -> (i32, i32) {
    %c0_i32 = arith.constant 0 : i32
    %c0_i32_0 = arith.constant 0 : i32
    %c0_i32_1 = arith.constant 0 : i32
    return %c0_i32, %c0_i32_0 : i32, i32
  }
  func.func @transform_9(%arg0: i32) -> (i32, i32) {
    %c0_i32 = arith.constant 0 : i32
    %c0_i32_0 = arith.constant 0 : i32
    %c0_i32_1 = arith.constant 0 : i32
    return %c0_i32, %c0_i32_0 : i32, i32
  }
  func.func @transform_10(%arg0: i32) -> (i32, i32) {
    %c0_i32 = arith.constant 0 : i32
    %c0_i32_0 = arith.constant 0 : i32
    %c0_i32_1 = arith.constant 0 : i32
    return %c0_i32, %c0_i32_0 : i32, i32
  }
  func.func @transform_11(%arg0: i32) -> (i32, i32) {
    %c0_i32 = arith.constant 0 : i32
    %c0_i32_0 = arith.constant 0 : i32
    %c0_i32_1 = arith.constant 0 : i32
    return %c0_i32, %c0_i32_0 : i32, i32
  }
}

module attributes {stable_mosaic.version = 14 : i64} {
  func.func @_b4_body(%arg0: i32, %arg1: memref<6xi32, #tpu.memory_space<smem>>, %arg2: memref<128x2048xi32, #tpu.memory_space<vmem>>, %arg3: memref<128x2048xi32, #tpu.memory_space<vmem>>, %arg4: memref<128x2048xi32, #tpu.memory_space<vmem>>, %arg5: memref<128x2048xi32, #tpu.memory_space<vmem>>, %arg6: memref<128x2048xi32, #tpu.memory_space<vmem>>, %arg7: memref<128x2048xi32, #tpu.memory_space<vmem>>, %arg8: memref<1x1xi32, #tpu.memory_space<smem>>) attributes {dimension_semantics = [#tpu.dimension_semantics<arbitrary>], iteration_bounds = array<i64: 8>, scalar_prefetch = 0 : i64, scratch_operands = 0 : i64, tpu.core_type = #tpu.core_type<tc>, window_params = [{transform_indices = @transform_0, window_bounds = array<i64: 6>}, {transform_indices = @transform_1, window_bounds = array<i64: 128, 2048>}, {transform_indices = @transform_2, window_bounds = array<i64: 128, 2048>}, {transform_indices = @transform_3, window_bounds = array<i64: 128, 2048>}, {transform_indices = @transform_4, window_bounds = array<i64: 128, 2048>}, {transform_indices = @transform_5, window_bounds = array<i64: 128, 2048>}, {transform_indices = @transform_6, window_bounds = array<i64: 128, 2048>}, {transform_indices = @transform_7, window_bounds = array<i64: 1, 1>}]} {
    %eq3A = arith.constant 0 : i32
    %eq3A_0 = arith.cmpi eq, %arg0, %eq3A : i32
    %convert_element_type3A = arith.extui %eq3A_0 : i1 to i32
    %cond3A = arith.constant 0 : i32
    %cond3A_1 = arith.cmpi ne, %convert_element_type3A, %cond3A : i32
    scf.if %cond3A_1 {
      %swap3A_76 = arith.constant 0 : i32
      %swap3A_77 = arith.constant 0 : index
      %swap3A_78 = arith.constant 0 : index
      %swap3A_79 = memref.load %arg8[%swap3A_77, %swap3A_78] : memref<1x1xi32, #tpu.memory_space<smem>>
      memref.store %swap3A_76, %arg8[%swap3A_77, %swap3A_78] : memref<1x1xi32, #tpu.memory_space<smem>>
    } else {
    }
    %get3A = arith.constant 0 : index
    %get3A_2 = memref.load %arg1[%get3A] : memref<6xi32, #tpu.memory_space<smem>>
    %get3A_3 = arith.constant 1 : index
    %get3A_4 = memref.load %arg1[%get3A_3] : memref<6xi32, #tpu.memory_space<smem>>
    %get3A_5 = arith.constant 2 : index
    %get3A_6 = memref.load %arg1[%get3A_5] : memref<6xi32, #tpu.memory_space<smem>>
    %get3A_7 = arith.constant 3 : index
    %get3A_8 = memref.load %arg1[%get3A_7] : memref<6xi32, #tpu.memory_space<smem>>
    %ne3A = arith.constant 0 : i32
    %ne3A_9 = arith.cmpi ne, %get3A_8, %ne3A : i32
    %get3A_10 = arith.constant 4 : index
    %get3A_11 = memref.load %arg1[%get3A_10] : memref<6xi32, #tpu.memory_space<smem>>
    %ne3A_12 = arith.constant 0 : i32
    %ne3A_13 = arith.cmpi ne, %get3A_11, %ne3A_12 : i32
    %get3A_14 = arith.constant 5 : index
    %get3A_15 = memref.load %arg1[%get3A_14] : memref<6xi32, #tpu.memory_space<smem>>
    %ne3A_16 = arith.constant 0 : i32
    %ne3A_17 = arith.cmpi ne, %get3A_15, %ne3A_16 : i32
    %iota3A = tpu.iota {dimensions = array<i32: 0>} : vector<128x2048xi32>
    %iota3A_18 = tpu.iota {dimensions = array<i32: 1>} : vector<128x2048xi32>
    %mul3A = arith.constant 2048 : i32
    %mul3A_19 = vector.broadcast %mul3A : i32 to vector<128x2048xi32>
    %mul3A_20 = arith.muli %iota3A, %mul3A_19 : vector<128x2048xi32>
    %add3A = arith.addi %mul3A_20, %iota3A_18 : vector<128x2048xi32>
    %mul3A_21 = arith.constant 262144 : i32
    %mul3A_22 = arith.muli %arg0, %mul3A_21 : i32
    %add3A_23 = vector.broadcast %mul3A_22 : i32 to vector<128x2048xi32>
    %add3A_24 = arith.addi %add3A, %add3A_23 : vector<128x2048xi32>
    %get3A_25 = arith.constant 0 : index
    %get3A_26 = arith.constant 0 : index
    %get3A_27 = vector.load %arg2[%get3A_25, %get3A_26] : memref<128x2048xi32, #tpu.memory_space<vmem>>, vector<128x2048xi32>
    %eq3A_28 = vector.broadcast %get3A_2 : i32 to vector<128x2048xi32>
    %eq3A_29 = arith.cmpi eq, %add3A_24, %eq3A_28 : vector<128x2048xi32>
    %jit3A = arith.constant 0 : i32
    %broadcast_in_dim3A = vector.broadcast %jit3A : i32 to vector<128x2048xi32>
    %select_n3A = arith.select %eq3A_29, %broadcast_in_dim3A, %get3A_27 : vector<128x2048xi1>, vector<128x2048xi32>
    %eq3A_30 = vector.broadcast %get3A_4 : i32 to vector<128x2048xi32>
    %eq3A_31 = arith.cmpi eq, %add3A_24, %eq3A_30 : vector<128x2048xi32>
    %jit3A_32 = arith.constant 0 : i32
    %broadcast_in_dim3A_33 = vector.broadcast %jit3A_32 : i32 to vector<128x2048xi32>
    %select_n3A_34 = arith.select %eq3A_31, %broadcast_in_dim3A_33, %select_n3A : vector<128x2048xi1>, vector<128x2048xi32>
    %get3A_35 = arith.constant 0 : index
    %get3A_36 = arith.constant 0 : index
    %get3A_37 = vector.load %arg4[%get3A_35, %get3A_36] : memref<128x2048xi32, #tpu.memory_space<vmem>>, vector<128x2048xi32>
    %get3A_38 = arith.constant 0 : index
    %get3A_39 = arith.constant 0 : index
    %get3A_40 = vector.load %arg5[%get3A_38, %get3A_39] : memref<128x2048xi32, #tpu.memory_space<vmem>>, vector<128x2048xi32>
    %select_n3A_41 = arith.select %ne3A_13, %get3A_40, %get3A_37 : vector<128x2048xi32>
    %select_n3A_42 = arith.select %ne3A_13, %select_n3A_34, %select_n3A : vector<128x2048xi32>
    %ne3A_43 = arith.constant 0 : i32
    %ne3A_44 = vector.broadcast %ne3A_43 : i32 to vector<128x2048xi32>
    %ne3A_45 = arith.cmpi ne, %select_n3A_41, %ne3A_44 : vector<128x2048xi32>
    %jit3A_46 = arith.constant 0 : i32
    %broadcast_in_dim3A_47 = vector.broadcast %jit3A_46 : i32 to vector<128x2048xi32>
    %select_n3A_48 = arith.select %ne3A_45, %broadcast_in_dim3A_47, %select_n3A_42 : vector<128x2048xi1>, vector<128x2048xi32>
    %select_n3A_49 = arith.select %ne3A_9, %get3A_27, %select_n3A_48 : vector<128x2048xi32>
    %get3A_50 = arith.constant 0 : index
    %get3A_51 = arith.constant 0 : index
    %get3A_52 = vector.load %arg3[%get3A_50, %get3A_51] : memref<128x2048xi32, #tpu.memory_space<vmem>>, vector<128x2048xi32>
    %ne3A_53 = arith.constant 0 : i32
    %ne3A_54 = vector.broadcast %ne3A_53 : i32 to vector<128x2048xi32>
    %ne3A_55 = arith.cmpi ne, %get3A_40, %ne3A_54 : vector<128x2048xi32>
    %and3A = vector.broadcast %ne3A_17 : i1 to vector<128x2048xi1>
    %and3A_56 = arith.andi %and3A, %ne3A_55 : vector<128x2048xi1>
    %broadcast_in_dim3A_57 = vector.broadcast %get3A_6 : i32 to vector<128x2048xi32>
    %select_n3A_58 = arith.select %and3A_56, %broadcast_in_dim3A_57, %get3A_52 : vector<128x2048xi1>, vector<128x2048xi32>
    %select_n3A_59 = arith.select %ne3A_9, %get3A_52, %select_n3A_58 : vector<128x2048xi32>
    %swap3A = arith.constant 0 : index
    %swap3A_60 = arith.constant 0 : index
    %swap3A_61 = vector.load %arg6[%swap3A, %swap3A_60] : memref<128x2048xi32, #tpu.memory_space<vmem>>, vector<128x2048xi32>
    tpu.vector_store %arg6[%swap3A, %swap3A_60], %select_n3A_49 {strides = array<i32>} : memref<128x2048xi32, #tpu.memory_space<vmem>>, vector<128x2048xi32>,
    %swap3A_62 = arith.constant 0 : index
    %swap3A_63 = arith.constant 0 : index
    %swap3A_64 = vector.load %arg7[%swap3A_62, %swap3A_63] : memref<128x2048xi32, #tpu.memory_space<vmem>>, vector<128x2048xi32>
    tpu.vector_store %arg7[%swap3A_62, %swap3A_63], %select_n3A_59 {strides = array<i32>} : memref<128x2048xi32, #tpu.memory_space<vmem>>, vector<128x2048xi32>,
    %get3A_65 = arith.constant 0 : index
    %get3A_66 = arith.constant 0 : index
    %get3A_67 = memref.load %arg8[%get3A_65, %get3A_66] : memref<1x1xi32, #tpu.memory_space<smem>>
    %reduce_sum3A = vector.shape_cast %select_n3A_49 : vector<128x2048xi32> to vector<1x128x2048xi32>
    %reduce_sum3A_68 = arith.constant dense<0> : vector<1xi32>
    %reduce_sum3A_69 = vector.multi_reduction <add>, %reduce_sum3A, %reduce_sum3A_68 [1, 2] : vector<1x128x2048xi32> to vector<1xi32>
    %reduce_sum3A_70 = vector.shape_cast %reduce_sum3A_69 : vector<1xi32> to vector<1x1x1xi32>
    %reduce_sum3A_71 = vector.extract %reduce_sum3A_70[0, 0, 0] : i32 from vector<1x1x1xi32>
    %add3A_72 = arith.addi %get3A_67, %reduce_sum3A_71 : i32
    %swap3A_73 = arith.constant 0 : index
    %swap3A_74 = arith.constant 0 : index
    %swap3A_75 = memref.load %arg8[%swap3A_73, %swap3A_74] : memref<1x1xi32, #tpu.memory_space<smem>>
    memref.store %add3A_72, %arg8[%swap3A_73, %swap3A_74] : memref<1x1xi32, #tpu.memory_space<smem>>
    return
  }
  func.func @transform_0(%arg0: i32) -> i32 {
    %c0_i32 = arith.constant 0 : i32
    %c0_i32_0 = arith.constant 0 : i32
    return %c0_i32 : i32
  }
  func.func @transform_1(%arg0: i32) -> (i32, i32) {
    %c0_i32 = arith.constant 0 : i32
    %c0_i32_0 = arith.constant 0 : i32
    return %arg0, %c0_i32 : i32, i32
  }
  func.func @transform_2(%arg0: i32) -> (i32, i32) {
    %c0_i32 = arith.constant 0 : i32
    %c0_i32_0 = arith.constant 0 : i32
    return %arg0, %c0_i32 : i32, i32
  }
  func.func @transform_3(%arg0: i32) -> (i32, i32) {
    %c0_i32 = arith.constant 0 : i32
    %c0_i32_0 = arith.constant 0 : i32
    return %arg0, %c0_i32 : i32, i32
  }
  func.func @transform_4(%arg0: i32) -> (i32, i32) {
    %c0_i32 = arith.constant 0 : i32
    %c0_i32_0 = arith.constant 0 : i32
    return %arg0, %c0_i32 : i32, i32
  }
  func.func @transform_5(%arg0: i32) -> (i32, i32) {
    %c0_i32 = arith.constant 0 : i32
    %c0_i32_0 = arith.constant 0 : i32
    return %arg0, %c0_i32 : i32, i32
  }
  func.func @transform_6(%arg0: i32) -> (i32, i32) {
    %c0_i32 = arith.constant 0 : i32
    %c0_i32_0 = arith.constant 0 : i32
    return %arg0, %c0_i32 : i32, i32
  }
  func.func @transform_7(%arg0: i32) -> (i32, i32) {
    %c0_i32 = arith.constant 0 : i32
    %c0_i32_0 = arith.constant 0 : i32
    %c0_i32_1 = arith.constant 0 : i32
    return %c0_i32, %c0_i32_0 : i32, i32
  }
}

module attributes {stable_mosaic.version = 14 : i64} {
  func.func @_relabel_body(%arg0: i32, %arg1: memref<200xi32, #tpu.memory_space<smem>>, %arg2: memref<1xi32, #tpu.memory_space<smem>>, %arg3: memref<128x2048xi32, #tpu.memory_space<vmem>>, %arg4: memref<128x2048xi8, #tpu.memory_space<vmem>>) attributes {dimension_semantics = [#tpu.dimension_semantics<arbitrary>], iteration_bounds = array<i64: 8>, scalar_prefetch = 0 : i64, scratch_operands = 0 : i64, tpu.core_type = #tpu.core_type<tc>, window_params = [{transform_indices = @transform_0, window_bounds = array<i64: 200>}, {transform_indices = @transform_1, window_bounds = array<i64: 1>}, {transform_indices = @transform_2, window_bounds = array<i64: 128, 2048>}, {transform_indices = @transform_3, window_bounds = array<i64: 128, 2048>}]} {
    %get3A = arith.constant 0 : index
    %get3A_0 = arith.constant 0 : index
    %get3A_1 = vector.load %arg3[%get3A, %get3A_0] : memref<128x2048xi32, #tpu.memory_space<vmem>>, vector<128x2048xi32>
    %get3A_2 = arith.constant 0 : index
    %get3A_3 = memref.load %arg2[%get3A_2] : memref<1xi32, #tpu.memory_space<smem>>
    %while3A = arith.constant 0 : i32
    %while3A_4 = arith.subi %get3A_3, %while3A : i32
    %while3A_5 = arith.addi %while3A, %while3A_4 : i32
    %while3A_6 = arith.constant 1 : i32
    %while3A_7 = arith.divsi %while3A_4, %while3A_6 : i32
    %while3A_8 = arith.muli %while3A_7, %while3A_6 : i32
    %while3A_9 = arith.addi %while3A, %while3A_8 : i32
    %while3A_10 = arith.constant 1 : i32
    %while3A_11 = scf.for %while3A_16 = %while3A to %while3A_9 step %while3A_10 iter_args(%while3A_17 = %get3A_1) -> (vector<128x2048xi32>)  : i32 {
      %get3A_18 = arith.index_cast %while3A_16 : i32 to index
      %get3A_19 = memref.load %arg1[%get3A_18] : memref<200xi32, #tpu.memory_space<smem>>
      %eq3A = vector.broadcast %get3A_19 : i32 to vector<128x2048xi32>
      %eq3A_20 = arith.cmpi eq, %get3A_1, %eq3A : vector<128x2048xi32>
      %jit3A = arith.constant 0 : i32
      %broadcast_in_dim3A = vector.broadcast %jit3A : i32 to vector<128x2048xi32>
      %select_n3A = arith.select %eq3A_20, %broadcast_in_dim3A, %while3A_17 : vector<128x2048xi1>, vector<128x2048xi32>
      scf.yield %select_n3A : vector<128x2048xi32>
    }
    %while3A_12 = arith.constant 1 : i32
    %while3A_13 = scf.for %while3A_16 = %while3A_9 to %while3A_5 step %while3A_12 iter_args(%while3A_17 = %while3A_11) -> (vector<128x2048xi32>)  : i32 {
      %get3A_18 = arith.index_cast %while3A_16 : i32 to index
      %get3A_19 = memref.load %arg1[%get3A_18] : memref<200xi32, #tpu.memory_space<smem>>
      %eq3A = vector.broadcast %get3A_19 : i32 to vector<128x2048xi32>
      %eq3A_20 = arith.cmpi eq, %get3A_1, %eq3A : vector<128x2048xi32>
      %jit3A = arith.constant 0 : i32
      %broadcast_in_dim3A = vector.broadcast %jit3A : i32 to vector<128x2048xi32>
      %select_n3A = arith.select %eq3A_20, %broadcast_in_dim3A, %while3A_17 : vector<128x2048xi1>, vector<128x2048xi32>
      scf.yield %select_n3A : vector<128x2048xi32>
    }
    %convert_element_type3A = arith.trunci %while3A_13 : vector<128x2048xi32> to vector<128x2048xi8>
    %swap3A = arith.constant 0 : index
    %swap3A_14 = arith.constant 0 : index
    %swap3A_15 = vector.load %arg4[%swap3A, %swap3A_14] : memref<128x2048xi8, #tpu.memory_space<vmem>>, vector<128x2048xi8>
    tpu.vector_store %arg4[%swap3A, %swap3A_14], %convert_element_type3A {strides = array<i32>} : memref<128x2048xi8, #tpu.memory_space<vmem>>, vector<128x2048xi8>,
    return
  }
  func.func @transform_0(%arg0: i32) -> i32 {
    %c0_i32 = arith.constant 0 : i32
    %c0_i32_0 = arith.constant 0 : i32
    return %c0_i32 : i32
  }
  func.func @transform_1(%arg0: i32) -> i32 {
    %c0_i32 = arith.constant 0 : i32
    %c0_i32_0 = arith.constant 0 : i32
    return %c0_i32 : i32
  }
  func.func @transform_2(%arg0: i32) -> (i32, i32) {
    %c0_i32 = arith.constant 0 : i32
    %c0_i32_0 = arith.constant 0 : i32
    return %arg0, %c0_i32 : i32, i32
  }
  func.func @transform_3(%arg0: i32) -> (i32, i32) {
    %c0_i32 = arith.constant 0 : i32
    %c0_i32_0 = arith.constant 0 : i32
    return %arg0, %c0_i32 : i32, i32
  }
}

</mosaic_0001>

<sc_bundles>
// kernel: branch_1_fun.3.cloned.1.call-start
scs
__scs_entry_jumppad:
0x0: {  	(pc) =	sbr.rel $0x88, $3  }
0x1: {  	(tag) =	ssettag $0x0;
	lr =	simm.s32 $0x1  }
0x2: {  	[smem:$0x3FA0] =	sst lr;
	_ =	strace $0xD0000000  }
0x3: {  	_ = 	snop  }
0x4: {  	_ = 	snop  }
0x5: {  	_ = 	snop  }
0x6: {  	_ = 	snop  }
0x7: {  	_ = 	snop  }
__scs_overlays_trampoline_lowered:
0x8: {  	[smem:$0x3FAF] =	sst s0  }
0x9: {  	[smem:$0x3FB0] =	sst s1  }
0xa: {  	[smem:$0x3FB1] =	sst s2  }
0xb: {  	[smem:$0x3FB2] =	sst s3  }
0xc: {  	[smem:$0x3FB3] =	sst s4  }
0xd: {  	[smem:$0x3FB4] =	sst s5  }
0xe: {  	[smem:$0x3FB5] =	sst s6  }
0xf: {  	[smem:$0x3FB6] =	sst s7  }
0x10: {  	[smem:$0x3FB7] =	sst s8  }
0x11: {  	[smem:$0x3FB8] =	sst s9;
	s0 =	simm.s32 @!p0 $0x0  }
0x12: {  	s1 =	sld [smem:$0x3F9E];
	s0 =	simm.s32 @p0 $0x1  }
0x13: {  	[smem:$0x3FB9] =	sst s0;
	s0 =	simm.s32 @!p1 $0x0  }
0x14: {  	s2 =	sld [smem:$0x3F9D];
	s0 =	simm.s32 @p1 $0x1  }
0x15: {  	[smem:$0x3FBA] =	sst s0;
	s0 =	simm.s32 @!p2 $0x0  }
0x16: {  	s3 =	sld [smem:$0x3FDB];
	s0 =	simm.s32 @p2 $0x1  }
0x17: {  	s4 =	simm.s32 $0x1BF5;
	[smem:$0x3FBC] =	sst s0  }
0x18: {  	s0 =	sld [smem:$0x3F9F];
	_ =	swait.ge [sflag:s4], $0x0  }
0x19: {  	s7 =	sld [smem:$0x3FA0]  }
0x1a: {  	s8 =	sadd.s32 $0xFFFFE003, lr  }
0x1b: {  	s9 =	sadd.s32 $0xFFFFFEF7, lr;
	s5 =	simm.s32 $0xFFFFFFFF;
	p2 =	slt.u32 s8, $0xFFFFF086  }
0x1c: {  	p1 =	slt.u32 s9, $0xF7A;
	s5 =	simm.s32 @!p2 $0x0  }
0x1d: {  	s5 =	simm.s32 @p1 $0x1;
	p0 =	seq.s32 s7, s2  }
0x1e: {  	s7 =	smul.u32 @!p0 $0xF7A, s2;
	p2 =	seq.s32 @!p0 s5, $0x0  }
0x1f: {  	s9 =	smul.u32 $0xF7A, s1;
	s8 =	simm.s32 @!p0 $0x1BF5;
	p2 =	por !p2, p0  }
0x20: {  	[sflag:s8] =	ssyncset.s32 @!p0 $0xFFFFF086;
	s6 =	sadd.s32 @!p0 s3, s7;
	s7 =	simm.s32 @!p0 $0x108  }
0x21: {  	s3 =	sadd.s32 s3, s9;
	s6 =	sadd.s32 @!p0 $0x88, s6;
	s7 =	simm.s32 @p2 $0x1082  }
0x22: {  	[simem:s7], [sflag:s8] =	dma.local @!p0 [hbm:s6], $0xF7A  }
0x23: {  	s9 =	sor.u32 $0xD0000000, s2;
	s6 =	simm.s32 $0x108;
	_ =	swait.ge @!p0 [sflag:s8], $0x0  }
0x24: {  	s3 =	sadd.s32 $0x88, s3;
	s6 =	simm.s32 @!p1 $0x1082;
	[sflag:s4] =	ssyncset.s32 $0xFFFFF086  }
0x25: {  	[simem:s6], [sflag:s4] =	dma.local [hbm:s3], $0xF7A  }
0x26: {  	[smem:$0x3FA0] =	sst s1;
	(tag) =	ssettag s2;
	_ =	strace s9  }
0x27: {  	s1 =	sld [smem:$0x3FB0]  }
0x28: {  	s2 =	sld [smem:$0x3FB1]  }
0x29: {  	s4 =	sld [smem:$0x3FB3]  }
0x2a: {  	p0 =	seq.s32 s5, $0x0;
	s5 =	sld [smem:$0x3FB4]  }
0x2b: {  	s6 =	sld [smem:$0x3FB5]  }
0x2c: {  	s7 =	sld [smem:$0x3FB6]  }
0x2d: {  	s3 =	simm.s32 $0x108;
	s8 =	sld [smem:$0x3FB7]  }
0x2e: {  	s3 =	simm.s32 @!p0 $0x1082;
	s9 =	sld [smem:$0x3FB8]  }
0x2f: {  	lr =	sadd.s32 s0, s3;
	s0 =	sld [smem:$0x3FAF]  }
0x30: {  	s3 =	sld [smem:$0x3FB2]  }
0x31: {  	[smem:$0x3FBB] =	sst s10  }
0x32: {  	s10 =	sld [smem:$0x3FB9];
	_ =	sdelay $0x3  }
0x33: {  	p0 =	seq.s32 s10, $0x1;
	s10 =	sld [smem:$0x3FBB];
	_ =	sdelay $0x3  }
0x34: {  	[smem:$0x3FBB] =	sst s10  }
0x35: {  	s10 =	sld [smem:$0x3FBA];
	_ =	sdelay $0x3  }
0x36: {  	p1 =	seq.s32 s10, $0x1;
	s10 =	sld [smem:$0x3FBB];
	_ =	sdelay $0x3  }
0x37: {  	[smem:$0x3FBB] =	sst s10  }
0x38: {  	s10 =	sld [smem:$0x3FBC]  }
0x39: {  	_ = 	snop;
	(pc) =	sbr.ind lr, $3  }
0x3a: {  	_ = 	snop  }
0x3b: {  	_ = 	snop  }
0x3c: {  	p2 =	seq.s32 s10, $0x1;
	s10 =	sld [smem:$0x3FBB]  }
0x3d: {  	_ =	shalt  }
0x3e: {  	_ =	shalt  }
0x3f: {  	_ =	shalt  }
0x40: {  	_ =	shalt  }
0x41: {  	_ =	shalt  }
0x42: {  	_ =	shalt  }
0x43: {  	_ =	shalt  }
0x44: {  	_ =	shalt  }
0x45: {  	_ =	shalt  }
0x46: {  	_ =	shalt  }
0x47: {  	_ =	shalt  }
0x48: {  	_ =	shalt  }
0x49: {  	_ =	shalt  }
0x4a: {  	_ =	shalt  }
0x4b: {  	_ =	shalt  }
0x4c: {  	_ =	shalt  }
0x4d: {  	_ =	shalt  }
0x4e: {  	_ =	shalt  }
0x4f: {  	_ =	shalt  }
0x50: {  	_ =	shalt  }
0x51: {  	_ =	shalt  }
0x52: {  	_ =	shalt  }
0x53: {  	_ =	shalt  }
0x54: {  	_ =	shalt  }
0x55: {  	_ =	shalt  }
0x56: {  	_ =	shalt  }
0x57: {  	_ =	shalt  }
0x58: {  	_ =	shalt  }
0x59: {  	_ =	shalt  }
0x5a: {  	_ =	shalt  }
0x5b: {  	_ =	shalt  }
0x5c: {  	_ =	shalt  }
0x5d: {  	_ =	shalt  }
0x5e: {  	_ =	shalt  }
0x5f: {  	_ =	shalt  }
0x60: {  	_ =	shalt  }
0x61: {  	_ =	shalt  }
0x62: {  	_ =	shalt  }
0x63: {  	_ =	shalt  }
0x64: {  	_ =	shalt  }
0x65: {  	_ =	shalt  }
0x66: {  	_ =	shalt  }
0x67: {  	_ =	shalt  }
0x68: {  	_ =	shalt  }
0x69: {  	_ =	shalt  }
0x6a: {  	_ =	shalt  }
0x6b: {  	_ =	shalt  }
0x6c: {  	_ =	shalt  }
0x6d: {  	_ =	shalt  }
0x6e: {  	_ =	shalt  }
0x6f: {  	_ =	shalt  }
0x70: {  	_ =	shalt  }
0x71: {  	_ =	shalt  }
0x72: {  	_ =	shalt  }
0x73: {  	_ =	shalt  }
0x74: {  	_ =	shalt  }
0x75: {  	_ =	shalt  }
0x76: {  	_ =	shalt  }
0x77: {  	_ =	shalt  }
0x78: {  	_ =	shalt  }
0x79: {  	_ =	shalt  }
0x7a: {  	_ =	shalt  }
0x7b: {  	_ =	shalt  }
0x7c: {  	_ =	shalt  }
0x7d: {  	_ =	shalt  }
0x7e: {  	_ =	shalt  }
0x7f: {  	_ =	shalt  }
0x80: {  	_ =	shalt  }
0x81: {  	_ =	shalt  }
0x82: {  	_ =	shalt  }
0x83: {  	_ =	shalt  }
0x84: {  	_ =	shalt  }
0x85: {  	_ =	shalt  }
0x86: {  	_ =	shalt  }
0x87: {  	_ =	shalt  }
.Lfunc_end0:
.L_simem_size_0:
called_computation_lowered:
.L_overlay_start_0:
0x88: {  	s2 =	sld [smem:$0x3FD9]  }
0x89: {  	s3 =	sld [smem:$0x3FFE];
	_ =	sdelay $0x1  }
0x8a: {  	s1 =	srdreg.scid  }
0x8b: {  	s0 =	sand.u32 $0x1, s1  }
0x8c: {  	s17 =	sshll.u32 s0, $0xA;
	s2 =	sadd.s32 s3, s2  }
0x8d: {  	s2 =	sadd.s32 s2, s17  }
0x8e: {  	[smem:$0x3FC7] =	sst s2  }
0x8f: {  	_ = 	snop  }
0x90: {  	s2 =	sld [smem:$0x3FD0];
	(tm) =	ssettm $0x1  }
0x91: {  	s18 =	sld [smem:$0x3FFB];
	_ =	sdelay $0x3  }
0x92: {  	_ =	strace s18  }
0x93: {  	s3 =	sld [smem:$0x3FFC];
	_ =	sdelay $0x3  }
0x94: {  	_ =	strace s3  }
0x95: {  	s3 =	sld [smem:$0x3FFD];
	_ =	sdelay $0x3  }
0x96: {  	_ =	strace s3  }
0x97: {  	_ =	strace $0x8FFFFFFF  }
0x98: {  	s19 =	sld [smem:$0x3FDB];
	_ =	sdelay $0x1  }
0x99: {  	s4 =	simm.s32 $_scs_section_size  }
0x9a: {  	s5 =	simm.s32 $_size__tile_overlayer_lowered;
	s6 =	simm.s32 $_tile_overlayer_lowered  }
0x9b: {  	s22 =	simm.s32 $0x1BFF;
	s21 =	sshll.u32 s6, $0x1;
	s3 =	sadd.s32 s4, s19  }
0x9c: {  	s7 =	simm.s32 $0x0;
	s20 =	sshll.u32 s5, $0x1;
	s5 =	sadd.s32 s21, s3  }
0x9d: {  	[timem:s7], [sflag:s22] =	dma.local [hbm:s5], s20  }
0x9e: {  	_ =	swait.ge [sflag:s22], s20  }
0x9f: {  	s4 =	ssub.s32 $0x0, s20;
	[sflag:s22] =	ssyncset.done $0x0  }
0xa0: {  	[sflag:s22] =	ssyncadd.s32 s4;
	_ =	sdelay $0x1  }
0xa1: {  	s23 =	simm.s32 $0x1B8B  }
0xa2: {  	_ =	swait.ge [sflag:s23], $0x1  }
0xa3: {  	[sflag:s23] =	ssyncset.done $0x0  }
0xa4: {  	s25 =	simm.s32 $0x1B8E;
	s24 =	sld [smem:$0x3FFE];
	[sflag:s23] =	ssyncadd.s32 $0xFFFFFFFF  }
0xa5: {  	s26 =	simm.s32 $execute0_lowered;
	[smem:$0x3FD2] =	sst s25  }
0xa6: {  	s5 =	sshll.u32 s26, $0x1;
	_ =	strace $0x80000046;
	[dreg:$0x1] =	wrdreg $0xFFFFFFFF  }
0xa7: {  	s28 =	simm.s32 $_size_execute0_lowered;
	s3 =	sadd.s32 s3, s5;
	[dreg:$0x0] =	wrdreg $0x0  }
0xa8: {  	s5 =	sshll.u32 s28, $0x1;
	[dreg:$0x2] =	wrdreg s3  }
0xa9: {  	[dreg:$0x3] =	wrdreg s5  }
0xaa: {  	[dreg:$0x4] =	wrdreg $0xC0  }
0xab: {  	_ =	task [dreg:s7], $0x5FFFF  }
0xac: {  	[dreg:$0x1] =	wrdreg $0xFFFFFFFF  }
0xad: {  	[dreg:$0x0] =	wrdreg $0x60  }
0xae: {  	[dreg:$0x2] =	wrdreg s24  }
0xaf: {  	[dreg:$0x3] =	wrdreg s2  }
0xb0: {  	[dreg:$0x4] =	wrdreg $0x9  }
0xb1: {  	_ =	task.clear_ibuf [dreg:s7], $0x5FFFF;
	_ =	strace $0x90000046  }
0xb2: {  	s29 =	simm.s32 $0x9;
	_ =	strace $0x80000048  }
0xb3: {  	_ =	swait.ge [sflag:s29], $0x1  }
0xb4: {  	[sflag:s29] =	ssyncadd.s32 $0xFFFFFFFF  }
0xb5: {  	_ =	strace $0x90000048  }
0xb6: {  	_ =	sfence  }
0xb7: {  	s30 =	sld [smem:$0x0];
	_ =	sdelay $0x2  }
0xb8: {  	s31 =	sshll.u32 s1, $0xD;
	s1 =	sshrl.u32 s1, $0x2  }
0xb9: {  	s3 =	sand.u32 $0x4000, s31;
	s1 =	sadd.s32 s1, s30  }
0xba: {  	s0 =	sor.u32 s3, s0;
	s1 =	sshll.u32 s1, $0x11  }
0xbb: {  	s0 =	sor.u32 s1, s0  }
0xbc: {  	s0 =	sadd.s32 $0x8F2B, s0  }
0xbd: {  	[sflag:s0] =	ssyncadd.remote.s32 $0x1  }
0xbe: {  	_ =	sfence.sel $0xFFFF  }
0xbf: {  	[dreg:$0x0] =	wrdreg $0xFFFFFFFF;
	(pc) =	sbr.abs _section_cstart, $3  }
0xc0: {  	[dreg:$0x1] =	wrdreg $0xFFFFFFFF  }
0xc1: {  	_ =	task.clear_ibuf [dreg:s7], $0x2FFFF;
	_ =	strace $0x9FFFFFFF  }
0xc2: {  	(tm) =	ssettm $0x7FFFFFFF  }
0xc3: {  	_ =	shalt  }
tec
execute0_lowered:
.L_overlay_start_1:
0x0: {  	(tag) =	ssettag $0x1  }
0x1: {  	v0 =	vimm.s32 $0xB80;
	vm0 =	vcmask $0x300  }
0x2: {  	vm14 =	vcmask $0x704;
	v0 =	vsel vm0, $0x0, v0  }
0x3: {  	vm15 =	vcmask $0xB08;
	v0 =	vsel vm14, $0x80, v0  }
0x4: {  	vm4 =	vcmask $0xF0C;
	v0 =	vsel vm15, $0x100, v0  }
0x5: {  	s3 =	rddreg [dreg:$0x0];
	vm5 =	vcmask $0x1310;
	v0 =	vsel vm4, $0x180, v0  }
0x6: {  	s4 =	rddreg [dreg:$0x1];
	vm6 =	vcmask $0x1714;
	v0 =	vsel vm5, $0x200, v0  }
0x7: {  	s0 =	rddreg [dreg:$0x2];
	vm7 =	vcmask $0x1B18;
	v0 =	vsel vm6, $0x280, v0  }
0x8: {  	s5 =	srdreg.scid;
	s1 =	stileid.u32;
	s2 =	simm.s32 $0x0;
	vm8 =	vcmask $0x1F1C;
	v0 =	vsel vm7, $0x300, v0  }
0x9: {  	vm9 =	vcmask $0x2320;
	s9 =	simm.s32 $0x400;
	s10 =	simm.s32 $0x11000;
	s11 =	simm.s32 $0x0;
	v0 =	vsel vm8, $0x380, v0  }
0xa: {  	vm10 =	vcmask $0x2724;
	s5 =	sand.u32 $0x1, s5;
	s6 =	sshll.u32 s1, $0x1;
	[smem:$0x7FF] =	sst s2;
	v0 =	vsel vm9, $0x800, v0  }
0xb: {  	vm11 =	vcmask $0x2B28;
	s31 =	sshll.u32 s1, $0x6;
	s6 =	sor.u32 s5, s6;
	s5 =	ssub.s32 $0x2, s5;
	v0 =	vsel vm10, $0x880, v0  }
0xc: {  	vm12 =	vcmask $0x2F2C;
	_ =	strace $0x80000047;
	s7 =	sshll.u32 s6, $0xD;
	s8 =	sshrl.u32 s5, $0x1;
	v0 =	vsel vm11, $0x900, v0  }
0xd: {  	vm13 =	vcmask $0x3330;
	s6 =	sshll.u32 s6, $0x4;
	s3 =	sadd.s32 s7, s3;
	s7 =	sand.u32 $0x300, s31;
	v0 =	vsel vm12, $0x980, v0  }
0xe: {  	vm14 =	vcmask $0x3734;
	s5 =	ssub.s32 s5, s8;
	s6 =	sand.u32 $0x70, s6;
	s8 =	simm.s32 $0x80;
	v1 =	vsel vm13, $0xA00, v0  }
0xf: {  	v3 =	vimm.s32 $0x1;
	vm15 =	vcmask $0x3B38;
	s4 =	sadd.s32 s4, s7;
	s3 =	sadd.s32 $0x800, s3;
	s5 =	smax.u32 s5, $0x1;
	v2 =	vsel vm14, $0xA80, v1  }
0x10: {  	s7 =	simm.s32 $0x10000;
	s4 =	sadd.s32 s6, s4;
	s6 =	simm.s32 $0x1;
	v0 =	vimm.s32 $0x0;
	v1 =	vlaneseq.u32;
	v2 =	vsel vm15, $0xB00, v2  }
.LBB2_1:
0x11: {  	[tilespmem:$0x10000] =	vst v0  }
0x12: {  	[tilespmem:$0x10010] =	vst v0  }
0x13: {  	[tilespmem:$0x10020] =	vst v0  }
0x14: {  	[tilespmem:$0x10030] =	vst v0  }
0x15: {  	[tilespmem:$0x10040] =	vst v0  }
0x16: {  	[tilespmem:$0x10050] =	vst v0  }
0x17: {  	[tilespmem:$0x10060] =	vst v0  }
0x18: {  	[tilespmem:$0x10070] =	vst v0  }
0x19: {  	[tilespmem:$0x10400] =	vst v0  }
0x1a: {  	[tilespmem:$0x10410] =	vst v0  }
0x1b: {  	[tilespmem:$0x10420] =	vst v0  }
0x1c: {  	[tilespmem:$0x10430] =	vst v0  }
0x1d: {  	[tilespmem:$0x10440] =	vst v0  }
0x1e: {  	[tilespmem:$0x10450] =	vst v0  }
0x1f: {  	[tilespmem:$0x10460] =	vst v0  }
0x20: {  	[tilespmem:$0x10470] =	vst v0  }
0x21: {  	[tilespmem:$0x10080] =	vst v0  }
0x22: {  	[tilespmem:$0x10090] =	vst v0  }
0x23: {  	[tilespmem:$0x100A0] =	vst v0  }
0x24: {  	[tilespmem:$0x100B0] =	vst v0  }
0x25: {  	[tilespmem:$0x100C0] =	vst v0  }
0x26: {  	[tilespmem:$0x100D0] =	vst v0  }
0x27: {  	[tilespmem:$0x100E0] =	vst v0  }
0x28: {  	[tilespmem:$0x100F0] =	vst v0  }
0x29: {  	[tilespmem:$0x10480] =	vst v0  }
0x2a: {  	[tilespmem:$0x10490] =	vst v0  }
0x2b: {  	[tilespmem:$0x104A0] =	vst v0  }
0x2c: {  	[tilespmem:$0x104B0] =	vst v0  }
0x2d: {  	[tilespmem:$0x104C0] =	vst v0  }
0x2e: {  	[tilespmem:$0x104D0] =	vst v0  }
0x2f: {  	[tilespmem:$0x104E0] =	vst v0  }
0x30: {  	[tilespmem:$0x104F0] =	vst v0  }
0x31: {  	[tilespmem:$0x10100] =	vst v0  }
0x32: {  	[tilespmem:$0x10110] =	vst v0  }
0x33: {  	[tilespmem:$0x10120] =	vst v0  }
0x34: {  	[tilespmem:$0x10130] =	vst v0  }
0x35: {  	[tilespmem:$0x10140] =	vst v0  }
0x36: {  	[tilespmem:$0x10150] =	vst v0  }
0x37: {  	[tilespmem:$0x10160] =	vst v0  }
0x38: {  	[tilespmem:$0x10170] =	vst v0  }
0x39: {  	[tilespmem:$0x10500] =	vst v0  }
0x3a: {  	[tilespmem:$0x10510] =	vst v0  }
0x3b: {  	[tilespmem:$0x10520] =	vst v0  }
0x3c: {  	[tilespmem:$0x10530] =	vst v0  }
0x3d: {  	[tilespmem:$0x10540] =	vst v0  }
0x3e: {  	[tilespmem:$0x10550] =	vst v0  }
0x3f: {  	[tilespmem:$0x10560] =	vst v0  }
0x40: {  	[tilespmem:$0x10570] =	vst v0  }
0x41: {  	[tilespmem:$0x10180] =	vst v0  }
0x42: {  	[tilespmem:$0x10190] =	vst v0  }
0x43: {  	[tilespmem:$0x101A0] =	vst v0  }
0x44: {  	[tilespmem:$0x101B0] =	vst v0  }
0x45: {  	[tilespmem:$0x101C0] =	vst v0  }
0x46: {  	[tilespmem:$0x101D0] =	vst v0  }
0x47: {  	[tilespmem:$0x101E0] =	vst v0  }
0x48: {  	[tilespmem:$0x101F0] =	vst v0  }
0x49: {  	[tilespmem:$0x10580] =	vst v0  }
0x4a: {  	[tilespmem:$0x10590] =	vst v0  }
0x4b: {  	[tilespmem:$0x105A0] =	vst v0  }
0x4c: {  	[tilespmem:$0x105B0] =	vst v0  }
0x4d: {  	[tilespmem:$0x105C0] =	vst v0  }
0x4e: {  	[tilespmem:$0x105D0] =	vst v0  }
0x4f: {  	[tilespmem:$0x105E0] =	vst v0  }
0x50: {  	[tilespmem:$0x105F0] =	vst v0  }
0x51: {  	[tilespmem:$0x10200] =	vst v0  }
0x52: {  	[tilespmem:$0x10210] =	vst v0  }
0x53: {  	[tilespmem:$0x10220] =	vst v0  }
0x54: {  	[tilespmem:$0x10230] =	vst v0  }
0x55: {  	[tilespmem:$0x10240] =	vst v0  }
0x56: {  	[tilespmem:$0x10250] =	vst v0  }
0x57: {  	[tilespmem:$0x10260] =	vst v0  }
0x58: {  	[tilespmem:$0x10270] =	vst v0  }
0x59: {  	[tilespmem:$0x10600] =	vst v0  }
0x5a: {  	[tilespmem:$0x10610] =	vst v0  }
0x5b: {  	[tilespmem:$0x10620] =	vst v0  }
0x5c: {  	[tilespmem:$0x10630] =	vst v0  }
0x5d: {  	[tilespmem:$0x10640] =	vst v0  }
0x5e: {  	[tilespmem:$0x10650] =	vst v0  }
0x5f: {  	[tilespmem:$0x10660] =	vst v0  }
0x60: {  	[tilespmem:$0x10670] =	vst v0  }
0x61: {  	[tilespmem:$0x10280] =	vst v0  }
0x62: {  	[tilespmem:$0x10290] =	vst v0  }
0x63: {  	[tilespmem:$0x102A0] =	vst v0  }
0x64: {  	[tilespmem:$0x102B0] =	vst v0  }
0x65: {  	[tilespmem:$0x102C0] =	vst v0  }
0x66: {  	[tilespmem:$0x102D0] =	vst v0  }
0x67: {  	[tilespmem:$0x102E0] =	vst v0  }
0x68: {  	[tilespmem:$0x102F0] =	vst v0  }
0x69: {  	[tilespmem:$0x10680] =	vst v0  }
0x6a: {  	[tilespmem:$0x10690] =	vst v0  }
0x6b: {  	[tilespmem:$0x106A0] =	vst v0  }
0x6c: {  	[tilespmem:$0x106B0] =	vst v0  }
0x6d: {  	[tilespmem:$0x106C0] =	vst v0  }
0x6e: {  	[tilespmem:$0x106D0] =	vst v0  }
0x6f: {  	[tilespmem:$0x106E0] =	vst v0  }
0x70: {  	[tilespmem:$0x106F0] =	vst v0  }
0x71: {  	[tilespmem:$0x10300] =	vst v0  }
0x72: {  	[tilespmem:$0x10310] =	vst v0  }
0x73: {  	[tilespmem:$0x10320] =	vst v0  }
0x74: {  	[tilespmem:$0x10330] =	vst v0  }
0x75: {  	[tilespmem:$0x10340] =	vst v0  }
0x76: {  	[tilespmem:$0x10350] =	vst v0  }
0x77: {  	[tilespmem:$0x10360] =	vst v0  }
0x78: {  	[tilespmem:$0x10370] =	vst v0  }
0x79: {  	[tilespmem:$0x10700] =	vst v0  }
0x7a: {  	[tilespmem:$0x10710] =	vst v0  }
0x7b: {  	[tilespmem:$0x10720] =	vst v0  }
0x7c: {  	[tilespmem:$0x10730] =	vst v0  }
0x7d: {  	[tilespmem:$0x10740] =	vst v0  }
0x7e: {  	[tilespmem:$0x10750] =	vst v0  }
0x7f: {  	[tilespmem:$0x10760] =	vst v0  }
0x80: {  	[tilespmem:$0x10770] =	vst v0  }
0x81: {  	[tilespmem:$0x10380] =	vst v0  }
0x82: {  	[tilespmem:$0x10390] =	vst v0  }
0x83: {  	[tilespmem:$0x103A0] =	vst v0  }
0x84: {  	[tilespmem:$0x103B0] =	vst v0  }
0x85: {  	[tilespmem:$0x103C0] =	vst v0  }
0x86: {  	[tilespmem:$0x103D0] =	vst v0  }
0x87: {  	[tilespmem:$0x103E0] =	vst v0  }
0x88: {  	[tilespmem:$0x103F0] =	vst v0  }
0x89: {  	[tilespmem:$0x10780] =	vst v0  }
0x8a: {  	[tilespmem:$0x10790] =	vst v0  }
0x8b: {  	[tilespmem:$0x107A0] =	vst v0  }
0x8c: {  	[tilespmem:$0x107B0] =	vst v0  }
0x8d: {  	[tilespmem:$0x107C0] =	vst v0  }
0x8e: {  	[tilespmem:$0x107D0] =	vst v0  }
0x8f: {  	[tilespmem:$0x107E0] =	vst v0  }
0x90: {  	[tilespmem:$0x107F0] =	vst v0  }
0x91: {  	[tilespmem:$0x10800] =	vst v0  }
0x92: {  	[tilespmem:$0x10810] =	vst v0  }
0x93: {  	[tilespmem:$0x10820] =	vst v0  }
0x94: {  	[tilespmem:$0x10830] =	vst v0  }
0x95: {  	[tilespmem:$0x10840] =	vst v0  }
0x96: {  	[tilespmem:$0x10850] =	vst v0  }
0x97: {  	[tilespmem:$0x10860] =	vst v0  }
0x98: {  	[tilespmem:$0x10870] =	vst v0  }
0x99: {  	[tilespmem:$0x10C00] =	vst v0  }
0x9a: {  	[tilespmem:$0x10C10] =	vst v0  }
0x9b: {  	[tilespmem:$0x10C20] =	vst v0  }
0x9c: {  	[tilespmem:$0x10C30] =	vst v0  }
0x9d: {  	[tilespmem:$0x10C40] =	vst v0  }
0x9e: {  	[tilespmem:$0x10C50] =	vst v0  }
0x9f: {  	[tilespmem:$0x10C60] =	vst v0  }
0xa0: {  	[tilespmem:$0x10C70] =	vst v0  }
0xa1: {  	[tilespmem:$0x10880] =	vst v0  }
0xa2: {  	[tilespmem:$0x10890] =	vst v0  }
0xa3: {  	[tilespmem:$0x108A0] =	vst v0  }
0xa4: {  	[tilespmem:$0x108B0] =	vst v0  }
0xa5: {  	[tilespmem:$0x108C0] =	vst v0  }
0xa6: {  	[tilespmem:$0x108D0] =	vst v0  }
0xa7: {  	[tilespmem:$0x108E0] =	vst v0  }
0xa8: {  	[tilespmem:$0x108F0] =	vst v0  }
0xa9: {  	[tilespmem:$0x10C80] =	vst v0  }
0xaa: {  	[tilespmem:$0x10C90] =	vst v0  }
0xab: {  	[tilespmem:$0x10CA0] =	vst v0  }
0xac: {  	[tilespmem:$0x10CB0] =	vst v0  }
0xad: {  	[tilespmem:$0x10CC0] =	vst v0  }
0xae: {  	[tilespmem:$0x10CD0] =	vst v0  }
0xaf: {  	[tilespmem:$0x10CE0] =	vst v0  }
0xb0: {  	[tilespmem:$0x10CF0] =	vst v0  }
0xb1: {  	[tilespmem:$0x10900] =	vst v0  }
0xb2: {  	[tilespmem:$0x10910] =	vst v0  }
0xb3: {  	[tilespmem:$0x10920] =	vst v0  }
0xb4: {  	[tilespmem:$0x10930] =	vst v0  }
0xb5: {  	[tilespmem:$0x10940] =	vst v0  }
0xb6: {  	[tilespmem:$0x10950] =	vst v0  }
0xb7: {  	[tilespmem:$0x10960] =	vst v0  }
0xb8: {  	[tilespmem:$0x10970] =	vst v0  }
0xb9: {  	[tilespmem:$0x10D00] =	vst v0  }
0xba: {  	[tilespmem:$0x10D10] =	vst v0  }
0xbb: {  	[tilespmem:$0x10D20] =	vst v0  }
0xbc: {  	[tilespmem:$0x10D30] =	vst v0  }
0xbd: {  	[tilespmem:$0x10D40] =	vst v0  }
0xbe: {  	[tilespmem:$0x10D50] =	vst v0  }
0xbf: {  	[tilespmem:$0x10D60] =	vst v0  }
0xc0: {  	[tilespmem:$0x10D70] =	vst v0  }
0xc1: {  	[tilespmem:$0x10980] =	vst v0  }
0xc2: {  	[tilespmem:$0x10990] =	vst v0  }
0xc3: {  	[tilespmem:$0x109A0] =	vst v0  }
0xc4: {  	[tilespmem:$0x109B0] =	vst v0  }
0xc5: {  	[tilespmem:$0x109C0] =	vst v0  }
0xc6: {  	[tilespmem:$0x109D0] =	vst v0  }
0xc7: {  	[tilespmem:$0x109E0] =	vst v0  }
0xc8: {  	[tilespmem:$0x109F0] =	vst v0  }
0xc9: {  	[tilespmem:$0x10D80] =	vst v0  }
0xca: {  	[tilespmem:$0x10D90] =	vst v0  }
0xcb: {  	[tilespmem:$0x10DA0] =	vst v0  }
0xcc: {  	[tilespmem:$0x10DB0] =	vst v0  }
0xcd: {  	[tilespmem:$0x10DC0] =	vst v0  }
0xce: {  	[tilespmem:$0x10DD0] =	vst v0  }
0xcf: {  	[tilespmem:$0x10DE0] =	vst v0  }
0xd0: {  	[tilespmem:$0x10DF0] =	vst v0  }
0xd1: {  	[tilespmem:$0x10A00] =	vst v0  }
0xd2: {  	[tilespmem:$0x10A10] =	vst v0  }
0xd3: {  	[tilespmem:$0x10A20] =	vst v0  }
0xd4: {  	[tilespmem:$0x10A30] =	vst v0  }
0xd5: {  	[tilespmem:$0x10A40] =	vst v0  }
0xd6: {  	[tilespmem:$0x10A50] =	vst v0  }
0xd7: {  	[tilespmem:$0x10A60] =	vst v0  }
0xd8: {  	[tilespmem:$0x10A70] =	vst v0  }
0xd9: {  	[tilespmem:$0x10E00] =	vst v0  }
0xda: {  	[tilespmem:$0x10E10] =	vst v0  }
0xdb: {  	[tilespmem:$0x10E20] =	vst v0  }
0xdc: {  	[tilespmem:$0x10E30] =	vst v0  }
0xdd: {  	[tilespmem:$0x10E40] =	vst v0  }
0xde: {  	[tilespmem:$0x10E50] =	vst v0  }
0xdf: {  	[tilespmem:$0x10E60] =	vst v0  }
0xe0: {  	[tilespmem:$0x10E70] =	vst v0  }
0xe1: {  	[tilespmem:$0x10A80] =	vst v0  }
0xe2: {  	[tilespmem:$0x10A90] =	vst v0  }
0xe3: {  	[tilespmem:$0x10AA0] =	vst v0  }
0xe4: {  	[tilespmem:$0x10AB0] =	vst v0  }
0xe5: {  	[tilespmem:$0x10AC0] =	vst v0  }
0xe6: {  	[tilespmem:$0x10AD0] =	vst v0  }
0xe7: {  	[tilespmem:$0x10AE0] =	vst v0  }
0xe8: {  	[tilespmem:$0x10AF0] =	vst v0  }
0xe9: {  	[tilespmem:$0x10E80] =	vst v0  }
0xea: {  	[tilespmem:$0x10E90] =	vst v0  }
0xeb: {  	[tilespmem:$0x10EA0] =	vst v0  }
0xec: {  	[tilespmem:$0x10EB0] =	vst v0  }
0xed: {  	[tilespmem:$0x10EC0] =	vst v0  }
0xee: {  	[tilespmem:$0x10ED0] =	vst v0  }
0xef: {  	[tilespmem:$0x10EE0] =	vst v0  }
0xf0: {  	[tilespmem:$0x10EF0] =	vst v0  }
0xf1: {  	[tilespmem:$0x10B00] =	vst v0  }
0xf2: {  	[tilespmem:$0x10B10] =	vst v0  }
0xf3: {  	[tilespmem:$0x10B20] =	vst v0  }
0xf4: {  	[tilespmem:$0x10B30] =	vst v0  }
0xf5: {  	[tilespmem:$0x10B40] =	vst v0  }
0xf6: {  	[tilespmem:$0x10B50] =	vst v0  }
0xf7: {  	[tilespmem:$0x10B60] =	vst v0  }
0xf8: {  	[tilespmem:$0x10B70] =	vst v0  }
0xf9: {  	[tilespmem:$0x10F00] =	vst v0  }
0xfa: {  	[tilespmem:$0x10F10] =	vst v0  }
0xfb: {  	[tilespmem:$0x10F20] =	vst v0  }
0xfc: {  	[tilespmem:$0x10F30] =	vst v0  }
0xfd: {  	[tilespmem:$0x10F40] =	vst v0  }
0xfe: {  	[tilespmem:$0x10F50] =	vst v0  }
0xff: {  	[tilespmem:$0x10F60] =	vst v0  }
0x100: {  	[tilespmem:$0x10F70] =	vst v0  }
0x101: {  	[tilespmem:$0x10B80] =	vst v0  }
0x102: {  	[tilespmem:$0x10B90] =	vst v0  }
0x103: {  	[tilespmem:$0x10BA0] =	vst v0  }
0x104: {  	[tilespmem:$0x10BB0] =	vst v0  }
0x105: {  	[tilespmem:$0x10BC0] =	vst v0  }
0x106: {  	[tilespmem:$0x10BD0] =	vst v0  }
0x107: {  	[tilespmem:$0x10BE0] =	vst v0  }
0x108: {  	[tilespmem:$0x10BF0] =	vst v0  }
0x109: {  	[tilespmem:$0x10F80] =	vst v0  }
0x10a: {  	[tilespmem:$0x10F90] =	vst v0  }
0x10b: {  	[tilespmem:$0x10FA0] =	vst v0  }
0x10c: {  	[tilespmem:$0x10FB0] =	vst v0  }
0x10d: {  	[tilespmem:$0x10FC0] =	vst v0  }
0x10e: {  	[tilespmem:$0x10FD0] =	vst v0  }
0x10f: {  	[tilespmem:$0x10FE0] =	vst v0  }
0x110: {  	[tilespmem:$0x10FF0] =	vst v0;
	v4 =	vor.u32 s2, v1  }
0x111: {  	[tilespmem:s2], [sflag:$0x1] =	stream.linear.gather [hbm4b:s3+s2], $0x10000, $0x38;
	[tilespmem:$0x11100] =	vst v63  }
0x112: {  	_ =	swait.ge [sflag:s6], $0x10000  }
0x113: {  	[sflag:s6] =	ssyncset.done $0x0  }
0x114: {  	[sflag:s6] =	ssyncadd.s32 $0xFFFF0000  }
0x115: {  	v4 =	vld.idx.msk [tilespmem:v4+s2+$0x0], $0xffff;
	_ =	sdelay $0x4  }
0x116: {  	v5 =	vshll.u32 v4, $0x3  }
0x117: {  	v4 =	vand.u32 $0x7F, v4;
	v5 =	vand.u32 $0xFFFFFC00, v5  }
0x118: {  	v4 =	vor.u32 v4, v5  }
0x119: {  	s12 =	simm.s32 $0x10;
	v4 =	vadd.s32 v2, v4  }
0x11a: {  	v5 =	vor.u32 s12, v1;
	s12 =	simm.s32 $0x20  }
.LBB2_2:
0x11b: {  	p0 =	sne.s32 s12, $0xFFF0;
	_ =	sdelay $0x2  }
0x11c: {  	[tilespmem:v4+s7+$0x0] =	vst.idx.add.s32.msk $0xffff, v3  }
0x11d: {  	v4 =	vld.idx.msk [tilespmem:v5+s2+$0x0], $0xffff;
	_ =	sdelay $0x5  }
.Ltmp0:
0x11e: {  	v5 =	vshll.u32 v4, $0x3;
	(pc) =	sbr.rel @p0 .LBB2_2-.Ltmp0, $4  }
0x11f: {  	v4 =	vand.u32 $0x7F, v4;
	v5 =	vand.u32 $0xFFFFFC00, v5  }
0x120: {  	v4 =	vor.u32 v4, v5  }
0x121: {  	v4 =	vadd.s32 v2, v4  }
0x122: {  	v5 =	vor.u32 s12, v1;
	s12 =	sadd.s32 $0x10, s12  }
0x123: {  	_ =	sdelay $0x3  }
0x124: {  	[tilespmem:v4+s7+$0x0] =	vst.idx.add.s32.msk $0xffff, v3  }
0x125: {  	v4 =	vld.idx.msk [tilespmem:v5+s2+$0x0], $0xffff;
	_ =	sdelay $0x4  }
0x126: {  	v5 =	vshll.u32 v4, $0x3  }
0x127: {  	v4 =	vand.u32 $0x7F, v4;
	v5 =	vand.u32 $0xFFFFFC00, v5  }
0x128: {  	v4 =	vor.u32 v4, v5  }
0x129: {  	v4 =	vadd.s32 v2, v4;
	_ =	sdelay $0x4  }
0x12a: {  	[tilespmem:v4+s7+$0x0] =	vst.idx.add.s32.msk $0xffff, v3  }
0x12b: {  	v4 =	vld [tilespmem:$0x10290];
	_ =	sdelay $0x4  }
0x12c: {  	[tilespmem:$0x1F7F0] =	vst v4;
	v4 =	vld [tilespmem:$0x10310]  }
0x12d: {  	v16 =	vld [tilespmem:$0x10000]  }
0x12e: {  	v13 =	vld [tilespmem:$0x10080]  }
0x12f: {  	v17 =	vld [tilespmem:$0x10100]  }
0x130: {  	v19 =	vld [tilespmem:$0x10180]  }
0x131: {  	[tilespmem:$0x1F800] =	vst v4;
	v4 =	vld [tilespmem:$0x10390]  }
0x132: {  	v21 =	vld [tilespmem:$0x10200]  }
0x133: {  	v22 =	vld [tilespmem:$0x10280]  }
0x134: {  	v25 =	vld [tilespmem:$0x10300]  }
0x135: {  	v63 =	vld [tilespmem:$0x10380]  }
0x136: {  	[tilespmem:$0x1F810] =	vst v4;
	v4 =	vld [tilespmem:$0x10810]  }
0x137: {  	v28 =	vld [tilespmem:$0x10800]  }
0x138: {  	v31 =	vld [tilespmem:$0x10880]  }
0x139: {  	v32 =	vld [tilespmem:$0x10900]  }
0x13a: {  	v34 =	vld [tilespmem:$0x10980]  }
0x13b: {  	[tilespmem:$0x1F820] =	vst v4;
	v4 =	vld [tilespmem:$0x10890]  }
0x13c: {  	v40 =	vld [tilespmem:$0x10A00]  }
0x13d: {  	v44 =	vld [tilespmem:$0x10A80]  }
0x13e: {  	v48 =	vld [tilespmem:$0x10B00]  }
0x13f: {  	v52 =	vld [tilespmem:$0x10B80]  }
0x140: {  	[tilespmem:$0x1F830] =	vst v4;
	v4 =	vld [tilespmem:$0x10910]  }
0x141: {  	v41 =	vld [tilespmem:$0x10010]  }
0x142: {  	v35 =	vld [tilespmem:$0x10090]  }
0x143: {  	v45 =	vld [tilespmem:$0x10110]  }
0x144: {  	v53 =	vld [tilespmem:$0x10190]  }
0x145: {  	v59 =	vld [tilespmem:$0x10210];
	[tilespmem:$0x1F840] =	vst v4  }
0x146: {  	v4 =	vld [tilespmem:$0x10990]  }
0x147: {  	v14 =	vld [tilespmem:$0x10020]  }
0x148: {  	v10 =	vld [tilespmem:$0x100A0]  }
0x149: {  	v15 =	vld [tilespmem:$0x10120]  }
0x14a: {  	v23 =	vld [tilespmem:$0x101A0]  }
0x14b: {  	v27 =	vld [tilespmem:$0x10220]  }
0x14c: {  	v33 =	vld [tilespmem:$0x102A0]  }
0x14d: {  	v46 =	vld [tilespmem:$0x10320]  }
0x14e: {  	v54 =	vld [tilespmem:$0x103A0]  }
0x14f: {  	v60 =	vld [tilespmem:$0x10820]  }
0x150: {  	v5 =	vld [tilespmem:$0x10030]  }
0x151: {  	v6 =	vld [tilespmem:$0x10130]  }
0x152: {  	v7 =	vld [tilespmem:$0x101B0]  }
0x153: {  	v8 =	vld [tilespmem:$0x10230]  }
0x154: {  	v11 =	vld [tilespmem:$0x102B0]  }
0x155: {  	v20 =	vld [tilespmem:$0x10330]  }
0x156: {  	v26 =	vld [tilespmem:$0x103B0]  }
0x157: {  	v29 =	vld [tilespmem:$0x10830]  }
0x158: {  	v36 =	vld [tilespmem:$0x108B0]  }
0x159: {  	v49 =	vld [tilespmem:$0x10930]  }
0x15a: {  	v58 =	vld [tilespmem:$0x109B0]  }
0x15b: {  	v9 =	vld [tilespmem:$0x10A30]  }
0x15c: {  	v43 =	vld [tilespmem:$0x10AB0]  }
0x15d: {  	v47 =	vld [tilespmem:$0x10B30]  }
0x15e: {  	v50 =	vld [tilespmem:$0x10BB0]  }
0x15f: {  	v51 =	vld [tilespmem:$0x10040]  }
0x160: {  	v55 =	vld [tilespmem:$0x100C0]  }
0x161: {  	v56 =	vld [tilespmem:$0x10140]  }
0x162: {  	v57 =	vld [tilespmem:$0x101C0]  }
0x163: {  	v61 =	vld [tilespmem:$0x10240]  }
0x164: {  	v62 =	vld [tilespmem:$0x102C0]  }
0x165: {  	v12 =	vld [tilespmem:$0x10340]  }
0x166: {  	v18 =	vld [tilespmem:$0x103C0]  }
0x167: {  	v24 =	vld [tilespmem:$0x10840]  }
0x168: {  	v13 =	vadd.s32 v16, v13;
	v30 =	vld [tilespmem:$0x108C0]  }
0x169: {  	v13 =	vadd.s32 v17, v13;
	v37 =	vld [tilespmem:$0x10940]  }
0x16a: {  	v13 =	vadd.s32 v19, v13;
	v38 =	vld [tilespmem:$0x109C0]  }
0x16b: {  	v13 =	vadd.s32 v21, v13;
	v39 =	vld [tilespmem:$0x10A40]  }
0x16c: {  	v13 =	vadd.s32 v22, v13;
	v42 =	vld [tilespmem:$0x10AC0]  }
0x16d: {  	v13 =	vadd.s32 v25, v13;
	v21 =	vld [tilespmem:$0x10FA0]  }
0x16e: {  	v13 =	vadd.s32 v63, v13;
	v22 =	vld [tilespmem:$0x10430]  }
0x16f: {  	v13 =	vadd.s32 v28, v13;
	v63 =	vld [tilespmem:$0x104B0]  }
0x170: {  	v13 =	vadd.s32 v31, v13;
	v25 =	vld [tilespmem:$0x10530]  }
0x171: {  	v13 =	vadd.s32 v32, v13;
	v28 =	vld [tilespmem:$0x105B0]  }
0x172: {  	v13 =	vadd.s32 v34, v13;
	v31 =	vld [tilespmem:$0x10630]  }
0x173: {  	v13 =	vadd.s32 v40, v13;
	v32 =	vld [tilespmem:$0x106B0]  }
0x174: {  	v13 =	vadd.s32 v44, v13;
	v34 =	vld [tilespmem:$0x10730]  }
0x175: {  	v13 =	vadd.s32 v48, v13;
	v40 =	vld [tilespmem:$0x107B0]  }
0x176: {  	v13 =	vadd.s32 v52, v13;
	v52 =	vld [tilespmem:$0x10CB0]  }
0x177: {  	v16 =	vld [tilespmem:$0x10E30]  }
0x178: {  	v17 =	vld [tilespmem:$0x1F800]  }
0x179: {  	[tilespmem:$0x1F860] =	vst v4;
	v4 =	vld [tilespmem:$0x10A10]  }
0x17a: {  	[tilespmem:$0x1F910] =	vst v43;
	v43 =	vld [tilespmem:$0x10B40]  }
0x17b: {  	[tilespmem:$0x1F930] =	vst v47;
	v47 =	vld [tilespmem:$0x10BC0]  }
0x17c: {  	[tilespmem:$0x1FAC0] =	vst v42;
	v42 =	vld [tilespmem:$0x10050]  }
0x17d: {  	[tilespmem:$0x1FA30] =	vst v37;
	v37 =	vld [tilespmem:$0x100D0]  }
0x17e: {  	[tilespmem:$0x1F950] =	vst v55;
	v55 =	vld [tilespmem:$0x101D0]  }
0x17f: {  	[tilespmem:$0x1F990] =	vst v61;
	v61 =	vld [tilespmem:$0x10250]  }
0x180: {  	[tilespmem:$0x1F960] =	vst v50;
	v50 =	vld [tilespmem:$0x102D0]  }
0x181: {  	[tilespmem:$0x1F940] =	vst v51;
	v51 =	vld [tilespmem:$0x10350]  }
0x182: {  	[tilespmem:$0x1F970] =	vst v56;
	v56 =	vld [tilespmem:$0x103D0]  }
0x183: {  	[tilespmem:$0x1F980] =	vst v57;
	v57 =	vld [tilespmem:$0x10850]  }
0x184: {  	[tilespmem:$0x1F9A0] =	vst v62;
	v62 =	vld [tilespmem:$0x108D0]  }
0x185: {  	[tilespmem:$0x1F9B0] =	vst v12;
	v12 =	vld [tilespmem:$0x10950]  }
0x186: {  	[tilespmem:$0x1F9D0] =	vst v18;
	v18 =	vld [tilespmem:$0x109D0]  }
0x187: {  	[tilespmem:$0x1F9F0] =	vst v24;
	v24 =	vld [tilespmem:$0x10A50]  }
0x188: {  	[tilespmem:$0x1FA10] =	vst v30;
	v30 =	vld [tilespmem:$0x10AD0]  }
0x189: {  	[tilespmem:$0x1FA60] =	vst v38;
	v38 =	vld [tilespmem:$0x10B50]  }
0x18a: {  	[tilespmem:$0x1FA90] =	vst v39;
	v39 =	vld [tilespmem:$0x10BD0]  }
0x18b: {  	[tilespmem:$0x1F8E0] =	vst v9;
	v9 =	vld [tilespmem:$0x100E0]  }
0x18c: {  	v10 =	vadd.s32 v14, v10;
	v14 =	vld [tilespmem:$0x1F7F0]  }
0x18d: {  	[tilespmem:$0x1FFD0] =	vst v21;
	v21 =	vld [tilespmem:$0x1F810]  }
0x18e: {  	[tilespmem:$0x1FE70] =	vst v22;
	v22 =	vld [tilespmem:$0x10F30]  }
0x18f: {  	[tilespmem:$0x1FE90] =	vst v25;
	v25 =	vld [tilespmem:$0x1F830]  }
0x190: {  	[tilespmem:$0x1FFB0] =	vst v16;
	v16 =	vld [tilespmem:$0x10640]  }
0x191: {  	[tilespmem:$0x1FEB0] =	vst v28;
	v28 =	vld [tilespmem:$0x1F860]  }
0x192: {  	v44 =	vadd.s32 v41, v35;
	[tilespmem:$0x1FF30] =	vst v40;
	v40 =	vld [tilespmem:$0x1F8E0]  }
0x193: {  	v48 =	vadd.s32 v45, v44;
	v44 =	vld [tilespmem:$0x1F910]  }
0x194: {  	[tilespmem:$0x1FFF0] =	vst v13;
	v13 =	vadd.s32 v53, v48;
	v48 =	vld [tilespmem:$0x1F940]  }
0x195: {  	[tilespmem:$0x1FF60] =	vst v52;
	v52 =	vld [tilespmem:$0x1F960]  }
0x196: {  	v10 =	vadd.s32 v15, v10;
	v53 =	vld [tilespmem:$0x1F970]  }
0x197: {  	v10 =	vadd.s32 v23, v10;
	v23 =	vld [tilespmem:$0x1F820]  }
0x198: {  	v15 =	vadd.s32 v27, v10;
	v10 =	vld [tilespmem:$0x10FB0]  }
0x199: {  	v19 =	vadd.s32 v33, v15;
	v15 =	vld [tilespmem:$0x105C0]  }
0x19a: {  	[tilespmem:$0x1F880] =	vst v4;
	v4 =	vld [tilespmem:$0x10A90]  }
0x19b: {  	[tilespmem:$0x1FB20] =	vst v47;
	v47 =	vld [tilespmem:$0x10150]  }
0x19c: {  	[tilespmem:$0x1FA70] =	vst v12;
	v12 =	vld [tilespmem:$0x10060]  }
0x19d: {  	[tilespmem:$0x1FAA0] =	vst v18;
	v18 =	vld [tilespmem:$0x10160]  }
0x19e: {  	[tilespmem:$0x1FAD0] =	vst v24;
	v24 =	vld [tilespmem:$0x101E0]  }
0x19f: {  	[tilespmem:$0x1FB00] =	vst v30;
	v30 =	vld [tilespmem:$0x10260]  }
0x1a0: {  	[tilespmem:$0x1FB30] =	vst v38;
	v38 =	vld [tilespmem:$0x102E0]  }
0x1a1: {  	[tilespmem:$0x1F9C0] =	vst v50;
	v50 =	vld [tilespmem:$0x10360]  }
0x1a2: {  	[tilespmem:$0x1FA00] =	vst v56;
	v56 =	vld [tilespmem:$0x103E0]  }
0x1a3: {  	[tilespmem:$0x1FB50] =	vst v39;
	v39 =	vld [tilespmem:$0x10860]  }
0x1a4: {  	[tilespmem:$0x1FAF0] =	vst v43;
	v43 =	vld [tilespmem:$0x108E0]  }
0x1a5: {  	[tilespmem:$0x1F9E0] =	vst v51;
	v51 =	vld [tilespmem:$0x10960]  }
0x1a6: {  	[tilespmem:$0x1FA20] =	vst v57;
	v57 =	vld [tilespmem:$0x109E0]  }
0x1a7: {  	[tilespmem:$0x1FA40] =	vst v62;
	v62 =	vld [tilespmem:$0x10A60]  }
0x1a8: {  	[tilespmem:$0x1FFE0] =	vst v22;
	v22 =	vld [tilespmem:$0x10CC0]  }
0x1a9: {  	[tilespmem:$0x1FED0] =	vst v31;
	v31 =	vld [tilespmem:$0x1F880]  }
0x1aa: {  	[tilespmem:$0x1F8A0] =	vst v4;
	v4 =	vld [tilespmem:$0x10B10]  }
0x1ab: {  	[tilespmem:$0x1FA80] =	vst v43;
	v43 =	vld [tilespmem:$0x10AE0]  }
0x1ac: {  	[tilespmem:$0x1FAB0] =	vst v51;
	v51 =	vld [tilespmem:$0x10B60]  }
0x1ad: {  	[tilespmem:$0x1FAE0] =	vst v57;
	v57 =	vld [tilespmem:$0x10BE0]  }
0x1ae: {  	[tilespmem:$0x1FB10] =	vst v62;
	v62 =	vld [tilespmem:$0x10070]  }
0x1af: {  	[tilespmem:$0x1FA50] =	vst v39;
	v39 =	vld [tilespmem:$0x10490]  }
0x1b0: {  	v9 =	vadd.s32 v12, v9;
	v33 =	vld [tilespmem:$0x1F8A0]  }
0x1b1: {  	v9 =	vadd.s32 v18, v9;
	v18 =	vld [tilespmem:$0x10D40]  }
0x1b2: {  	v9 =	vadd.s32 v24, v9;
	v24 =	vld [tilespmem:$0x10E40]  }
0x1b3: {  	v9 =	vadd.s32 v30, v9;
	v30 =	vld [tilespmem:$0x1F9D0]  }
0x1b4: {  	v9 =	vadd.s32 v38, v9;
	v38 =	vld [tilespmem:$0x1FA50]  }
0x1b5: {  	[tilespmem:$0x1F8C0] =	vst v4;
	v4 =	vld [tilespmem:$0x10B90]  }
0x1b6: {  	[tilespmem:$0x1FB40] =	vst v43;
	v43 =	vld [tilespmem:$0x100F0]  }
0x1b7: {  	[tilespmem:$0x1FB60] =	vst v51;
	v51 =	vld [tilespmem:$0x10170]  }
0x1b8: {  	[tilespmem:$0x1FB90] =	vst v57;
	v57 =	vld [tilespmem:$0x101F0]  }
0x1b9: {  	[tilespmem:$0x1FB70] =	vst v62;
	v62 =	vld [tilespmem:$0x10270]  }
0x1ba: {  	v9 =	vadd.s32 v50, v9;
	v50 =	vld [tilespmem:$0x1FAF0]  }
0x1bb: {  	v35 =	vld [tilespmem:$0x1F8C0]  }
0x1bc: {  	v9 =	vadd.s32 v56, v9;
	v56 =	vld [tilespmem:$0x1FB40]  }
0x1bd: {  	v9 =	vadd.s32 v38, v9;
	v38 =	vld [tilespmem:$0x10750]  }
0x1be: {  	[tilespmem:$0x1F8F0] =	vst v4;
	v4 =	vld [tilespmem:$0x108A0]  }
0x1bf: {  	[tilespmem:$0x1FB80] =	vst v43;
	v43 =	vld [tilespmem:$0x102F0]  }
0x1c0: {  	[tilespmem:$0x1FBA0] =	vst v51;
	v51 =	vld [tilespmem:$0x10370]  }
0x1c1: {  	[tilespmem:$0x1FBD0] =	vst v57;
	v57 =	vld [tilespmem:$0x103F0]  }
0x1c2: {  	[tilespmem:$0x1FBF0] =	vst v62;
	v62 =	vld [tilespmem:$0x10870]  }
0x1c3: {  	v41 =	vld [tilespmem:$0x1F8F0]  }
0x1c4: {  	[tilespmem:$0x1F850] =	vst v4;
	v4 =	vld [tilespmem:$0x10920]  }
0x1c5: {  	[tilespmem:$0x1FC10] =	vst v43;
	v43 =	vld [tilespmem:$0x108F0]  }
0x1c6: {  	[tilespmem:$0x1FC30] =	vst v51;
	v51 =	vld [tilespmem:$0x10970]  }
0x1c7: {  	[tilespmem:$0x1FC60] =	vst v57;
	v57 =	vld [tilespmem:$0x109F0]  }
0x1c8: {  	[tilespmem:$0x1FC90] =	vst v62;
	v62 =	vld [tilespmem:$0x10A70]  }
0x1c9: {  	v27 =	vld [tilespmem:$0x1F850]  }
0x1ca: {  	[tilespmem:$0x1F870] =	vst v4;
	v4 =	vld [tilespmem:$0x109A0]  }
0x1cb: {  	[tilespmem:$0x1FCC0] =	vst v43;
	v43 =	vld [tilespmem:$0x10AF0]  }
0x1cc: {  	[tilespmem:$0x1FCF0] =	vst v51;
	v51 =	vld [tilespmem:$0x10B70]  }
0x1cd: {  	[tilespmem:$0x1FD50] =	vst v62;
	v62 =	vld [tilespmem:$0x10400]  }
0x1ce: {  	[tilespmem:$0x1FD20] =	vst v57;
	v57 =	vld [tilespmem:$0x10BF0]  }
0x1cf: {  	[tilespmem:$0x1F890] =	vst v4;
	v4 =	vld [tilespmem:$0x10A20]  }
0x1d0: {  	[tilespmem:$0x1FD80] =	vst v43;
	v43 =	vld [tilespmem:$0x10480]  }
0x1d1: {  	[tilespmem:$0x1FDB0] =	vst v51;
	v51 =	vld [tilespmem:$0x10500]  }
0x1d2: {  	[tilespmem:$0x1FBB0] =	vst v62;
	v62 =	vld [tilespmem:$0x10600]  }
0x1d3: {  	[tilespmem:$0x1FDE0] =	vst v57;
	v57 =	vld [tilespmem:$0x10580]  }
0x1d4: {  	[tilespmem:$0x1FEF0] =	vst v32;
	v32 =	vld [tilespmem:$0x1F890]  }
0x1d5: {  	[tilespmem:$0x1F8B0] =	vst v4;
	v4 =	vld [tilespmem:$0x10AA0]  }
0x1d6: {  	[tilespmem:$0x1FBC0] =	vst v43;
	v43 =	vld [tilespmem:$0x10680]  }
0x1d7: {  	[tilespmem:$0x1FC20] =	vst v62;
	v62 =	vld [tilespmem:$0x10C00]  }
0x1d8: {  	[tilespmem:$0x1FBE0] =	vst v51;
	v51 =	vld [tilespmem:$0x10700]  }
0x1d9: {  	[tilespmem:$0x1FC00] =	vst v57;
	v57 =	vld [tilespmem:$0x10780]  }
0x1da: {  	[tilespmem:$0x1FF10] =	vst v34;
	v34 =	vld [tilespmem:$0x1F8B0]  }
0x1db: {  	[tilespmem:$0x1F8D0] =	vst v4;
	v4 =	vld [tilespmem:$0x10B20]  }
0x1dc: {  	[tilespmem:$0x1FCD0] =	vst v62;
	v62 =	vld [tilespmem:$0x10E00]  }
0x1dd: {  	[tilespmem:$0x1FC40] =	vst v43;
	v43 =	vld [tilespmem:$0x10C80]  }
0x1de: {  	[tilespmem:$0x1FC70] =	vst v51;
	v51 =	vld [tilespmem:$0x10D00]  }
0x1df: {  	[tilespmem:$0x1FCA0] =	vst v57;
	v57 =	vld [tilespmem:$0x10D80]  }
0x1e0: {  	[tilespmem:$0x1F900] =	vst v4;
	v4 =	vld [tilespmem:$0x10BA0]  }
0x1e1: {  	[tilespmem:$0x1FD90] =	vst v62;
	v62 =	vld [tilespmem:$0x10610]  }
0x1e2: {  	[tilespmem:$0x1FD00] =	vst v43;
	v43 =	vld [tilespmem:$0x10E80]  }
0x1e3: {  	[tilespmem:$0x1FD30] =	vst v51;
	v51 =	vld [tilespmem:$0x10F00]  }
0x1e4: {  	[tilespmem:$0x1FD60] =	vst v57;
	v57 =	vld [tilespmem:$0x10F80]  }
0x1e5: {  	[tilespmem:$0x1F920] =	vst v4;
	v4 =	vld [tilespmem:$0x100B0]  }
0x1e6: {  	[tilespmem:$0x1FC50] =	vst v62;
	v62 =	vld [tilespmem:$0x10690]  }
0x1e7: {  	[tilespmem:$0x1FDC0] =	vst v43;
	v43 =	vld [tilespmem:$0x10410]  }
0x1e8: {  	[tilespmem:$0x1FDF0] =	vst v51;
	v51 =	vld [tilespmem:$0x10510]  }
0x1e9: {  	[tilespmem:$0x1FE10] =	vst v57;
	v57 =	vld [tilespmem:$0x10590]  }
0x1ea: {  	v45 =	vld [tilespmem:$0x1F920]  }
0x1eb: {  	[tilespmem:$0x1FC80] =	vst v62;
	v62 =	vld [tilespmem:$0x10710]  }
0x1ec: {  	v4 =	vadd.s32 v5, v4;
	v5 =	vld [tilespmem:$0x10D30]  }
0x1ed: {  	v4 =	vadd.s32 v6, v4;
	v6 =	vld [tilespmem:$0x10EB0]  }
0x1ee: {  	v4 =	vadd.s32 v7, v4;
	v7 =	vadd.s32 v46, v19;
	v19 =	vld [tilespmem:$0x10740]  }
0x1ef: {  	v46 =	vld [tilespmem:$0x1F930]  }
0x1f0: {  	v4 =	vadd.s32 v8, v4;
	v8 =	vld [tilespmem:$0x10440]  }
0x1f1: {  	v7 =	vadd.s32 v54, v7;
	v54 =	vadd.s32 v42, v37;
	v37 =	vld [tilespmem:$0x1FA40]  }
0x1f2: {  	v42 =	vld [tilespmem:$0x1FA80]  }
0x1f3: {  	v7 =	vadd.s32 v60, v7;
	v60 =	vadd.s32 v47, v54;
	v47 =	vld [tilespmem:$0x1FAC0]  }
0x1f4: {  	v54 =	vld [tilespmem:$0x1FB20]  }
0x1f5: {  	[tilespmem:$0x1FCB0] =	vst v62;
	v62 =	vld [tilespmem:$0x10790]  }
0x1f6: {  	[tilespmem:$0x1FF80] =	vst v5;
	v5 =	vadd.s32 v59, v13;
	v59 =	vld [tilespmem:$0x10DB0]  }
0x1f7: {  	v4 =	vadd.s32 v11, v4;
	v13 =	vld [tilespmem:$0x104C0]  }
0x1f8: {  	v4 =	vadd.s32 v20, v4;
	v20 =	vld [tilespmem:$0x107C0]  }
0x1f9: {  	v7 =	vadd.s32 v27, v7;
	v27 =	vld [tilespmem:$0x1F9A0]  }
0x1fa: {  	v4 =	vadd.s32 v26, v4;
	v26 =	vld [tilespmem:$0x1F840]  }
0x1fb: {  	v5 =	vadd.s32 v14, v5;
	v14 =	vld [tilespmem:$0x10540]  }
0x1fc: {  	v4 =	vadd.s32 v29, v4;
	v29 =	vld [tilespmem:$0x1F870]  }
0x1fd: {  	v5 =	vadd.s32 v17, v5;
	v17 =	vld [tilespmem:$0x106C0]  }
0x1fe: {  	v4 =	vadd.s32 v36, v4;
	v36 =	vld [tilespmem:$0x1F8D0]  }
0x1ff: {  	v5 =	vadd.s32 v21, v5;
	v21 =	vld [tilespmem:$0x10C40]  }
0x200: {  	v9 =	vadd.s32 v42, v9;
	v42 =	vld [tilespmem:$0x10650]  }
0x201: {  	v4 =	vadd.s32 v49, v4;
	v49 =	vld [tilespmem:$0x1F950]  }
0x202: {  	v5 =	vadd.s32 v23, v5;
	v23 =	vld [tilespmem:$0x10DC0]  }
0x203: {  	[tilespmem:$0x1FCE0] =	vst v62;
	v62 =	vld [tilespmem:$0x10C10]  }
0x204: {  	v4 =	vadd.s32 v58, v4;
	v58 =	vld [tilespmem:$0x1F980]  }
0x205: {  	v5 =	vadd.s32 v25, v5;
	v25 =	vld [tilespmem:$0x1F990]  }
0x206: {  	v8 =	vadd.s32 v8, v13;
	v13 =	vld [tilespmem:$0x107E0]  }
0x207: {  	v4 =	vadd.s32 v40, v4;
	v40 =	vld [tilespmem:$0x1FA60]  }
0x208: {  	v5 =	vadd.s32 v26, v5;
	v26 =	vadd.s32 v55, v60;
	v55 =	vld [tilespmem:$0x1FB30]  }
0x209: {  	v60 =	vld [tilespmem:$0x1FB60]  }
0x20a: {  	v8 =	vadd.s32 v14, v8;
	v14 =	vld [tilespmem:$0x10C60]  }
0x20b: {  	v5 =	vadd.s32 v28, v5;
	v28 =	vld [tilespmem:$0x1F9B0]  }
0x20c: {  	v7 =	vadd.s32 v29, v7;
	v29 =	vld [tilespmem:$0x1F9C0]  }
0x20d: {  	v12 =	vadd.s32 v61, v26;
	v26 =	vld [tilespmem:$0x10F40]  }
0x20e: {  	v4 =	vadd.s32 v44, v4;
	v44 =	vld [tilespmem:$0x1FA90]  }
0x20f: {  	v61 =	vld [tilespmem:$0x1FB70]  }
0x210: {  	v8 =	vadd.s32 v15, v8;
	v15 =	vld [tilespmem:$0x10CE0]  }
0x211: {  	v5 =	vadd.s32 v31, v5;
	v31 =	vld [tilespmem:$0x1F9E0]  }
0x212: {  	v7 =	vadd.s32 v32, v7;
	v32 =	vld [tilespmem:$0x1F9F0]  }
0x213: {  	v4 =	vadd.s32 v46, v4;
	v46 =	vld [tilespmem:$0x1FAB0]  }
0x214: {  	v8 =	vadd.s32 v16, v8;
	v16 =	vld [tilespmem:$0x10D60]  }
0x215: {  	v5 =	vadd.s32 v33, v5;
	v33 =	vld [tilespmem:$0x1FA00]  }
0x216: {  	v7 =	vadd.s32 v34, v7;
	v34 =	vld [tilespmem:$0x1FA10]  }
0x217: {  	v4 =	vadd.s32 v52, v4;
	v52 =	vld [tilespmem:$0x1FB00]  }
0x218: {  	v8 =	vadd.s32 v17, v8;
	v17 =	vld [tilespmem:$0x10DE0]  }
0x219: {  	[tilespmem:$0x1FD10] =	vst v62;
	v62 =	vld [tilespmem:$0x10C90]  }
0x21a: {  	v5 =	vadd.s32 v35, v5;
	v35 =	vld [tilespmem:$0x1FA20]  }
0x21b: {  	v11 =	vadd.s32 v36, v7;
	v36 =	vld [tilespmem:$0x1FA30]  }
0x21c: {  	v8 =	vadd.s32 v19, v8;
	v19 =	vld [tilespmem:$0x10E60]  }
0x21d: {  	v7 =	vadd.s32 v41, v5;
	v5 =	vld [tilespmem:$0x1F900]  }
0x21e: {  	v41 =	vld [tilespmem:$0x1FA70]  }
0x21f: {  	v8 =	vadd.s32 v20, v8;
	v20 =	vld [tilespmem:$0x10EE0]  }
0x220: {  	v8 =	vadd.s32 v21, v8;
	v21 =	vld [tilespmem:$0x10F60]  }
0x221: {  	v12 =	vadd.s32 v29, v12;
	v9 =	vadd.s32 v46, v9;
	v46 =	vld [tilespmem:$0x1FBD0]  }
0x222: {  	v12 =	vadd.s32 v31, v12;
	v31 =	vld [tilespmem:$0x10E50]  }
0x223: {  	v8 =	vadd.s32 v22, v8;
	v22 =	vld [tilespmem:$0x10FE0]  }
0x224: {  	v12 =	vadd.s32 v33, v12;
	v33 =	vld [tilespmem:$0x1FB90]  }
0x225: {  	v8 =	vadd.s32 v18, v8;
	v18 =	vld [tilespmem:$0x10470]  }
0x226: {  	[tilespmem:$0x1FD40] =	vst v62;
	v62 =	vld [tilespmem:$0x10D10]  }
0x227: {  	v12 =	vadd.s32 v35, v12;
	v35 =	vld [tilespmem:$0x10450]  }
0x228: {  	v8 =	vadd.s32 v23, v8;
	v23 =	vld [tilespmem:$0x104F0]  }
0x229: {  	v5 =	vadd.s32 v5, v11;
	v11 =	vadd.s32 v48, v49;
	v48 =	vld [tilespmem:$0x1FAD0]  }
0x22a: {  	v49 =	vld [tilespmem:$0x1FAE0]  }
0x22b: {  	v12 =	vadd.s32 v37, v12;
	v37 =	vld [tilespmem:$0x1FBC0]  }
0x22c: {  	v8 =	vadd.s32 v24, v8;
	v24 =	vld [tilespmem:$0x10570]  }
0x22d: {  	v12 =	vadd.s32 v41, v12;
	v41 =	vld [tilespmem:$0x104D0]  }
0x22e: {  	[tilespmem:$0x1FD70] =	vst v62;
	v62 =	vld [tilespmem:$0x10D90]  }
0x22f: {  	v5 =	vadd.s32 v45, v5;
	v45 =	vld [tilespmem:$0x1FAA0]  }
0x230: {  	v11 =	vadd.s32 v53, v11;
	v53 =	vld [tilespmem:$0x1FB10]  }
0x231: {  	v11 =	vadd.s32 v58, v11;
	v58 =	vld [tilespmem:$0x1FB50]  }
0x232: {  	v11 =	vadd.s32 v25, v11;
	v25 =	vld [tilespmem:$0x10EC0]  }
0x233: {  	[tilespmem:$0x1FDA0] =	vst v62;
	v62 =	vld [tilespmem:$0x10E10]  }
0x234: {  	v11 =	vadd.s32 v27, v11;
	v27 =	vld [tilespmem:$0x10FC0]  }
0x235: {  	v9 =	vadd.s32 v49, v9;
	v49 =	vld [tilespmem:$0x1FBF0]  }
0x236: {  	v12 =	vadd.s32 v45, v12;
	v45 =	vld [tilespmem:$0x105D0]  }
0x237: {  	v11 =	vadd.s32 v28, v11;
	v9 =	vadd.s32 v53, v9;
	v53 =	vld [tilespmem:$0x1FC30]  }
0x238: {  	v11 =	vadd.s32 v30, v11;
	[tilespmem:$0x1FDD0] =	vst v62;
	v62 =	vld [tilespmem:$0x10E90]  }
0x239: {  	v11 =	vadd.s32 v32, v11;
	v32 =	vld [tilespmem:$0x1FB80]  }
0x23a: {  	v9 =	vadd.s32 v56, v9;
	v56 =	vld [tilespmem:$0x1FC60]  }
0x23b: {  	v12 =	vadd.s32 v48, v12;
	v48 =	vadd.s32 v43, v39;
	v43 =	vld [tilespmem:$0x1FCB0]  }
0x23c: {  	v11 =	vadd.s32 v34, v11;
	v34 =	vld [tilespmem:$0x1FBA0]  }
0x23d: {  	[tilespmem:$0x1FE00] =	vst v62;
	v62 =	vld [tilespmem:$0x10F10]  }
0x23e: {  	v30 =	vadd.s32 v51, v48;
	v51 =	vld [tilespmem:$0x1FC10]  }
0x23f: {  	v28 =	vadd.s32 v52, v12;
	v52 =	vld [tilespmem:$0x1FC20]  }
0x240: {  	v9 =	vadd.s32 v60, v9;
	v60 =	vld [tilespmem:$0x1FC90]  }
0x241: {  	v48 =	vld [tilespmem:$0x1FCE0]  }
0x242: {  	[tilespmem:$0x1FE20] =	vst v62;
	v62 =	vld [tilespmem:$0x10F90]  }
0x243: {  	v11 =	vadd.s32 v36, v11;
	v36 =	vld [tilespmem:$0x1FBB0]  }
0x244: {  	v9 =	vadd.s32 v33, v9;
	v33 =	vld [tilespmem:$0x10D50]  }
0x245: {  	v30 =	vadd.s32 v57, v30;
	v57 =	vld [tilespmem:$0x1FC70]  }
0x246: {  	v11 =	vadd.s32 v40, v11;
	v40 =	vld [tilespmem:$0x106D0]  }
0x247: {  	[tilespmem:$0x1FE50] =	vst v62;
	v62 =	vld [tilespmem:$0x10420]  }
0x248: {  	v11 =	vadd.s32 v44, v11;
	v44 =	vld [tilespmem:$0x10550]  }
0x249: {  	v11 =	vadd.s32 v47, v11;
	v47 =	vld [tilespmem:$0x1FBE0]  }
0x24a: {  	v11 =	vadd.s32 v50, v11;
	v50 =	vld [tilespmem:$0x1FC00]  }
0x24b: {  	v29 =	vadd.s32 v36, v37;
	v37 =	vld [tilespmem:$0x107D0]  }
0x24c: {  	[tilespmem:$0x1FE30] =	vst v62;
	v62 =	vld [tilespmem:$0x104A0]  }
0x24d: {  	v36 =	vld [tilespmem:$0x10C50]  }
0x24e: {  	v12 =	vadd.s32 v54, v11;
	v54 =	vld [tilespmem:$0x1FC40]  }
0x24f: {  	v11 =	vadd.s32 v55, v28;
	v55 =	vld [tilespmem:$0x1FC50]  }
0x250: {  	v28 =	vadd.s32 v61, v32;
	v32 =	vld [tilespmem:$0x10DD0]  }
0x251: {  	[tilespmem:$0x1FE40] =	vst v62;
	v62 =	vld [tilespmem:$0x10520]  }
0x252: {  	v61 =	vld [tilespmem:$0x1FCA0]  }
0x253: {  	v28 =	vadd.s32 v34, v28;
	v34 =	vld [tilespmem:$0x10CD0]  }
0x254: {  	v11 =	vadd.s32 v58, v11;
	v58 =	vld [tilespmem:$0x1FC80]  }
0x255: {  	v28 =	vadd.s32 v46, v28;
	v46 =	vld [tilespmem:$0x1FCC0]  }
0x256: {  	[tilespmem:$0x1FE60] =	vst v62;
	v62 =	vld [tilespmem:$0x105A0]  }
0x257: {  	v29 =	vadd.s32 v47, v29;
	v47 =	vld [tilespmem:$0x1FCD0]  }
0x258: {  	v28 =	vadd.s32 v49, v28;
	v49 =	vld [tilespmem:$0x1FCF0]  }
0x259: {  	v29 =	vadd.s32 v50, v29;
	v50 =	vld [tilespmem:$0x1FD00]  }
0x25a: {  	v28 =	vadd.s32 v51, v28;
	v51 =	vld [tilespmem:$0x1FD10]  }
0x25b: {  	[tilespmem:$0x1FE80] =	vst v62;
	v62 =	vld [tilespmem:$0x10620]  }
0x25c: {  	v29 =	vadd.s32 v52, v29;
	v52 =	vld [tilespmem:$0x1FD20]  }
0x25d: {  	v28 =	vadd.s32 v53, v28;
	v53 =	vld [tilespmem:$0x1FD30]  }
0x25e: {  	v30 =	vadd.s32 v55, v30;
	v55 =	vld [tilespmem:$0x1FD50]  }
0x25f: {  	v29 =	vadd.s32 v54, v29;
	v54 =	vld [tilespmem:$0x1FD40]  }
0x260: {  	[tilespmem:$0x1FEA0] =	vst v62;
	v62 =	vld [tilespmem:$0x106A0]  }
0x261: {  	v28 =	vadd.s32 v56, v28;
	v56 =	vld [tilespmem:$0x1FD60]  }
0x262: {  	v30 =	vadd.s32 v58, v30;
	v58 =	vld [tilespmem:$0x1FD80]  }
0x263: {  	v39 =	vadd.s32 v60, v28;
	v28 =	vld [tilespmem:$0x10ED0]  }
0x264: {  	v29 =	vadd.s32 v57, v29;
	v57 =	vld [tilespmem:$0x1FD70]  }
0x265: {  	[tilespmem:$0x1FEC0] =	vst v62;
	v62 =	vld [tilespmem:$0x10720]  }
0x266: {  	v30 =	vadd.s32 v43, v30;
	v60 =	vld [tilespmem:$0x1FD90]  }
0x267: {  	v30 =	vadd.s32 v48, v30;
	v48 =	vld [tilespmem:$0x104E0]  }
0x268: {  	v29 =	vadd.s32 v61, v29;
	v61 =	vld [tilespmem:$0x1FDA0]  }
0x269: {  	v43 =	vadd.s32 v47, v29;
	v29 =	vld [tilespmem:$0x10F50]  }
0x26a: {  	v39 =	vadd.s32 v46, v39;
	[tilespmem:$0x1FEE0] =	vst v62;
	v62 =	vld [tilespmem:$0x107A0]  }
0x26b: {  	v39 =	vadd.s32 v49, v39;
	v46 =	vadd.s32 v51, v30;
	v30 =	vld [tilespmem:$0x10FD0]  }
0x26c: {  	v43 =	vadd.s32 v50, v43;
	v39 =	vadd.s32 v52, v39;
	v52 =	vld [tilespmem:$0x1FDB0]  }
0x26d: {  	v43 =	vadd.s32 v53, v43;
	v53 =	vld [tilespmem:$0x1FDC0]  }
0x26e: {  	v46 =	vadd.s32 v54, v46;
	v54 =	vld [tilespmem:$0x1FDD0]  }
0x26f: {  	[tilespmem:$0x1FF00] =	vst v62;
	v62 =	vld [tilespmem:$0x10C20]  }
0x270: {  	v43 =	vadd.s32 v56, v43;
	v56 =	vld [tilespmem:$0x1FDF0]  }
0x271: {  	v39 =	vadd.s32 v55, v39;
	v46 =	vadd.s32 v57, v46;
	v57 =	vld [tilespmem:$0x1FE00]  }
0x272: {  	v39 =	vadd.s32 v58, v39;
	v58 =	vld [tilespmem:$0x1FE10]  }
0x273: {  	v43 =	vadd.s32 v60, v43;
	v60 =	vld [tilespmem:$0x1FE20]  }
0x274: {  	[tilespmem:$0x1FF20] =	vst v62;
	v62 =	vld [tilespmem:$0x10CA0]  }
0x275: {  	v46 =	vadd.s32 v61, v46;
	v43 =	vadd.s32 v53, v43;
	v61 =	vld [tilespmem:$0x1FE30]  }
0x276: {  	v46 =	vadd.s32 v54, v46;
	v43 =	vadd.s32 v56, v43;
	v56 =	vld [tilespmem:$0x1FE40]  }
0x277: {  	v47 =	vld [tilespmem:$0x10460];
	v46 =	vadd.s32 v57, v46  }
0x278: {  	v46 =	vadd.s32 v60, v46;
	v60 =	vld [tilespmem:$0x1FE70]  }
0x279: {  	[tilespmem:$0x1FF40] =	vst v62;
	v62 =	vld [tilespmem:$0x10D20]  }
0x27a: {  	v43 =	vadd.s32 v58, v43;
	v58 =	vld [tilespmem:$0x1FE60]  }
0x27b: {  	v39 =	vadd.s32 v52, v39;
	v52 =	vadd.s32 v61, v56;
	v61 =	vld [tilespmem:$0x1FE80]  }
0x27c: {  	v49 =	vld [tilespmem:$0x10560]  }
0x27d: {  	v51 =	vld [tilespmem:$0x10660]  }
0x27e: {  	[tilespmem:$0x1FF50] =	vst v62;
	v62 =	vld [tilespmem:$0x10DA0]  }
0x27f: {  	v54 =	vadd.s32 v60, v63;
	v63 =	vld [tilespmem:$0x1FE90];
	v52 =	vadd.s32 v58, v52  }
0x280: {  	v52 =	vadd.s32 v61, v52;
	v61 =	vld [tilespmem:$0x1FEB0]  }
0x281: {  	v60 =	vld [tilespmem:$0x1FEA0]  }
0x282: {  	v50 =	vld [tilespmem:$0x105E0]  }
0x283: {  	[tilespmem:$0x1FF70] =	vst v62;
	v62 =	vld [tilespmem:$0x10E20]  }
0x284: {  	v54 =	vadd.s32 v63, v54;
	v63 =	vld [tilespmem:$0x1FEC0]  }
0x285: {  	v54 =	vadd.s32 v61, v54;
	v61 =	vld [tilespmem:$0x1FEE0]  }
0x286: {  	v52 =	vadd.s32 v60, v52;
	v60 =	vld [tilespmem:$0x1FED0]  }
0x287: {  	v55 =	vld [tilespmem:$0x1FDE0]  }
0x288: {  	[tilespmem:$0x1FF90] =	vst v62;
	v62 =	vld [tilespmem:$0x10EA0]  }
0x289: {  	v52 =	vadd.s32 v63, v52;
	v63 =	vld [tilespmem:$0x1FEF0]  }
0x28a: {  	v52 =	vadd.s32 v61, v52;
	v61 =	vld [tilespmem:$0x1FF10]  }
0x28b: {  	v54 =	vadd.s32 v60, v54;
	v60 =	vld [tilespmem:$0x1FF00]  }
0x28c: {  	v53 =	vld [tilespmem:$0x106E0]  }
0x28d: {  	[tilespmem:$0x1FFA0] =	vst v62;
	v62 =	vld [tilespmem:$0x10F20]  }
0x28e: {  	v54 =	vadd.s32 v63, v54;
	v63 =	vld [tilespmem:$0x1FF20]  }
0x28f: {  	v54 =	vadd.s32 v61, v54;
	v61 =	vld [tilespmem:$0x1FF40]  }
0x290: {  	v52 =	vadd.s32 v60, v52;
	v60 =	vld [tilespmem:$0x1FF30]  }
0x291: {  	v39 =	vadd.s32 v55, v39;
	v55 =	vld [tilespmem:$0x10760]  }
0x292: {  	[tilespmem:$0x1FFC0] =	vst v62;
	v62 =	vld [tilespmem:$0x10C30]  }
0x293: {  	v52 =	vadd.s32 v63, v52;
	v63 =	vld [tilespmem:$0x1FF50]  }
0x294: {  	v52 =	vadd.s32 v61, v52;
	v61 =	vld [tilespmem:$0x1FF70]  }
0x295: {  	v54 =	vadd.s32 v60, v54;
	v60 =	vld [tilespmem:$0x1FF60]  }
0x296: {  	v57 =	vld [tilespmem:$0x1FE50]  }
0x297: {  	v54 =	vadd.s32 v62, v54;
	v62 =	vld [tilespmem:$0x1FF80]  }
0x298: {  	v52 =	vadd.s32 v63, v52;
	v63 =	vld [tilespmem:$0x1FF90]  }
0x299: {  	v52 =	vadd.s32 v61, v52;
	v61 =	vld [tilespmem:$0x1FFB0]  }
0x29a: {  	v54 =	vadd.s32 v60, v54;
	v60 =	vld [tilespmem:$0x1FFA0]  }
0x29b: {  	v46 =	vadd.s32 v57, v46;
	v57 =	vld [tilespmem:$0x1FFE0]  }
0x29c: {  	v18 =	vadd.s32 v18, v23;
	v54 =	vadd.s32 v62, v54;
	v62 =	vld [tilespmem:$0x1FFC0]  }
0x29d: {  	v18 =	vadd.s32 v24, v18;
	v56 =	vld [tilespmem:$0x10CF0];
	v54 =	vadd.s32 v59, v54  }
0x29e: {  	v8 =	vadd.s32 v25, v8;
	v58 =	vld [tilespmem:$0x105F0];
	v52 =	vadd.s32 v63, v52;
	v54 =	vadd.s32 v61, v54  }
0x29f: {  	v8 =	vadd.s32 v26, v8;
	v63 =	vld [tilespmem:$0x1FFD0];
	v52 =	vadd.s32 v60, v52;
	v6 =	vadd.s32 v6, v54  }
0x2a0: {  	v59 =	vadd.s32 v35, v41;
	v60 =	vld [tilespmem:$0x10670];
	v61 =	vadd.s32 v47, v48;
	v6 =	vadd.s32 v57, v6  }
0x2a1: {  	v52 =	vadd.s32 v62, v52;
	v6 =	vadd.s32 v10, v6;
	v10 =	vadd.s32 v44, v59;
	v62 =	vld [tilespmem:$0x106F0]  }
0x2a2: {  	[tilespmem:$0x11030] =	vst v4;
	v8 =	vadd.s32 v27, v8;
	v27 =	vadd.s32 v49, v61;
	v44 =	vld [tilespmem:$0x10770];
	v10 =	vadd.s32 v45, v10  }
0x2a3: {  	[tilespmem:$0x11010] =	vst v7;
	v48 =	vld [tilespmem:$0x107F0];
	v47 =	vadd.s32 v50, v27;
	v50 =	vadd.s32 v58, v18;
	v45 =	vadd.s32 v42, v10  }
0x2a4: {  	[tilespmem:$0x11020] =	vst v5;
	v49 =	vadd.s32 v51, v47;
	v51 =	vld [tilespmem:$0x10C70];
	v52 =	vadd.s32 v63, v52;
	v5 =	vadd.s32 v40, v45  }
0x2a5: {  	[tilespmem:$0x11060] =	vst v9;
	v57 =	vld [tilespmem:$0x10D70];
	v54 =	vadd.s32 v60, v50;
	v4 =	vadd.s32 v38, v5;
	v5 =	vadd.s32 v53, v49  }
0x2a6: {  	[tilespmem:$0x110C0] =	vst v8;
	v58 =	vld [tilespmem:$0x10DF0];
	v4 =	vadd.s32 v37, v4;
	v5 =	vadd.s32 v55, v5;
	v7 =	vadd.s32 v62, v54  }
0x2a7: {  	[tilespmem:$0x11040] =	vst v12;
	v59 =	vld [tilespmem:$0x10E70];
	v4 =	vadd.s32 v36, v4;
	v5 =	vadd.s32 v13, v5;
	v7 =	vadd.s32 v44, v7  }
0x2a8: {  	[tilespmem:$0x11050] =	vst v11;
	v63 =	vld [tilespmem:$0x1FFF0];
	v4 =	vadd.s32 v34, v4;
	v5 =	vadd.s32 v14, v5;
	v7 =	vadd.s32 v48, v7  }
0x2a9: {  	[tilespmem:$0x11070] =	vst v39;
	v60 =	vld [tilespmem:$0x10EF0];
	v4 =	vadd.s32 v33, v4;
	v5 =	vadd.s32 v15, v5;
	v7 =	vadd.s32 v51, v7  }
0x2aa: {  	[tilespmem:$0x11080] =	vst v43;
	v61 =	vld [tilespmem:$0x10F70];
	v4 =	vadd.s32 v32, v4;
	v5 =	vadd.s32 v16, v5;
	v7 =	vadd.s32 v56, v7  }
0x2ab: {  	[tilespmem:$0x11090] =	vst v46;
	v62 =	vld [tilespmem:$0x10FF0];
	v4 =	vadd.s32 v31, v4;
	v5 =	vadd.s32 v17, v5;
	v7 =	vadd.s32 v57, v7  }
0x2ac: {  	[tilespmem:$0x110B0] =	vst v6;
	v4 =	vadd.s32 v28, v4;
	v5 =	vadd.s32 v19, v5;
	v7 =	vadd.s32 v58, v7  }
0x2ad: {  	[tilespmem:$0x11000] =	vst v63;
	v4 =	vadd.s32 v29, v4;
	v5 =	vadd.s32 v20, v5;
	v63 =	vadd.s32 v59, v7  }
0x2ae: {  	[tilespmem:$0x110A0] =	vst v52;
	v4 =	vadd.s32 v30, v4;
	v5 =	vadd.s32 v21, v5;
	v6 =	vadd.s32 v60, v63  }
0x2af: {  	s11 =	sadd.s32 $0x1, s11;
	[tilespmem:$0x110D0] =	vst v4;
	v4 =	vadd.s32 v22, v5;
	v5 =	vadd.s32 v61, v6  }
0x2b0: {  	p0 =	sne.s32 s11, s5;
	[tilespmem:$0x110E0] =	vst v4;
	v4 =	vadd.s32 v62, v5  }
.Ltmp1:
0x2b1: {  	[tilespmem:$0x110F0] =	vst v4;
	(pc) =	sbr.rel @p0 .LBB2_1-.Ltmp1, $4  }
0x2b2: {  	[hbm4b:s4+s8] =	stream.strided.scatter [tilespmem:s10], [sflag:$0x1], $0x100, s9, s8, $0x38;
	[tilespmem:$0x11100] =	vst v63  }
0x2b3: {  	_ =	swait.ge [sflag:s6], $0x100  }
0x2b4: {  	[sflag:s6] =	ssyncset.done $0x0  }
0x2b5: {  	[sflag:s6] =	ssyncadd.s32 $0xFFFFFF00  }
0x2b6: {  	_ =	sfence.sel $0x180000  }
0x2b7: {  	[bflag:$0x0] =	sbarrier.arrive $0xFFFF  }
0x2b8: {  	p0 =	sne.s32 s1, $0x0;
	_ =	strace $0x90000047  }
0x2b9: {  	s0 =	sadd.s32 @!p0 $0x100000, s0;
	[bflag:$0x2] =	sbarrier.arrive $0xFFFF  }
0x2ba: {  	[sflag:s0] =	ssyncadd.tile.s32 @!p0 $0x1;
	_ =	shalt  }
.Lfunc_end2:
_tile_overlayer_lowered:
.L_overlay_start_2:
0x2bb: {  	(tag) =	ssettag $0x2  }
0x2bc: {  	s0 =	rddreg [dreg:$0x0];
	s2 =	stileid.u32  }
0x2bd: {  	s1 =	rddreg [dreg:$0x1];
	p0 =	sne.s32 s2, $0x0  }
0x2be: {  	s3 =	rddreg [dreg:$0x2];
	[bflag:$0x3] =	sbarrier.arrive $0xFFFF;
	s2 =	simm.s32 @!p0 $0x1C01  }
0x2bf: {  	[timem:s3], [sflag:s2] =	dma.local @!p0 [hbm:s0], s1  }
0x2c0: {  	s0 =	simm.s32 @!p0 $0x1  }
0x2c1: {  	_ =	swait.ge @!p0 [sflag:s0], s1  }
0x2c2: {  	s1 =	ssub.s32 @!p0 $0x0, s1;
	[sflag:s0] =	ssyncset.done @!p0 $0x0  }
0x2c3: {  	[sflag:s0] =	ssyncadd.s32 @!p0 s1  }
0x2c4: {  	[bflag:$0x3] =	sbarrier.arrive $0xFFFF  }
0x2c5: {  	_ =	shalt  }

</sc_bundles>
